<compile_context>
chip_gen: v7x
topology: tpu7x:2x2x1
jax: 0.10.2.dev20260603
libtpu: 0.0.44.dev20260713+nightly
codegen_flags: <defaults>
</compile_context>

<pallas_src>
import functools

import jax
import jax.numpy as jnp
import numpy as np
from jax import lax
from jax.experimental import pallas as pl
from jax.experimental.pallas import tpu as pltpu
from jax.experimental.pallas import tpu_sc as plsc

_B, _N, _K = 2, 4096, 16
_CT, _CT1, _OUT = 64, 64, 128
_H = _OUT // 2
_CIN = _CT + _CT1 + 3
_R2 = np.float32(0.1 * 0.1)
_EPS = np.float32(1e-5)
_TOT = _B * _N * _K

_QT = 1024


def _ballq_body(q_ref, bT_ref, plo_ref, phi_ref, idx_ref, *, boff):
    q = q_ref[0]
    sqd = None
    for d in range(3):
        diff = q[:, d : d + 1] - bT_ref[0, d : d + 1, :]
        sq = diff * diff
        sqd = sq if sqd is None else sqd + sq
    maskb = jnp.where(sqd < _R2, np.float32(1), np.float32(0)).astype(
        jnp.bfloat16)
    lo = jnp.dot(maskb, plo_ref[...], preferred_element_type=jnp.float32)
    hi = jnp.dot(maskb, phi_ref[...], preferred_element_type=jnp.float32)
    w = lo.astype(jnp.int32) | (hi.astype(jnp.int32) << 16)

    lane = lax.broadcasted_iota(jnp.int32, (_QT, 128), 1)
    off = boff
    firstfix = None
    for j in range(_K):
        wpos = jnp.min(jnp.where(w != 0, lane, 128), axis=1, keepdims=True)
        sel = lane == wpos
        word = jnp.sum(jnp.where(sel, w, 0), axis=1, keepdims=True)
        lsb = word & -word
        f = jnp.abs(lsb.astype(jnp.float32))
        e = (lax.bitcast_convert_type(f, jnp.int32) >> 23) - 127
        cand = wpos * 32 + e
        valid = wpos < 128
        if j == 0:
            firstfix = jnp.where(valid, cand, 0) + off
            idx_ref[0, :, 0:1] = firstfix
        else:
            idx_ref[0, :, j : j + 1] = jnp.where(valid, cand + off, firstfix)
        if j < _K - 1:
            w = jnp.where(sel, w & ~lsb, w)


def _pack_mats():
    n = np.arange(_N)
    w = n // 32
    r = n % 32
    plo = np.zeros((_N, 128), np.float32)
    phi = np.zeros((_N, 128), np.float32)
    sel = r < 16
    plo[n[sel], w[sel]] = 2.0 ** r[sel]
    phi[n[~sel], w[~sel]] = 2.0 ** (r[~sel] - 16)
    return (jnp.asarray(plo, jnp.bfloat16), jnp.asarray(phi, jnp.bfloat16))


def _prep_body(ft1_ref, x1_ref, ft_ref, x_ref, w1t_ref, t_ref, qt_ref):
    w1bt = w1t_ref[_CT : _CT + _CT1, :]
    t = jnp.dot(ft1_ref[...], w1bt, preferred_element_type=jnp.float32,
                precision=lax.Precision.HIGHEST)
    qt = jnp.dot(ft_ref[...], w1t_ref[0:_CT, :], preferred_element_type=jnp.float32,
                 precision=lax.Precision.HIGHEST)
    for d in range(3):
        wrow = w1t_ref[_CT + _CT1 + d : _CT + _CT1 + d + 1, :]
        t = t + x1_ref[:, d : d + 1] * wrow
        qt = qt - x_ref[:, d : d + 1] * wrow
    t_ref[:, 0:_H] = t
    t_ref[:, _H:] = jnp.zeros_like(t)
    qt_ref[...] = qt


def _stats1_body(g_ref, qt_ref, s1_ref, acc_ref):
    k = pl.program_id(0)
    y = g_ref[0][:, 0:_H] + qt_ref[0]

    @pl.when(k == 0)
    def _():
        acc_ref[...] = jnp.zeros_like(acc_ref)

    acc_ref[0:1, :] += jnp.sum(y, axis=0, keepdims=True)
    acc_ref[1:2, :] += jnp.sum(y * y, axis=0, keepdims=True)

    @pl.when(k == _K - 1)
    def _():
        s1_ref[...] = acc_ref[...]


def _mlp_body(g_ref, qt_ref, s1a_ref, s1b_ref, w2t_ref, zmax_ref, s2_ref,
              acc_ref):
    k = pl.program_id(0)
    cnt = np.float32(_TOT)
    s1 = s1a_ref[...] + s1b_ref[...]
    mu = s1[0:1, :] / cnt
    var = s1[1:2, :] / cnt - mu * mu
    rsig = lax.rsqrt(var + _EPS)
    y = (g_ref[0][:, 0:_H] + qt_ref[0] - mu) * rsig
    y = jnp.maximum(y, 0.0)
    z = jnp.dot(y, w2t_ref[...], preferred_element_type=jnp.float32,
                precision=lax.Precision.DEFAULT)

    @pl.when(k == 0)
    def _():
        acc_ref[...] = jnp.zeros_like(acc_ref)

    acc_ref[0:1, :] += jnp.sum(z, axis=0, keepdims=True)
    acc_ref[1:2, :] += jnp.sum(z * z, axis=0, keepdims=True)

    @pl.when(k == 0)
    def _():
        zmax_ref[0] = z

    @pl.when(k > 0)
    def _():
        zmax_ref[0] = jnp.maximum(zmax_ref[0], z)

    @pl.when(k == _K - 1)
    def _():
        s2_ref[...] = acc_ref[...]


def _final_body(z0_ref, z1_ref, s2a_ref, s2b_ref, out_ref):
    cnt = np.float32(_TOT)
    s2 = s2a_ref[...] + s2b_ref[...]
    mu = s2[0:1, :] / cnt
    var = s2[1:2, :] / cnt - mu * mu
    rsig = lax.rsqrt(var + _EPS)
    out_ref[0] = jnp.maximum((z0_ref[0] - mu) * rsig, 0.0)
    out_ref[1] = jnp.maximum((z1_ref[0] - mu) * rsig, 0.0)


def _gather_rows(t, idx2d):
    nw = 32
    tot = idx2d.shape[0] * 128
    nrow128 = tot // 128
    cpw = nrow128 // nw
    grp = 4
    mesh = plsc.VectorSubcoreMesh(core_axis_name="c", subcore_axis_name="s")

    @functools.partial(
        pl.kernel,
        out_type=jax.ShapeDtypeStruct((tot, 128), jnp.float32),
        mesh=mesh,
        scratch_types=[
            pltpu.VMEM((cpw, 128), jnp.int32),
            pltpu.VMEM((grp * 128, 128), jnp.float32),
            pltpu.SemaphoreType.DMA,
        ],
    )
    def gk(idx_hbm, t_hbm, out_hbm, idx_v, rows_v, sem):
        wid = lax.axis_index("s") * 2 + lax.axis_index("c")
        cbase = wid * cpw
        pltpu.sync_copy(idx_hbm.at[pl.ds(cbase, cpw)], idx_v)
        for gi in range(cpw // grp):
            cps = [
                pltpu.async_copy(
                    t_hbm.at[idx_v.at[gi * grp + j]],
                    rows_v.at[pl.ds(j * 128, 128)],
                    sem,
                )
                for j in range(grp)
            ]
            for cp in cps:
                cp.wait()
            pltpu.sync_copy(
                rows_v, out_hbm.at[pl.ds((cbase + gi * grp) * 128, grp * 128)]
            )

    return gk(idx2d, t)


def kernel(xyz_t, feat_t, xyz_t1, feat_t1, W1, W2):
    bT = jnp.transpose(xyz_t1, (0, 2, 1))
    plo, phi = _pack_mats()

    W1T = W1.T
    rt = 1024
    t, qterm = pl.pallas_call(
        _prep_body,
        grid=(_B * _N // rt,),
        in_specs=[
            pl.BlockSpec((rt, _CT1), lambda i: (i, 0)),
            pl.BlockSpec((rt, 3), lambda i: (i, 0)),
            pl.BlockSpec((rt, _CT), lambda i: (i, 0)),
            pl.BlockSpec((rt, 3), lambda i: (i, 0)),
            pl.BlockSpec((_CIN, _H), lambda i: (0, 0)),
        ],
        out_specs=[
            pl.BlockSpec((rt, 128), lambda i: (i, 0)),
            pl.BlockSpec((rt, _H), lambda i: (i, 0)),
        ],
        out_shape=[
            jax.ShapeDtypeStruct((_B * _N, 128), jnp.float32),
            jax.ShapeDtypeStruct((_B * _N, _H), jnp.float32),
        ],
    )(
        feat_t1.reshape(_B * _N, _CT1),
        xyz_t1.reshape(_B * _N, 3),
        feat_t.reshape(_B * _N, _CT),
        xyz_t.reshape(_B * _N, 3),
        W1T,
    )
    qt3 = qterm.reshape(_B, _N, _H)

    gs = []
    for b in range(_B):
        idx_b = pl.pallas_call(
            functools.partial(_ballq_body, boff=b * _N),
            grid=(1, _N // _QT),
            in_specs=[
                pl.BlockSpec((1, _QT, 3), lambda c, i: (c, i, 0)),
                pl.BlockSpec((1, 3, _N), lambda c, i: (c, 0, 0)),
                pl.BlockSpec((_N, 128), lambda c, i: (0, 0)),
                pl.BlockSpec((_N, 128), lambda c, i: (0, 0)),
            ],
            out_specs=pl.BlockSpec((1, _QT, _K), lambda c, i: (c, i, 0)),
            out_shape=jax.ShapeDtypeStruct((1, _N, _K), jnp.int32),
        )(xyz_t[b : b + 1], bT[b : b + 1], plo, phi)
        idx2d_b = jnp.transpose(idx_b[0], (1, 0)).reshape((_N * _K) // 128, 128)
        gs.append(_gather_rows(t, idx2d_b).reshape(_K, _N, 128))

    s1s = []
    for b in range(_B):
        s1s.append(pl.pallas_call(
            _stats1_body,
            grid=(_K,),
            in_specs=[
                pl.BlockSpec((1, _N, 128), lambda k: (k, 0, 0)),
                pl.BlockSpec((1, _N, _H), lambda k: (0, 0, 0)),
            ],
            out_specs=pl.BlockSpec((8, _H), lambda k: (0, 0)),
            out_shape=jax.ShapeDtypeStruct((8, _H), jnp.float32),
            scratch_shapes=[pltpu.VMEM((8, _H), jnp.float32)],
        )(gs[b], qt3[b : b + 1]))

    zs, s2s = [], []
    for b in range(_B):
        zmax_b, s2_b = pl.pallas_call(
            _mlp_body,
            grid=(_K,),
            in_specs=[
                pl.BlockSpec((1, _N, 128), lambda k: (k, 0, 0)),
                pl.BlockSpec((1, _N, _H), lambda k: (0, 0, 0)),
                pl.BlockSpec((8, _H), lambda k: (0, 0)),
                pl.BlockSpec((8, _H), lambda k: (0, 0)),
                pl.BlockSpec((_H, _OUT), lambda k: (0, 0)),
            ],
            out_specs=[
                pl.BlockSpec((1, _N, _OUT), lambda k: (0, 0, 0)),
                pl.BlockSpec((8, _OUT), lambda k: (0, 0)),
            ],
            out_shape=[
                jax.ShapeDtypeStruct((1, _N, _OUT), jnp.float32),
                jax.ShapeDtypeStruct((8, _OUT), jnp.float32),
            ],
            scratch_shapes=[pltpu.VMEM((8, _OUT), jnp.float32)],
        )(gs[b], qt3[b : b + 1], s1s[0], s1s[1], W2.T)
        zs.append(zmax_b)
        s2s.append(s2_b)

    out = pl.pallas_call(
        _final_body,
        grid=(1,),
        in_specs=[
            pl.BlockSpec((1, _N, _OUT), lambda c: (0, 0, 0)),
            pl.BlockSpec((1, _N, _OUT), lambda c: (0, 0, 0)),
            pl.BlockSpec((8, _OUT), lambda c: (0, 0)),
            pl.BlockSpec((8, _OUT), lambda c: (0, 0)),
        ],
        out_specs=pl.BlockSpec((_B, _N, _OUT), lambda c: (0, 0, 0)),
        out_shape=jax.ShapeDtypeStruct((_B, _N, _OUT), jnp.float32),
    )(zs[0], zs[1], s2s[0], s2s[1])
    return out

# --- scband reference (transcript-rebuilt; emitter-appended) ---
"""Pipeline reference for scband-local-cost-volume-46299747450894 (READ-ONLY COPY).

The authoritative reference and input builder live on the scoring server;
editing this copy changes nothing except your own understanding.
"""

import jax, jax.numpy as jnp
import numpy as np

B, N, K = 2, 4096, 16
CT, CT1, OUT = 64, 64, 128
RADIUS = 0.1
EPS = 1e-5


def ball_query(r, k, base_xyz, new_xyz):
    # pointnet2-style ball query: for each new point, first k base indices within
    # radius (in index order); slots beyond count padded with first valid index;
    # 0 if no point within radius.
    nb = base_xyz.shape[1]
    sqd = jnp.sum((new_xyz[:, :, None, :] - base_xyz[:, None, :, :]) ** 2, axis=-1)
    mask = sqd < (r * r)
    key = jnp.where(mask, jnp.arange(nb, dtype=jnp.int32)[None, None, :], nb)
    idx = jnp.sort(key, axis=-1)[..., :k]
    first = idx[..., :1]
    idx = jnp.where(idx == nb, first, idx)
    idx = jnp.where(first == nb, 0, idx)
    return idx.astype(jnp.int32)


def group(points, idx):
    # points: [B, Nb, C], idx: [B, N, K] -> [B, N, K, C]
    return jax.vmap(lambda p, i: p[i])(points, idx)


def bn_relu(y):
    # BatchNorm2d in training mode (fresh module): batch stats, gamma=1, beta=0
    mean = jnp.mean(y, axis=(0, 1, 2), keepdims=True)
    var = jnp.var(y, axis=(0, 1, 2), keepdims=True)
    y = (y - mean) / jnp.sqrt(var + EPS)
    return jax.nn.relu(y)


def setup_inputs(seed: int = 0) -> dict:
    key = jax.random.key(seed)
    k1, k2, k3, k4, k5, k6 = jax.random.split(key, 6)
    xyz_t = jax.random.uniform(k1, (B, N, 3), dtype=jnp.float32)
    feat_t = jax.random.normal(k2, (B, N, CT), dtype=jnp.float32)
    xyz_t1 = jax.random.uniform(k3, (B, N, 3), dtype=jnp.float32)
    feat_t1 = jax.random.normal(k4, (B, N, CT1), dtype=jnp.float32)
    c_in = CT + CT1 + 3
    W1 = jax.random.normal(k5, (OUT // 2, c_in), dtype=jnp.float32) * (1.0 / np.sqrt(c_in))
    W2 = jax.random.normal(k6, (OUT, OUT // 2), dtype=jnp.float32) * (1.0 / np.sqrt(OUT // 2))
    return {"xyz_t": xyz_t, "feat_t": feat_t, "xyz_t1": xyz_t1, "feat_t1": feat_t1, "W1": W1, "W2": W2}


def reference(xyz_t, feat_t, xyz_t1, feat_t1, W1, W2):
    idx = ball_query(RADIUS, K, xyz_t1, xyz_t)          # [B, N, K]
    grouped_xyz = group(xyz_t1, idx)                     # [B, N, K, 3]
    rel = grouped_xyz - xyz_t[:, :, None, :]             # [B, N, K, 3]
    grouped_ft1 = group(feat_t1, idx)                    # [B, N, K, CT1]
    ft_rep = jnp.broadcast_to(feat_t[:, :, None, :], (B, N, K, CT))
    x = jnp.concatenate([ft_rep, grouped_ft1, rel], axis=-1)  # [B, N, K, CT+CT1+3]
    y = bn_relu(jnp.einsum('bnkc,oc->bnko', x, W1))      # conv2d 1x1 + BN + ReLU
    y = bn_relu(jnp.einsum('bnkc,oc->bnko', y, W2))
    out = jnp.max(y, axis=2)                             # max over K neighbors
    return out                                           # [B, N, OUT] (BNC)

if __name__ == "__main__":
    import jax
    _d = setup_inputs()
    print(jax.jit(kernel)(*tuple(_d.values())))

</pallas_src>

<mosaic_0001>
#map = affine_map<(d0, d1) -> (0, 0)>
module attributes {stable_mosaic.version = 14 : i64} {
  func.func @gk(%arg0: i32, %arg1: i32, %arg2: memref<512x128xi32, #tpu.memory_space<hbm>>, %arg3: memref<8192x128xf32, #tpu.memory_space<hbm>>, %arg4: memref<65536x128xf32, #tpu.memory_space<hbm>>, %arg5: memref<16x128xi32, #tpu.memory_space<vmem>>, %arg6: memref<512x128xf32, #tpu.memory_space<vmem>>, %arg7: memref<!tpu.dma_semaphore, #tpu.memory_space<semaphore_mem>>) attributes {dimension_semantics = [#tpu.dimension_semantics<core_parallel>, #tpu.dimension_semantics<subcore_parallel>], iteration_bounds = array<i64: 2, 16>, scalar_prefetch = 0 : i64, scratch_operands = 3 : i64, tpu.core_type = #tpu.core_type<sc_vector_subcore>, window_params = [{transform_indices = #map}, {transform_indices = #map}, {transform_indices = #map}]} {
    %mul3A = arith.constant 2 : i32
    %mul3A_0 = arith.muli %arg1, %mul3A : i32
    %add3A = arith.addi %mul3A_0, %arg0 : i32
    %mul3A_1 = arith.constant 16 : i32
    %mul3A_2 = arith.muli %add3A, %mul3A_1 : i32
    "tpu.region"() ({
      %run_scoped3A = tpu.sem_alloc : memref<!tpu.dma_semaphore, #tpu.memory_space<semaphore_mem>>
      %dma_start3A_337 = arith.constant 0 : i32
      %dma_start3A_338 = tpu.memref_slice %arg2[%mul3A_2, %dma_start3A_337] : memref<512x128xi32, #tpu.memory_space<hbm>> -> memref<16x128xi32, #tpu.memory_space<hbm>>
      %dma_start3A_339 = arith.constant 0 : i32
      %dma_start3A_340 = tpu.memref_slice %arg2[%mul3A_2, %dma_start3A_339] : memref<512x128xi32, #tpu.memory_space<hbm>> -> memref<16x128xi32, #tpu.memory_space<hbm>>
      tpu.enqueue_dma source(%dma_start3A_340 : memref<16x128xi32, #tpu.memory_space<hbm>>) target(%arg5 : memref<16x128xi32, #tpu.memory_space<vmem>>) target_semaphore(%run_scoped3A : memref<!tpu.dma_semaphore, #tpu.memory_space<semaphore_mem>>)
      %dma_wait3A_341 = arith.constant 0 : i32
      %dma_wait3A_342 = tpu.memref_slice %arg2[%mul3A_2, %dma_wait3A_341] : memref<512x128xi32, #tpu.memory_space<hbm>> -> memref<16x128xi32, #tpu.memory_space<hbm>>
      %dma_wait3A_343 = arith.constant 0 : i32
      %dma_wait3A_344 = tpu.memref_slice %arg2[%mul3A_2, %dma_wait3A_343] : memref<512x128xi32, #tpu.memory_space<hbm>> -> memref<16x128xi32, #tpu.memory_space<hbm>>
      tpu.wait_dma2 semaphore(%run_scoped3A : memref<!tpu.dma_semaphore, #tpu.memory_space<semaphore_mem>>) src(%dma_wait3A_344 : memref<16x128xi32, #tpu.memory_space<hbm>>) dst(%arg5 : memref<16x128xi32, #tpu.memory_space<vmem>>)
      tpu.yield
    }) : () -> ()
    %dma_start3A = arith.constant 0 : i32
    %dma_start3A_3 = arith.constant 0 : i32
    %dma_start3A_4 = arith.constant 0 : i32
    %dma_start3A_5 = tpu.memref_slice %arg6[%dma_start3A_3, %dma_start3A_4] : memref<512x128xf32, #tpu.memory_space<vmem>> -> memref<128x128xf32, #tpu.memory_space<vmem>>
    %dma_start3A_6 = arith.constant 0 : i32
    %dma_start3A_7 = tpu.memref_slice %arg5[%dma_start3A, %dma_start3A_6] : memref<16x128xi32, #tpu.memory_space<vmem>> -> memref<1x128xi32, #tpu.memory_space<vmem>>
    %dma_start3A_8 = tpu.memref_squeeze %dma_start3A_7 : memref<1x128xi32, #tpu.memory_space<vmem>> -> memref<128xi32, #tpu.memory_space<vmem>>
    %dma_start3A_9 = arith.constant 0 : i32
    %dma_start3A_10 = arith.constant 0 : i32
    %dma_start3A_11 = tpu.memref_slice %arg3[%dma_start3A_9, %dma_start3A_10] : memref<8192x128xf32, #tpu.memory_space<hbm>> -> memref<8192x128xf32, #tpu.memory_space<hbm>>
    tpu.enqueue_indirect_dma source(%dma_start3A_11 : memref<8192x128xf32, #tpu.memory_space<hbm>>) target(%dma_start3A_5 : memref<128x128xf32, #tpu.memory_space<vmem>>) offsets(%dma_start3A_8 : memref<128xi32, #tpu.memory_space<vmem>>) semaphore(%arg7 : memref<!tpu.dma_semaphore, #tpu.memory_space<semaphore_mem>>)
    %dma_start3A_12 = arith.constant 1 : i32
    %dma_start3A_13 = arith.constant 128 : i32
    %dma_start3A_14 = arith.constant 0 : i32
    %dma_start3A_15 = tpu.memref_slice %arg6[%dma_start3A_13, %dma_start3A_14] : memref<512x128xf32, #tpu.memory_space<vmem>> -> memref<128x128xf32, #tpu.memory_space<vmem>>
    %dma_start3A_16 = arith.constant 0 : i32
    %dma_start3A_17 = tpu.memref_slice %arg5[%dma_start3A_12, %dma_start3A_16] : memref<16x128xi32, #tpu.memory_space<vmem>> -> memref<1x128xi32, #tpu.memory_space<vmem>>
    %dma_start3A_18 = tpu.memref_squeeze %dma_start3A_17 : memref<1x128xi32, #tpu.memory_space<vmem>> -> memref<128xi32, #tpu.memory_space<vmem>>
    %dma_start3A_19 = arith.constant 0 : i32
    %dma_start3A_20 = arith.constant 0 : i32
    %dma_start3A_21 = tpu.memref_slice %arg3[%dma_start3A_19, %dma_start3A_20] : memref<8192x128xf32, #tpu.memory_space<hbm>> -> memref<8192x128xf32, #tpu.memory_space<hbm>>
    tpu.enqueue_indirect_dma source(%dma_start3A_21 : memref<8192x128xf32, #tpu.memory_space<hbm>>) target(%dma_start3A_15 : memref<128x128xf32, #tpu.memory_space<vmem>>) offsets(%dma_start3A_18 : memref<128xi32, #tpu.memory_space<vmem>>) semaphore(%arg7 : memref<!tpu.dma_semaphore, #tpu.memory_space<semaphore_mem>>)
    %dma_start3A_22 = arith.constant 2 : i32
    %dma_start3A_23 = arith.constant 256 : i32
    %dma_start3A_24 = arith.constant 0 : i32
    %dma_start3A_25 = tpu.memref_slice %arg6[%dma_start3A_23, %dma_start3A_24] : memref<512x128xf32, #tpu.memory_space<vmem>> -> memref<128x128xf32, #tpu.memory_space<vmem>>
    %dma_start3A_26 = arith.constant 0 : i32
    %dma_start3A_27 = tpu.memref_slice %arg5[%dma_start3A_22, %dma_start3A_26] : memref<16x128xi32, #tpu.memory_space<vmem>> -> memref<1x128xi32, #tpu.memory_space<vmem>>
    %dma_start3A_28 = tpu.memref_squeeze %dma_start3A_27 : memref<1x128xi32, #tpu.memory_space<vmem>> -> memref<128xi32, #tpu.memory_space<vmem>>
    %dma_start3A_29 = arith.constant 0 : i32
    %dma_start3A_30 = arith.constant 0 : i32
    %dma_start3A_31 = tpu.memref_slice %arg3[%dma_start3A_29, %dma_start3A_30] : memref<8192x128xf32, #tpu.memory_space<hbm>> -> memref<8192x128xf32, #tpu.memory_space<hbm>>
    tpu.enqueue_indirect_dma source(%dma_start3A_31 : memref<8192x128xf32, #tpu.memory_space<hbm>>) target(%dma_start3A_25 : memref<128x128xf32, #tpu.memory_space<vmem>>) offsets(%dma_start3A_28 : memref<128xi32, #tpu.memory_space<vmem>>) semaphore(%arg7 : memref<!tpu.dma_semaphore, #tpu.memory_space<semaphore_mem>>)
    %dma_start3A_32 = arith.constant 3 : i32
    %dma_start3A_33 = arith.constant 384 : i32
    %dma_start3A_34 = arith.constant 0 : i32
    %dma_start3A_35 = tpu.memref_slice %arg6[%dma_start3A_33, %dma_start3A_34] : memref<512x128xf32, #tpu.memory_space<vmem>> -> memref<128x128xf32, #tpu.memory_space<vmem>>
    %dma_start3A_36 = arith.constant 0 : i32
    %dma_start3A_37 = tpu.memref_slice %arg5[%dma_start3A_32, %dma_start3A_36] : memref<16x128xi32, #tpu.memory_space<vmem>> -> memref<1x128xi32, #tpu.memory_space<vmem>>
    %dma_start3A_38 = tpu.memref_squeeze %dma_start3A_37 : memref<1x128xi32, #tpu.memory_space<vmem>> -> memref<128xi32, #tpu.memory_space<vmem>>
    %dma_start3A_39 = arith.constant 0 : i32
    %dma_start3A_40 = arith.constant 0 : i32
    %dma_start3A_41 = tpu.memref_slice %arg3[%dma_start3A_39, %dma_start3A_40] : memref<8192x128xf32, #tpu.memory_space<hbm>> -> memref<8192x128xf32, #tpu.memory_space<hbm>>
    tpu.enqueue_indirect_dma source(%dma_start3A_41 : memref<8192x128xf32, #tpu.memory_space<hbm>>) target(%dma_start3A_35 : memref<128x128xf32, #tpu.memory_space<vmem>>) offsets(%dma_start3A_38 : memref<128xi32, #tpu.memory_space<vmem>>) semaphore(%arg7 : memref<!tpu.dma_semaphore, #tpu.memory_space<semaphore_mem>>)
    %dma_wait3A = arith.constant 0 : i32
    %dma_wait3A_42 = arith.constant 0 : i32
    %dma_wait3A_43 = arith.constant 0 : i32
    %dma_wait3A_44 = tpu.memref_slice %arg6[%dma_wait3A_42, %dma_wait3A_43] : memref<512x128xf32, #tpu.memory_space<vmem>> -> memref<128x128xf32, #tpu.memory_space<vmem>>
    %dma_wait3A_45 = arith.constant 0 : i32
    %dma_wait3A_46 = tpu.memref_slice %arg5[%dma_wait3A, %dma_wait3A_45] : memref<16x128xi32, #tpu.memory_space<vmem>> -> memref<1x128xi32, #tpu.memory_space<vmem>>
    %dma_wait3A_47 = tpu.memref_squeeze %dma_wait3A_46 : memref<1x128xi32, #tpu.memory_space<vmem>> -> memref<128xi32, #tpu.memory_space<vmem>>
    %dma_wait3A_48 = arith.constant 0 : i32
    %dma_wait3A_49 = arith.constant 0 : i32
    %dma_wait3A_50 = tpu.memref_slice %arg3[%dma_wait3A_48, %dma_wait3A_49] : memref<8192x128xf32, #tpu.memory_space<hbm>> -> memref<8192x128xf32, #tpu.memory_space<hbm>>
    tpu.wait_indirect_dma semaphore(%arg7 : memref<!tpu.dma_semaphore, #tpu.memory_space<semaphore_mem>>) src(%dma_wait3A_50 : memref<8192x128xf32, #tpu.memory_space<hbm>>) dst(%dma_wait3A_44 : memref<128x128xf32, #tpu.memory_space<vmem>>)
    %dma_wait3A_51 = arith.constant 1 : i32
    %dma_wait3A_52 = arith.constant 128 : i32
    %dma_wait3A_53 = arith.constant 0 : i32
    %dma_wait3A_54 = tpu.memref_slice %arg6[%dma_wait3A_52, %dma_wait3A_53] : memref<512x128xf32, #tpu.memory_space<vmem>> -> memref<128x128xf32, #tpu.memory_space<vmem>>
    %dma_wait3A_55 = arith.constant 0 : i32
    %dma_wait3A_56 = tpu.memref_slice %arg5[%dma_wait3A_51, %dma_wait3A_55] : memref<16x128xi32, #tpu.memory_space<vmem>> -> memref<1x128xi32, #tpu.memory_space<vmem>>
    %dma_wait3A_57 = tpu.memref_squeeze %dma_wait3A_56 : memref<1x128xi32, #tpu.memory_space<vmem>> -> memref<128xi32, #tpu.memory_space<vmem>>
    %dma_wait3A_58 = arith.constant 0 : i32
    %dma_wait3A_59 = arith.constant 0 : i32
    %dma_wait3A_60 = tpu.memref_slice %arg3[%dma_wait3A_58, %dma_wait3A_59] : memref<8192x128xf32, #tpu.memory_space<hbm>> -> memref<8192x128xf32, #tpu.memory_space<hbm>>
    tpu.wait_indirect_dma semaphore(%arg7 : memref<!tpu.dma_semaphore, #tpu.memory_space<semaphore_mem>>) src(%dma_wait3A_60 : memref<8192x128xf32, #tpu.memory_space<hbm>>) dst(%dma_wait3A_54 : memref<128x128xf32, #tpu.memory_space<vmem>>)
    %dma_wait3A_61 = arith.constant 2 : i32
    %dma_wait3A_62 = arith.constant 256 : i32
    %dma_wait3A_63 = arith.constant 0 : i32
    %dma_wait3A_64 = tpu.memref_slice %arg6[%dma_wait3A_62, %dma_wait3A_63] : memref<512x128xf32, #tpu.memory_space<vmem>> -> memref<128x128xf32, #tpu.memory_space<vmem>>
    %dma_wait3A_65 = arith.constant 0 : i32
    %dma_wait3A_66 = tpu.memref_slice %arg5[%dma_wait3A_61, %dma_wait3A_65] : memref<16x128xi32, #tpu.memory_space<vmem>> -> memref<1x128xi32, #tpu.memory_space<vmem>>
    %dma_wait3A_67 = tpu.memref_squeeze %dma_wait3A_66 : memref<1x128xi32, #tpu.memory_space<vmem>> -> memref<128xi32, #tpu.memory_space<vmem>>
    %dma_wait3A_68 = arith.constant 0 : i32
    %dma_wait3A_69 = arith.constant 0 : i32
    %dma_wait3A_70 = tpu.memref_slice %arg3[%dma_wait3A_68, %dma_wait3A_69] : memref<8192x128xf32, #tpu.memory_space<hbm>> -> memref<8192x128xf32, #tpu.memory_space<hbm>>
    tpu.wait_indirect_dma semaphore(%arg7 : memref<!tpu.dma_semaphore, #tpu.memory_space<semaphore_mem>>) src(%dma_wait3A_70 : memref<8192x128xf32, #tpu.memory_space<hbm>>) dst(%dma_wait3A_64 : memref<128x128xf32, #tpu.memory_space<vmem>>)
    %dma_wait3A_71 = arith.constant 3 : i32
    %dma_wait3A_72 = arith.constant 384 : i32
    %dma_wait3A_73 = arith.constant 0 : i32
    %dma_wait3A_74 = tpu.memref_slice %arg6[%dma_wait3A_72, %dma_wait3A_73] : memref<512x128xf32, #tpu.memory_space<vmem>> -> memref<128x128xf32, #tpu.memory_space<vmem>>
    %dma_wait3A_75 = arith.constant 0 : i32
    %dma_wait3A_76 = tpu.memref_slice %arg5[%dma_wait3A_71, %dma_wait3A_75] : memref<16x128xi32, #tpu.memory_space<vmem>> -> memref<1x128xi32, #tpu.memory_space<vmem>>
    %dma_wait3A_77 = tpu.memref_squeeze %dma_wait3A_76 : memref<1x128xi32, #tpu.memory_space<vmem>> -> memref<128xi32, #tpu.memory_space<vmem>>
    %dma_wait3A_78 = arith.constant 0 : i32
    %dma_wait3A_79 = arith.constant 0 : i32
    %dma_wait3A_80 = tpu.memref_slice %arg3[%dma_wait3A_78, %dma_wait3A_79] : memref<8192x128xf32, #tpu.memory_space<hbm>> -> memref<8192x128xf32, #tpu.memory_space<hbm>>
    tpu.wait_indirect_dma semaphore(%arg7 : memref<!tpu.dma_semaphore, #tpu.memory_space<semaphore_mem>>) src(%dma_wait3A_80 : memref<8192x128xf32, #tpu.memory_space<hbm>>) dst(%dma_wait3A_74 : memref<128x128xf32, #tpu.memory_space<vmem>>)
    %add3A_81 = arith.constant 0 : i32
    %add3A_82 = arith.addi %mul3A_2, %add3A_81 : i32
    %mul3A_83 = arith.constant 128 : i32
    %mul3A_84 = arith.muli %add3A_82, %mul3A_83 : i32
    "tpu.region"() ({
      %run_scoped3A = tpu.sem_alloc : memref<!tpu.dma_semaphore, #tpu.memory_space<semaphore_mem>>
      %dma_start3A_337 = arith.constant 0 : i32
      %dma_start3A_338 = tpu.memref_slice %arg4[%mul3A_84, %dma_start3A_337] : memref<65536x128xf32, #tpu.memory_space<hbm>> -> memref<512x128xf32, #tpu.memory_space<hbm>>
      %dma_start3A_339 = arith.constant 0 : i32
      %dma_start3A_340 = tpu.memref_slice %arg4[%mul3A_84, %dma_start3A_339] : memref<65536x128xf32, #tpu.memory_space<hbm>> -> memref<512x128xf32, #tpu.memory_space<hbm>>
      tpu.enqueue_dma source(%arg6 : memref<512x128xf32, #tpu.memory_space<vmem>>) target(%dma_start3A_340 : memref<512x128xf32, #tpu.memory_space<hbm>>) target_semaphore(%run_scoped3A : memref<!tpu.dma_semaphore, #tpu.memory_space<semaphore_mem>>)
      %dma_wait3A_341 = arith.constant 0 : i32
      %dma_wait3A_342 = tpu.memref_slice %arg4[%mul3A_84, %dma_wait3A_341] : memref<65536x128xf32, #tpu.memory_space<hbm>> -> memref<512x128xf32, #tpu.memory_space<hbm>>
      %dma_wait3A_343 = arith.constant 0 : i32
      %dma_wait3A_344 = tpu.memref_slice %arg4[%mul3A_84, %dma_wait3A_343] : memref<65536x128xf32, #tpu.memory_space<hbm>> -> memref<512x128xf32, #tpu.memory_space<hbm>>
      tpu.wait_dma2 semaphore(%run_scoped3A : memref<!tpu.dma_semaphore, #tpu.memory_space<semaphore_mem>>) src(%arg6 : memref<512x128xf32, #tpu.memory_space<vmem>>) dst(%dma_wait3A_344 : memref<512x128xf32, #tpu.memory_space<hbm>>)
      tpu.yield
    }) : () -> ()
    %dma_start3A_85 = arith.constant 4 : i32
    %dma_start3A_86 = arith.constant 0 : i32
    %dma_start3A_87 = arith.constant 0 : i32
    %dma_start3A_88 = tpu.memref_slice %arg6[%dma_start3A_86, %dma_start3A_87] : memref<512x128xf32, #tpu.memory_space<vmem>> -> memref<128x128xf32, #tpu.memory_space<vmem>>
    %dma_start3A_89 = arith.constant 0 : i32
    %dma_start3A_90 = tpu.memref_slice %arg5[%dma_start3A_85, %dma_start3A_89] : memref<16x128xi32, #tpu.memory_space<vmem>> -> memref<1x128xi32, #tpu.memory_space<vmem>>
    %dma_start3A_91 = tpu.memref_squeeze %dma_start3A_90 : memref<1x128xi32, #tpu.memory_space<vmem>> -> memref<128xi32, #tpu.memory_space<vmem>>
    %dma_start3A_92 = arith.constant 0 : i32
    %dma_start3A_93 = arith.constant 0 : i32
    %dma_start3A_94 = tpu.memref_slice %arg3[%dma_start3A_92, %dma_start3A_93] : memref<8192x128xf32, #tpu.memory_space<hbm>> -> memref<8192x128xf32, #tpu.memory_space<hbm>>
    tpu.enqueue_indirect_dma source(%dma_start3A_94 : memref<8192x128xf32, #tpu.memory_space<hbm>>) target(%dma_start3A_88 : memref<128x128xf32, #tpu.memory_space<vmem>>) offsets(%dma_start3A_91 : memref<128xi32, #tpu.memory_space<vmem>>) semaphore(%arg7 : memref<!tpu.dma_semaphore, #tpu.memory_space<semaphore_mem>>)
    %dma_start3A_95 = arith.constant 5 : i32
    %dma_start3A_96 = arith.constant 128 : i32
    %dma_start3A_97 = arith.constant 0 : i32
    %dma_start3A_98 = tpu.memref_slice %arg6[%dma_start3A_96, %dma_start3A_97] : memref<512x128xf32, #tpu.memory_space<vmem>> -> memref<128x128xf32, #tpu.memory_space<vmem>>
    %dma_start3A_99 = arith.constant 0 : i32
    %dma_start3A_100 = tpu.memref_slice %arg5[%dma_start3A_95, %dma_start3A_99] : memref<16x128xi32, #tpu.memory_space<vmem>> -> memref<1x128xi32, #tpu.memory_space<vmem>>
    %dma_start3A_101 = tpu.memref_squeeze %dma_start3A_100 : memref<1x128xi32, #tpu.memory_space<vmem>> -> memref<128xi32, #tpu.memory_space<vmem>>
    %dma_start3A_102 = arith.constant 0 : i32
    %dma_start3A_103 = arith.constant 0 : i32
    %dma_start3A_104 = tpu.memref_slice %arg3[%dma_start3A_102, %dma_start3A_103] : memref<8192x128xf32, #tpu.memory_space<hbm>> -> memref<8192x128xf32, #tpu.memory_space<hbm>>
    tpu.enqueue_indirect_dma source(%dma_start3A_104 : memref<8192x128xf32, #tpu.memory_space<hbm>>) target(%dma_start3A_98 : memref<128x128xf32, #tpu.memory_space<vmem>>) offsets(%dma_start3A_101 : memref<128xi32, #tpu.memory_space<vmem>>) semaphore(%arg7 : memref<!tpu.dma_semaphore, #tpu.memory_space<semaphore_mem>>)
    %dma_start3A_105 = arith.constant 6 : i32
    %dma_start3A_106 = arith.constant 256 : i32
    %dma_start3A_107 = arith.constant 0 : i32
    %dma_start3A_108 = tpu.memref_slice %arg6[%dma_start3A_106, %dma_start3A_107] : memref<512x128xf32, #tpu.memory_space<vmem>> -> memref<128x128xf32, #tpu.memory_space<vmem>>
    %dma_start3A_109 = arith.constant 0 : i32
    %dma_start3A_110 = tpu.memref_slice %arg5[%dma_start3A_105, %dma_start3A_109] : memref<16x128xi32, #tpu.memory_space<vmem>> -> memref<1x128xi32, #tpu.memory_space<vmem>>
    %dma_start3A_111 = tpu.memref_squeeze %dma_start3A_110 : memref<1x128xi32, #tpu.memory_space<vmem>> -> memref<128xi32, #tpu.memory_space<vmem>>
    %dma_start3A_112 = arith.constant 0 : i32
    %dma_start3A_113 = arith.constant 0 : i32
    %dma_start3A_114 = tpu.memref_slice %arg3[%dma_start3A_112, %dma_start3A_113] : memref<8192x128xf32, #tpu.memory_space<hbm>> -> memref<8192x128xf32, #tpu.memory_space<hbm>>
    tpu.enqueue_indirect_dma source(%dma_start3A_114 : memref<8192x128xf32, #tpu.memory_space<hbm>>) target(%dma_start3A_108 : memref<128x128xf32, #tpu.memory_space<vmem>>) offsets(%dma_start3A_111 : memref<128xi32, #tpu.memory_space<vmem>>) semaphore(%arg7 : memref<!tpu.dma_semaphore, #tpu.memory_space<semaphore_mem>>)
    %dma_start3A_115 = arith.constant 7 : i32
    %dma_start3A_116 = arith.constant 384 : i32
    %dma_start3A_117 = arith.constant 0 : i32
    %dma_start3A_118 = tpu.memref_slice %arg6[%dma_start3A_116, %dma_start3A_117] : memref<512x128xf32, #tpu.memory_space<vmem>> -> memref<128x128xf32, #tpu.memory_space<vmem>>
    %dma_start3A_119 = arith.constant 0 : i32
    %dma_start3A_120 = tpu.memref_slice %arg5[%dma_start3A_115, %dma_start3A_119] : memref<16x128xi32, #tpu.memory_space<vmem>> -> memref<1x128xi32, #tpu.memory_space<vmem>>
    %dma_start3A_121 = tpu.memref_squeeze %dma_start3A_120 : memref<1x128xi32, #tpu.memory_space<vmem>> -> memref<128xi32, #tpu.memory_space<vmem>>
    %dma_start3A_122 = arith.constant 0 : i32
    %dma_start3A_123 = arith.constant 0 : i32
    %dma_start3A_124 = tpu.memref_slice %arg3[%dma_start3A_122, %dma_start3A_123] : memref<8192x128xf32, #tpu.memory_space<hbm>> -> memref<8192x128xf32, #tpu.memory_space<hbm>>
    tpu.enqueue_indirect_dma source(%dma_start3A_124 : memref<8192x128xf32, #tpu.memory_space<hbm>>) target(%dma_start3A_118 : memref<128x128xf32, #tpu.memory_space<vmem>>) offsets(%dma_start3A_121 : memref<128xi32, #tpu.memory_space<vmem>>) semaphore(%arg7 : memref<!tpu.dma_semaphore, #tpu.memory_space<semaphore_mem>>)
    %dma_wait3A_125 = arith.constant 4 : i32
    %dma_wait3A_126 = arith.constant 0 : i32
    %dma_wait3A_127 = arith.constant 0 : i32
    %dma_wait3A_128 = tpu.memref_slice %arg6[%dma_wait3A_126, %dma_wait3A_127] : memref<512x128xf32, #tpu.memory_space<vmem>> -> memref<128x128xf32, #tpu.memory_space<vmem>>
    %dma_wait3A_129 = arith.constant 0 : i32
    %dma_wait3A_130 = tpu.memref_slice %arg5[%dma_wait3A_125, %dma_wait3A_129] : memref<16x128xi32, #tpu.memory_space<vmem>> -> memref<1x128xi32, #tpu.memory_space<vmem>>
    %dma_wait3A_131 = tpu.memref_squeeze %dma_wait3A_130 : memref<1x128xi32, #tpu.memory_space<vmem>> -> memref<128xi32, #tpu.memory_space<vmem>>
    %dma_wait3A_132 = arith.constant 0 : i32
    %dma_wait3A_133 = arith.constant 0 : i32
    %dma_wait3A_134 = tpu.memref_slice %arg3[%dma_wait3A_132, %dma_wait3A_133] : memref<8192x128xf32, #tpu.memory_space<hbm>> -> memref<8192x128xf32, #tpu.memory_space<hbm>>
    tpu.wait_indirect_dma semaphore(%arg7 : memref<!tpu.dma_semaphore, #tpu.memory_space<semaphore_mem>>) src(%dma_wait3A_134 : memref<8192x128xf32, #tpu.memory_space<hbm>>) dst(%dma_wait3A_128 : memref<128x128xf32, #tpu.memory_space<vmem>>)
    %dma_wait3A_135 = arith.constant 5 : i32
    %dma_wait3A_136 = arith.constant 128 : i32
    %dma_wait3A_137 = arith.constant 0 : i32
    %dma_wait3A_138 = tpu.memref_slice %arg6[%dma_wait3A_136, %dma_wait3A_137] : memref<512x128xf32, #tpu.memory_space<vmem>> -> memref<128x128xf32, #tpu.memory_space<vmem>>
    %dma_wait3A_139 = arith.constant 0 : i32
    %dma_wait3A_140 = tpu.memref_slice %arg5[%dma_wait3A_135, %dma_wait3A_139] : memref<16x128xi32, #tpu.memory_space<vmem>> -> memref<1x128xi32, #tpu.memory_space<vmem>>
    %dma_wait3A_141 = tpu.memref_squeeze %dma_wait3A_140 : memref<1x128xi32, #tpu.memory_space<vmem>> -> memref<128xi32, #tpu.memory_space<vmem>>
    %dma_wait3A_142 = arith.constant 0 : i32
    %dma_wait3A_143 = arith.constant 0 : i32
    %dma_wait3A_144 = tpu.memref_slice %arg3[%dma_wait3A_142, %dma_wait3A_143] : memref<8192x128xf32, #tpu.memory_space<hbm>> -> memref<8192x128xf32, #tpu.memory_space<hbm>>
    tpu.wait_indirect_dma semaphore(%arg7 : memref<!tpu.dma_semaphore, #tpu.memory_space<semaphore_mem>>) src(%dma_wait3A_144 : memref<8192x128xf32, #tpu.memory_space<hbm>>) dst(%dma_wait3A_138 : memref<128x128xf32, #tpu.memory_space<vmem>>)
    %dma_wait3A_145 = arith.constant 6 : i32
    %dma_wait3A_146 = arith.constant 256 : i32
    %dma_wait3A_147 = arith.constant 0 : i32
    %dma_wait3A_148 = tpu.memref_slice %arg6[%dma_wait3A_146, %dma_wait3A_147] : memref<512x128xf32, #tpu.memory_space<vmem>> -> memref<128x128xf32, #tpu.memory_space<vmem>>
    %dma_wait3A_149 = arith.constant 0 : i32
    %dma_wait3A_150 = tpu.memref_slice %arg5[%dma_wait3A_145, %dma_wait3A_149] : memref<16x128xi32, #tpu.memory_space<vmem>> -> memref<1x128xi32, #tpu.memory_space<vmem>>
    %dma_wait3A_151 = tpu.memref_squeeze %dma_wait3A_150 : memref<1x128xi32, #tpu.memory_space<vmem>> -> memref<128xi32, #tpu.memory_space<vmem>>
    %dma_wait3A_152 = arith.constant 0 : i32
    %dma_wait3A_153 = arith.constant 0 : i32
    %dma_wait3A_154 = tpu.memref_slice %arg3[%dma_wait3A_152, %dma_wait3A_153] : memref<8192x128xf32, #tpu.memory_space<hbm>> -> memref<8192x128xf32, #tpu.memory_space<hbm>>
    tpu.wait_indirect_dma semaphore(%arg7 : memref<!tpu.dma_semaphore, #tpu.memory_space<semaphore_mem>>) src(%dma_wait3A_154 : memref<8192x128xf32, #tpu.memory_space<hbm>>) dst(%dma_wait3A_148 : memref<128x128xf32, #tpu.memory_space<vmem>>)
    %dma_wait3A_155 = arith.constant 7 : i32
    %dma_wait3A_156 = arith.constant 384 : i32
    %dma_wait3A_157 = arith.constant 0 : i32
    %dma_wait3A_158 = tpu.memref_slice %arg6[%dma_wait3A_156, %dma_wait3A_157] : memref<512x128xf32, #tpu.memory_space<vmem>> -> memref<128x128xf32, #tpu.memory_space<vmem>>
    %dma_wait3A_159 = arith.constant 0 : i32
    %dma_wait3A_160 = tpu.memref_slice %arg5[%dma_wait3A_155, %dma_wait3A_159] : memref<16x128xi32, #tpu.memory_space<vmem>> -> memref<1x128xi32, #tpu.memory_space<vmem>>
    %dma_wait3A_161 = tpu.memref_squeeze %dma_wait3A_160 : memref<1x128xi32, #tpu.memory_space<vmem>> -> memref<128xi32, #tpu.memory_space<vmem>>
    %dma_wait3A_162 = arith.constant 0 : i32
    %dma_wait3A_163 = arith.constant 0 : i32
    %dma_wait3A_164 = tpu.memref_slice %arg3[%dma_wait3A_162, %dma_wait3A_163] : memref<8192x128xf32, #tpu.memory_space<hbm>> -> memref<8192x128xf32, #tpu.memory_space<hbm>>
    tpu.wait_indirect_dma semaphore(%arg7 : memref<!tpu.dma_semaphore, #tpu.memory_space<semaphore_mem>>) src(%dma_wait3A_164 : memref<8192x128xf32, #tpu.memory_space<hbm>>) dst(%dma_wait3A_158 : memref<128x128xf32, #tpu.memory_space<vmem>>)
    %add3A_165 = arith.constant 4 : i32
    %add3A_166 = arith.addi %mul3A_2, %add3A_165 : i32
    %mul3A_167 = arith.constant 128 : i32
    %mul3A_168 = arith.muli %add3A_166, %mul3A_167 : i32
    "tpu.region"() ({
      %run_scoped3A = tpu.sem_alloc : memref<!tpu.dma_semaphore, #tpu.memory_space<semaphore_mem>>
      %dma_start3A_337 = arith.constant 0 : i32
      %dma_start3A_338 = tpu.memref_slice %arg4[%mul3A_168, %dma_start3A_337] : memref<65536x128xf32, #tpu.memory_space<hbm>> -> memref<512x128xf32, #tpu.memory_space<hbm>>
      %dma_start3A_339 = arith.constant 0 : i32
      %dma_start3A_340 = tpu.memref_slice %arg4[%mul3A_168, %dma_start3A_339] : memref<65536x128xf32, #tpu.memory_space<hbm>> -> memref<512x128xf32, #tpu.memory_space<hbm>>
      tpu.enqueue_dma source(%arg6 : memref<512x128xf32, #tpu.memory_space<vmem>>) target(%dma_start3A_340 : memref<512x128xf32, #tpu.memory_space<hbm>>) target_semaphore(%run_scoped3A : memref<!tpu.dma_semaphore, #tpu.memory_space<semaphore_mem>>)
      %dma_wait3A_341 = arith.constant 0 : i32
      %dma_wait3A_342 = tpu.memref_slice %arg4[%mul3A_168, %dma_wait3A_341] : memref<65536x128xf32, #tpu.memory_space<hbm>> -> memref<512x128xf32, #tpu.memory_space<hbm>>
      %dma_wait3A_343 = arith.constant 0 : i32
      %dma_wait3A_344 = tpu.memref_slice %arg4[%mul3A_168, %dma_wait3A_343] : memref<65536x128xf32, #tpu.memory_space<hbm>> -> memref<512x128xf32, #tpu.memory_space<hbm>>
      tpu.wait_dma2 semaphore(%run_scoped3A : memref<!tpu.dma_semaphore, #tpu.memory_space<semaphore_mem>>) src(%arg6 : memref<512x128xf32, #tpu.memory_space<vmem>>) dst(%dma_wait3A_344 : memref<512x128xf32, #tpu.memory_space<hbm>>)
      tpu.yield
    }) : () -> ()
    %dma_start3A_169 = arith.constant 8 : i32
    %dma_start3A_170 = arith.constant 0 : i32
    %dma_start3A_171 = arith.constant 0 : i32
    %dma_start3A_172 = tpu.memref_slice %arg6[%dma_start3A_170, %dma_start3A_171] : memref<512x128xf32, #tpu.memory_space<vmem>> -> memref<128x128xf32, #tpu.memory_space<vmem>>
    %dma_start3A_173 = arith.constant 0 : i32
    %dma_start3A_174 = tpu.memref_slice %arg5[%dma_start3A_169, %dma_start3A_173] : memref<16x128xi32, #tpu.memory_space<vmem>> -> memref<1x128xi32, #tpu.memory_space<vmem>>
    %dma_start3A_175 = tpu.memref_squeeze %dma_start3A_174 : memref<1x128xi32, #tpu.memory_space<vmem>> -> memref<128xi32, #tpu.memory_space<vmem>>
    %dma_start3A_176 = arith.constant 0 : i32
    %dma_start3A_177 = arith.constant 0 : i32
    %dma_start3A_178 = tpu.memref_slice %arg3[%dma_start3A_176, %dma_start3A_177] : memref<8192x128xf32, #tpu.memory_space<hbm>> -> memref<8192x128xf32, #tpu.memory_space<hbm>>
    tpu.enqueue_indirect_dma source(%dma_start3A_178 : memref<8192x128xf32, #tpu.memory_space<hbm>>) target(%dma_start3A_172 : memref<128x128xf32, #tpu.memory_space<vmem>>) offsets(%dma_start3A_175 : memref<128xi32, #tpu.memory_space<vmem>>) semaphore(%arg7 : memref<!tpu.dma_semaphore, #tpu.memory_space<semaphore_mem>>)
    %dma_start3A_179 = arith.constant 9 : i32
    %dma_start3A_180 = arith.constant 128 : i32
    %dma_start3A_181 = arith.constant 0 : i32
    %dma_start3A_182 = tpu.memref_slice %arg6[%dma_start3A_180, %dma_start3A_181] : memref<512x128xf32, #tpu.memory_space<vmem>> -> memref<128x128xf32, #tpu.memory_space<vmem>>
    %dma_start3A_183 = arith.constant 0 : i32
    %dma_start3A_184 = tpu.memref_slice %arg5[%dma_start3A_179, %dma_start3A_183] : memref<16x128xi32, #tpu.memory_space<vmem>> -> memref<1x128xi32, #tpu.memory_space<vmem>>
    %dma_start3A_185 = tpu.memref_squeeze %dma_start3A_184 : memref<1x128xi32, #tpu.memory_space<vmem>> -> memref<128xi32, #tpu.memory_space<vmem>>
    %dma_start3A_186 = arith.constant 0 : i32
    %dma_start3A_187 = arith.constant 0 : i32
    %dma_start3A_188 = tpu.memref_slice %arg3[%dma_start3A_186, %dma_start3A_187] : memref<8192x128xf32, #tpu.memory_space<hbm>> -> memref<8192x128xf32, #tpu.memory_space<hbm>>
    tpu.enqueue_indirect_dma source(%dma_start3A_188 : memref<8192x128xf32, #tpu.memory_space<hbm>>) target(%dma_start3A_182 : memref<128x128xf32, #tpu.memory_space<vmem>>) offsets(%dma_start3A_185 : memref<128xi32, #tpu.memory_space<vmem>>) semaphore(%arg7 : memref<!tpu.dma_semaphore, #tpu.memory_space<semaphore_mem>>)
    %dma_start3A_189 = arith.constant 10 : i32
    %dma_start3A_190 = arith.constant 256 : i32
    %dma_start3A_191 = arith.constant 0 : i32
    %dma_start3A_192 = tpu.memref_slice %arg6[%dma_start3A_190, %dma_start3A_191] : memref<512x128xf32, #tpu.memory_space<vmem>> -> memref<128x128xf32, #tpu.memory_space<vmem>>
    %dma_start3A_193 = arith.constant 0 : i32
    %dma_start3A_194 = tpu.memref_slice %arg5[%dma_start3A_189, %dma_start3A_193] : memref<16x128xi32, #tpu.memory_space<vmem>> -> memref<1x128xi32, #tpu.memory_space<vmem>>
    %dma_start3A_195 = tpu.memref_squeeze %dma_start3A_194 : memref<1x128xi32, #tpu.memory_space<vmem>> -> memref<128xi32, #tpu.memory_space<vmem>>
    %dma_start3A_196 = arith.constant 0 : i32
    %dma_start3A_197 = arith.constant 0 : i32
    %dma_start3A_198 = tpu.memref_slice %arg3[%dma_start3A_196, %dma_start3A_197] : memref<8192x128xf32, #tpu.memory_space<hbm>> -> memref<8192x128xf32, #tpu.memory_space<hbm>>
    tpu.enqueue_indirect_dma source(%dma_start3A_198 : memref<8192x128xf32, #tpu.memory_space<hbm>>) target(%dma_start3A_192 : memref<128x128xf32, #tpu.memory_space<vmem>>) offsets(%dma_start3A_195 : memref<128xi32, #tpu.memory_space<vmem>>) semaphore(%arg7 : memref<!tpu.dma_semaphore, #tpu.memory_space<semaphore_mem>>)
    %dma_start3A_199 = arith.constant 11 : i32
    %dma_start3A_200 = arith.constant 384 : i32
    %dma_start3A_201 = arith.constant 0 : i32
    %dma_start3A_202 = tpu.memref_slice %arg6[%dma_start3A_200, %dma_start3A_201] : memref<512x128xf32, #tpu.memory_space<vmem>> -> memref<128x128xf32, #tpu.memory_space<vmem>>
    %dma_start3A_203 = arith.constant 0 : i32
    %dma_start3A_204 = tpu.memref_slice %arg5[%dma_start3A_199, %dma_start3A_203] : memref<16x128xi32, #tpu.memory_space<vmem>> -> memref<1x128xi32, #tpu.memory_space<vmem>>
    %dma_start3A_205 = tpu.memref_squeeze %dma_start3A_204 : memref<1x128xi32, #tpu.memory_space<vmem>> -> memref<128xi32, #tpu.memory_space<vmem>>
    %dma_start3A_206 = arith.constant 0 : i32
    %dma_start3A_207 = arith.constant 0 : i32
    %dma_start3A_208 = tpu.memref_slice %arg3[%dma_start3A_206, %dma_start3A_207] : memref<8192x128xf32, #tpu.memory_space<hbm>> -> memref<8192x128xf32, #tpu.memory_space<hbm>>
    tpu.enqueue_indirect_dma source(%dma_start3A_208 : memref<8192x128xf32, #tpu.memory_space<hbm>>) target(%dma_start3A_202 : memref<128x128xf32, #tpu.memory_space<vmem>>) offsets(%dma_start3A_205 : memref<128xi32, #tpu.memory_space<vmem>>) semaphore(%arg7 : memref<!tpu.dma_semaphore, #tpu.memory_space<semaphore_mem>>)
    %dma_wait3A_209 = arith.constant 8 : i32
    %dma_wait3A_210 = arith.constant 0 : i32
    %dma_wait3A_211 = arith.constant 0 : i32
    %dma_wait3A_212 = tpu.memref_slice %arg6[%dma_wait3A_210, %dma_wait3A_211] : memref<512x128xf32, #tpu.memory_space<vmem>> -> memref<128x128xf32, #tpu.memory_space<vmem>>
    %dma_wait3A_213 = arith.constant 0 : i32
    %dma_wait3A_214 = tpu.memref_slice %arg5[%dma_wait3A_209, %dma_wait3A_213] : memref<16x128xi32, #tpu.memory_space<vmem>> -> memref<1x128xi32, #tpu.memory_space<vmem>>
    %dma_wait3A_215 = tpu.memref_squeeze %dma_wait3A_214 : memref<1x128xi32, #tpu.memory_space<vmem>> -> memref<128xi32, #tpu.memory_space<vmem>>
    %dma_wait3A_216 = arith.constant 0 : i32
    %dma_wait3A_217 = arith.constant 0 : i32
    %dma_wait3A_218 = tpu.memref_slice %arg3[%dma_wait3A_216, %dma_wait3A_217] : memref<8192x128xf32, #tpu.memory_space<hbm>> -> memref<8192x128xf32, #tpu.memory_space<hbm>>
    tpu.wait_indirect_dma semaphore(%arg7 : memref<!tpu.dma_semaphore, #tpu.memory_space<semaphore_mem>>) src(%dma_wait3A_218 : memref<8192x128xf32, #tpu.memory_space<hbm>>) dst(%dma_wait3A_212 : memref<128x128xf32, #tpu.memory_space<vmem>>)
    %dma_wait3A_219 = arith.constant 9 : i32
    %dma_wait3A_220 = arith.constant 128 : i32
    %dma_wait3A_221 = arith.constant 0 : i32
    %dma_wait3A_222 = tpu.memref_slice %arg6[%dma_wait3A_220, %dma_wait3A_221] : memref<512x128xf32, #tpu.memory_space<vmem>> -> memref<128x128xf32, #tpu.memory_space<vmem>>
    %dma_wait3A_223 = arith.constant 0 : i32
    %dma_wait3A_224 = tpu.memref_slice %arg5[%dma_wait3A_219, %dma_wait3A_223] : memref<16x128xi32, #tpu.memory_space<vmem>> -> memref<1x128xi32, #tpu.memory_space<vmem>>
    %dma_wait3A_225 = tpu.memref_squeeze %dma_wait3A_224 : memref<1x128xi32, #tpu.memory_space<vmem>> -> memref<128xi32, #tpu.memory_space<vmem>>
    %dma_wait3A_226 = arith.constant 0 : i32
    %dma_wait3A_227 = arith.constant 0 : i32
    %dma_wait3A_228 = tpu.memref_slice %arg3[%dma_wait3A_226, %dma_wait3A_227] : memref<8192x128xf32, #tpu.memory_space<hbm>> -> memref<8192x128xf32, #tpu.memory_space<hbm>>
    tpu.wait_indirect_dma semaphore(%arg7 : memref<!tpu.dma_semaphore, #tpu.memory_space<semaphore_mem>>) src(%dma_wait3A_228 : memref<8192x128xf32, #tpu.memory_space<hbm>>) dst(%dma_wait3A_222 : memref<128x128xf32, #tpu.memory_space<vmem>>)
    %dma_wait3A_229 = arith.constant 10 : i32
    %dma_wait3A_230 = arith.constant 256 : i32
    %dma_wait3A_231 = arith.constant 0 : i32
    %dma_wait3A_232 = tpu.memref_slice %arg6[%dma_wait3A_230, %dma_wait3A_231] : memref<512x128xf32, #tpu.memory_space<vmem>> -> memref<128x128xf32, #tpu.memory_space<vmem>>
    %dma_wait3A_233 = arith.constant 0 : i32
    %dma_wait3A_234 = tpu.memref_slice %arg5[%dma_wait3A_229, %dma_wait3A_233] : memref<16x128xi32, #tpu.memory_space<vmem>> -> memref<1x128xi32, #tpu.memory_space<vmem>>
    %dma_wait3A_235 = tpu.memref_squeeze %dma_wait3A_234 : memref<1x128xi32, #tpu.memory_space<vmem>> -> memref<128xi32, #tpu.memory_space<vmem>>
    %dma_wait3A_236 = arith.constant 0 : i32
    %dma_wait3A_237 = arith.constant 0 : i32
    %dma_wait3A_238 = tpu.memref_slice %arg3[%dma_wait3A_236, %dma_wait3A_237] : memref<8192x128xf32, #tpu.memory_space<hbm>> -> memref<8192x128xf32, #tpu.memory_space<hbm>>
    tpu.wait_indirect_dma semaphore(%arg7 : memref<!tpu.dma_semaphore, #tpu.memory_space<semaphore_mem>>) src(%dma_wait3A_238 : memref<8192x128xf32, #tpu.memory_space<hbm>>) dst(%dma_wait3A_232 : memref<128x128xf32, #tpu.memory_space<vmem>>)
    %dma_wait3A_239 = arith.constant 11 : i32
    %dma_wait3A_240 = arith.constant 384 : i32
    %dma_wait3A_241 = arith.constant 0 : i32
    %dma_wait3A_242 = tpu.memref_slice %arg6[%dma_wait3A_240, %dma_wait3A_241] : memref<512x128xf32, #tpu.memory_space<vmem>> -> memref<128x128xf32, #tpu.memory_space<vmem>>
    %dma_wait3A_243 = arith.constant 0 : i32
    %dma_wait3A_244 = tpu.memref_slice %arg5[%dma_wait3A_239, %dma_wait3A_243] : memref<16x128xi32, #tpu.memory_space<vmem>> -> memref<1x128xi32, #tpu.memory_space<vmem>>
    %dma_wait3A_245 = tpu.memref_squeeze %dma_wait3A_244 : memref<1x128xi32, #tpu.memory_space<vmem>> -> memref<128xi32, #tpu.memory_space<vmem>>
    %dma_wait3A_246 = arith.constant 0 : i32
    %dma_wait3A_247 = arith.constant 0 : i32
    %dma_wait3A_248 = tpu.memref_slice %arg3[%dma_wait3A_246, %dma_wait3A_247] : memref<8192x128xf32, #tpu.memory_space<hbm>> -> memref<8192x128xf32, #tpu.memory_space<hbm>>
    tpu.wait_indirect_dma semaphore(%arg7 : memref<!tpu.dma_semaphore, #tpu.memory_space<semaphore_mem>>) src(%dma_wait3A_248 : memref<8192x128xf32, #tpu.memory_space<hbm>>) dst(%dma_wait3A_242 : memref<128x128xf32, #tpu.memory_space<vmem>>)
    %add3A_249 = arith.constant 8 : i32
    %add3A_250 = arith.addi %mul3A_2, %add3A_249 : i32
    %mul3A_251 = arith.constant 128 : i32
    %mul3A_252 = arith.muli %add3A_250, %mul3A_251 : i32
    "tpu.region"() ({
      %run_scoped3A = tpu.sem_alloc : memref<!tpu.dma_semaphore, #tpu.memory_space<semaphore_mem>>
      %dma_start3A_337 = arith.constant 0 : i32
      %dma_start3A_338 = tpu.memref_slice %arg4[%mul3A_252, %dma_start3A_337] : memref<65536x128xf32, #tpu.memory_space<hbm>> -> memref<512x128xf32, #tpu.memory_space<hbm>>
      %dma_start3A_339 = arith.constant 0 : i32
      %dma_start3A_340 = tpu.memref_slice %arg4[%mul3A_252, %dma_start3A_339] : memref<65536x128xf32, #tpu.memory_space<hbm>> -> memref<512x128xf32, #tpu.memory_space<hbm>>
      tpu.enqueue_dma source(%arg6 : memref<512x128xf32, #tpu.memory_space<vmem>>) target(%dma_start3A_340 : memref<512x128xf32, #tpu.memory_space<hbm>>) target_semaphore(%run_scoped3A : memref<!tpu.dma_semaphore, #tpu.memory_space<semaphore_mem>>)
      %dma_wait3A_341 = arith.constant 0 : i32
      %dma_wait3A_342 = tpu.memref_slice %arg4[%mul3A_252, %dma_wait3A_341] : memref<65536x128xf32, #tpu.memory_space<hbm>> -> memref<512x128xf32, #tpu.memory_space<hbm>>
      %dma_wait3A_343 = arith.constant 0 : i32
      %dma_wait3A_344 = tpu.memref_slice %arg4[%mul3A_252, %dma_wait3A_343] : memref<65536x128xf32, #tpu.memory_space<hbm>> -> memref<512x128xf32, #tpu.memory_space<hbm>>
      tpu.wait_dma2 semaphore(%run_scoped3A : memref<!tpu.dma_semaphore, #tpu.memory_space<semaphore_mem>>) src(%arg6 : memref<512x128xf32, #tpu.memory_space<vmem>>) dst(%dma_wait3A_344 : memref<512x128xf32, #tpu.memory_space<hbm>>)
      tpu.yield
    }) : () -> ()
    %dma_start3A_253 = arith.constant 12 : i32
    %dma_start3A_254 = arith.constant 0 : i32
    %dma_start3A_255 = arith.constant 0 : i32
    %dma_start3A_256 = tpu.memref_slice %arg6[%dma_start3A_254, %dma_start3A_255] : memref<512x128xf32, #tpu.memory_space<vmem>> -> memref<128x128xf32, #tpu.memory_space<vmem>>
    %dma_start3A_257 = arith.constant 0 : i32
    %dma_start3A_258 = tpu.memref_slice %arg5[%dma_start3A_253, %dma_start3A_257] : memref<16x128xi32, #tpu.memory_space<vmem>> -> memref<1x128xi32, #tpu.memory_space<vmem>>
    %dma_start3A_259 = tpu.memref_squeeze %dma_start3A_258 : memref<1x128xi32, #tpu.memory_space<vmem>> -> memref<128xi32, #tpu.memory_space<vmem>>
    %dma_start3A_260 = arith.constant 0 : i32
    %dma_start3A_261 = arith.constant 0 : i32
    %dma_start3A_262 = tpu.memref_slice %arg3[%dma_start3A_260, %dma_start3A_261] : memref<8192x128xf32, #tpu.memory_space<hbm>> -> memref<8192x128xf32, #tpu.memory_space<hbm>>
    tpu.enqueue_indirect_dma source(%dma_start3A_262 : memref<8192x128xf32, #tpu.memory_space<hbm>>) target(%dma_start3A_256 : memref<128x128xf32, #tpu.memory_space<vmem>>) offsets(%dma_start3A_259 : memref<128xi32, #tpu.memory_space<vmem>>) semaphore(%arg7 : memref<!tpu.dma_semaphore, #tpu.memory_space<semaphore_mem>>)
    %dma_start3A_263 = arith.constant 13 : i32
    %dma_start3A_264 = arith.constant 128 : i32
    %dma_start3A_265 = arith.constant 0 : i32
    %dma_start3A_266 = tpu.memref_slice %arg6[%dma_start3A_264, %dma_start3A_265] : memref<512x128xf32, #tpu.memory_space<vmem>> -> memref<128x128xf32, #tpu.memory_space<vmem>>
    %dma_start3A_267 = arith.constant 0 : i32
    %dma_start3A_268 = tpu.memref_slice %arg5[%dma_start3A_263, %dma_start3A_267] : memref<16x128xi32, #tpu.memory_space<vmem>> -> memref<1x128xi32, #tpu.memory_space<vmem>>
    %dma_start3A_269 = tpu.memref_squeeze %dma_start3A_268 : memref<1x128xi32, #tpu.memory_space<vmem>> -> memref<128xi32, #tpu.memory_space<vmem>>
    %dma_start3A_270 = arith.constant 0 : i32
    %dma_start3A_271 = arith.constant 0 : i32
    %dma_start3A_272 = tpu.memref_slice %arg3[%dma_start3A_270, %dma_start3A_271] : memref<8192x128xf32, #tpu.memory_space<hbm>> -> memref<8192x128xf32, #tpu.memory_space<hbm>>
    tpu.enqueue_indirect_dma source(%dma_start3A_272 : memref<8192x128xf32, #tpu.memory_space<hbm>>) target(%dma_start3A_266 : memref<128x128xf32, #tpu.memory_space<vmem>>) offsets(%dma_start3A_269 : memref<128xi32, #tpu.memory_space<vmem>>) semaphore(%arg7 : memref<!tpu.dma_semaphore, #tpu.memory_space<semaphore_mem>>)
    %dma_start3A_273 = arith.constant 14 : i32
    %dma_start3A_274 = arith.constant 256 : i32
    %dma_start3A_275 = arith.constant 0 : i32
    %dma_start3A_276 = tpu.memref_slice %arg6[%dma_start3A_274, %dma_start3A_275] : memref<512x128xf32, #tpu.memory_space<vmem>> -> memref<128x128xf32, #tpu.memory_space<vmem>>
    %dma_start3A_277 = arith.constant 0 : i32
    %dma_start3A_278 = tpu.memref_slice %arg5[%dma_start3A_273, %dma_start3A_277] : memref<16x128xi32, #tpu.memory_space<vmem>> -> memref<1x128xi32, #tpu.memory_space<vmem>>
    %dma_start3A_279 = tpu.memref_squeeze %dma_start3A_278 : memref<1x128xi32, #tpu.memory_space<vmem>> -> memref<128xi32, #tpu.memory_space<vmem>>
    %dma_start3A_280 = arith.constant 0 : i32
    %dma_start3A_281 = arith.constant 0 : i32
    %dma_start3A_282 = tpu.memref_slice %arg3[%dma_start3A_280, %dma_start3A_281] : memref<8192x128xf32, #tpu.memory_space<hbm>> -> memref<8192x128xf32, #tpu.memory_space<hbm>>
    tpu.enqueue_indirect_dma source(%dma_start3A_282 : memref<8192x128xf32, #tpu.memory_space<hbm>>) target(%dma_start3A_276 : memref<128x128xf32, #tpu.memory_space<vmem>>) offsets(%dma_start3A_279 : memref<128xi32, #tpu.memory_space<vmem>>) semaphore(%arg7 : memref<!tpu.dma_semaphore, #tpu.memory_space<semaphore_mem>>)
    %dma_start3A_283 = arith.constant 15 : i32
    %dma_start3A_284 = arith.constant 384 : i32
    %dma_start3A_285 = arith.constant 0 : i32
    %dma_start3A_286 = tpu.memref_slice %arg6[%dma_start3A_284, %dma_start3A_285] : memref<512x128xf32, #tpu.memory_space<vmem>> -> memref<128x128xf32, #tpu.memory_space<vmem>>
    %dma_start3A_287 = arith.constant 0 : i32
    %dma_start3A_288 = tpu.memref_slice %arg5[%dma_start3A_283, %dma_start3A_287] : memref<16x128xi32, #tpu.memory_space<vmem>> -> memref<1x128xi32, #tpu.memory_space<vmem>>
    %dma_start3A_289 = tpu.memref_squeeze %dma_start3A_288 : memref<1x128xi32, #tpu.memory_space<vmem>> -> memref<128xi32, #tpu.memory_space<vmem>>
    %dma_start3A_290 = arith.constant 0 : i32
    %dma_start3A_291 = arith.constant 0 : i32
    %dma_start3A_292 = tpu.memref_slice %arg3[%dma_start3A_290, %dma_start3A_291] : memref<8192x128xf32, #tpu.memory_space<hbm>> -> memref<8192x128xf32, #tpu.memory_space<hbm>>
    tpu.enqueue_indirect_dma source(%dma_start3A_292 : memref<8192x128xf32, #tpu.memory_space<hbm>>) target(%dma_start3A_286 : memref<128x128xf32, #tpu.memory_space<vmem>>) offsets(%dma_start3A_289 : memref<128xi32, #tpu.memory_space<vmem>>) semaphore(%arg7 : memref<!tpu.dma_semaphore, #tpu.memory_space<semaphore_mem>>)
    %dma_wait3A_293 = arith.constant 12 : i32
    %dma_wait3A_294 = arith.constant 0 : i32
    %dma_wait3A_295 = arith.constant 0 : i32
    %dma_wait3A_296 = tpu.memref_slice %arg6[%dma_wait3A_294, %dma_wait3A_295] : memref<512x128xf32, #tpu.memory_space<vmem>> -> memref<128x128xf32, #tpu.memory_space<vmem>>
    %dma_wait3A_297 = arith.constant 0 : i32
    %dma_wait3A_298 = tpu.memref_slice %arg5[%dma_wait3A_293, %dma_wait3A_297] : memref<16x128xi32, #tpu.memory_space<vmem>> -> memref<1x128xi32, #tpu.memory_space<vmem>>
    %dma_wait3A_299 = tpu.memref_squeeze %dma_wait3A_298 : memref<1x128xi32, #tpu.memory_space<vmem>> -> memref<128xi32, #tpu.memory_space<vmem>>
    %dma_wait3A_300 = arith.constant 0 : i32
    %dma_wait3A_301 = arith.constant 0 : i32
    %dma_wait3A_302 = tpu.memref_slice %arg3[%dma_wait3A_300, %dma_wait3A_301] : memref<8192x128xf32, #tpu.memory_space<hbm>> -> memref<8192x128xf32, #tpu.memory_space<hbm>>
    tpu.wait_indirect_dma semaphore(%arg7 : memref<!tpu.dma_semaphore, #tpu.memory_space<semaphore_mem>>) src(%dma_wait3A_302 : memref<8192x128xf32, #tpu.memory_space<hbm>>) dst(%dma_wait3A_296 : memref<128x128xf32, #tpu.memory_space<vmem>>)
    %dma_wait3A_303 = arith.constant 13 : i32
    %dma_wait3A_304 = arith.constant 128 : i32
    %dma_wait3A_305 = arith.constant 0 : i32
    %dma_wait3A_306 = tpu.memref_slice %arg6[%dma_wait3A_304, %dma_wait3A_305] : memref<512x128xf32, #tpu.memory_space<vmem>> -> memref<128x128xf32, #tpu.memory_space<vmem>>
    %dma_wait3A_307 = arith.constant 0 : i32
    %dma_wait3A_308 = tpu.memref_slice %arg5[%dma_wait3A_303, %dma_wait3A_307] : memref<16x128xi32, #tpu.memory_space<vmem>> -> memref<1x128xi32, #tpu.memory_space<vmem>>
    %dma_wait3A_309 = tpu.memref_squeeze %dma_wait3A_308 : memref<1x128xi32, #tpu.memory_space<vmem>> -> memref<128xi32, #tpu.memory_space<vmem>>
    %dma_wait3A_310 = arith.constant 0 : i32
    %dma_wait3A_311 = arith.constant 0 : i32
    %dma_wait3A_312 = tpu.memref_slice %arg3[%dma_wait3A_310, %dma_wait3A_311] : memref<8192x128xf32, #tpu.memory_space<hbm>> -> memref<8192x128xf32, #tpu.memory_space<hbm>>
    tpu.wait_indirect_dma semaphore(%arg7 : memref<!tpu.dma_semaphore, #tpu.memory_space<semaphore_mem>>) src(%dma_wait3A_312 : memref<8192x128xf32, #tpu.memory_space<hbm>>) dst(%dma_wait3A_306 : memref<128x128xf32, #tpu.memory_space<vmem>>)
    %dma_wait3A_313 = arith.constant 14 : i32
    %dma_wait3A_314 = arith.constant 256 : i32
    %dma_wait3A_315 = arith.constant 0 : i32
    %dma_wait3A_316 = tpu.memref_slice %arg6[%dma_wait3A_314, %dma_wait3A_315] : memref<512x128xf32, #tpu.memory_space<vmem>> -> memref<128x128xf32, #tpu.memory_space<vmem>>
    %dma_wait3A_317 = arith.constant 0 : i32
    %dma_wait3A_318 = tpu.memref_slice %arg5[%dma_wait3A_313, %dma_wait3A_317] : memref<16x128xi32, #tpu.memory_space<vmem>> -> memref<1x128xi32, #tpu.memory_space<vmem>>
    %dma_wait3A_319 = tpu.memref_squeeze %dma_wait3A_318 : memref<1x128xi32, #tpu.memory_space<vmem>> -> memref<128xi32, #tpu.memory_space<vmem>>
    %dma_wait3A_320 = arith.constant 0 : i32
    %dma_wait3A_321 = arith.constant 0 : i32
    %dma_wait3A_322 = tpu.memref_slice %arg3[%dma_wait3A_320, %dma_wait3A_321] : memref<8192x128xf32, #tpu.memory_space<hbm>> -> memref<8192x128xf32, #tpu.memory_space<hbm>>
    tpu.wait_indirect_dma semaphore(%arg7 : memref<!tpu.dma_semaphore, #tpu.memory_space<semaphore_mem>>) src(%dma_wait3A_322 : memref<8192x128xf32, #tpu.memory_space<hbm>>) dst(%dma_wait3A_316 : memref<128x128xf32, #tpu.memory_space<vmem>>)
    %dma_wait3A_323 = arith.constant 15 : i32
    %dma_wait3A_324 = arith.constant 384 : i32
    %dma_wait3A_325 = arith.constant 0 : i32
    %dma_wait3A_326 = tpu.memref_slice %arg6[%dma_wait3A_324, %dma_wait3A_325] : memref<512x128xf32, #tpu.memory_space<vmem>> -> memref<128x128xf32, #tpu.memory_space<vmem>>
    %dma_wait3A_327 = arith.constant 0 : i32
    %dma_wait3A_328 = tpu.memref_slice %arg5[%dma_wait3A_323, %dma_wait3A_327] : memref<16x128xi32, #tpu.memory_space<vmem>> -> memref<1x128xi32, #tpu.memory_space<vmem>>
    %dma_wait3A_329 = tpu.memref_squeeze %dma_wait3A_328 : memref<1x128xi32, #tpu.memory_space<vmem>> -> memref<128xi32, #tpu.memory_space<vmem>>
    %dma_wait3A_330 = arith.constant 0 : i32
    %dma_wait3A_331 = arith.constant 0 : i32
    %dma_wait3A_332 = tpu.memref_slice %arg3[%dma_wait3A_330, %dma_wait3A_331] : memref<8192x128xf32, #tpu.memory_space<hbm>> -> memref<8192x128xf32, #tpu.memory_space<hbm>>
    tpu.wait_indirect_dma semaphore(%arg7 : memref<!tpu.dma_semaphore, #tpu.memory_space<semaphore_mem>>) src(%dma_wait3A_332 : memref<8192x128xf32, #tpu.memory_space<hbm>>) dst(%dma_wait3A_326 : memref<128x128xf32, #tpu.memory_space<vmem>>)
    %add3A_333 = arith.constant 12 : i32
    %add3A_334 = arith.addi %mul3A_2, %add3A_333 : i32
    %mul3A_335 = arith.constant 128 : i32
    %mul3A_336 = arith.muli %add3A_334, %mul3A_335 : i32
    "tpu.region"() ({
      %run_scoped3A = tpu.sem_alloc : memref<!tpu.dma_semaphore, #tpu.memory_space<semaphore_mem>>
      %dma_start3A_337 = arith.constant 0 : i32
      %dma_start3A_338 = tpu.memref_slice %arg4[%mul3A_336, %dma_start3A_337] : memref<65536x128xf32, #tpu.memory_space<hbm>> -> memref<512x128xf32, #tpu.memory_space<hbm>>
      %dma_start3A_339 = arith.constant 0 : i32
      %dma_start3A_340 = tpu.memref_slice %arg4[%mul3A_336, %dma_start3A_339] : memref<65536x128xf32, #tpu.memory_space<hbm>> -> memref<512x128xf32, #tpu.memory_space<hbm>>
      tpu.enqueue_dma source(%arg6 : memref<512x128xf32, #tpu.memory_space<vmem>>) target(%dma_start3A_340 : memref<512x128xf32, #tpu.memory_space<hbm>>) target_semaphore(%run_scoped3A : memref<!tpu.dma_semaphore, #tpu.memory_space<semaphore_mem>>)
      %dma_wait3A_341 = arith.constant 0 : i32
      %dma_wait3A_342 = tpu.memref_slice %arg4[%mul3A_336, %dma_wait3A_341] : memref<65536x128xf32, #tpu.memory_space<hbm>> -> memref<512x128xf32, #tpu.memory_space<hbm>>
      %dma_wait3A_343 = arith.constant 0 : i32
      %dma_wait3A_344 = tpu.memref_slice %arg4[%mul3A_336, %dma_wait3A_343] : memref<65536x128xf32, #tpu.memory_space<hbm>> -> memref<512x128xf32, #tpu.memory_space<hbm>>
      tpu.wait_dma2 semaphore(%run_scoped3A : memref<!tpu.dma_semaphore, #tpu.memory_space<semaphore_mem>>) src(%arg6 : memref<512x128xf32, #tpu.memory_space<vmem>>) dst(%dma_wait3A_344 : memref<512x128xf32, #tpu.memory_space<hbm>>)
      tpu.yield
    }) : () -> ()
    return
  }
}

#map = affine_map<(d0, d1) -> (0, 0)>
module attributes {stable_mosaic.version = 14 : i64} {
  func.func @gk(%arg0: i32, %arg1: i32, %arg2: memref<512x128xi32, #tpu.memory_space<hbm>>, %arg3: memref<8192x128xf32, #tpu.memory_space<hbm>>, %arg4: memref<65536x128xf32, #tpu.memory_space<hbm>>, %arg5: memref<16x128xi32, #tpu.memory_space<vmem>>, %arg6: memref<512x128xf32, #tpu.memory_space<vmem>>, %arg7: memref<!tpu.dma_semaphore, #tpu.memory_space<semaphore_mem>>) attributes {dimension_semantics = [#tpu.dimension_semantics<core_parallel>, #tpu.dimension_semantics<subcore_parallel>], iteration_bounds = array<i64: 2, 16>, scalar_prefetch = 0 : i64, scratch_operands = 3 : i64, tpu.core_type = #tpu.core_type<sc_vector_subcore>, window_params = [{transform_indices = #map}, {transform_indices = #map}, {transform_indices = #map}]} {
    %mul3A = arith.constant 2 : i32
    %mul3A_0 = arith.muli %arg1, %mul3A : i32
    %add3A = arith.addi %mul3A_0, %arg0 : i32
    %mul3A_1 = arith.constant 16 : i32
    %mul3A_2 = arith.muli %add3A, %mul3A_1 : i32
    "tpu.region"() ({
      %run_scoped3A = tpu.sem_alloc : memref<!tpu.dma_semaphore, #tpu.memory_space<semaphore_mem>>
      %dma_start3A_337 = arith.constant 0 : i32
      %dma_start3A_338 = tpu.memref_slice %arg2[%mul3A_2, %dma_start3A_337] : memref<512x128xi32, #tpu.memory_space<hbm>> -> memref<16x128xi32, #tpu.memory_space<hbm>>
      %dma_start3A_339 = arith.constant 0 : i32
      %dma_start3A_340 = tpu.memref_slice %arg2[%mul3A_2, %dma_start3A_339] : memref<512x128xi32, #tpu.memory_space<hbm>> -> memref<16x128xi32, #tpu.memory_space<hbm>>
      tpu.enqueue_dma source(%dma_start3A_340 : memref<16x128xi32, #tpu.memory_space<hbm>>) target(%arg5 : memref<16x128xi32, #tpu.memory_space<vmem>>) target_semaphore(%run_scoped3A : memref<!tpu.dma_semaphore, #tpu.memory_space<semaphore_mem>>)
      %dma_wait3A_341 = arith.constant 0 : i32
      %dma_wait3A_342 = tpu.memref_slice %arg2[%mul3A_2, %dma_wait3A_341] : memref<512x128xi32, #tpu.memory_space<hbm>> -> memref<16x128xi32, #tpu.memory_space<hbm>>
      %dma_wait3A_343 = arith.constant 0 : i32
      %dma_wait3A_344 = tpu.memref_slice %arg2[%mul3A_2, %dma_wait3A_343] : memref<512x128xi32, #tpu.memory_space<hbm>> -> memref<16x128xi32, #tpu.memory_space<hbm>>
      tpu.wait_dma2 semaphore(%run_scoped3A : memref<!tpu.dma_semaphore, #tpu.memory_space<semaphore_mem>>) src(%dma_wait3A_344 : memref<16x128xi32, #tpu.memory_space<hbm>>) dst(%arg5 : memref<16x128xi32, #tpu.memory_space<vmem>>)
      tpu.yield
    }) : () -> ()
    %dma_start3A = arith.constant 0 : i32
    %dma_start3A_3 = arith.constant 0 : i32
    %dma_start3A_4 = arith.constant 0 : i32
    %dma_start3A_5 = tpu.memref_slice %arg6[%dma_start3A_3, %dma_start3A_4] : memref<512x128xf32, #tpu.memory_space<vmem>> -> memref<128x128xf32, #tpu.memory_space<vmem>>
    %dma_start3A_6 = arith.constant 0 : i32
    %dma_start3A_7 = tpu.memref_slice %arg5[%dma_start3A, %dma_start3A_6] : memref<16x128xi32, #tpu.memory_space<vmem>> -> memref<1x128xi32, #tpu.memory_space<vmem>>
    %dma_start3A_8 = tpu.memref_squeeze %dma_start3A_7 : memref<1x128xi32, #tpu.memory_space<vmem>> -> memref<128xi32, #tpu.memory_space<vmem>>
    %dma_start3A_9 = arith.constant 0 : i32
    %dma_start3A_10 = arith.constant 0 : i32
    %dma_start3A_11 = tpu.memref_slice %arg3[%dma_start3A_9, %dma_start3A_10] : memref<8192x128xf32, #tpu.memory_space<hbm>> -> memref<8192x128xf32, #tpu.memory_space<hbm>>
    tpu.enqueue_indirect_dma source(%dma_start3A_11 : memref<8192x128xf32, #tpu.memory_space<hbm>>) target(%dma_start3A_5 : memref<128x128xf32, #tpu.memory_space<vmem>>) offsets(%dma_start3A_8 : memref<128xi32, #tpu.memory_space<vmem>>) semaphore(%arg7 : memref<!tpu.dma_semaphore, #tpu.memory_space<semaphore_mem>>)
    %dma_start3A_12 = arith.constant 1 : i32
    %dma_start3A_13 = arith.constant 128 : i32
    %dma_start3A_14 = arith.constant 0 : i32
    %dma_start3A_15 = tpu.memref_slice %arg6[%dma_start3A_13, %dma_start3A_14] : memref<512x128xf32, #tpu.memory_space<vmem>> -> memref<128x128xf32, #tpu.memory_space<vmem>>
    %dma_start3A_16 = arith.constant 0 : i32
    %dma_start3A_17 = tpu.memref_slice %arg5[%dma_start3A_12, %dma_start3A_16] : memref<16x128xi32, #tpu.memory_space<vmem>> -> memref<1x128xi32, #tpu.memory_space<vmem>>
    %dma_start3A_18 = tpu.memref_squeeze %dma_start3A_17 : memref<1x128xi32, #tpu.memory_space<vmem>> -> memref<128xi32, #tpu.memory_space<vmem>>
    %dma_start3A_19 = arith.constant 0 : i32
    %dma_start3A_20 = arith.constant 0 : i32
    %dma_start3A_21 = tpu.memref_slice %arg3[%dma_start3A_19, %dma_start3A_20] : memref<8192x128xf32, #tpu.memory_space<hbm>> -> memref<8192x128xf32, #tpu.memory_space<hbm>>
    tpu.enqueue_indirect_dma source(%dma_start3A_21 : memref<8192x128xf32, #tpu.memory_space<hbm>>) target(%dma_start3A_15 : memref<128x128xf32, #tpu.memory_space<vmem>>) offsets(%dma_start3A_18 : memref<128xi32, #tpu.memory_space<vmem>>) semaphore(%arg7 : memref<!tpu.dma_semaphore, #tpu.memory_space<semaphore_mem>>)
    %dma_start3A_22 = arith.constant 2 : i32
    %dma_start3A_23 = arith.constant 256 : i32
    %dma_start3A_24 = arith.constant 0 : i32
    %dma_start3A_25 = tpu.memref_slice %arg6[%dma_start3A_23, %dma_start3A_24] : memref<512x128xf32, #tpu.memory_space<vmem>> -> memref<128x128xf32, #tpu.memory_space<vmem>>
    %dma_start3A_26 = arith.constant 0 : i32
    %dma_start3A_27 = tpu.memref_slice %arg5[%dma_start3A_22, %dma_start3A_26] : memref<16x128xi32, #tpu.memory_space<vmem>> -> memref<1x128xi32, #tpu.memory_space<vmem>>
    %dma_start3A_28 = tpu.memref_squeeze %dma_start3A_27 : memref<1x128xi32, #tpu.memory_space<vmem>> -> memref<128xi32, #tpu.memory_space<vmem>>
    %dma_start3A_29 = arith.constant 0 : i32
    %dma_start3A_30 = arith.constant 0 : i32
    %dma_start3A_31 = tpu.memref_slice %arg3[%dma_start3A_29, %dma_start3A_30] : memref<8192x128xf32, #tpu.memory_space<hbm>> -> memref<8192x128xf32, #tpu.memory_space<hbm>>
    tpu.enqueue_indirect_dma source(%dma_start3A_31 : memref<8192x128xf32, #tpu.memory_space<hbm>>) target(%dma_start3A_25 : memref<128x128xf32, #tpu.memory_space<vmem>>) offsets(%dma_start3A_28 : memref<128xi32, #tpu.memory_space<vmem>>) semaphore(%arg7 : memref<!tpu.dma_semaphore, #tpu.memory_space<semaphore_mem>>)
    %dma_start3A_32 = arith.constant 3 : i32
    %dma_start3A_33 = arith.constant 384 : i32
    %dma_start3A_34 = arith.constant 0 : i32
    %dma_start3A_35 = tpu.memref_slice %arg6[%dma_start3A_33, %dma_start3A_34] : memref<512x128xf32, #tpu.memory_space<vmem>> -> memref<128x128xf32, #tpu.memory_space<vmem>>
    %dma_start3A_36 = arith.constant 0 : i32
    %dma_start3A_37 = tpu.memref_slice %arg5[%dma_start3A_32, %dma_start3A_36] : memref<16x128xi32, #tpu.memory_space<vmem>> -> memref<1x128xi32, #tpu.memory_space<vmem>>
    %dma_start3A_38 = tpu.memref_squeeze %dma_start3A_37 : memref<1x128xi32, #tpu.memory_space<vmem>> -> memref<128xi32, #tpu.memory_space<vmem>>
    %dma_start3A_39 = arith.constant 0 : i32
    %dma_start3A_40 = arith.constant 0 : i32
    %dma_start3A_41 = tpu.memref_slice %arg3[%dma_start3A_39, %dma_start3A_40] : memref<8192x128xf32, #tpu.memory_space<hbm>> -> memref<8192x128xf32, #tpu.memory_space<hbm>>
    tpu.enqueue_indirect_dma source(%dma_start3A_41 : memref<8192x128xf32, #tpu.memory_space<hbm>>) target(%dma_start3A_35 : memref<128x128xf32, #tpu.memory_space<vmem>>) offsets(%dma_start3A_38 : memref<128xi32, #tpu.memory_space<vmem>>) semaphore(%arg7 : memref<!tpu.dma_semaphore, #tpu.memory_space<semaphore_mem>>)
    %dma_wait3A = arith.constant 0 : i32
    %dma_wait3A_42 = arith.constant 0 : i32
    %dma_wait3A_43 = arith.constant 0 : i32
    %dma_wait3A_44 = tpu.memref_slice %arg6[%dma_wait3A_42, %dma_wait3A_43] : memref<512x128xf32, #tpu.memory_space<vmem>> -> memref<128x128xf32, #tpu.memory_space<vmem>>
    %dma_wait3A_45 = arith.constant 0 : i32
    %dma_wait3A_46 = tpu.memref_slice %arg5[%dma_wait3A, %dma_wait3A_45] : memref<16x128xi32, #tpu.memory_space<vmem>> -> memref<1x128xi32, #tpu.memory_space<vmem>>
    %dma_wait3A_47 = tpu.memref_squeeze %dma_wait3A_46 : memref<1x128xi32, #tpu.memory_space<vmem>> -> memref<128xi32, #tpu.memory_space<vmem>>
    %dma_wait3A_48 = arith.constant 0 : i32
    %dma_wait3A_49 = arith.constant 0 : i32
    %dma_wait3A_50 = tpu.memref_slice %arg3[%dma_wait3A_48, %dma_wait3A_49] : memref<8192x128xf32, #tpu.memory_space<hbm>> -> memref<8192x128xf32, #tpu.memory_space<hbm>>
    tpu.wait_indirect_dma semaphore(%arg7 : memref<!tpu.dma_semaphore, #tpu.memory_space<semaphore_mem>>) src(%dma_wait3A_50 : memref<8192x128xf32, #tpu.memory_space<hbm>>) dst(%dma_wait3A_44 : memref<128x128xf32, #tpu.memory_space<vmem>>)
    %dma_wait3A_51 = arith.constant 1 : i32
    %dma_wait3A_52 = arith.constant 128 : i32
    %dma_wait3A_53 = arith.constant 0 : i32
    %dma_wait3A_54 = tpu.memref_slice %arg6[%dma_wait3A_52, %dma_wait3A_53] : memref<512x128xf32, #tpu.memory_space<vmem>> -> memref<128x128xf32, #tpu.memory_space<vmem>>
    %dma_wait3A_55 = arith.constant 0 : i32
    %dma_wait3A_56 = tpu.memref_slice %arg5[%dma_wait3A_51, %dma_wait3A_55] : memref<16x128xi32, #tpu.memory_space<vmem>> -> memref<1x128xi32, #tpu.memory_space<vmem>>
    %dma_wait3A_57 = tpu.memref_squeeze %dma_wait3A_56 : memref<1x128xi32, #tpu.memory_space<vmem>> -> memref<128xi32, #tpu.memory_space<vmem>>
    %dma_wait3A_58 = arith.constant 0 : i32
    %dma_wait3A_59 = arith.constant 0 : i32
    %dma_wait3A_60 = tpu.memref_slice %arg3[%dma_wait3A_58, %dma_wait3A_59] : memref<8192x128xf32, #tpu.memory_space<hbm>> -> memref<8192x128xf32, #tpu.memory_space<hbm>>
    tpu.wait_indirect_dma semaphore(%arg7 : memref<!tpu.dma_semaphore, #tpu.memory_space<semaphore_mem>>) src(%dma_wait3A_60 : memref<8192x128xf32, #tpu.memory_space<hbm>>) dst(%dma_wait3A_54 : memref<128x128xf32, #tpu.memory_space<vmem>>)
    %dma_wait3A_61 = arith.constant 2 : i32
    %dma_wait3A_62 = arith.constant 256 : i32
    %dma_wait3A_63 = arith.constant 0 : i32
    %dma_wait3A_64 = tpu.memref_slice %arg6[%dma_wait3A_62, %dma_wait3A_63] : memref<512x128xf32, #tpu.memory_space<vmem>> -> memref<128x128xf32, #tpu.memory_space<vmem>>
    %dma_wait3A_65 = arith.constant 0 : i32
    %dma_wait3A_66 = tpu.memref_slice %arg5[%dma_wait3A_61, %dma_wait3A_65] : memref<16x128xi32, #tpu.memory_space<vmem>> -> memref<1x128xi32, #tpu.memory_space<vmem>>
    %dma_wait3A_67 = tpu.memref_squeeze %dma_wait3A_66 : memref<1x128xi32, #tpu.memory_space<vmem>> -> memref<128xi32, #tpu.memory_space<vmem>>
    %dma_wait3A_68 = arith.constant 0 : i32
    %dma_wait3A_69 = arith.constant 0 : i32
    %dma_wait3A_70 = tpu.memref_slice %arg3[%dma_wait3A_68, %dma_wait3A_69] : memref<8192x128xf32, #tpu.memory_space<hbm>> -> memref<8192x128xf32, #tpu.memory_space<hbm>>
    tpu.wait_indirect_dma semaphore(%arg7 : memref<!tpu.dma_semaphore, #tpu.memory_space<semaphore_mem>>) src(%dma_wait3A_70 : memref<8192x128xf32, #tpu.memory_space<hbm>>) dst(%dma_wait3A_64 : memref<128x128xf32, #tpu.memory_space<vmem>>)
    %dma_wait3A_71 = arith.constant 3 : i32
    %dma_wait3A_72 = arith.constant 384 : i32
    %dma_wait3A_73 = arith.constant 0 : i32
    %dma_wait3A_74 = tpu.memref_slice %arg6[%dma_wait3A_72, %dma_wait3A_73] : memref<512x128xf32, #tpu.memory_space<vmem>> -> memref<128x128xf32, #tpu.memory_space<vmem>>
    %dma_wait3A_75 = arith.constant 0 : i32
    %dma_wait3A_76 = tpu.memref_slice %arg5[%dma_wait3A_71, %dma_wait3A_75] : memref<16x128xi32, #tpu.memory_space<vmem>> -> memref<1x128xi32, #tpu.memory_space<vmem>>
    %dma_wait3A_77 = tpu.memref_squeeze %dma_wait3A_76 : memref<1x128xi32, #tpu.memory_space<vmem>> -> memref<128xi32, #tpu.memory_space<vmem>>
    %dma_wait3A_78 = arith.constant 0 : i32
    %dma_wait3A_79 = arith.constant 0 : i32
    %dma_wait3A_80 = tpu.memref_slice %arg3[%dma_wait3A_78, %dma_wait3A_79] : memref<8192x128xf32, #tpu.memory_space<hbm>> -> memref<8192x128xf32, #tpu.memory_space<hbm>>
    tpu.wait_indirect_dma semaphore(%arg7 : memref<!tpu.dma_semaphore, #tpu.memory_space<semaphore_mem>>) src(%dma_wait3A_80 : memref<8192x128xf32, #tpu.memory_space<hbm>>) dst(%dma_wait3A_74 : memref<128x128xf32, #tpu.memory_space<vmem>>)
    %add3A_81 = arith.constant 0 : i32
    %add3A_82 = arith.addi %mul3A_2, %add3A_81 : i32
    %mul3A_83 = arith.constant 128 : i32
    %mul3A_84 = arith.muli %add3A_82, %mul3A_83 : i32
    "tpu.region"() ({
      %run_scoped3A = tpu.sem_alloc : memref<!tpu.dma_semaphore, #tpu.memory_space<semaphore_mem>>
      %dma_start3A_337 = arith.constant 0 : i32
      %dma_start3A_338 = tpu.memref_slice %arg4[%mul3A_84, %dma_start3A_337] : memref<65536x128xf32, #tpu.memory_space<hbm>> -> memref<512x128xf32, #tpu.memory_space<hbm>>
      %dma_start3A_339 = arith.constant 0 : i32
      %dma_start3A_340 = tpu.memref_slice %arg4[%mul3A_84, %dma_start3A_339] : memref<65536x128xf32, #tpu.memory_space<hbm>> -> memref<512x128xf32, #tpu.memory_space<hbm>>
      tpu.enqueue_dma source(%arg6 : memref<512x128xf32, #tpu.memory_space<vmem>>) target(%dma_start3A_340 : memref<512x128xf32, #tpu.memory_space<hbm>>) target_semaphore(%run_scoped3A : memref<!tpu.dma_semaphore, #tpu.memory_space<semaphore_mem>>)
      %dma_wait3A_341 = arith.constant 0 : i32
      %dma_wait3A_342 = tpu.memref_slice %arg4[%mul3A_84, %dma_wait3A_341] : memref<65536x128xf32, #tpu.memory_space<hbm>> -> memref<512x128xf32, #tpu.memory_space<hbm>>
      %dma_wait3A_343 = arith.constant 0 : i32
      %dma_wait3A_344 = tpu.memref_slice %arg4[%mul3A_84, %dma_wait3A_343] : memref<65536x128xf32, #tpu.memory_space<hbm>> -> memref<512x128xf32, #tpu.memory_space<hbm>>
      tpu.wait_dma2 semaphore(%run_scoped3A : memref<!tpu.dma_semaphore, #tpu.memory_space<semaphore_mem>>) src(%arg6 : memref<512x128xf32, #tpu.memory_space<vmem>>) dst(%dma_wait3A_344 : memref<512x128xf32, #tpu.memory_space<hbm>>)
      tpu.yield
    }) : () -> ()
    %dma_start3A_85 = arith.constant 4 : i32
    %dma_start3A_86 = arith.constant 0 : i32
    %dma_start3A_87 = arith.constant 0 : i32
    %dma_start3A_88 = tpu.memref_slice %arg6[%dma_start3A_86, %dma_start3A_87] : memref<512x128xf32, #tpu.memory_space<vmem>> -> memref<128x128xf32, #tpu.memory_space<vmem>>
    %dma_start3A_89 = arith.constant 0 : i32
    %dma_start3A_90 = tpu.memref_slice %arg5[%dma_start3A_85, %dma_start3A_89] : memref<16x128xi32, #tpu.memory_space<vmem>> -> memref<1x128xi32, #tpu.memory_space<vmem>>
    %dma_start3A_91 = tpu.memref_squeeze %dma_start3A_90 : memref<1x128xi32, #tpu.memory_space<vmem>> -> memref<128xi32, #tpu.memory_space<vmem>>
    %dma_start3A_92 = arith.constant 0 : i32
    %dma_start3A_93 = arith.constant 0 : i32
    %dma_start3A_94 = tpu.memref_slice %arg3[%dma_start3A_92, %dma_start3A_93] : memref<8192x128xf32, #tpu.memory_space<hbm>> -> memref<8192x128xf32, #tpu.memory_space<hbm>>
    tpu.enqueue_indirect_dma source(%dma_start3A_94 : memref<8192x128xf32, #tpu.memory_space<hbm>>) target(%dma_start3A_88 : memref<128x128xf32, #tpu.memory_space<vmem>>) offsets(%dma_start3A_91 : memref<128xi32, #tpu.memory_space<vmem>>) semaphore(%arg7 : memref<!tpu.dma_semaphore, #tpu.memory_space<semaphore_mem>>)
    %dma_start3A_95 = arith.constant 5 : i32
    %dma_start3A_96 = arith.constant 128 : i32
    %dma_start3A_97 = arith.constant 0 : i32
    %dma_start3A_98 = tpu.memref_slice %arg6[%dma_start3A_96, %dma_start3A_97] : memref<512x128xf32, #tpu.memory_space<vmem>> -> memref<128x128xf32, #tpu.memory_space<vmem>>
    %dma_start3A_99 = arith.constant 0 : i32
    %dma_start3A_100 = tpu.memref_slice %arg5[%dma_start3A_95, %dma_start3A_99] : memref<16x128xi32, #tpu.memory_space<vmem>> -> memref<1x128xi32, #tpu.memory_space<vmem>>
    %dma_start3A_101 = tpu.memref_squeeze %dma_start3A_100 : memref<1x128xi32, #tpu.memory_space<vmem>> -> memref<128xi32, #tpu.memory_space<vmem>>
    %dma_start3A_102 = arith.constant 0 : i32
    %dma_start3A_103 = arith.constant 0 : i32
    %dma_start3A_104 = tpu.memref_slice %arg3[%dma_start3A_102, %dma_start3A_103] : memref<8192x128xf32, #tpu.memory_space<hbm>> -> memref<8192x128xf32, #tpu.memory_space<hbm>>
    tpu.enqueue_indirect_dma source(%dma_start3A_104 : memref<8192x128xf32, #tpu.memory_space<hbm>>) target(%dma_start3A_98 : memref<128x128xf32, #tpu.memory_space<vmem>>) offsets(%dma_start3A_101 : memref<128xi32, #tpu.memory_space<vmem>>) semaphore(%arg7 : memref<!tpu.dma_semaphore, #tpu.memory_space<semaphore_mem>>)
    %dma_start3A_105 = arith.constant 6 : i32
    %dma_start3A_106 = arith.constant 256 : i32
    %dma_start3A_107 = arith.constant 0 : i32
    %dma_start3A_108 = tpu.memref_slice %arg6[%dma_start3A_106, %dma_start3A_107] : memref<512x128xf32, #tpu.memory_space<vmem>> -> memref<128x128xf32, #tpu.memory_space<vmem>>
    %dma_start3A_109 = arith.constant 0 : i32
    %dma_start3A_110 = tpu.memref_slice %arg5[%dma_start3A_105, %dma_start3A_109] : memref<16x128xi32, #tpu.memory_space<vmem>> -> memref<1x128xi32, #tpu.memory_space<vmem>>
    %dma_start3A_111 = tpu.memref_squeeze %dma_start3A_110 : memref<1x128xi32, #tpu.memory_space<vmem>> -> memref<128xi32, #tpu.memory_space<vmem>>
    %dma_start3A_112 = arith.constant 0 : i32
    %dma_start3A_113 = arith.constant 0 : i32
    %dma_start3A_114 = tpu.memref_slice %arg3[%dma_start3A_112, %dma_start3A_113] : memref<8192x128xf32, #tpu.memory_space<hbm>> -> memref<8192x128xf32, #tpu.memory_space<hbm>>
    tpu.enqueue_indirect_dma source(%dma_start3A_114 : memref<8192x128xf32, #tpu.memory_space<hbm>>) target(%dma_start3A_108 : memref<128x128xf32, #tpu.memory_space<vmem>>) offsets(%dma_start3A_111 : memref<128xi32, #tpu.memory_space<vmem>>) semaphore(%arg7 : memref<!tpu.dma_semaphore, #tpu.memory_space<semaphore_mem>>)
    %dma_start3A_115 = arith.constant 7 : i32
    %dma_start3A_116 = arith.constant 384 : i32
    %dma_start3A_117 = arith.constant 0 : i32
    %dma_start3A_118 = tpu.memref_slice %arg6[%dma_start3A_116, %dma_start3A_117] : memref<512x128xf32, #tpu.memory_space<vmem>> -> memref<128x128xf32, #tpu.memory_space<vmem>>
    %dma_start3A_119 = arith.constant 0 : i32
    %dma_start3A_120 = tpu.memref_slice %arg5[%dma_start3A_115, %dma_start3A_119] : memref<16x128xi32, #tpu.memory_space<vmem>> -> memref<1x128xi32, #tpu.memory_space<vmem>>
    %dma_start3A_121 = tpu.memref_squeeze %dma_start3A_120 : memref<1x128xi32, #tpu.memory_space<vmem>> -> memref<128xi32, #tpu.memory_space<vmem>>
    %dma_start3A_122 = arith.constant 0 : i32
    %dma_start3A_123 = arith.constant 0 : i32
    %dma_start3A_124 = tpu.memref_slice %arg3[%dma_start3A_122, %dma_start3A_123] : memref<8192x128xf32, #tpu.memory_space<hbm>> -> memref<8192x128xf32, #tpu.memory_space<hbm>>
    tpu.enqueue_indirect_dma source(%dma_start3A_124 : memref<8192x128xf32, #tpu.memory_space<hbm>>) target(%dma_start3A_118 : memref<128x128xf32, #tpu.memory_space<vmem>>) offsets(%dma_start3A_121 : memref<128xi32, #tpu.memory_space<vmem>>) semaphore(%arg7 : memref<!tpu.dma_semaphore, #tpu.memory_space<semaphore_mem>>)
    %dma_wait3A_125 = arith.constant 4 : i32
    %dma_wait3A_126 = arith.constant 0 : i32
    %dma_wait3A_127 = arith.constant 0 : i32
    %dma_wait3A_128 = tpu.memref_slice %arg6[%dma_wait3A_126, %dma_wait3A_127] : memref<512x128xf32, #tpu.memory_space<vmem>> -> memref<128x128xf32, #tpu.memory_space<vmem>>
    %dma_wait3A_129 = arith.constant 0 : i32
    %dma_wait3A_130 = tpu.memref_slice %arg5[%dma_wait3A_125, %dma_wait3A_129] : memref<16x128xi32, #tpu.memory_space<vmem>> -> memref<1x128xi32, #tpu.memory_space<vmem>>
    %dma_wait3A_131 = tpu.memref_squeeze %dma_wait3A_130 : memref<1x128xi32, #tpu.memory_space<vmem>> -> memref<128xi32, #tpu.memory_space<vmem>>
    %dma_wait3A_132 = arith.constant 0 : i32
    %dma_wait3A_133 = arith.constant 0 : i32
    %dma_wait3A_134 = tpu.memref_slice %arg3[%dma_wait3A_132, %dma_wait3A_133] : memref<8192x128xf32, #tpu.memory_space<hbm>> -> memref<8192x128xf32, #tpu.memory_space<hbm>>
    tpu.wait_indirect_dma semaphore(%arg7 : memref<!tpu.dma_semaphore, #tpu.memory_space<semaphore_mem>>) src(%dma_wait3A_134 : memref<8192x128xf32, #tpu.memory_space<hbm>>) dst(%dma_wait3A_128 : memref<128x128xf32, #tpu.memory_space<vmem>>)
    %dma_wait3A_135 = arith.constant 5 : i32
    %dma_wait3A_136 = arith.constant 128 : i32
    %dma_wait3A_137 = arith.constant 0 : i32
    %dma_wait3A_138 = tpu.memref_slice %arg6[%dma_wait3A_136, %dma_wait3A_137] : memref<512x128xf32, #tpu.memory_space<vmem>> -> memref<128x128xf32, #tpu.memory_space<vmem>>
    %dma_wait3A_139 = arith.constant 0 : i32
    %dma_wait3A_140 = tpu.memref_slice %arg5[%dma_wait3A_135, %dma_wait3A_139] : memref<16x128xi32, #tpu.memory_space<vmem>> -> memref<1x128xi32, #tpu.memory_space<vmem>>
    %dma_wait3A_141 = tpu.memref_squeeze %dma_wait3A_140 : memref<1x128xi32, #tpu.memory_space<vmem>> -> memref<128xi32, #tpu.memory_space<vmem>>
    %dma_wait3A_142 = arith.constant 0 : i32
    %dma_wait3A_143 = arith.constant 0 : i32
    %dma_wait3A_144 = tpu.memref_slice %arg3[%dma_wait3A_142, %dma_wait3A_143] : memref<8192x128xf32, #tpu.memory_space<hbm>> -> memref<8192x128xf32, #tpu.memory_space<hbm>>
    tpu.wait_indirect_dma semaphore(%arg7 : memref<!tpu.dma_semaphore, #tpu.memory_space<semaphore_mem>>) src(%dma_wait3A_144 : memref<8192x128xf32, #tpu.memory_space<hbm>>) dst(%dma_wait3A_138 : memref<128x128xf32, #tpu.memory_space<vmem>>)
    %dma_wait3A_145 = arith.constant 6 : i32
    %dma_wait3A_146 = arith.constant 256 : i32
    %dma_wait3A_147 = arith.constant 0 : i32
    %dma_wait3A_148 = tpu.memref_slice %arg6[%dma_wait3A_146, %dma_wait3A_147] : memref<512x128xf32, #tpu.memory_space<vmem>> -> memref<128x128xf32, #tpu.memory_space<vmem>>
    %dma_wait3A_149 = arith.constant 0 : i32
    %dma_wait3A_150 = tpu.memref_slice %arg5[%dma_wait3A_145, %dma_wait3A_149] : memref<16x128xi32, #tpu.memory_space<vmem>> -> memref<1x128xi32, #tpu.memory_space<vmem>>
    %dma_wait3A_151 = tpu.memref_squeeze %dma_wait3A_150 : memref<1x128xi32, #tpu.memory_space<vmem>> -> memref<128xi32, #tpu.memory_space<vmem>>
    %dma_wait3A_152 = arith.constant 0 : i32
    %dma_wait3A_153 = arith.constant 0 : i32
    %dma_wait3A_154 = tpu.memref_slice %arg3[%dma_wait3A_152, %dma_wait3A_153] : memref<8192x128xf32, #tpu.memory_space<hbm>> -> memref<8192x128xf32, #tpu.memory_space<hbm>>
    tpu.wait_indirect_dma semaphore(%arg7 : memref<!tpu.dma_semaphore, #tpu.memory_space<semaphore_mem>>) src(%dma_wait3A_154 : memref<8192x128xf32, #tpu.memory_space<hbm>>) dst(%dma_wait3A_148 : memref<128x128xf32, #tpu.memory_space<vmem>>)
    %dma_wait3A_155 = arith.constant 7 : i32
    %dma_wait3A_156 = arith.constant 384 : i32
    %dma_wait3A_157 = arith.constant 0 : i32
    %dma_wait3A_158 = tpu.memref_slice %arg6[%dma_wait3A_156, %dma_wait3A_157] : memref<512x128xf32, #tpu.memory_space<vmem>> -> memref<128x128xf32, #tpu.memory_space<vmem>>
    %dma_wait3A_159 = arith.constant 0 : i32
    %dma_wait3A_160 = tpu.memref_slice %arg5[%dma_wait3A_155, %dma_wait3A_159] : memref<16x128xi32, #tpu.memory_space<vmem>> -> memref<1x128xi32, #tpu.memory_space<vmem>>
    %dma_wait3A_161 = tpu.memref_squeeze %dma_wait3A_160 : memref<1x128xi32, #tpu.memory_space<vmem>> -> memref<128xi32, #tpu.memory_space<vmem>>
    %dma_wait3A_162 = arith.constant 0 : i32
    %dma_wait3A_163 = arith.constant 0 : i32
    %dma_wait3A_164 = tpu.memref_slice %arg3[%dma_wait3A_162, %dma_wait3A_163] : memref<8192x128xf32, #tpu.memory_space<hbm>> -> memref<8192x128xf32, #tpu.memory_space<hbm>>
    tpu.wait_indirect_dma semaphore(%arg7 : memref<!tpu.dma_semaphore, #tpu.memory_space<semaphore_mem>>) src(%dma_wait3A_164 : memref<8192x128xf32, #tpu.memory_space<hbm>>) dst(%dma_wait3A_158 : memref<128x128xf32, #tpu.memory_space<vmem>>)
    %add3A_165 = arith.constant 4 : i32
    %add3A_166 = arith.addi %mul3A_2, %add3A_165 : i32
    %mul3A_167 = arith.constant 128 : i32
    %mul3A_168 = arith.muli %add3A_166, %mul3A_167 : i32
    "tpu.region"() ({
      %run_scoped3A = tpu.sem_alloc : memref<!tpu.dma_semaphore, #tpu.memory_space<semaphore_mem>>
      %dma_start3A_337 = arith.constant 0 : i32
      %dma_start3A_338 = tpu.memref_slice %arg4[%mul3A_168, %dma_start3A_337] : memref<65536x128xf32, #tpu.memory_space<hbm>> -> memref<512x128xf32, #tpu.memory_space<hbm>>
      %dma_start3A_339 = arith.constant 0 : i32
      %dma_start3A_340 = tpu.memref_slice %arg4[%mul3A_168, %dma_start3A_339] : memref<65536x128xf32, #tpu.memory_space<hbm>> -> memref<512x128xf32, #tpu.memory_space<hbm>>
      tpu.enqueue_dma source(%arg6 : memref<512x128xf32, #tpu.memory_space<vmem>>) target(%dma_start3A_340 : memref<512x128xf32, #tpu.memory_space<hbm>>) target_semaphore(%run_scoped3A : memref<!tpu.dma_semaphore, #tpu.memory_space<semaphore_mem>>)
      %dma_wait3A_341 = arith.constant 0 : i32
      %dma_wait3A_342 = tpu.memref_slice %arg4[%mul3A_168, %dma_wait3A_341] : memref<65536x128xf32, #tpu.memory_space<hbm>> -> memref<512x128xf32, #tpu.memory_space<hbm>>
      %dma_wait3A_343 = arith.constant 0 : i32
      %dma_wait3A_344 = tpu.memref_slice %arg4[%mul3A_168, %dma_wait3A_343] : memref<65536x128xf32, #tpu.memory_space<hbm>> -> memref<512x128xf32, #tpu.memory_space<hbm>>
      tpu.wait_dma2 semaphore(%run_scoped3A : memref<!tpu.dma_semaphore, #tpu.memory_space<semaphore_mem>>) src(%arg6 : memref<512x128xf32, #tpu.memory_space<vmem>>) dst(%dma_wait3A_344 : memref<512x128xf32, #tpu.memory_space<hbm>>)
      tpu.yield
    }) : () -> ()
    %dma_start3A_169 = arith.constant 8 : i32
    %dma_start3A_170 = arith.constant 0 : i32
    %dma_start3A_171 = arith.constant 0 : i32
    %dma_start3A_172 = tpu.memref_slice %arg6[%dma_start3A_170, %dma_start3A_171] : memref<512x128xf32, #tpu.memory_space<vmem>> -> memref<128x128xf32, #tpu.memory_space<vmem>>
    %dma_start3A_173 = arith.constant 0 : i32
    %dma_start3A_174 = tpu.memref_slice %arg5[%dma_start3A_169, %dma_start3A_173] : memref<16x128xi32, #tpu.memory_space<vmem>> -> memref<1x128xi32, #tpu.memory_space<vmem>>
    %dma_start3A_175 = tpu.memref_squeeze %dma_start3A_174 : memref<1x128xi32, #tpu.memory_space<vmem>> -> memref<128xi32, #tpu.memory_space<vmem>>
    %dma_start3A_176 = arith.constant 0 : i32
    %dma_start3A_177 = arith.constant 0 : i32
    %dma_start3A_178 = tpu.memref_slice %arg3[%dma_start3A_176, %dma_start3A_177] : memref<8192x128xf32, #tpu.memory_space<hbm>> -> memref<8192x128xf32, #tpu.memory_space<hbm>>
    tpu.enqueue_indirect_dma source(%dma_start3A_178 : memref<8192x128xf32, #tpu.memory_space<hbm>>) target(%dma_start3A_172 : memref<128x128xf32, #tpu.memory_space<vmem>>) offsets(%dma_start3A_175 : memref<128xi32, #tpu.memory_space<vmem>>) semaphore(%arg7 : memref<!tpu.dma_semaphore, #tpu.memory_space<semaphore_mem>>)
    %dma_start3A_179 = arith.constant 9 : i32
    %dma_start3A_180 = arith.constant 128 : i32
    %dma_start3A_181 = arith.constant 0 : i32
    %dma_start3A_182 = tpu.memref_slice %arg6[%dma_start3A_180, %dma_start3A_181] : memref<512x128xf32, #tpu.memory_space<vmem>> -> memref<128x128xf32, #tpu.memory_space<vmem>>
    %dma_start3A_183 = arith.constant 0 : i32
    %dma_start3A_184 = tpu.memref_slice %arg5[%dma_start3A_179, %dma_start3A_183] : memref<16x128xi32, #tpu.memory_space<vmem>> -> memref<1x128xi32, #tpu.memory_space<vmem>>
    %dma_start3A_185 = tpu.memref_squeeze %dma_start3A_184 : memref<1x128xi32, #tpu.memory_space<vmem>> -> memref<128xi32, #tpu.memory_space<vmem>>
    %dma_start3A_186 = arith.constant 0 : i32
    %dma_start3A_187 = arith.constant 0 : i32
    %dma_start3A_188 = tpu.memref_slice %arg3[%dma_start3A_186, %dma_start3A_187] : memref<8192x128xf32, #tpu.memory_space<hbm>> -> memref<8192x128xf32, #tpu.memory_space<hbm>>
    tpu.enqueue_indirect_dma source(%dma_start3A_188 : memref<8192x128xf32, #tpu.memory_space<hbm>>) target(%dma_start3A_182 : memref<128x128xf32, #tpu.memory_space<vmem>>) offsets(%dma_start3A_185 : memref<128xi32, #tpu.memory_space<vmem>>) semaphore(%arg7 : memref<!tpu.dma_semaphore, #tpu.memory_space<semaphore_mem>>)
    %dma_start3A_189 = arith.constant 10 : i32
    %dma_start3A_190 = arith.constant 256 : i32
    %dma_start3A_191 = arith.constant 0 : i32
    %dma_start3A_192 = tpu.memref_slice %arg6[%dma_start3A_190, %dma_start3A_191] : memref<512x128xf32, #tpu.memory_space<vmem>> -> memref<128x128xf32, #tpu.memory_space<vmem>>
    %dma_start3A_193 = arith.constant 0 : i32
    %dma_start3A_194 = tpu.memref_slice %arg5[%dma_start3A_189, %dma_start3A_193] : memref<16x128xi32, #tpu.memory_space<vmem>> -> memref<1x128xi32, #tpu.memory_space<vmem>>
    %dma_start3A_195 = tpu.memref_squeeze %dma_start3A_194 : memref<1x128xi32, #tpu.memory_space<vmem>> -> memref<128xi32, #tpu.memory_space<vmem>>
    %dma_start3A_196 = arith.constant 0 : i32
    %dma_start3A_197 = arith.constant 0 : i32
    %dma_start3A_198 = tpu.memref_slice %arg3[%dma_start3A_196, %dma_start3A_197] : memref<8192x128xf32, #tpu.memory_space<hbm>> -> memref<8192x128xf32, #tpu.memory_space<hbm>>
    tpu.enqueue_indirect_dma source(%dma_start3A_198 : memref<8192x128xf32, #tpu.memory_space<hbm>>) target(%dma_start3A_192 : memref<128x128xf32, #tpu.memory_space<vmem>>) offsets(%dma_start3A_195 : memref<128xi32, #tpu.memory_space<vmem>>) semaphore(%arg7 : memref<!tpu.dma_semaphore, #tpu.memory_space<semaphore_mem>>)
    %dma_start3A_199 = arith.constant 11 : i32
    %dma_start3A_200 = arith.constant 384 : i32
    %dma_start3A_201 = arith.constant 0 : i32
    %dma_start3A_202 = tpu.memref_slice %arg6[%dma_start3A_200, %dma_start3A_201] : memref<512x128xf32, #tpu.memory_space<vmem>> -> memref<128x128xf32, #tpu.memory_space<vmem>>
    %dma_start3A_203 = arith.constant 0 : i32
    %dma_start3A_204 = tpu.memref_slice %arg5[%dma_start3A_199, %dma_start3A_203] : memref<16x128xi32, #tpu.memory_space<vmem>> -> memref<1x128xi32, #tpu.memory_space<vmem>>
    %dma_start3A_205 = tpu.memref_squeeze %dma_start3A_204 : memref<1x128xi32, #tpu.memory_space<vmem>> -> memref<128xi32, #tpu.memory_space<vmem>>
    %dma_start3A_206 = arith.constant 0 : i32
    %dma_start3A_207 = arith.constant 0 : i32
    %dma_start3A_208 = tpu.memref_slice %arg3[%dma_start3A_206, %dma_start3A_207] : memref<8192x128xf32, #tpu.memory_space<hbm>> -> memref<8192x128xf32, #tpu.memory_space<hbm>>
    tpu.enqueue_indirect_dma source(%dma_start3A_208 : memref<8192x128xf32, #tpu.memory_space<hbm>>) target(%dma_start3A_202 : memref<128x128xf32, #tpu.memory_space<vmem>>) offsets(%dma_start3A_205 : memref<128xi32, #tpu.memory_space<vmem>>) semaphore(%arg7 : memref<!tpu.dma_semaphore, #tpu.memory_space<semaphore_mem>>)
    %dma_wait3A_209 = arith.constant 8 : i32
    %dma_wait3A_210 = arith.constant 0 : i32
    %dma_wait3A_211 = arith.constant 0 : i32
    %dma_wait3A_212 = tpu.memref_slice %arg6[%dma_wait3A_210, %dma_wait3A_211] : memref<512x128xf32, #tpu.memory_space<vmem>> -> memref<128x128xf32, #tpu.memory_space<vmem>>
    %dma_wait3A_213 = arith.constant 0 : i32
    %dma_wait3A_214 = tpu.memref_slice %arg5[%dma_wait3A_209, %dma_wait3A_213] : memref<16x128xi32, #tpu.memory_space<vmem>> -> memref<1x128xi32, #tpu.memory_space<vmem>>
    %dma_wait3A_215 = tpu.memref_squeeze %dma_wait3A_214 : memref<1x128xi32, #tpu.memory_space<vmem>> -> memref<128xi32, #tpu.memory_space<vmem>>
    %dma_wait3A_216 = arith.constant 0 : i32
    %dma_wait3A_217 = arith.constant 0 : i32
    %dma_wait3A_218 = tpu.memref_slice %arg3[%dma_wait3A_216, %dma_wait3A_217] : memref<8192x128xf32, #tpu.memory_space<hbm>> -> memref<8192x128xf32, #tpu.memory_space<hbm>>
    tpu.wait_indirect_dma semaphore(%arg7 : memref<!tpu.dma_semaphore, #tpu.memory_space<semaphore_mem>>) src(%dma_wait3A_218 : memref<8192x128xf32, #tpu.memory_space<hbm>>) dst(%dma_wait3A_212 : memref<128x128xf32, #tpu.memory_space<vmem>>)
    %dma_wait3A_219 = arith.constant 9 : i32
    %dma_wait3A_220 = arith.constant 128 : i32
    %dma_wait3A_221 = arith.constant 0 : i32
    %dma_wait3A_222 = tpu.memref_slice %arg6[%dma_wait3A_220, %dma_wait3A_221] : memref<512x128xf32, #tpu.memory_space<vmem>> -> memref<128x128xf32, #tpu.memory_space<vmem>>
    %dma_wait3A_223 = arith.constant 0 : i32
    %dma_wait3A_224 = tpu.memref_slice %arg5[%dma_wait3A_219, %dma_wait3A_223] : memref<16x128xi32, #tpu.memory_space<vmem>> -> memref<1x128xi32, #tpu.memory_space<vmem>>
    %dma_wait3A_225 = tpu.memref_squeeze %dma_wait3A_224 : memref<1x128xi32, #tpu.memory_space<vmem>> -> memref<128xi32, #tpu.memory_space<vmem>>
    %dma_wait3A_226 = arith.constant 0 : i32
    %dma_wait3A_227 = arith.constant 0 : i32
    %dma_wait3A_228 = tpu.memref_slice %arg3[%dma_wait3A_226, %dma_wait3A_227] : memref<8192x128xf32, #tpu.memory_space<hbm>> -> memref<8192x128xf32, #tpu.memory_space<hbm>>
    tpu.wait_indirect_dma semaphore(%arg7 : memref<!tpu.dma_semaphore, #tpu.memory_space<semaphore_mem>>) src(%dma_wait3A_228 : memref<8192x128xf32, #tpu.memory_space<hbm>>) dst(%dma_wait3A_222 : memref<128x128xf32, #tpu.memory_space<vmem>>)
    %dma_wait3A_229 = arith.constant 10 : i32
    %dma_wait3A_230 = arith.constant 256 : i32
    %dma_wait3A_231 = arith.constant 0 : i32
    %dma_wait3A_232 = tpu.memref_slice %arg6[%dma_wait3A_230, %dma_wait3A_231] : memref<512x128xf32, #tpu.memory_space<vmem>> -> memref<128x128xf32, #tpu.memory_space<vmem>>
    %dma_wait3A_233 = arith.constant 0 : i32
    %dma_wait3A_234 = tpu.memref_slice %arg5[%dma_wait3A_229, %dma_wait3A_233] : memref<16x128xi32, #tpu.memory_space<vmem>> -> memref<1x128xi32, #tpu.memory_space<vmem>>
    %dma_wait3A_235 = tpu.memref_squeeze %dma_wait3A_234 : memref<1x128xi32, #tpu.memory_space<vmem>> -> memref<128xi32, #tpu.memory_space<vmem>>
    %dma_wait3A_236 = arith.constant 0 : i32
    %dma_wait3A_237 = arith.constant 0 : i32
    %dma_wait3A_238 = tpu.memref_slice %arg3[%dma_wait3A_236, %dma_wait3A_237] : memref<8192x128xf32, #tpu.memory_space<hbm>> -> memref<8192x128xf32, #tpu.memory_space<hbm>>
    tpu.wait_indirect_dma semaphore(%arg7 : memref<!tpu.dma_semaphore, #tpu.memory_space<semaphore_mem>>) src(%dma_wait3A_238 : memref<8192x128xf32, #tpu.memory_space<hbm>>) dst(%dma_wait3A_232 : memref<128x128xf32, #tpu.memory_space<vmem>>)
    %dma_wait3A_239 = arith.constant 11 : i32
    %dma_wait3A_240 = arith.constant 384 : i32
    %dma_wait3A_241 = arith.constant 0 : i32
    %dma_wait3A_242 = tpu.memref_slice %arg6[%dma_wait3A_240, %dma_wait3A_241] : memref<512x128xf32, #tpu.memory_space<vmem>> -> memref<128x128xf32, #tpu.memory_space<vmem>>
    %dma_wait3A_243 = arith.constant 0 : i32
    %dma_wait3A_244 = tpu.memref_slice %arg5[%dma_wait3A_239, %dma_wait3A_243] : memref<16x128xi32, #tpu.memory_space<vmem>> -> memref<1x128xi32, #tpu.memory_space<vmem>>
    %dma_wait3A_245 = tpu.memref_squeeze %dma_wait3A_244 : memref<1x128xi32, #tpu.memory_space<vmem>> -> memref<128xi32, #tpu.memory_space<vmem>>
    %dma_wait3A_246 = arith.constant 0 : i32
    %dma_wait3A_247 = arith.constant 0 : i32
    %dma_wait3A_248 = tpu.memref_slice %arg3[%dma_wait3A_246, %dma_wait3A_247] : memref<8192x128xf32, #tpu.memory_space<hbm>> -> memref<8192x128xf32, #tpu.memory_space<hbm>>
    tpu.wait_indirect_dma semaphore(%arg7 : memref<!tpu.dma_semaphore, #tpu.memory_space<semaphore_mem>>) src(%dma_wait3A_248 : memref<8192x128xf32, #tpu.memory_space<hbm>>) dst(%dma_wait3A_242 : memref<128x128xf32, #tpu.memory_space<vmem>>)
    %add3A_249 = arith.constant 8 : i32
    %add3A_250 = arith.addi %mul3A_2, %add3A_249 : i32
    %mul3A_251 = arith.constant 128 : i32
    %mul3A_252 = arith.muli %add3A_250, %mul3A_251 : i32
    "tpu.region"() ({
      %run_scoped3A = tpu.sem_alloc : memref<!tpu.dma_semaphore, #tpu.memory_space<semaphore_mem>>
      %dma_start3A_337 = arith.constant 0 : i32
      %dma_start3A_338 = tpu.memref_slice %arg4[%mul3A_252, %dma_start3A_337] : memref<65536x128xf32, #tpu.memory_space<hbm>> -> memref<512x128xf32, #tpu.memory_space<hbm>>
      %dma_start3A_339 = arith.constant 0 : i32
      %dma_start3A_340 = tpu.memref_slice %arg4[%mul3A_252, %dma_start3A_339] : memref<65536x128xf32, #tpu.memory_space<hbm>> -> memref<512x128xf32, #tpu.memory_space<hbm>>
      tpu.enqueue_dma source(%arg6 : memref<512x128xf32, #tpu.memory_space<vmem>>) target(%dma_start3A_340 : memref<512x128xf32, #tpu.memory_space<hbm>>) target_semaphore(%run_scoped3A : memref<!tpu.dma_semaphore, #tpu.memory_space<semaphore_mem>>)
      %dma_wait3A_341 = arith.constant 0 : i32
      %dma_wait3A_342 = tpu.memref_slice %arg4[%mul3A_252, %dma_wait3A_341] : memref<65536x128xf32, #tpu.memory_space<hbm>> -> memref<512x128xf32, #tpu.memory_space<hbm>>
      %dma_wait3A_343 = arith.constant 0 : i32
      %dma_wait3A_344 = tpu.memref_slice %arg4[%mul3A_252, %dma_wait3A_343] : memref<65536x128xf32, #tpu.memory_space<hbm>> -> memref<512x128xf32, #tpu.memory_space<hbm>>
      tpu.wait_dma2 semaphore(%run_scoped3A : memref<!tpu.dma_semaphore, #tpu.memory_space<semaphore_mem>>) src(%arg6 : memref<512x128xf32, #tpu.memory_space<vmem>>) dst(%dma_wait3A_344 : memref<512x128xf32, #tpu.memory_space<hbm>>)
      tpu.yield
    }) : () -> ()
    %dma_start3A_253 = arith.constant 12 : i32
    %dma_start3A_254 = arith.constant 0 : i32
    %dma_start3A_255 = arith.constant 0 : i32
    %dma_start3A_256 = tpu.memref_slice %arg6[%dma_start3A_254, %dma_start3A_255] : memref<512x128xf32, #tpu.memory_space<vmem>> -> memref<128x128xf32, #tpu.memory_space<vmem>>
    %dma_start3A_257 = arith.constant 0 : i32
    %dma_start3A_258 = tpu.memref_slice %arg5[%dma_start3A_253, %dma_start3A_257] : memref<16x128xi32, #tpu.memory_space<vmem>> -> memref<1x128xi32, #tpu.memory_space<vmem>>
    %dma_start3A_259 = tpu.memref_squeeze %dma_start3A_258 : memref<1x128xi32, #tpu.memory_space<vmem>> -> memref<128xi32, #tpu.memory_space<vmem>>
    %dma_start3A_260 = arith.constant 0 : i32
    %dma_start3A_261 = arith.constant 0 : i32
    %dma_start3A_262 = tpu.memref_slice %arg3[%dma_start3A_260, %dma_start3A_261] : memref<8192x128xf32, #tpu.memory_space<hbm>> -> memref<8192x128xf32, #tpu.memory_space<hbm>>
    tpu.enqueue_indirect_dma source(%dma_start3A_262 : memref<8192x128xf32, #tpu.memory_space<hbm>>) target(%dma_start3A_256 : memref<128x128xf32, #tpu.memory_space<vmem>>) offsets(%dma_start3A_259 : memref<128xi32, #tpu.memory_space<vmem>>) semaphore(%arg7 : memref<!tpu.dma_semaphore, #tpu.memory_space<semaphore_mem>>)
    %dma_start3A_263 = arith.constant 13 : i32
    %dma_start3A_264 = arith.constant 128 : i32
    %dma_start3A_265 = arith.constant 0 : i32
    %dma_start3A_266 = tpu.memref_slice %arg6[%dma_start3A_264, %dma_start3A_265] : memref<512x128xf32, #tpu.memory_space<vmem>> -> memref<128x128xf32, #tpu.memory_space<vmem>>
    %dma_start3A_267 = arith.constant 0 : i32
    %dma_start3A_268 = tpu.memref_slice %arg5[%dma_start3A_263, %dma_start3A_267] : memref<16x128xi32, #tpu.memory_space<vmem>> -> memref<1x128xi32, #tpu.memory_space<vmem>>
    %dma_start3A_269 = tpu.memref_squeeze %dma_start3A_268 : memref<1x128xi32, #tpu.memory_space<vmem>> -> memref<128xi32, #tpu.memory_space<vmem>>
    %dma_start3A_270 = arith.constant 0 : i32
    %dma_start3A_271 = arith.constant 0 : i32
    %dma_start3A_272 = tpu.memref_slice %arg3[%dma_start3A_270, %dma_start3A_271] : memref<8192x128xf32, #tpu.memory_space<hbm>> -> memref<8192x128xf32, #tpu.memory_space<hbm>>
    tpu.enqueue_indirect_dma source(%dma_start3A_272 : memref<8192x128xf32, #tpu.memory_space<hbm>>) target(%dma_start3A_266 : memref<128x128xf32, #tpu.memory_space<vmem>>) offsets(%dma_start3A_269 : memref<128xi32, #tpu.memory_space<vmem>>) semaphore(%arg7 : memref<!tpu.dma_semaphore, #tpu.memory_space<semaphore_mem>>)
    %dma_start3A_273 = arith.constant 14 : i32
    %dma_start3A_274 = arith.constant 256 : i32
    %dma_start3A_275 = arith.constant 0 : i32
    %dma_start3A_276 = tpu.memref_slice %arg6[%dma_start3A_274, %dma_start3A_275] : memref<512x128xf32, #tpu.memory_space<vmem>> -> memref<128x128xf32, #tpu.memory_space<vmem>>
    %dma_start3A_277 = arith.constant 0 : i32
    %dma_start3A_278 = tpu.memref_slice %arg5[%dma_start3A_273, %dma_start3A_277] : memref<16x128xi32, #tpu.memory_space<vmem>> -> memref<1x128xi32, #tpu.memory_space<vmem>>
    %dma_start3A_279 = tpu.memref_squeeze %dma_start3A_278 : memref<1x128xi32, #tpu.memory_space<vmem>> -> memref<128xi32, #tpu.memory_space<vmem>>
    %dma_start3A_280 = arith.constant 0 : i32
    %dma_start3A_281 = arith.constant 0 : i32
    %dma_start3A_282 = tpu.memref_slice %arg3[%dma_start3A_280, %dma_start3A_281] : memref<8192x128xf32, #tpu.memory_space<hbm>> -> memref<8192x128xf32, #tpu.memory_space<hbm>>
    tpu.enqueue_indirect_dma source(%dma_start3A_282 : memref<8192x128xf32, #tpu.memory_space<hbm>>) target(%dma_start3A_276 : memref<128x128xf32, #tpu.memory_space<vmem>>) offsets(%dma_start3A_279 : memref<128xi32, #tpu.memory_space<vmem>>) semaphore(%arg7 : memref<!tpu.dma_semaphore, #tpu.memory_space<semaphore_mem>>)
    %dma_start3A_283 = arith.constant 15 : i32
    %dma_start3A_284 = arith.constant 384 : i32
    %dma_start3A_285 = arith.constant 0 : i32
    %dma_start3A_286 = tpu.memref_slice %arg6[%dma_start3A_284, %dma_start3A_285] : memref<512x128xf32, #tpu.memory_space<vmem>> -> memref<128x128xf32, #tpu.memory_space<vmem>>
    %dma_start3A_287 = arith.constant 0 : i32
    %dma_start3A_288 = tpu.memref_slice %arg5[%dma_start3A_283, %dma_start3A_287] : memref<16x128xi32, #tpu.memory_space<vmem>> -> memref<1x128xi32, #tpu.memory_space<vmem>>
    %dma_start3A_289 = tpu.memref_squeeze %dma_start3A_288 : memref<1x128xi32, #tpu.memory_space<vmem>> -> memref<128xi32, #tpu.memory_space<vmem>>
    %dma_start3A_290 = arith.constant 0 : i32
    %dma_start3A_291 = arith.constant 0 : i32
    %dma_start3A_292 = tpu.memref_slice %arg3[%dma_start3A_290, %dma_start3A_291] : memref<8192x128xf32, #tpu.memory_space<hbm>> -> memref<8192x128xf32, #tpu.memory_space<hbm>>
    tpu.enqueue_indirect_dma source(%dma_start3A_292 : memref<8192x128xf32, #tpu.memory_space<hbm>>) target(%dma_start3A_286 : memref<128x128xf32, #tpu.memory_space<vmem>>) offsets(%dma_start3A_289 : memref<128xi32, #tpu.memory_space<vmem>>) semaphore(%arg7 : memref<!tpu.dma_semaphore, #tpu.memory_space<semaphore_mem>>)
    %dma_wait3A_293 = arith.constant 12 : i32
    %dma_wait3A_294 = arith.constant 0 : i32
    %dma_wait3A_295 = arith.constant 0 : i32
    %dma_wait3A_296 = tpu.memref_slice %arg6[%dma_wait3A_294, %dma_wait3A_295] : memref<512x128xf32, #tpu.memory_space<vmem>> -> memref<128x128xf32, #tpu.memory_space<vmem>>
    %dma_wait3A_297 = arith.constant 0 : i32
    %dma_wait3A_298 = tpu.memref_slice %arg5[%dma_wait3A_293, %dma_wait3A_297] : memref<16x128xi32, #tpu.memory_space<vmem>> -> memref<1x128xi32, #tpu.memory_space<vmem>>
    %dma_wait3A_299 = tpu.memref_squeeze %dma_wait3A_298 : memref<1x128xi32, #tpu.memory_space<vmem>> -> memref<128xi32, #tpu.memory_space<vmem>>
    %dma_wait3A_300 = arith.constant 0 : i32
    %dma_wait3A_301 = arith.constant 0 : i32
    %dma_wait3A_302 = tpu.memref_slice %arg3[%dma_wait3A_300, %dma_wait3A_301] : memref<8192x128xf32, #tpu.memory_space<hbm>> -> memref<8192x128xf32, #tpu.memory_space<hbm>>
    tpu.wait_indirect_dma semaphore(%arg7 : memref<!tpu.dma_semaphore, #tpu.memory_space<semaphore_mem>>) src(%dma_wait3A_302 : memref<8192x128xf32, #tpu.memory_space<hbm>>) dst(%dma_wait3A_296 : memref<128x128xf32, #tpu.memory_space<vmem>>)
    %dma_wait3A_303 = arith.constant 13 : i32
    %dma_wait3A_304 = arith.constant 128 : i32
    %dma_wait3A_305 = arith.constant 0 : i32
    %dma_wait3A_306 = tpu.memref_slice %arg6[%dma_wait3A_304, %dma_wait3A_305] : memref<512x128xf32, #tpu.memory_space<vmem>> -> memref<128x128xf32, #tpu.memory_space<vmem>>
    %dma_wait3A_307 = arith.constant 0 : i32
    %dma_wait3A_308 = tpu.memref_slice %arg5[%dma_wait3A_303, %dma_wait3A_307] : memref<16x128xi32, #tpu.memory_space<vmem>> -> memref<1x128xi32, #tpu.memory_space<vmem>>
    %dma_wait3A_309 = tpu.memref_squeeze %dma_wait3A_308 : memref<1x128xi32, #tpu.memory_space<vmem>> -> memref<128xi32, #tpu.memory_space<vmem>>
    %dma_wait3A_310 = arith.constant 0 : i32
    %dma_wait3A_311 = arith.constant 0 : i32
    %dma_wait3A_312 = tpu.memref_slice %arg3[%dma_wait3A_310, %dma_wait3A_311] : memref<8192x128xf32, #tpu.memory_space<hbm>> -> memref<8192x128xf32, #tpu.memory_space<hbm>>
    tpu.wait_indirect_dma semaphore(%arg7 : memref<!tpu.dma_semaphore, #tpu.memory_space<semaphore_mem>>) src(%dma_wait3A_312 : memref<8192x128xf32, #tpu.memory_space<hbm>>) dst(%dma_wait3A_306 : memref<128x128xf32, #tpu.memory_space<vmem>>)
    %dma_wait3A_313 = arith.constant 14 : i32
    %dma_wait3A_314 = arith.constant 256 : i32
    %dma_wait3A_315 = arith.constant 0 : i32
    %dma_wait3A_316 = tpu.memref_slice %arg6[%dma_wait3A_314, %dma_wait3A_315] : memref<512x128xf32, #tpu.memory_space<vmem>> -> memref<128x128xf32, #tpu.memory_space<vmem>>
    %dma_wait3A_317 = arith.constant 0 : i32
    %dma_wait3A_318 = tpu.memref_slice %arg5[%dma_wait3A_313, %dma_wait3A_317] : memref<16x128xi32, #tpu.memory_space<vmem>> -> memref<1x128xi32, #tpu.memory_space<vmem>>
    %dma_wait3A_319 = tpu.memref_squeeze %dma_wait3A_318 : memref<1x128xi32, #tpu.memory_space<vmem>> -> memref<128xi32, #tpu.memory_space<vmem>>
    %dma_wait3A_320 = arith.constant 0 : i32
    %dma_wait3A_321 = arith.constant 0 : i32
    %dma_wait3A_322 = tpu.memref_slice %arg3[%dma_wait3A_320, %dma_wait3A_321] : memref<8192x128xf32, #tpu.memory_space<hbm>> -> memref<8192x128xf32, #tpu.memory_space<hbm>>
    tpu.wait_indirect_dma semaphore(%arg7 : memref<!tpu.dma_semaphore, #tpu.memory_space<semaphore_mem>>) src(%dma_wait3A_322 : memref<8192x128xf32, #tpu.memory_space<hbm>>) dst(%dma_wait3A_316 : memref<128x128xf32, #tpu.memory_space<vmem>>)
    %dma_wait3A_323 = arith.constant 15 : i32
    %dma_wait3A_324 = arith.constant 384 : i32
    %dma_wait3A_325 = arith.constant 0 : i32
    %dma_wait3A_326 = tpu.memref_slice %arg6[%dma_wait3A_324, %dma_wait3A_325] : memref<512x128xf32, #tpu.memory_space<vmem>> -> memref<128x128xf32, #tpu.memory_space<vmem>>
    %dma_wait3A_327 = arith.constant 0 : i32
    %dma_wait3A_328 = tpu.memref_slice %arg5[%dma_wait3A_323, %dma_wait3A_327] : memref<16x128xi32, #tpu.memory_space<vmem>> -> memref<1x128xi32, #tpu.memory_space<vmem>>
    %dma_wait3A_329 = tpu.memref_squeeze %dma_wait3A_328 : memref<1x128xi32, #tpu.memory_space<vmem>> -> memref<128xi32, #tpu.memory_space<vmem>>
    %dma_wait3A_330 = arith.constant 0 : i32
    %dma_wait3A_331 = arith.constant 0 : i32
    %dma_wait3A_332 = tpu.memref_slice %arg3[%dma_wait3A_330, %dma_wait3A_331] : memref<8192x128xf32, #tpu.memory_space<hbm>> -> memref<8192x128xf32, #tpu.memory_space<hbm>>
    tpu.wait_indirect_dma semaphore(%arg7 : memref<!tpu.dma_semaphore, #tpu.memory_space<semaphore_mem>>) src(%dma_wait3A_332 : memref<8192x128xf32, #tpu.memory_space<hbm>>) dst(%dma_wait3A_326 : memref<128x128xf32, #tpu.memory_space<vmem>>)
    %add3A_333 = arith.constant 12 : i32
    %add3A_334 = arith.addi %mul3A_2, %add3A_333 : i32
    %mul3A_335 = arith.constant 128 : i32
    %mul3A_336 = arith.muli %add3A_334, %mul3A_335 : i32
    "tpu.region"() ({
      %run_scoped3A = tpu.sem_alloc : memref<!tpu.dma_semaphore, #tpu.memory_space<semaphore_mem>>
      %dma_start3A_337 = arith.constant 0 : i32
      %dma_start3A_338 = tpu.memref_slice %arg4[%mul3A_336, %dma_start3A_337] : memref<65536x128xf32, #tpu.memory_space<hbm>> -> memref<512x128xf32, #tpu.memory_space<hbm>>
      %dma_start3A_339 = arith.constant 0 : i32
      %dma_start3A_340 = tpu.memref_slice %arg4[%mul3A_336, %dma_start3A_339] : memref<65536x128xf32, #tpu.memory_space<hbm>> -> memref<512x128xf32, #tpu.memory_space<hbm>>
      tpu.enqueue_dma source(%arg6 : memref<512x128xf32, #tpu.memory_space<vmem>>) target(%dma_start3A_340 : memref<512x128xf32, #tpu.memory_space<hbm>>) target_semaphore(%run_scoped3A : memref<!tpu.dma_semaphore, #tpu.memory_space<semaphore_mem>>)
      %dma_wait3A_341 = arith.constant 0 : i32
      %dma_wait3A_342 = tpu.memref_slice %arg4[%mul3A_336, %dma_wait3A_341] : memref<65536x128xf32, #tpu.memory_space<hbm>> -> memref<512x128xf32, #tpu.memory_space<hbm>>
      %dma_wait3A_343 = arith.constant 0 : i32
      %dma_wait3A_344 = tpu.memref_slice %arg4[%mul3A_336, %dma_wait3A_343] : memref<65536x128xf32, #tpu.memory_space<hbm>> -> memref<512x128xf32, #tpu.memory_space<hbm>>
      tpu.wait_dma2 semaphore(%run_scoped3A : memref<!tpu.dma_semaphore, #tpu.memory_space<semaphore_mem>>) src(%arg6 : memref<512x128xf32, #tpu.memory_space<vmem>>) dst(%dma_wait3A_344 : memref<512x128xf32, #tpu.memory_space<hbm>>)
      tpu.yield
    }) : () -> ()
    return
  }
}

module attributes {stable_mosaic.version = 14 : i64} {
  func.func @_ballq_body(%arg0: i32, %arg1: i32, %arg2: memref<1x1024x3xf32, #tpu.memory_space<vmem>>, %arg3: memref<1x3x4096xf32, #tpu.memory_space<vmem>>, %arg4: memref<4096x128xbf16, #tpu.memory_space<vmem>>, %arg5: memref<4096x128xbf16, #tpu.memory_space<vmem>>, %arg6: memref<1x1024x16xi32, #tpu.memory_space<vmem>>) attributes {dimension_semantics = [#tpu.dimension_semantics<arbitrary>, #tpu.dimension_semantics<arbitrary>], iteration_bounds = array<i64: 1, 4>, scalar_prefetch = 0 : i64, scratch_operands = 0 : i64, tpu.core_type = #tpu.core_type<tc>, window_params = [{transform_indices = @transform_0, window_bounds = array<i64: 1, 1024, 3>}, {transform_indices = @transform_1, window_bounds = array<i64: 1, 3, 4096>}, {pipeline_mode = #tpu.pipeline_mode<synchronous>, transform_indices = @transform_2, window_bounds = array<i64: 4096, 128>}, {pipeline_mode = #tpu.pipeline_mode<synchronous>, transform_indices = @transform_3, window_bounds = array<i64: 4096, 128>}, {transform_indices = @transform_4, window_bounds = array<i64: 1, 1024, 16>}]} {
    %get3A = arith.constant 0 : index
    %get3A_0 = arith.constant 0 : index
    %get3A_1 = arith.constant 0 : index
    %get3A_2 = vector.load %arg2[%get3A, %get3A_0, %get3A_1] : memref<1x1024x3xf32, #tpu.memory_space<vmem>>, vector<1x1024x3xf32>
    %get3A_3 = vector.shape_cast %get3A_2 : vector<1x1024x3xf32> to vector<1024x3xf32>
    %slice3A = vector.extract_strided_slice %get3A_3 {offsets = [0, 0], sizes = [1024, 1], strides = [1, 1]} : vector<1024x3xf32> to vector<1024x1xf32>
    %get3A_4 = arith.constant 0 : index
    %get3A_5 = arith.constant 0 : index
    %get3A_6 = arith.constant 0 : index
    %get3A_7 = vector.load %arg3[%get3A_4, %get3A_5, %get3A_6] : memref<1x3x4096xf32, #tpu.memory_space<vmem>>, vector<1x1x4096xf32>
    %get3A_8 = vector.shape_cast %get3A_7 : vector<1x1x4096xf32> to vector<1x4096xf32>
    %sub3A = vector.broadcast %slice3A : vector<1024x1xf32> to vector<1024x4096xf32>
    %sub3A_9 = vector.broadcast %get3A_8 : vector<1x4096xf32> to vector<1024x4096xf32>
    %sub3A_10 = arith.subf %sub3A, %sub3A_9 : vector<1024x4096xf32>
    %mul3A = arith.mulf %sub3A_10, %sub3A_10 : vector<1024x4096xf32>
    %slice3A_11 = vector.extract_strided_slice %get3A_3 {offsets = [0, 1], sizes = [1024, 1], strides = [1, 1]} : vector<1024x3xf32> to vector<1024x1xf32>
    %get3A_12 = arith.constant 0 : index
    %get3A_13 = arith.constant 1 : index
    %get3A_14 = arith.constant 0 : index
    %get3A_15 = vector.load %arg3[%get3A_12, %get3A_13, %get3A_14] : memref<1x3x4096xf32, #tpu.memory_space<vmem>>, vector<1x1x4096xf32>
    %get3A_16 = vector.shape_cast %get3A_15 : vector<1x1x4096xf32> to vector<1x4096xf32>
    %sub3A_17 = vector.broadcast %slice3A_11 : vector<1024x1xf32> to vector<1024x4096xf32>
    %sub3A_18 = vector.broadcast %get3A_16 : vector<1x4096xf32> to vector<1024x4096xf32>
    %sub3A_19 = arith.subf %sub3A_17, %sub3A_18 : vector<1024x4096xf32>
    %mul3A_20 = arith.mulf %sub3A_19, %sub3A_19 : vector<1024x4096xf32>
    %add3A = arith.addf %mul3A, %mul3A_20 : vector<1024x4096xf32>
    %slice3A_21 = vector.extract_strided_slice %get3A_3 {offsets = [0, 2], sizes = [1024, 1], strides = [1, 1]} : vector<1024x3xf32> to vector<1024x1xf32>
    %get3A_22 = arith.constant 0 : index
    %get3A_23 = arith.constant 2 : index
    %get3A_24 = arith.constant 0 : index
    %get3A_25 = vector.load %arg3[%get3A_22, %get3A_23, %get3A_24] : memref<1x3x4096xf32, #tpu.memory_space<vmem>>, vector<1x1x4096xf32>
    %get3A_26 = vector.shape_cast %get3A_25 : vector<1x1x4096xf32> to vector<1x4096xf32>
    %sub3A_27 = vector.broadcast %slice3A_21 : vector<1024x1xf32> to vector<1024x4096xf32>
    %sub3A_28 = vector.broadcast %get3A_26 : vector<1x4096xf32> to vector<1024x4096xf32>
    %sub3A_29 = arith.subf %sub3A_27, %sub3A_28 : vector<1024x4096xf32>
    %mul3A_30 = arith.mulf %sub3A_29, %sub3A_29 : vector<1024x4096xf32>
    %add3A_31 = arith.addf %add3A, %mul3A_30 : vector<1024x4096xf32>
    %lt3A = arith.constant 0.00999999977 : f32
    %lt3A_32 = vector.broadcast %lt3A : f32 to vector<1024x4096xf32>
    %lt3A_33 = arith.cmpf olt, %add3A_31, %lt3A_32 : vector<1024x4096xf32>
    %jit3A = arith.constant 1.000000e+00 : f32
    %jit3A_34 = arith.constant 0.000000e+00 : f32
    %broadcast_in_dim3A = vector.broadcast %jit3A : f32 to vector<1024x4096xf32>
    %broadcast_in_dim3A_35 = vector.broadcast %jit3A_34 : f32 to vector<1024x4096xf32>
    %select_n3A = arith.select %lt3A_33, %broadcast_in_dim3A, %broadcast_in_dim3A_35 : vector<1024x4096xi1>, vector<1024x4096xf32>
    %convert_element_type3A = arith.truncf %select_n3A : vector<1024x4096xf32> to vector<1024x4096xbf16>
    %get3A_36 = arith.constant 0 : index
    %get3A_37 = arith.constant 0 : index
    %get3A_38 = vector.load %arg4[%get3A_36, %get3A_37] : memref<4096x128xbf16, #tpu.memory_space<vmem>>, vector<4096x128xbf16>
    %dot_general3A = arith.constant dense<0.000000e+00> : vector<1024x128xf32>
    %dot_general3A_39 = tpu.matmul %convert_element_type3A, %get3A_38, %dot_general3A {dimension_numbers = #tpu.dot_dimension_numbers<[1], [0], [0], [1], [0, 0, 1, 1], [], []>, transpose_lhs_hint = false} : vector<1024x4096xbf16>, vector<4096x128xbf16>, vector<1024x128xf32> -> vector<1024x128xf32>
    %get3A_40 = arith.constant 0 : index
    %get3A_41 = arith.constant 0 : index
    %get3A_42 = vector.load %arg5[%get3A_40, %get3A_41] : memref<4096x128xbf16, #tpu.memory_space<vmem>>, vector<4096x128xbf16>
    %dot_general3A_43 = arith.constant dense<0.000000e+00> : vector<1024x128xf32>
    %dot_general3A_44 = tpu.matmul %convert_element_type3A, %get3A_42, %dot_general3A_43 {dimension_numbers = #tpu.dot_dimension_numbers<[1], [0], [0], [1], [0, 0, 1, 1], [], []>, transpose_lhs_hint = false} : vector<1024x4096xbf16>, vector<4096x128xbf16>, vector<1024x128xf32> -> vector<1024x128xf32>
    %convert_element_type3A_45 = arith.fptosi %dot_general3A_39 : vector<1024x128xf32> to vector<1024x128xi32>
    %convert_element_type3A_46 = arith.fptosi %dot_general3A_44 : vector<1024x128xf32> to vector<1024x128xi32>
    %shift_left3A = arith.constant 16 : i32
    %shift_left3A_47 = vector.broadcast %shift_left3A : i32 to vector<1024x128xi32>
    %shift_left3A_48 = arith.shli %convert_element_type3A_46, %shift_left3A_47 : vector<1024x128xi32>
    %or3A = arith.ori %convert_element_type3A_45, %shift_left3A_48 : vector<1024x128xi32>
    %iota3A = tpu.iota {dimensions = array<i32: 1>} : vector<1024x128xi32>
    %ne3A = arith.constant 0 : i32
    %ne3A_49 = vector.broadcast %ne3A : i32 to vector<1024x128xi32>
    %ne3A_50 = arith.cmpi ne, %or3A, %ne3A_49 : vector<1024x128xi32>
    %jit3A_51 = arith.constant 128 : i32
    %broadcast_in_dim3A_52 = vector.broadcast %jit3A_51 : i32 to vector<1024x128xi32>
    %select_n3A_53 = arith.select %ne3A_50, %iota3A, %broadcast_in_dim3A_52 : vector<1024x128xi1>, vector<1024x128xi32>
    %reduce_min3A = arith.constant dense<2147483647> : vector<1024xi32>
    %reduce_min3A_54 = vector.multi_reduction <minsi>, %select_n3A_53, %reduce_min3A [1] : vector<1024x128xi32> to vector<1024xi32>
    %broadcast_in_dim3A_55 = vector.shape_cast %reduce_min3A_54 : vector<1024xi32> to vector<1024x1xi32>
    %eq3A = vector.broadcast %broadcast_in_dim3A_55 : vector<1024x1xi32> to vector<1024x128xi32>
    %eq3A_56 = arith.cmpi eq, %iota3A, %eq3A : vector<1024x128xi32>
    %jit3A_57 = arith.constant 0 : i32
    %broadcast_in_dim3A_58 = vector.broadcast %jit3A_57 : i32 to vector<1024x128xi32>
    %select_n3A_59 = arith.select %eq3A_56, %or3A, %broadcast_in_dim3A_58 : vector<1024x128xi1>, vector<1024x128xi32>
    %reduce_sum3A = arith.constant dense<0> : vector<1024xi32>
    %reduce_sum3A_60 = vector.multi_reduction <add>, %select_n3A_59, %reduce_sum3A [1] : vector<1024x128xi32> to vector<1024xi32>
    %broadcast_in_dim3A_61 = vector.shape_cast %reduce_sum3A_60 : vector<1024xi32> to vector<1024x1xi32>
    %neg3A = arith.constant 0 : i32
    %neg3A_62 = vector.broadcast %neg3A : i32 to vector<1024x1xi32>
    %neg3A_63 = arith.subi %neg3A_62, %broadcast_in_dim3A_61 : vector<1024x1xi32>
    %and3A = arith.andi %broadcast_in_dim3A_61, %neg3A_63 : vector<1024x1xi32>
    %convert_element_type3A_64 = arith.sitofp %and3A : vector<1024x1xi32> to vector<1024x1xf32>
    %abs3A = math.absf %convert_element_type3A_64 : vector<1024x1xf32>
    %bitcast_convert_type3A = tpu.bitcast %abs3A : vector<1024x1xf32> -> vector<1024x1xi32>
    %shift_right_arithmetic3A = arith.constant 23 : i32
    %shift_right_arithmetic3A_65 = vector.broadcast %shift_right_arithmetic3A : i32 to vector<1024x1xi32>
    %shift_right_arithmetic3A_66 = arith.shrsi %bitcast_convert_type3A, %shift_right_arithmetic3A_65 : vector<1024x1xi32>
    %sub3A_67 = arith.constant 127 : i32
    %sub3A_68 = vector.broadcast %sub3A_67 : i32 to vector<1024x1xi32>
    %sub3A_69 = arith.subi %shift_right_arithmetic3A_66, %sub3A_68 : vector<1024x1xi32>
    %mul3A_70 = arith.constant 32 : i32
    %mul3A_71 = vector.broadcast %mul3A_70 : i32 to vector<1024x1xi32>
    %mul3A_72 = arith.muli %broadcast_in_dim3A_55, %mul3A_71 : vector<1024x1xi32>
    %add3A_73 = arith.addi %mul3A_72, %sub3A_69 : vector<1024x1xi32>
    %lt3A_74 = arith.constant 128 : i32
    %lt3A_75 = vector.broadcast %lt3A_74 : i32 to vector<1024x1xi32>
    %lt3A_76 = arith.cmpi slt, %broadcast_in_dim3A_55, %lt3A_75 : vector<1024x1xi32>
    %jit3A_77 = arith.constant 0 : i32
    %broadcast_in_dim3A_78 = vector.broadcast %jit3A_77 : i32 to vector<1024x1xi32>
    %select_n3A_79 = arith.select %lt3A_76, %add3A_73, %broadcast_in_dim3A_78 : vector<1024x1xi1>, vector<1024x1xi32>
    %add3A_80 = arith.constant 0 : i32
    %add3A_81 = vector.broadcast %add3A_80 : i32 to vector<1024x1xi32>
    %add3A_82 = arith.addi %select_n3A_79, %add3A_81 : vector<1024x1xi32>
    %swap3A = arith.constant 0 : index
    %swap3A_83 = arith.constant 0 : index
    %swap3A_84 = arith.constant 0 : index
    %swap3A_85 = vector.load %arg6[%swap3A, %swap3A_83, %swap3A_84] : memref<1x1024x16xi32, #tpu.memory_space<vmem>>, vector<1x1024x1xi32>
    %swap3A_86 = vector.shape_cast %swap3A_85 : vector<1x1024x1xi32> to vector<1024x1xi32>
    %swap3A_87 = vector.shape_cast %add3A_82 : vector<1024x1xi32> to vector<1x1024x1xi32>
    tpu.vector_store %arg6[%swap3A, %swap3A_83, %swap3A_84], %swap3A_87 {strides = array<i32>} : memref<1x1024x16xi32, #tpu.memory_space<vmem>>, vector<1x1024x1xi32>,
    %not3A = arith.constant dense<-1> : vector<1024x1xi32>
    %not3A_88 = arith.xori %and3A, %not3A : vector<1024x1xi32>
    %and3A_89 = vector.broadcast %not3A_88 : vector<1024x1xi32> to vector<1024x128xi32>
    %and3A_90 = arith.andi %or3A, %and3A_89 : vector<1024x128xi32>
    %select_n3A_91 = arith.select %eq3A_56, %and3A_90, %or3A : vector<1024x128xi1>, vector<1024x128xi32>
    %ne3A_92 = arith.constant 0 : i32
    %ne3A_93 = vector.broadcast %ne3A_92 : i32 to vector<1024x128xi32>
    %ne3A_94 = arith.cmpi ne, %select_n3A_91, %ne3A_93 : vector<1024x128xi32>
    %jit3A_95 = arith.constant 128 : i32
    %broadcast_in_dim3A_96 = vector.broadcast %jit3A_95 : i32 to vector<1024x128xi32>
    %select_n3A_97 = arith.select %ne3A_94, %iota3A, %broadcast_in_dim3A_96 : vector<1024x128xi1>, vector<1024x128xi32>
    %reduce_min3A_98 = arith.constant dense<2147483647> : vector<1024xi32>
    %reduce_min3A_99 = vector.multi_reduction <minsi>, %select_n3A_97, %reduce_min3A_98 [1] : vector<1024x128xi32> to vector<1024xi32>
    %broadcast_in_dim3A_100 = vector.shape_cast %reduce_min3A_99 : vector<1024xi32> to vector<1024x1xi32>
    %eq3A_101 = vector.broadcast %broadcast_in_dim3A_100 : vector<1024x1xi32> to vector<1024x128xi32>
    %eq3A_102 = arith.cmpi eq, %iota3A, %eq3A_101 : vector<1024x128xi32>
    %jit3A_103 = arith.constant 0 : i32
    %broadcast_in_dim3A_104 = vector.broadcast %jit3A_103 : i32 to vector<1024x128xi32>
    %select_n3A_105 = arith.select %eq3A_102, %select_n3A_91, %broadcast_in_dim3A_104 : vector<1024x128xi1>, vector<1024x128xi32>
    %reduce_sum3A_106 = arith.constant dense<0> : vector<1024xi32>
    %reduce_sum3A_107 = vector.multi_reduction <add>, %select_n3A_105, %reduce_sum3A_106 [1] : vector<1024x128xi32> to vector<1024xi32>
    %broadcast_in_dim3A_108 = vector.shape_cast %reduce_sum3A_107 : vector<1024xi32> to vector<1024x1xi32>
    %neg3A_109 = arith.constant 0 : i32
    %neg3A_110 = vector.broadcast %neg3A_109 : i32 to vector<1024x1xi32>
    %neg3A_111 = arith.subi %neg3A_110, %broadcast_in_dim3A_108 : vector<1024x1xi32>
    %and3A_112 = arith.andi %broadcast_in_dim3A_108, %neg3A_111 : vector<1024x1xi32>
    %convert_element_type3A_113 = arith.sitofp %and3A_112 : vector<1024x1xi32> to vector<1024x1xf32>
    %abs3A_114 = math.absf %convert_element_type3A_113 : vector<1024x1xf32>
    %bitcast_convert_type3A_115 = tpu.bitcast %abs3A_114 : vector<1024x1xf32> -> vector<1024x1xi32>
    %shift_right_arithmetic3A_116 = arith.constant 23 : i32
    %shift_right_arithmetic3A_117 = vector.broadcast %shift_right_arithmetic3A_116 : i32 to vector<1024x1xi32>
    %shift_right_arithmetic3A_118 = arith.shrsi %bitcast_convert_type3A_115, %shift_right_arithmetic3A_117 : vector<1024x1xi32>
    %sub3A_119 = arith.constant 127 : i32
    %sub3A_120 = vector.broadcast %sub3A_119 : i32 to vector<1024x1xi32>
    %sub3A_121 = arith.subi %shift_right_arithmetic3A_118, %sub3A_120 : vector<1024x1xi32>
    %mul3A_122 = arith.constant 32 : i32
    %mul3A_123 = vector.broadcast %mul3A_122 : i32 to vector<1024x1xi32>
    %mul3A_124 = arith.muli %broadcast_in_dim3A_100, %mul3A_123 : vector<1024x1xi32>
    %add3A_125 = arith.addi %mul3A_124, %sub3A_121 : vector<1024x1xi32>
    %lt3A_126 = arith.constant 128 : i32
    %lt3A_127 = vector.broadcast %lt3A_126 : i32 to vector<1024x1xi32>
    %lt3A_128 = arith.cmpi slt, %broadcast_in_dim3A_100, %lt3A_127 : vector<1024x1xi32>
    %add3A_129 = arith.constant 0 : i32
    %add3A_130 = vector.broadcast %add3A_129 : i32 to vector<1024x1xi32>
    %add3A_131 = arith.addi %add3A_125, %add3A_130 : vector<1024x1xi32>
    %select_n3A_132 = arith.select %lt3A_128, %add3A_131, %add3A_82 : vector<1024x1xi1>, vector<1024x1xi32>
    %swap3A_133 = arith.constant 0 : index
    %swap3A_134 = arith.constant 0 : index
    %swap3A_135 = arith.constant 1 : index
    %swap3A_136 = vector.load %arg6[%swap3A_133, %swap3A_134, %swap3A_135] : memref<1x1024x16xi32, #tpu.memory_space<vmem>>, vector<1x1024x1xi32>
    %swap3A_137 = vector.shape_cast %swap3A_136 : vector<1x1024x1xi32> to vector<1024x1xi32>
    %swap3A_138 = vector.shape_cast %select_n3A_132 : vector<1024x1xi32> to vector<1x1024x1xi32>
    tpu.vector_store %arg6[%swap3A_133, %swap3A_134, %swap3A_135], %swap3A_138 {strides = array<i32>} : memref<1x1024x16xi32, #tpu.memory_space<vmem>>, vector<1x1024x1xi32>,
    %not3A_139 = arith.constant dense<-1> : vector<1024x1xi32>
    %not3A_140 = arith.xori %and3A_112, %not3A_139 : vector<1024x1xi32>
    %and3A_141 = vector.broadcast %not3A_140 : vector<1024x1xi32> to vector<1024x128xi32>
    %and3A_142 = arith.andi %select_n3A_91, %and3A_141 : vector<1024x128xi32>
    %select_n3A_143 = arith.select %eq3A_102, %and3A_142, %select_n3A_91 : vector<1024x128xi1>, vector<1024x128xi32>
    %ne3A_144 = arith.constant 0 : i32
    %ne3A_145 = vector.broadcast %ne3A_144 : i32 to vector<1024x128xi32>
    %ne3A_146 = arith.cmpi ne, %select_n3A_143, %ne3A_145 : vector<1024x128xi32>
    %jit3A_147 = arith.constant 128 : i32
    %broadcast_in_dim3A_148 = vector.broadcast %jit3A_147 : i32 to vector<1024x128xi32>
    %select_n3A_149 = arith.select %ne3A_146, %iota3A, %broadcast_in_dim3A_148 : vector<1024x128xi1>, vector<1024x128xi32>
    %reduce_min3A_150 = arith.constant dense<2147483647> : vector<1024xi32>
    %reduce_min3A_151 = vector.multi_reduction <minsi>, %select_n3A_149, %reduce_min3A_150 [1] : vector<1024x128xi32> to vector<1024xi32>
    %broadcast_in_dim3A_152 = vector.shape_cast %reduce_min3A_151 : vector<1024xi32> to vector<1024x1xi32>
    %eq3A_153 = vector.broadcast %broadcast_in_dim3A_152 : vector<1024x1xi32> to vector<1024x128xi32>
    %eq3A_154 = arith.cmpi eq, %iota3A, %eq3A_153 : vector<1024x128xi32>
    %jit3A_155 = arith.constant 0 : i32
    %broadcast_in_dim3A_156 = vector.broadcast %jit3A_155 : i32 to vector<1024x128xi32>
    %select_n3A_157 = arith.select %eq3A_154, %select_n3A_143, %broadcast_in_dim3A_156 : vector<1024x128xi1>, vector<1024x128xi32>
    %reduce_sum3A_158 = arith.constant dense<0> : vector<1024xi32>
    %reduce_sum3A_159 = vector.multi_reduction <add>, %select_n3A_157, %reduce_sum3A_158 [1] : vector<1024x128xi32> to vector<1024xi32>
    %broadcast_in_dim3A_160 = vector.shape_cast %reduce_sum3A_159 : vector<1024xi32> to vector<1024x1xi32>
    %neg3A_161 = arith.constant 0 : i32
    %neg3A_162 = vector.broadcast %neg3A_161 : i32 to vector<1024x1xi32>
    %neg3A_163 = arith.subi %neg3A_162, %broadcast_in_dim3A_160 : vector<1024x1xi32>
    %and3A_164 = arith.andi %broadcast_in_dim3A_160, %neg3A_163 : vector<1024x1xi32>
    %convert_element_type3A_165 = arith.sitofp %and3A_164 : vector<1024x1xi32> to vector<1024x1xf32>
    %abs3A_166 = math.absf %convert_element_type3A_165 : vector<1024x1xf32>
    %bitcast_convert_type3A_167 = tpu.bitcast %abs3A_166 : vector<1024x1xf32> -> vector<1024x1xi32>
    %shift_right_arithmetic3A_168 = arith.constant 23 : i32
    %shift_right_arithmetic3A_169 = vector.broadcast %shift_right_arithmetic3A_168 : i32 to vector<1024x1xi32>
    %shift_right_arithmetic3A_170 = arith.shrsi %bitcast_convert_type3A_167, %shift_right_arithmetic3A_169 : vector<1024x1xi32>
    %sub3A_171 = arith.constant 127 : i32
    %sub3A_172 = vector.broadcast %sub3A_171 : i32 to vector<1024x1xi32>
    %sub3A_173 = arith.subi %shift_right_arithmetic3A_170, %sub3A_172 : vector<1024x1xi32>
    %mul3A_174 = arith.constant 32 : i32
    %mul3A_175 = vector.broadcast %mul3A_174 : i32 to vector<1024x1xi32>
    %mul3A_176 = arith.muli %broadcast_in_dim3A_152, %mul3A_175 : vector<1024x1xi32>
    %add3A_177 = arith.addi %mul3A_176, %sub3A_173 : vector<1024x1xi32>
    %lt3A_178 = arith.constant 128 : i32
    %lt3A_179 = vector.broadcast %lt3A_178 : i32 to vector<1024x1xi32>
    %lt3A_180 = arith.cmpi slt, %broadcast_in_dim3A_152, %lt3A_179 : vector<1024x1xi32>
    %add3A_181 = arith.constant 0 : i32
    %add3A_182 = vector.broadcast %add3A_181 : i32 to vector<1024x1xi32>
    %add3A_183 = arith.addi %add3A_177, %add3A_182 : vector<1024x1xi32>
    %select_n3A_184 = arith.select %lt3A_180, %add3A_183, %add3A_82 : vector<1024x1xi1>, vector<1024x1xi32>
    %swap3A_185 = arith.constant 0 : index
    %swap3A_186 = arith.constant 0 : index
    %swap3A_187 = arith.constant 2 : index
    %swap3A_188 = vector.load %arg6[%swap3A_185, %swap3A_186, %swap3A_187] : memref<1x1024x16xi32, #tpu.memory_space<vmem>>, vector<1x1024x1xi32>
    %swap3A_189 = vector.shape_cast %swap3A_188 : vector<1x1024x1xi32> to vector<1024x1xi32>
    %swap3A_190 = vector.shape_cast %select_n3A_184 : vector<1024x1xi32> to vector<1x1024x1xi32>
    tpu.vector_store %arg6[%swap3A_185, %swap3A_186, %swap3A_187], %swap3A_190 {strides = array<i32>} : memref<1x1024x16xi32, #tpu.memory_space<vmem>>, vector<1x1024x1xi32>,
    %not3A_191 = arith.constant dense<-1> : vector<1024x1xi32>
    %not3A_192 = arith.xori %and3A_164, %not3A_191 : vector<1024x1xi32>
    %and3A_193 = vector.broadcast %not3A_192 : vector<1024x1xi32> to vector<1024x128xi32>
    %and3A_194 = arith.andi %select_n3A_143, %and3A_193 : vector<1024x128xi32>
    %select_n3A_195 = arith.select %eq3A_154, %and3A_194, %select_n3A_143 : vector<1024x128xi1>, vector<1024x128xi32>
    %ne3A_196 = arith.constant 0 : i32
    %ne3A_197 = vector.broadcast %ne3A_196 : i32 to vector<1024x128xi32>
    %ne3A_198 = arith.cmpi ne, %select_n3A_195, %ne3A_197 : vector<1024x128xi32>
    %jit3A_199 = arith.constant 128 : i32
    %broadcast_in_dim3A_200 = vector.broadcast %jit3A_199 : i32 to vector<1024x128xi32>
    %select_n3A_201 = arith.select %ne3A_198, %iota3A, %broadcast_in_dim3A_200 : vector<1024x128xi1>, vector<1024x128xi32>
    %reduce_min3A_202 = arith.constant dense<2147483647> : vector<1024xi32>
    %reduce_min3A_203 = vector.multi_reduction <minsi>, %select_n3A_201, %reduce_min3A_202 [1] : vector<1024x128xi32> to vector<1024xi32>
    %broadcast_in_dim3A_204 = vector.shape_cast %reduce_min3A_203 : vector<1024xi32> to vector<1024x1xi32>
    %eq3A_205 = vector.broadcast %broadcast_in_dim3A_204 : vector<1024x1xi32> to vector<1024x128xi32>
    %eq3A_206 = arith.cmpi eq, %iota3A, %eq3A_205 : vector<1024x128xi32>
    %jit3A_207 = arith.constant 0 : i32
    %broadcast_in_dim3A_208 = vector.broadcast %jit3A_207 : i32 to vector<1024x128xi32>
    %select_n3A_209 = arith.select %eq3A_206, %select_n3A_195, %broadcast_in_dim3A_208 : vector<1024x128xi1>, vector<1024x128xi32>
    %reduce_sum3A_210 = arith.constant dense<0> : vector<1024xi32>
    %reduce_sum3A_211 = vector.multi_reduction <add>, %select_n3A_209, %reduce_sum3A_210 [1] : vector<1024x128xi32> to vector<1024xi32>
    %broadcast_in_dim3A_212 = vector.shape_cast %reduce_sum3A_211 : vector<1024xi32> to vector<1024x1xi32>
    %neg3A_213 = arith.constant 0 : i32
    %neg3A_214 = vector.broadcast %neg3A_213 : i32 to vector<1024x1xi32>
    %neg3A_215 = arith.subi %neg3A_214, %broadcast_in_dim3A_212 : vector<1024x1xi32>
    %and3A_216 = arith.andi %broadcast_in_dim3A_212, %neg3A_215 : vector<1024x1xi32>
    %convert_element_type3A_217 = arith.sitofp %and3A_216 : vector<1024x1xi32> to vector<1024x1xf32>
    %abs3A_218 = math.absf %convert_element_type3A_217 : vector<1024x1xf32>
    %bitcast_convert_type3A_219 = tpu.bitcast %abs3A_218 : vector<1024x1xf32> -> vector<1024x1xi32>
    %shift_right_arithmetic3A_220 = arith.constant 23 : i32
    %shift_right_arithmetic3A_221 = vector.broadcast %shift_right_arithmetic3A_220 : i32 to vector<1024x1xi32>
    %shift_right_arithmetic3A_222 = arith.shrsi %bitcast_convert_type3A_219, %shift_right_arithmetic3A_221 : vector<1024x1xi32>
    %sub3A_223 = arith.constant 127 : i32
    %sub3A_224 = vector.broadcast %sub3A_223 : i32 to vector<1024x1xi32>
    %sub3A_225 = arith.subi %shift_right_arithmetic3A_222, %sub3A_224 : vector<1024x1xi32>
    %mul3A_226 = arith.constant 32 : i32
    %mul3A_227 = vector.broadcast %mul3A_226 : i32 to vector<1024x1xi32>
    %mul3A_228 = arith.muli %broadcast_in_dim3A_204, %mul3A_227 : vector<1024x1xi32>
    %add3A_229 = arith.addi %mul3A_228, %sub3A_225 : vector<1024x1xi32>
    %lt3A_230 = arith.constant 128 : i32
    %lt3A_231 = vector.broadcast %lt3A_230 : i32 to vector<1024x1xi32>
    %lt3A_232 = arith.cmpi slt, %broadcast_in_dim3A_204, %lt3A_231 : vector<1024x1xi32>
    %add3A_233 = arith.constant 0 : i32
    %add3A_234 = vector.broadcast %add3A_233 : i32 to vector<1024x1xi32>
    %add3A_235 = arith.addi %add3A_229, %add3A_234 : vector<1024x1xi32>
    %select_n3A_236 = arith.select %lt3A_232, %add3A_235, %add3A_82 : vector<1024x1xi1>, vector<1024x1xi32>
    %swap3A_237 = arith.constant 0 : index
    %swap3A_238 = arith.constant 0 : index
    %swap3A_239 = arith.constant 3 : index
    %swap3A_240 = vector.load %arg6[%swap3A_237, %swap3A_238, %swap3A_239] : memref<1x1024x16xi32, #tpu.memory_space<vmem>>, vector<1x1024x1xi32>
    %swap3A_241 = vector.shape_cast %swap3A_240 : vector<1x1024x1xi32> to vector<1024x1xi32>
    %swap3A_242 = vector.shape_cast %select_n3A_236 : vector<1024x1xi32> to vector<1x1024x1xi32>
    tpu.vector_store %arg6[%swap3A_237, %swap3A_238, %swap3A_239], %swap3A_242 {strides = array<i32>} : memref<1x1024x16xi32, #tpu.memory_space<vmem>>, vector<1x1024x1xi32>,
    %not3A_243 = arith.constant dense<-1> : vector<1024x1xi32>
    %not3A_244 = arith.xori %and3A_216, %not3A_243 : vector<1024x1xi32>
    %and3A_245 = vector.broadcast %not3A_244 : vector<1024x1xi32> to vector<1024x128xi32>
    %and3A_246 = arith.andi %select_n3A_195, %and3A_245 : vector<1024x128xi32>
    %select_n3A_247 = arith.select %eq3A_206, %and3A_246, %select_n3A_195 : vector<1024x128xi1>, vector<1024x128xi32>
    %ne3A_248 = arith.constant 0 : i32
    %ne3A_249 = vector.broadcast %ne3A_248 : i32 to vector<1024x128xi32>
    %ne3A_250 = arith.cmpi ne, %select_n3A_247, %ne3A_249 : vector<1024x128xi32>
    %jit3A_251 = arith.constant 128 : i32
    %broadcast_in_dim3A_252 = vector.broadcast %jit3A_251 : i32 to vector<1024x128xi32>
    %select_n3A_253 = arith.select %ne3A_250, %iota3A, %broadcast_in_dim3A_252 : vector<1024x128xi1>, vector<1024x128xi32>
    %reduce_min3A_254 = arith.constant dense<2147483647> : vector<1024xi32>
    %reduce_min3A_255 = vector.multi_reduction <minsi>, %select_n3A_253, %reduce_min3A_254 [1] : vector<1024x128xi32> to vector<1024xi32>
    %broadcast_in_dim3A_256 = vector.shape_cast %reduce_min3A_255 : vector<1024xi32> to vector<1024x1xi32>
    %eq3A_257 = vector.broadcast %broadcast_in_dim3A_256 : vector<1024x1xi32> to vector<1024x128xi32>
    %eq3A_258 = arith.cmpi eq, %iota3A, %eq3A_257 : vector<1024x128xi32>
    %jit3A_259 = arith.constant 0 : i32
    %broadcast_in_dim3A_260 = vector.broadcast %jit3A_259 : i32 to vector<1024x128xi32>
    %select_n3A_261 = arith.select %eq3A_258, %select_n3A_247, %broadcast_in_dim3A_260 : vector<1024x128xi1>, vector<1024x128xi32>
    %reduce_sum3A_262 = arith.constant dense<0> : vector<1024xi32>
    %reduce_sum3A_263 = vector.multi_reduction <add>, %select_n3A_261, %reduce_sum3A_262 [1] : vector<1024x128xi32> to vector<1024xi32>
    %broadcast_in_dim3A_264 = vector.shape_cast %reduce_sum3A_263 : vector<1024xi32> to vector<1024x1xi32>
    %neg3A_265 = arith.constant 0 : i32
    %neg3A_266 = vector.broadcast %neg3A_265 : i32 to vector<1024x1xi32>
    %neg3A_267 = arith.subi %neg3A_266, %broadcast_in_dim3A_264 : vector<1024x1xi32>
    %and3A_268 = arith.andi %broadcast_in_dim3A_264, %neg3A_267 : vector<1024x1xi32>
    %convert_element_type3A_269 = arith.sitofp %and3A_268 : vector<1024x1xi32> to vector<1024x1xf32>
    %abs3A_270 = math.absf %convert_element_type3A_269 : vector<1024x1xf32>
    %bitcast_convert_type3A_271 = tpu.bitcast %abs3A_270 : vector<1024x1xf32> -> vector<1024x1xi32>
    %shift_right_arithmetic3A_272 = arith.constant 23 : i32
    %shift_right_arithmetic3A_273 = vector.broadcast %shift_right_arithmetic3A_272 : i32 to vector<1024x1xi32>
    %shift_right_arithmetic3A_274 = arith.shrsi %bitcast_convert_type3A_271, %shift_right_arithmetic3A_273 : vector<1024x1xi32>
    %sub3A_275 = arith.constant 127 : i32
    %sub3A_276 = vector.broadcast %sub3A_275 : i32 to vector<1024x1xi32>
    %sub3A_277 = arith.subi %shift_right_arithmetic3A_274, %sub3A_276 : vector<1024x1xi32>
    %mul3A_278 = arith.constant 32 : i32
    %mul3A_279 = vector.broadcast %mul3A_278 : i32 to vector<1024x1xi32>
    %mul3A_280 = arith.muli %broadcast_in_dim3A_256, %mul3A_279 : vector<1024x1xi32>
    %add3A_281 = arith.addi %mul3A_280, %sub3A_277 : vector<1024x1xi32>
    %lt3A_282 = arith.constant 128 : i32
    %lt3A_283 = vector.broadcast %lt3A_282 : i32 to vector<1024x1xi32>
    %lt3A_284 = arith.cmpi slt, %broadcast_in_dim3A_256, %lt3A_283 : vector<1024x1xi32>
    %add3A_285 = arith.constant 0 : i32
    %add3A_286 = vector.broadcast %add3A_285 : i32 to vector<1024x1xi32>
    %add3A_287 = arith.addi %add3A_281, %add3A_286 : vector<1024x1xi32>
    %select_n3A_288 = arith.select %lt3A_284, %add3A_287, %add3A_82 : vector<1024x1xi1>, vector<1024x1xi32>
    %swap3A_289 = arith.constant 0 : index
    %swap3A_290 = arith.constant 0 : index
    %swap3A_291 = arith.constant 4 : index
    %swap3A_292 = vector.load %arg6[%swap3A_289, %swap3A_290, %swap3A_291] : memref<1x1024x16xi32, #tpu.memory_space<vmem>>, vector<1x1024x1xi32>
    %swap3A_293 = vector.shape_cast %swap3A_292 : vector<1x1024x1xi32> to vector<1024x1xi32>
    %swap3A_294 = vector.shape_cast %select_n3A_288 : vector<1024x1xi32> to vector<1x1024x1xi32>
    tpu.vector_store %arg6[%swap3A_289, %swap3A_290, %swap3A_291], %swap3A_294 {strides = array<i32>} : memref<1x1024x16xi32, #tpu.memory_space<vmem>>, vector<1x1024x1xi32>,
    %not3A_295 = arith.constant dense<-1> : vector<1024x1xi32>
    %not3A_296 = arith.xori %and3A_268, %not3A_295 : vector<1024x1xi32>
    %and3A_297 = vector.broadcast %not3A_296 : vector<1024x1xi32> to vector<1024x128xi32>
    %and3A_298 = arith.andi %select_n3A_247, %and3A_297 : vector<1024x128xi32>
    %select_n3A_299 = arith.select %eq3A_258, %and3A_298, %select_n3A_247 : vector<1024x128xi1>, vector<1024x128xi32>
    %ne3A_300 = arith.constant 0 : i32
    %ne3A_301 = vector.broadcast %ne3A_300 : i32 to vector<1024x128xi32>
    %ne3A_302 = arith.cmpi ne, %select_n3A_299, %ne3A_301 : vector<1024x128xi32>
    %jit3A_303 = arith.constant 128 : i32
    %broadcast_in_dim3A_304 = vector.broadcast %jit3A_303 : i32 to vector<1024x128xi32>
    %select_n3A_305 = arith.select %ne3A_302, %iota3A, %broadcast_in_dim3A_304 : vector<1024x128xi1>, vector<1024x128xi32>
    %reduce_min3A_306 = arith.constant dense<2147483647> : vector<1024xi32>
    %reduce_min3A_307 = vector.multi_reduction <minsi>, %select_n3A_305, %reduce_min3A_306 [1] : vector<1024x128xi32> to vector<1024xi32>
    %broadcast_in_dim3A_308 = vector.shape_cast %reduce_min3A_307 : vector<1024xi32> to vector<1024x1xi32>
    %eq3A_309 = vector.broadcast %broadcast_in_dim3A_308 : vector<1024x1xi32> to vector<1024x128xi32>
    %eq3A_310 = arith.cmpi eq, %iota3A, %eq3A_309 : vector<1024x128xi32>
    %jit3A_311 = arith.constant 0 : i32
    %broadcast_in_dim3A_312 = vector.broadcast %jit3A_311 : i32 to vector<1024x128xi32>
    %select_n3A_313 = arith.select %eq3A_310, %select_n3A_299, %broadcast_in_dim3A_312 : vector<1024x128xi1>, vector<1024x128xi32>
    %reduce_sum3A_314 = arith.constant dense<0> : vector<1024xi32>
    %reduce_sum3A_315 = vector.multi_reduction <add>, %select_n3A_313, %reduce_sum3A_314 [1] : vector<1024x128xi32> to vector<1024xi32>
    %broadcast_in_dim3A_316 = vector.shape_cast %reduce_sum3A_315 : vector<1024xi32> to vector<1024x1xi32>
    %neg3A_317 = arith.constant 0 : i32
    %neg3A_318 = vector.broadcast %neg3A_317 : i32 to vector<1024x1xi32>
    %neg3A_319 = arith.subi %neg3A_318, %broadcast_in_dim3A_316 : vector<1024x1xi32>
    %and3A_320 = arith.andi %broadcast_in_dim3A_316, %neg3A_319 : vector<1024x1xi32>
    %convert_element_type3A_321 = arith.sitofp %and3A_320 : vector<1024x1xi32> to vector<1024x1xf32>
    %abs3A_322 = math.absf %convert_element_type3A_321 : vector<1024x1xf32>
    %bitcast_convert_type3A_323 = tpu.bitcast %abs3A_322 : vector<1024x1xf32> -> vector<1024x1xi32>
    %shift_right_arithmetic3A_324 = arith.constant 23 : i32
    %shift_right_arithmetic3A_325 = vector.broadcast %shift_right_arithmetic3A_324 : i32 to vector<1024x1xi32>
    %shift_right_arithmetic3A_326 = arith.shrsi %bitcast_convert_type3A_323, %shift_right_arithmetic3A_325 : vector<1024x1xi32>
    %sub3A_327 = arith.constant 127 : i32
    %sub3A_328 = vector.broadcast %sub3A_327 : i32 to vector<1024x1xi32>
    %sub3A_329 = arith.subi %shift_right_arithmetic3A_326, %sub3A_328 : vector<1024x1xi32>
    %mul3A_330 = arith.constant 32 : i32
    %mul3A_331 = vector.broadcast %mul3A_330 : i32 to vector<1024x1xi32>
    %mul3A_332 = arith.muli %broadcast_in_dim3A_308, %mul3A_331 : vector<1024x1xi32>
    %add3A_333 = arith.addi %mul3A_332, %sub3A_329 : vector<1024x1xi32>
    %lt3A_334 = arith.constant 128 : i32
    %lt3A_335 = vector.broadcast %lt3A_334 : i32 to vector<1024x1xi32>
    %lt3A_336 = arith.cmpi slt, %broadcast_in_dim3A_308, %lt3A_335 : vector<1024x1xi32>
    %add3A_337 = arith.constant 0 : i32
    %add3A_338 = vector.broadcast %add3A_337 : i32 to vector<1024x1xi32>
    %add3A_339 = arith.addi %add3A_333, %add3A_338 : vector<1024x1xi32>
    %select_n3A_340 = arith.select %lt3A_336, %add3A_339, %add3A_82 : vector<1024x1xi1>, vector<1024x1xi32>
    %swap3A_341 = arith.constant 0 : index
    %swap3A_342 = arith.constant 0 : index
    %swap3A_343 = arith.constant 5 : index
    %swap3A_344 = vector.load %arg6[%swap3A_341, %swap3A_342, %swap3A_343] : memref<1x1024x16xi32, #tpu.memory_space<vmem>>, vector<1x1024x1xi32>
    %swap3A_345 = vector.shape_cast %swap3A_344 : vector<1x1024x1xi32> to vector<1024x1xi32>
    %swap3A_346 = vector.shape_cast %select_n3A_340 : vector<1024x1xi32> to vector<1x1024x1xi32>
    tpu.vector_store %arg6[%swap3A_341, %swap3A_342, %swap3A_343], %swap3A_346 {strides = array<i32>} : memref<1x1024x16xi32, #tpu.memory_space<vmem>>, vector<1x1024x1xi32>,
    %not3A_347 = arith.constant dense<-1> : vector<1024x1xi32>
    %not3A_348 = arith.xori %and3A_320, %not3A_347 : vector<1024x1xi32>
    %and3A_349 = vector.broadcast %not3A_348 : vector<1024x1xi32> to vector<1024x128xi32>
    %and3A_350 = arith.andi %select_n3A_299, %and3A_349 : vector<1024x128xi32>
    %select_n3A_351 = arith.select %eq3A_310, %and3A_350, %select_n3A_299 : vector<1024x128xi1>, vector<1024x128xi32>
    %ne3A_352 = arith.constant 0 : i32
    %ne3A_353 = vector.broadcast %ne3A_352 : i32 to vector<1024x128xi32>
    %ne3A_354 = arith.cmpi ne, %select_n3A_351, %ne3A_353 : vector<1024x128xi32>
    %jit3A_355 = arith.constant 128 : i32
    %broadcast_in_dim3A_356 = vector.broadcast %jit3A_355 : i32 to vector<1024x128xi32>
    %select_n3A_357 = arith.select %ne3A_354, %iota3A, %broadcast_in_dim3A_356 : vector<1024x128xi1>, vector<1024x128xi32>
    %reduce_min3A_358 = arith.constant dense<2147483647> : vector<1024xi32>
    %reduce_min3A_359 = vector.multi_reduction <minsi>, %select_n3A_357, %reduce_min3A_358 [1] : vector<1024x128xi32> to vector<1024xi32>
    %broadcast_in_dim3A_360 = vector.shape_cast %reduce_min3A_359 : vector<1024xi32> to vector<1024x1xi32>
    %eq3A_361 = vector.broadcast %broadcast_in_dim3A_360 : vector<1024x1xi32> to vector<1024x128xi32>
    %eq3A_362 = arith.cmpi eq, %iota3A, %eq3A_361 : vector<1024x128xi32>
    %jit3A_363 = arith.constant 0 : i32
    %broadcast_in_dim3A_364 = vector.broadcast %jit3A_363 : i32 to vector<1024x128xi32>
    %select_n3A_365 = arith.select %eq3A_362, %select_n3A_351, %broadcast_in_dim3A_364 : vector<1024x128xi1>, vector<1024x128xi32>
    %reduce_sum3A_366 = arith.constant dense<0> : vector<1024xi32>
    %reduce_sum3A_367 = vector.multi_reduction <add>, %select_n3A_365, %reduce_sum3A_366 [1] : vector<1024x128xi32> to vector<1024xi32>
    %broadcast_in_dim3A_368 = vector.shape_cast %reduce_sum3A_367 : vector<1024xi32> to vector<1024x1xi32>
    %neg3A_369 = arith.constant 0 : i32
    %neg3A_370 = vector.broadcast %neg3A_369 : i32 to vector<1024x1xi32>
    %neg3A_371 = arith.subi %neg3A_370, %broadcast_in_dim3A_368 : vector<1024x1xi32>
    %and3A_372 = arith.andi %broadcast_in_dim3A_368, %neg3A_371 : vector<1024x1xi32>
    %convert_element_type3A_373 = arith.sitofp %and3A_372 : vector<1024x1xi32> to vector<1024x1xf32>
    %abs3A_374 = math.absf %convert_element_type3A_373 : vector<1024x1xf32>
    %bitcast_convert_type3A_375 = tpu.bitcast %abs3A_374 : vector<1024x1xf32> -> vector<1024x1xi32>
    %shift_right_arithmetic3A_376 = arith.constant 23 : i32
    %shift_right_arithmetic3A_377 = vector.broadcast %shift_right_arithmetic3A_376 : i32 to vector<1024x1xi32>
    %shift_right_arithmetic3A_378 = arith.shrsi %bitcast_convert_type3A_375, %shift_right_arithmetic3A_377 : vector<1024x1xi32>
    %sub3A_379 = arith.constant 127 : i32
    %sub3A_380 = vector.broadcast %sub3A_379 : i32 to vector<1024x1xi32>
    %sub3A_381 = arith.subi %shift_right_arithmetic3A_378, %sub3A_380 : vector<1024x1xi32>
    %mul3A_382 = arith.constant 32 : i32
    %mul3A_383 = vector.broadcast %mul3A_382 : i32 to vector<1024x1xi32>
    %mul3A_384 = arith.muli %broadcast_in_dim3A_360, %mul3A_383 : vector<1024x1xi32>
    %add3A_385 = arith.addi %mul3A_384, %sub3A_381 : vector<1024x1xi32>
    %lt3A_386 = arith.constant 128 : i32
    %lt3A_387 = vector.broadcast %lt3A_386 : i32 to vector<1024x1xi32>
    %lt3A_388 = arith.cmpi slt, %broadcast_in_dim3A_360, %lt3A_387 : vector<1024x1xi32>
    %add3A_389 = arith.constant 0 : i32
    %add3A_390 = vector.broadcast %add3A_389 : i32 to vector<1024x1xi32>
    %add3A_391 = arith.addi %add3A_385, %add3A_390 : vector<1024x1xi32>
    %select_n3A_392 = arith.select %lt3A_388, %add3A_391, %add3A_82 : vector<1024x1xi1>, vector<1024x1xi32>
    %swap3A_393 = arith.constant 0 : index
    %swap3A_394 = arith.constant 0 : index
    %swap3A_395 = arith.constant 6 : index
    %swap3A_396 = vector.load %arg6[%swap3A_393, %swap3A_394, %swap3A_395] : memref<1x1024x16xi32, #tpu.memory_space<vmem>>, vector<1x1024x1xi32>
    %swap3A_397 = vector.shape_cast %swap3A_396 : vector<1x1024x1xi32> to vector<1024x1xi32>
    %swap3A_398 = vector.shape_cast %select_n3A_392 : vector<1024x1xi32> to vector<1x1024x1xi32>
    tpu.vector_store %arg6[%swap3A_393, %swap3A_394, %swap3A_395], %swap3A_398 {strides = array<i32>} : memref<1x1024x16xi32, #tpu.memory_space<vmem>>, vector<1x1024x1xi32>,
    %not3A_399 = arith.constant dense<-1> : vector<1024x1xi32>
    %not3A_400 = arith.xori %and3A_372, %not3A_399 : vector<1024x1xi32>
    %and3A_401 = vector.broadcast %not3A_400 : vector<1024x1xi32> to vector<1024x128xi32>
    %and3A_402 = arith.andi %select_n3A_351, %and3A_401 : vector<1024x128xi32>
    %select_n3A_403 = arith.select %eq3A_362, %and3A_402, %select_n3A_351 : vector<1024x128xi1>, vector<1024x128xi32>
    %ne3A_404 = arith.constant 0 : i32
    %ne3A_405 = vector.broadcast %ne3A_404 : i32 to vector<1024x128xi32>
    %ne3A_406 = arith.cmpi ne, %select_n3A_403, %ne3A_405 : vector<1024x128xi32>
    %jit3A_407 = arith.constant 128 : i32
    %broadcast_in_dim3A_408 = vector.broadcast %jit3A_407 : i32 to vector<1024x128xi32>
    %select_n3A_409 = arith.select %ne3A_406, %iota3A, %broadcast_in_dim3A_408 : vector<1024x128xi1>, vector<1024x128xi32>
    %reduce_min3A_410 = arith.constant dense<2147483647> : vector<1024xi32>
    %reduce_min3A_411 = vector.multi_reduction <minsi>, %select_n3A_409, %reduce_min3A_410 [1] : vector<1024x128xi32> to vector<1024xi32>
    %broadcast_in_dim3A_412 = vector.shape_cast %reduce_min3A_411 : vector<1024xi32> to vector<1024x1xi32>
    %eq3A_413 = vector.broadcast %broadcast_in_dim3A_412 : vector<1024x1xi32> to vector<1024x128xi32>
    %eq3A_414 = arith.cmpi eq, %iota3A, %eq3A_413 : vector<1024x128xi32>
    %jit3A_415 = arith.constant 0 : i32
    %broadcast_in_dim3A_416 = vector.broadcast %jit3A_415 : i32 to vector<1024x128xi32>
    %select_n3A_417 = arith.select %eq3A_414, %select_n3A_403, %broadcast_in_dim3A_416 : vector<1024x128xi1>, vector<1024x128xi32>
    %reduce_sum3A_418 = arith.constant dense<0> : vector<1024xi32>
    %reduce_sum3A_419 = vector.multi_reduction <add>, %select_n3A_417, %reduce_sum3A_418 [1] : vector<1024x128xi32> to vector<1024xi32>
    %broadcast_in_dim3A_420 = vector.shape_cast %reduce_sum3A_419 : vector<1024xi32> to vector<1024x1xi32>
    %neg3A_421 = arith.constant 0 : i32
    %neg3A_422 = vector.broadcast %neg3A_421 : i32 to vector<1024x1xi32>
    %neg3A_423 = arith.subi %neg3A_422, %broadcast_in_dim3A_420 : vector<1024x1xi32>
    %and3A_424 = arith.andi %broadcast_in_dim3A_420, %neg3A_423 : vector<1024x1xi32>
    %convert_element_type3A_425 = arith.sitofp %and3A_424 : vector<1024x1xi32> to vector<1024x1xf32>
    %abs3A_426 = math.absf %convert_element_type3A_425 : vector<1024x1xf32>
    %bitcast_convert_type3A_427 = tpu.bitcast %abs3A_426 : vector<1024x1xf32> -> vector<1024x1xi32>
    %shift_right_arithmetic3A_428 = arith.constant 23 : i32
    %shift_right_arithmetic3A_429 = vector.broadcast %shift_right_arithmetic3A_428 : i32 to vector<1024x1xi32>
    %shift_right_arithmetic3A_430 = arith.shrsi %bitcast_convert_type3A_427, %shift_right_arithmetic3A_429 : vector<1024x1xi32>
    %sub3A_431 = arith.constant 127 : i32
    %sub3A_432 = vector.broadcast %sub3A_431 : i32 to vector<1024x1xi32>
    %sub3A_433 = arith.subi %shift_right_arithmetic3A_430, %sub3A_432 : vector<1024x1xi32>
    %mul3A_434 = arith.constant 32 : i32
    %mul3A_435 = vector.broadcast %mul3A_434 : i32 to vector<1024x1xi32>
    %mul3A_436 = arith.muli %broadcast_in_dim3A_412, %mul3A_435 : vector<1024x1xi32>
    %add3A_437 = arith.addi %mul3A_436, %sub3A_433 : vector<1024x1xi32>
    %lt3A_438 = arith.constant 128 : i32
    %lt3A_439 = vector.broadcast %lt3A_438 : i32 to vector<1024x1xi32>
    %lt3A_440 = arith.cmpi slt, %broadcast_in_dim3A_412, %lt3A_439 : vector<1024x1xi32>
    %add3A_441 = arith.constant 0 : i32
    %add3A_442 = vector.broadcast %add3A_441 : i32 to vector<1024x1xi32>
    %add3A_443 = arith.addi %add3A_437, %add3A_442 : vector<1024x1xi32>
    %select_n3A_444 = arith.select %lt3A_440, %add3A_443, %add3A_82 : vector<1024x1xi1>, vector<1024x1xi32>
    %swap3A_445 = arith.constant 0 : index
    %swap3A_446 = arith.constant 0 : index
    %swap3A_447 = arith.constant 7 : index
    %swap3A_448 = vector.load %arg6[%swap3A_445, %swap3A_446, %swap3A_447] : memref<1x1024x16xi32, #tpu.memory_space<vmem>>, vector<1x1024x1xi32>
    %swap3A_449 = vector.shape_cast %swap3A_448 : vector<1x1024x1xi32> to vector<1024x1xi32>
    %swap3A_450 = vector.shape_cast %select_n3A_444 : vector<1024x1xi32> to vector<1x1024x1xi32>
    tpu.vector_store %arg6[%swap3A_445, %swap3A_446, %swap3A_447], %swap3A_450 {strides = array<i32>} : memref<1x1024x16xi32, #tpu.memory_space<vmem>>, vector<1x1024x1xi32>,
    %not3A_451 = arith.constant dense<-1> : vector<1024x1xi32>
    %not3A_452 = arith.xori %and3A_424, %not3A_451 : vector<1024x1xi32>
    %and3A_453 = vector.broadcast %not3A_452 : vector<1024x1xi32> to vector<1024x128xi32>
    %and3A_454 = arith.andi %select_n3A_403, %and3A_453 : vector<1024x128xi32>
    %select_n3A_455 = arith.select %eq3A_414, %and3A_454, %select_n3A_403 : vector<1024x128xi1>, vector<1024x128xi32>
    %ne3A_456 = arith.constant 0 : i32
    %ne3A_457 = vector.broadcast %ne3A_456 : i32 to vector<1024x128xi32>
    %ne3A_458 = arith.cmpi ne, %select_n3A_455, %ne3A_457 : vector<1024x128xi32>
    %jit3A_459 = arith.constant 128 : i32
    %broadcast_in_dim3A_460 = vector.broadcast %jit3A_459 : i32 to vector<1024x128xi32>
    %select_n3A_461 = arith.select %ne3A_458, %iota3A, %broadcast_in_dim3A_460 : vector<1024x128xi1>, vector<1024x128xi32>
    %reduce_min3A_462 = arith.constant dense<2147483647> : vector<1024xi32>
    %reduce_min3A_463 = vector.multi_reduction <minsi>, %select_n3A_461, %reduce_min3A_462 [1] : vector<1024x128xi32> to vector<1024xi32>
    %broadcast_in_dim3A_464 = vector.shape_cast %reduce_min3A_463 : vector<1024xi32> to vector<1024x1xi32>
    %eq3A_465 = vector.broadcast %broadcast_in_dim3A_464 : vector<1024x1xi32> to vector<1024x128xi32>
    %eq3A_466 = arith.cmpi eq, %iota3A, %eq3A_465 : vector<1024x128xi32>
    %jit3A_467 = arith.constant 0 : i32
    %broadcast_in_dim3A_468 = vector.broadcast %jit3A_467 : i32 to vector<1024x128xi32>
    %select_n3A_469 = arith.select %eq3A_466, %select_n3A_455, %broadcast_in_dim3A_468 : vector<1024x128xi1>, vector<1024x128xi32>
    %reduce_sum3A_470 = arith.constant dense<0> : vector<1024xi32>
    %reduce_sum3A_471 = vector.multi_reduction <add>, %select_n3A_469, %reduce_sum3A_470 [1] : vector<1024x128xi32> to vector<1024xi32>
    %broadcast_in_dim3A_472 = vector.shape_cast %reduce_sum3A_471 : vector<1024xi32> to vector<1024x1xi32>
    %neg3A_473 = arith.constant 0 : i32
    %neg3A_474 = vector.broadcast %neg3A_473 : i32 to vector<1024x1xi32>
    %neg3A_475 = arith.subi %neg3A_474, %broadcast_in_dim3A_472 : vector<1024x1xi32>
    %and3A_476 = arith.andi %broadcast_in_dim3A_472, %neg3A_475 : vector<1024x1xi32>
    %convert_element_type3A_477 = arith.sitofp %and3A_476 : vector<1024x1xi32> to vector<1024x1xf32>
    %abs3A_478 = math.absf %convert_element_type3A_477 : vector<1024x1xf32>
    %bitcast_convert_type3A_479 = tpu.bitcast %abs3A_478 : vector<1024x1xf32> -> vector<1024x1xi32>
    %shift_right_arithmetic3A_480 = arith.constant 23 : i32
    %shift_right_arithmetic3A_481 = vector.broadcast %shift_right_arithmetic3A_480 : i32 to vector<1024x1xi32>
    %shift_right_arithmetic3A_482 = arith.shrsi %bitcast_convert_type3A_479, %shift_right_arithmetic3A_481 : vector<1024x1xi32>
    %sub3A_483 = arith.constant 127 : i32
    %sub3A_484 = vector.broadcast %sub3A_483 : i32 to vector<1024x1xi32>
    %sub3A_485 = arith.subi %shift_right_arithmetic3A_482, %sub3A_484 : vector<1024x1xi32>
    %mul3A_486 = arith.constant 32 : i32
    %mul3A_487 = vector.broadcast %mul3A_486 : i32 to vector<1024x1xi32>
    %mul3A_488 = arith.muli %broadcast_in_dim3A_464, %mul3A_487 : vector<1024x1xi32>
    %add3A_489 = arith.addi %mul3A_488, %sub3A_485 : vector<1024x1xi32>
    %lt3A_490 = arith.constant 128 : i32
    %lt3A_491 = vector.broadcast %lt3A_490 : i32 to vector<1024x1xi32>
    %lt3A_492 = arith.cmpi slt, %broadcast_in_dim3A_464, %lt3A_491 : vector<1024x1xi32>
    %add3A_493 = arith.constant 0 : i32
    %add3A_494 = vector.broadcast %add3A_493 : i32 to vector<1024x1xi32>
    %add3A_495 = arith.addi %add3A_489, %add3A_494 : vector<1024x1xi32>
    %select_n3A_496 = arith.select %lt3A_492, %add3A_495, %add3A_82 : vector<1024x1xi1>, vector<1024x1xi32>
    %swap3A_497 = arith.constant 0 : index
    %swap3A_498 = arith.constant 0 : index
    %swap3A_499 = arith.constant 8 : index
    %swap3A_500 = vector.load %arg6[%swap3A_497, %swap3A_498, %swap3A_499] : memref<1x1024x16xi32, #tpu.memory_space<vmem>>, vector<1x1024x1xi32>
    %swap3A_501 = vector.shape_cast %swap3A_500 : vector<1x1024x1xi32> to vector<1024x1xi32>
    %swap3A_502 = vector.shape_cast %select_n3A_496 : vector<1024x1xi32> to vector<1x1024x1xi32>
    tpu.vector_store %arg6[%swap3A_497, %swap3A_498, %swap3A_499], %swap3A_502 {strides = array<i32>} : memref<1x1024x16xi32, #tpu.memory_space<vmem>>, vector<1x1024x1xi32>,
    %not3A_503 = arith.constant dense<-1> : vector<1024x1xi32>
    %not3A_504 = arith.xori %and3A_476, %not3A_503 : vector<1024x1xi32>
    %and3A_505 = vector.broadcast %not3A_504 : vector<1024x1xi32> to vector<1024x128xi32>
    %and3A_506 = arith.andi %select_n3A_455, %and3A_505 : vector<1024x128xi32>
    %select_n3A_507 = arith.select %eq3A_466, %and3A_506, %select_n3A_455 : vector<1024x128xi1>, vector<1024x128xi32>
    %ne3A_508 = arith.constant 0 : i32
    %ne3A_509 = vector.broadcast %ne3A_508 : i32 to vector<1024x128xi32>
    %ne3A_510 = arith.cmpi ne, %select_n3A_507, %ne3A_509 : vector<1024x128xi32>
    %jit3A_511 = arith.constant 128 : i32
    %broadcast_in_dim3A_512 = vector.broadcast %jit3A_511 : i32 to vector<1024x128xi32>
    %select_n3A_513 = arith.select %ne3A_510, %iota3A, %broadcast_in_dim3A_512 : vector<1024x128xi1>, vector<1024x128xi32>
    %reduce_min3A_514 = arith.constant dense<2147483647> : vector<1024xi32>
    %reduce_min3A_515 = vector.multi_reduction <minsi>, %select_n3A_513, %reduce_min3A_514 [1] : vector<1024x128xi32> to vector<1024xi32>
    %broadcast_in_dim3A_516 = vector.shape_cast %reduce_min3A_515 : vector<1024xi32> to vector<1024x1xi32>
    %eq3A_517 = vector.broadcast %broadcast_in_dim3A_516 : vector<1024x1xi32> to vector<1024x128xi32>
    %eq3A_518 = arith.cmpi eq, %iota3A, %eq3A_517 : vector<1024x128xi32>
    %jit3A_519 = arith.constant 0 : i32
    %broadcast_in_dim3A_520 = vector.broadcast %jit3A_519 : i32 to vector<1024x128xi32>
    %select_n3A_521 = arith.select %eq3A_518, %select_n3A_507, %broadcast_in_dim3A_520 : vector<1024x128xi1>, vector<1024x128xi32>
    %reduce_sum3A_522 = arith.constant dense<0> : vector<1024xi32>
    %reduce_sum3A_523 = vector.multi_reduction <add>, %select_n3A_521, %reduce_sum3A_522 [1] : vector<1024x128xi32> to vector<1024xi32>
    %broadcast_in_dim3A_524 = vector.shape_cast %reduce_sum3A_523 : vector<1024xi32> to vector<1024x1xi32>
    %neg3A_525 = arith.constant 0 : i32
    %neg3A_526 = vector.broadcast %neg3A_525 : i32 to vector<1024x1xi32>
    %neg3A_527 = arith.subi %neg3A_526, %broadcast_in_dim3A_524 : vector<1024x1xi32>
    %and3A_528 = arith.andi %broadcast_in_dim3A_524, %neg3A_527 : vector<1024x1xi32>
    %convert_element_type3A_529 = arith.sitofp %and3A_528 : vector<1024x1xi32> to vector<1024x1xf32>
    %abs3A_530 = math.absf %convert_element_type3A_529 : vector<1024x1xf32>
    %bitcast_convert_type3A_531 = tpu.bitcast %abs3A_530 : vector<1024x1xf32> -> vector<1024x1xi32>
    %shift_right_arithmetic3A_532 = arith.constant 23 : i32
    %shift_right_arithmetic3A_533 = vector.broadcast %shift_right_arithmetic3A_532 : i32 to vector<1024x1xi32>
    %shift_right_arithmetic3A_534 = arith.shrsi %bitcast_convert_type3A_531, %shift_right_arithmetic3A_533 : vector<1024x1xi32>
    %sub3A_535 = arith.constant 127 : i32
    %sub3A_536 = vector.broadcast %sub3A_535 : i32 to vector<1024x1xi32>
    %sub3A_537 = arith.subi %shift_right_arithmetic3A_534, %sub3A_536 : vector<1024x1xi32>
    %mul3A_538 = arith.constant 32 : i32
    %mul3A_539 = vector.broadcast %mul3A_538 : i32 to vector<1024x1xi32>
    %mul3A_540 = arith.muli %broadcast_in_dim3A_516, %mul3A_539 : vector<1024x1xi32>
    %add3A_541 = arith.addi %mul3A_540, %sub3A_537 : vector<1024x1xi32>
    %lt3A_542 = arith.constant 128 : i32
    %lt3A_543 = vector.broadcast %lt3A_542 : i32 to vector<1024x1xi32>
    %lt3A_544 = arith.cmpi slt, %broadcast_in_dim3A_516, %lt3A_543 : vector<1024x1xi32>
    %add3A_545 = arith.constant 0 : i32
    %add3A_546 = vector.broadcast %add3A_545 : i32 to vector<1024x1xi32>
    %add3A_547 = arith.addi %add3A_541, %add3A_546 : vector<1024x1xi32>
    %select_n3A_548 = arith.select %lt3A_544, %add3A_547, %add3A_82 : vector<1024x1xi1>, vector<1024x1xi32>
    %swap3A_549 = arith.constant 0 : index
    %swap3A_550 = arith.constant 0 : index
    %swap3A_551 = arith.constant 9 : index
    %swap3A_552 = vector.load %arg6[%swap3A_549, %swap3A_550, %swap3A_551] : memref<1x1024x16xi32, #tpu.memory_space<vmem>>, vector<1x1024x1xi32>
    %swap3A_553 = vector.shape_cast %swap3A_552 : vector<1x1024x1xi32> to vector<1024x1xi32>
    %swap3A_554 = vector.shape_cast %select_n3A_548 : vector<1024x1xi32> to vector<1x1024x1xi32>
    tpu.vector_store %arg6[%swap3A_549, %swap3A_550, %swap3A_551], %swap3A_554 {strides = array<i32>} : memref<1x1024x16xi32, #tpu.memory_space<vmem>>, vector<1x1024x1xi32>,
    %not3A_555 = arith.constant dense<-1> : vector<1024x1xi32>
    %not3A_556 = arith.xori %and3A_528, %not3A_555 : vector<1024x1xi32>
    %and3A_557 = vector.broadcast %not3A_556 : vector<1024x1xi32> to vector<1024x128xi32>
    %and3A_558 = arith.andi %select_n3A_507, %and3A_557 : vector<1024x128xi32>
    %select_n3A_559 = arith.select %eq3A_518, %and3A_558, %select_n3A_507 : vector<1024x128xi1>, vector<1024x128xi32>
    %ne3A_560 = arith.constant 0 : i32
    %ne3A_561 = vector.broadcast %ne3A_560 : i32 to vector<1024x128xi32>
    %ne3A_562 = arith.cmpi ne, %select_n3A_559, %ne3A_561 : vector<1024x128xi32>
    %jit3A_563 = arith.constant 128 : i32
    %broadcast_in_dim3A_564 = vector.broadcast %jit3A_563 : i32 to vector<1024x128xi32>
    %select_n3A_565 = arith.select %ne3A_562, %iota3A, %broadcast_in_dim3A_564 : vector<1024x128xi1>, vector<1024x128xi32>
    %reduce_min3A_566 = arith.constant dense<2147483647> : vector<1024xi32>
    %reduce_min3A_567 = vector.multi_reduction <minsi>, %select_n3A_565, %reduce_min3A_566 [1] : vector<1024x128xi32> to vector<1024xi32>
    %broadcast_in_dim3A_568 = vector.shape_cast %reduce_min3A_567 : vector<1024xi32> to vector<1024x1xi32>
    %eq3A_569 = vector.broadcast %broadcast_in_dim3A_568 : vector<1024x1xi32> to vector<1024x128xi32>
    %eq3A_570 = arith.cmpi eq, %iota3A, %eq3A_569 : vector<1024x128xi32>
    %jit3A_571 = arith.constant 0 : i32
    %broadcast_in_dim3A_572 = vector.broadcast %jit3A_571 : i32 to vector<1024x128xi32>
    %select_n3A_573 = arith.select %eq3A_570, %select_n3A_559, %broadcast_in_dim3A_572 : vector<1024x128xi1>, vector<1024x128xi32>
    %reduce_sum3A_574 = arith.constant dense<0> : vector<1024xi32>
    %reduce_sum3A_575 = vector.multi_reduction <add>, %select_n3A_573, %reduce_sum3A_574 [1] : vector<1024x128xi32> to vector<1024xi32>
    %broadcast_in_dim3A_576 = vector.shape_cast %reduce_sum3A_575 : vector<1024xi32> to vector<1024x1xi32>
    %neg3A_577 = arith.constant 0 : i32
    %neg3A_578 = vector.broadcast %neg3A_577 : i32 to vector<1024x1xi32>
    %neg3A_579 = arith.subi %neg3A_578, %broadcast_in_dim3A_576 : vector<1024x1xi32>
    %and3A_580 = arith.andi %broadcast_in_dim3A_576, %neg3A_579 : vector<1024x1xi32>
    %convert_element_type3A_581 = arith.sitofp %and3A_580 : vector<1024x1xi32> to vector<1024x1xf32>
    %abs3A_582 = math.absf %convert_element_type3A_581 : vector<1024x1xf32>
    %bitcast_convert_type3A_583 = tpu.bitcast %abs3A_582 : vector<1024x1xf32> -> vector<1024x1xi32>
    %shift_right_arithmetic3A_584 = arith.constant 23 : i32
    %shift_right_arithmetic3A_585 = vector.broadcast %shift_right_arithmetic3A_584 : i32 to vector<1024x1xi32>
    %shift_right_arithmetic3A_586 = arith.shrsi %bitcast_convert_type3A_583, %shift_right_arithmetic3A_585 : vector<1024x1xi32>
    %sub3A_587 = arith.constant 127 : i32
    %sub3A_588 = vector.broadcast %sub3A_587 : i32 to vector<1024x1xi32>
    %sub3A_589 = arith.subi %shift_right_arithmetic3A_586, %sub3A_588 : vector<1024x1xi32>
    %mul3A_590 = arith.constant 32 : i32
    %mul3A_591 = vector.broadcast %mul3A_590 : i32 to vector<1024x1xi32>
    %mul3A_592 = arith.muli %broadcast_in_dim3A_568, %mul3A_591 : vector<1024x1xi32>
    %add3A_593 = arith.addi %mul3A_592, %sub3A_589 : vector<1024x1xi32>
    %lt3A_594 = arith.constant 128 : i32
    %lt3A_595 = vector.broadcast %lt3A_594 : i32 to vector<1024x1xi32>
    %lt3A_596 = arith.cmpi slt, %broadcast_in_dim3A_568, %lt3A_595 : vector<1024x1xi32>
    %add3A_597 = arith.constant 0 : i32
    %add3A_598 = vector.broadcast %add3A_597 : i32 to vector<1024x1xi32>
    %add3A_599 = arith.addi %add3A_593, %add3A_598 : vector<1024x1xi32>
    %select_n3A_600 = arith.select %lt3A_596, %add3A_599, %add3A_82 : vector<1024x1xi1>, vector<1024x1xi32>
    %swap3A_601 = arith.constant 0 : index
    %swap3A_602 = arith.constant 0 : index
    %swap3A_603 = arith.constant 10 : index
    %swap3A_604 = vector.load %arg6[%swap3A_601, %swap3A_602, %swap3A_603] : memref<1x1024x16xi32, #tpu.memory_space<vmem>>, vector<1x1024x1xi32>
    %swap3A_605 = vector.shape_cast %swap3A_604 : vector<1x1024x1xi32> to vector<1024x1xi32>
    %swap3A_606 = vector.shape_cast %select_n3A_600 : vector<1024x1xi32> to vector<1x1024x1xi32>
    tpu.vector_store %arg6[%swap3A_601, %swap3A_602, %swap3A_603], %swap3A_606 {strides = array<i32>} : memref<1x1024x16xi32, #tpu.memory_space<vmem>>, vector<1x1024x1xi32>,
    %not3A_607 = arith.constant dense<-1> : vector<1024x1xi32>
    %not3A_608 = arith.xori %and3A_580, %not3A_607 : vector<1024x1xi32>
    %and3A_609 = vector.broadcast %not3A_608 : vector<1024x1xi32> to vector<1024x128xi32>
    %and3A_610 = arith.andi %select_n3A_559, %and3A_609 : vector<1024x128xi32>
    %select_n3A_611 = arith.select %eq3A_570, %and3A_610, %select_n3A_559 : vector<1024x128xi1>, vector<1024x128xi32>
    %ne3A_612 = arith.constant 0 : i32
    %ne3A_613 = vector.broadcast %ne3A_612 : i32 to vector<1024x128xi32>
    %ne3A_614 = arith.cmpi ne, %select_n3A_611, %ne3A_613 : vector<1024x128xi32>
    %jit3A_615 = arith.constant 128 : i32
    %broadcast_in_dim3A_616 = vector.broadcast %jit3A_615 : i32 to vector<1024x128xi32>
    %select_n3A_617 = arith.select %ne3A_614, %iota3A, %broadcast_in_dim3A_616 : vector<1024x128xi1>, vector<1024x128xi32>
    %reduce_min3A_618 = arith.constant dense<2147483647> : vector<1024xi32>
    %reduce_min3A_619 = vector.multi_reduction <minsi>, %select_n3A_617, %reduce_min3A_618 [1] : vector<1024x128xi32> to vector<1024xi32>
    %broadcast_in_dim3A_620 = vector.shape_cast %reduce_min3A_619 : vector<1024xi32> to vector<1024x1xi32>
    %eq3A_621 = vector.broadcast %broadcast_in_dim3A_620 : vector<1024x1xi32> to vector<1024x128xi32>
    %eq3A_622 = arith.cmpi eq, %iota3A, %eq3A_621 : vector<1024x128xi32>
    %jit3A_623 = arith.constant 0 : i32
    %broadcast_in_dim3A_624 = vector.broadcast %jit3A_623 : i32 to vector<1024x128xi32>
    %select_n3A_625 = arith.select %eq3A_622, %select_n3A_611, %broadcast_in_dim3A_624 : vector<1024x128xi1>, vector<1024x128xi32>
    %reduce_sum3A_626 = arith.constant dense<0> : vector<1024xi32>
    %reduce_sum3A_627 = vector.multi_reduction <add>, %select_n3A_625, %reduce_sum3A_626 [1] : vector<1024x128xi32> to vector<1024xi32>
    %broadcast_in_dim3A_628 = vector.shape_cast %reduce_sum3A_627 : vector<1024xi32> to vector<1024x1xi32>
    %neg3A_629 = arith.constant 0 : i32
    %neg3A_630 = vector.broadcast %neg3A_629 : i32 to vector<1024x1xi32>
    %neg3A_631 = arith.subi %neg3A_630, %broadcast_in_dim3A_628 : vector<1024x1xi32>
    %and3A_632 = arith.andi %broadcast_in_dim3A_628, %neg3A_631 : vector<1024x1xi32>
    %convert_element_type3A_633 = arith.sitofp %and3A_632 : vector<1024x1xi32> to vector<1024x1xf32>
    %abs3A_634 = math.absf %convert_element_type3A_633 : vector<1024x1xf32>
    %bitcast_convert_type3A_635 = tpu.bitcast %abs3A_634 : vector<1024x1xf32> -> vector<1024x1xi32>
    %shift_right_arithmetic3A_636 = arith.constant 23 : i32
    %shift_right_arithmetic3A_637 = vector.broadcast %shift_right_arithmetic3A_636 : i32 to vector<1024x1xi32>
    %shift_right_arithmetic3A_638 = arith.shrsi %bitcast_convert_type3A_635, %shift_right_arithmetic3A_637 : vector<1024x1xi32>
    %sub3A_639 = arith.constant 127 : i32
    %sub3A_640 = vector.broadcast %sub3A_639 : i32 to vector<1024x1xi32>
    %sub3A_641 = arith.subi %shift_right_arithmetic3A_638, %sub3A_640 : vector<1024x1xi32>
    %mul3A_642 = arith.constant 32 : i32
    %mul3A_643 = vector.broadcast %mul3A_642 : i32 to vector<1024x1xi32>
    %mul3A_644 = arith.muli %broadcast_in_dim3A_620, %mul3A_643 : vector<1024x1xi32>
    %add3A_645 = arith.addi %mul3A_644, %sub3A_641 : vector<1024x1xi32>
    %lt3A_646 = arith.constant 128 : i32
    %lt3A_647 = vector.broadcast %lt3A_646 : i32 to vector<1024x1xi32>
    %lt3A_648 = arith.cmpi slt, %broadcast_in_dim3A_620, %lt3A_647 : vector<1024x1xi32>
    %add3A_649 = arith.constant 0 : i32
    %add3A_650 = vector.broadcast %add3A_649 : i32 to vector<1024x1xi32>
    %add3A_651 = arith.addi %add3A_645, %add3A_650 : vector<1024x1xi32>
    %select_n3A_652 = arith.select %lt3A_648, %add3A_651, %add3A_82 : vector<1024x1xi1>, vector<1024x1xi32>
    %swap3A_653 = arith.constant 0 : index
    %swap3A_654 = arith.constant 0 : index
    %swap3A_655 = arith.constant 11 : index
    %swap3A_656 = vector.load %arg6[%swap3A_653, %swap3A_654, %swap3A_655] : memref<1x1024x16xi32, #tpu.memory_space<vmem>>, vector<1x1024x1xi32>
    %swap3A_657 = vector.shape_cast %swap3A_656 : vector<1x1024x1xi32> to vector<1024x1xi32>
    %swap3A_658 = vector.shape_cast %select_n3A_652 : vector<1024x1xi32> to vector<1x1024x1xi32>
    tpu.vector_store %arg6[%swap3A_653, %swap3A_654, %swap3A_655], %swap3A_658 {strides = array<i32>} : memref<1x1024x16xi32, #tpu.memory_space<vmem>>, vector<1x1024x1xi32>,
    %not3A_659 = arith.constant dense<-1> : vector<1024x1xi32>
    %not3A_660 = arith.xori %and3A_632, %not3A_659 : vector<1024x1xi32>
    %and3A_661 = vector.broadcast %not3A_660 : vector<1024x1xi32> to vector<1024x128xi32>
    %and3A_662 = arith.andi %select_n3A_611, %and3A_661 : vector<1024x128xi32>
    %select_n3A_663 = arith.select %eq3A_622, %and3A_662, %select_n3A_611 : vector<1024x128xi1>, vector<1024x128xi32>
    %ne3A_664 = arith.constant 0 : i32
    %ne3A_665 = vector.broadcast %ne3A_664 : i32 to vector<1024x128xi32>
    %ne3A_666 = arith.cmpi ne, %select_n3A_663, %ne3A_665 : vector<1024x128xi32>
    %jit3A_667 = arith.constant 128 : i32
    %broadcast_in_dim3A_668 = vector.broadcast %jit3A_667 : i32 to vector<1024x128xi32>
    %select_n3A_669 = arith.select %ne3A_666, %iota3A, %broadcast_in_dim3A_668 : vector<1024x128xi1>, vector<1024x128xi32>
    %reduce_min3A_670 = arith.constant dense<2147483647> : vector<1024xi32>
    %reduce_min3A_671 = vector.multi_reduction <minsi>, %select_n3A_669, %reduce_min3A_670 [1] : vector<1024x128xi32> to vector<1024xi32>
    %broadcast_in_dim3A_672 = vector.shape_cast %reduce_min3A_671 : vector<1024xi32> to vector<1024x1xi32>
    %eq3A_673 = vector.broadcast %broadcast_in_dim3A_672 : vector<1024x1xi32> to vector<1024x128xi32>
    %eq3A_674 = arith.cmpi eq, %iota3A, %eq3A_673 : vector<1024x128xi32>
    %jit3A_675 = arith.constant 0 : i32
    %broadcast_in_dim3A_676 = vector.broadcast %jit3A_675 : i32 to vector<1024x128xi32>
    %select_n3A_677 = arith.select %eq3A_674, %select_n3A_663, %broadcast_in_dim3A_676 : vector<1024x128xi1>, vector<1024x128xi32>
    %reduce_sum3A_678 = arith.constant dense<0> : vector<1024xi32>
    %reduce_sum3A_679 = vector.multi_reduction <add>, %select_n3A_677, %reduce_sum3A_678 [1] : vector<1024x128xi32> to vector<1024xi32>
    %broadcast_in_dim3A_680 = vector.shape_cast %reduce_sum3A_679 : vector<1024xi32> to vector<1024x1xi32>
    %neg3A_681 = arith.constant 0 : i32
    %neg3A_682 = vector.broadcast %neg3A_681 : i32 to vector<1024x1xi32>
    %neg3A_683 = arith.subi %neg3A_682, %broadcast_in_dim3A_680 : vector<1024x1xi32>
    %and3A_684 = arith.andi %broadcast_in_dim3A_680, %neg3A_683 : vector<1024x1xi32>
    %convert_element_type3A_685 = arith.sitofp %and3A_684 : vector<1024x1xi32> to vector<1024x1xf32>
    %abs3A_686 = math.absf %convert_element_type3A_685 : vector<1024x1xf32>
    %bitcast_convert_type3A_687 = tpu.bitcast %abs3A_686 : vector<1024x1xf32> -> vector<1024x1xi32>
    %shift_right_arithmetic3A_688 = arith.constant 23 : i32
    %shift_right_arithmetic3A_689 = vector.broadcast %shift_right_arithmetic3A_688 : i32 to vector<1024x1xi32>
    %shift_right_arithmetic3A_690 = arith.shrsi %bitcast_convert_type3A_687, %shift_right_arithmetic3A_689 : vector<1024x1xi32>
    %sub3A_691 = arith.constant 127 : i32
    %sub3A_692 = vector.broadcast %sub3A_691 : i32 to vector<1024x1xi32>
    %sub3A_693 = arith.subi %shift_right_arithmetic3A_690, %sub3A_692 : vector<1024x1xi32>
    %mul3A_694 = arith.constant 32 : i32
    %mul3A_695 = vector.broadcast %mul3A_694 : i32 to vector<1024x1xi32>
    %mul3A_696 = arith.muli %broadcast_in_dim3A_672, %mul3A_695 : vector<1024x1xi32>
    %add3A_697 = arith.addi %mul3A_696, %sub3A_693 : vector<1024x1xi32>
    %lt3A_698 = arith.constant 128 : i32
    %lt3A_699 = vector.broadcast %lt3A_698 : i32 to vector<1024x1xi32>
    %lt3A_700 = arith.cmpi slt, %broadcast_in_dim3A_672, %lt3A_699 : vector<1024x1xi32>
    %add3A_701 = arith.constant 0 : i32
    %add3A_702 = vector.broadcast %add3A_701 : i32 to vector<1024x1xi32>
    %add3A_703 = arith.addi %add3A_697, %add3A_702 : vector<1024x1xi32>
    %select_n3A_704 = arith.select %lt3A_700, %add3A_703, %add3A_82 : vector<1024x1xi1>, vector<1024x1xi32>
    %swap3A_705 = arith.constant 0 : index
    %swap3A_706 = arith.constant 0 : index
    %swap3A_707 = arith.constant 12 : index
    %swap3A_708 = vector.load %arg6[%swap3A_705, %swap3A_706, %swap3A_707] : memref<1x1024x16xi32, #tpu.memory_space<vmem>>, vector<1x1024x1xi32>
    %swap3A_709 = vector.shape_cast %swap3A_708 : vector<1x1024x1xi32> to vector<1024x1xi32>
    %swap3A_710 = vector.shape_cast %select_n3A_704 : vector<1024x1xi32> to vector<1x1024x1xi32>
    tpu.vector_store %arg6[%swap3A_705, %swap3A_706, %swap3A_707], %swap3A_710 {strides = array<i32>} : memref<1x1024x16xi32, #tpu.memory_space<vmem>>, vector<1x1024x1xi32>,
    %not3A_711 = arith.constant dense<-1> : vector<1024x1xi32>
    %not3A_712 = arith.xori %and3A_684, %not3A_711 : vector<1024x1xi32>
    %and3A_713 = vector.broadcast %not3A_712 : vector<1024x1xi32> to vector<1024x128xi32>
    %and3A_714 = arith.andi %select_n3A_663, %and3A_713 : vector<1024x128xi32>
    %select_n3A_715 = arith.select %eq3A_674, %and3A_714, %select_n3A_663 : vector<1024x128xi1>, vector<1024x128xi32>
    %ne3A_716 = arith.constant 0 : i32
    %ne3A_717 = vector.broadcast %ne3A_716 : i32 to vector<1024x128xi32>
    %ne3A_718 = arith.cmpi ne, %select_n3A_715, %ne3A_717 : vector<1024x128xi32>
    %jit3A_719 = arith.constant 128 : i32
    %broadcast_in_dim3A_720 = vector.broadcast %jit3A_719 : i32 to vector<1024x128xi32>
    %select_n3A_721 = arith.select %ne3A_718, %iota3A, %broadcast_in_dim3A_720 : vector<1024x128xi1>, vector<1024x128xi32>
    %reduce_min3A_722 = arith.constant dense<2147483647> : vector<1024xi32>
    %reduce_min3A_723 = vector.multi_reduction <minsi>, %select_n3A_721, %reduce_min3A_722 [1] : vector<1024x128xi32> to vector<1024xi32>
    %broadcast_in_dim3A_724 = vector.shape_cast %reduce_min3A_723 : vector<1024xi32> to vector<1024x1xi32>
    %eq3A_725 = vector.broadcast %broadcast_in_dim3A_724 : vector<1024x1xi32> to vector<1024x128xi32>
    %eq3A_726 = arith.cmpi eq, %iota3A, %eq3A_725 : vector<1024x128xi32>
    %jit3A_727 = arith.constant 0 : i32
    %broadcast_in_dim3A_728 = vector.broadcast %jit3A_727 : i32 to vector<1024x128xi32>
    %select_n3A_729 = arith.select %eq3A_726, %select_n3A_715, %broadcast_in_dim3A_728 : vector<1024x128xi1>, vector<1024x128xi32>
    %reduce_sum3A_730 = arith.constant dense<0> : vector<1024xi32>
    %reduce_sum3A_731 = vector.multi_reduction <add>, %select_n3A_729, %reduce_sum3A_730 [1] : vector<1024x128xi32> to vector<1024xi32>
    %broadcast_in_dim3A_732 = vector.shape_cast %reduce_sum3A_731 : vector<1024xi32> to vector<1024x1xi32>
    %neg3A_733 = arith.constant 0 : i32
    %neg3A_734 = vector.broadcast %neg3A_733 : i32 to vector<1024x1xi32>
    %neg3A_735 = arith.subi %neg3A_734, %broadcast_in_dim3A_732 : vector<1024x1xi32>
    %and3A_736 = arith.andi %broadcast_in_dim3A_732, %neg3A_735 : vector<1024x1xi32>
    %convert_element_type3A_737 = arith.sitofp %and3A_736 : vector<1024x1xi32> to vector<1024x1xf32>
    %abs3A_738 = math.absf %convert_element_type3A_737 : vector<1024x1xf32>
    %bitcast_convert_type3A_739 = tpu.bitcast %abs3A_738 : vector<1024x1xf32> -> vector<1024x1xi32>
    %shift_right_arithmetic3A_740 = arith.constant 23 : i32
    %shift_right_arithmetic3A_741 = vector.broadcast %shift_right_arithmetic3A_740 : i32 to vector<1024x1xi32>
    %shift_right_arithmetic3A_742 = arith.shrsi %bitcast_convert_type3A_739, %shift_right_arithmetic3A_741 : vector<1024x1xi32>
    %sub3A_743 = arith.constant 127 : i32
    %sub3A_744 = vector.broadcast %sub3A_743 : i32 to vector<1024x1xi32>
    %sub3A_745 = arith.subi %shift_right_arithmetic3A_742, %sub3A_744 : vector<1024x1xi32>
    %mul3A_746 = arith.constant 32 : i32
    %mul3A_747 = vector.broadcast %mul3A_746 : i32 to vector<1024x1xi32>
    %mul3A_748 = arith.muli %broadcast_in_dim3A_724, %mul3A_747 : vector<1024x1xi32>
    %add3A_749 = arith.addi %mul3A_748, %sub3A_745 : vector<1024x1xi32>
    %lt3A_750 = arith.constant 128 : i32
    %lt3A_751 = vector.broadcast %lt3A_750 : i32 to vector<1024x1xi32>
    %lt3A_752 = arith.cmpi slt, %broadcast_in_dim3A_724, %lt3A_751 : vector<1024x1xi32>
    %add3A_753 = arith.constant 0 : i32
    %add3A_754 = vector.broadcast %add3A_753 : i32 to vector<1024x1xi32>
    %add3A_755 = arith.addi %add3A_749, %add3A_754 : vector<1024x1xi32>
    %select_n3A_756 = arith.select %lt3A_752, %add3A_755, %add3A_82 : vector<1024x1xi1>, vector<1024x1xi32>
    %swap3A_757 = arith.constant 0 : index
    %swap3A_758 = arith.constant 0 : index
    %swap3A_759 = arith.constant 13 : index
    %swap3A_760 = vector.load %arg6[%swap3A_757, %swap3A_758, %swap3A_759] : memref<1x1024x16xi32, #tpu.memory_space<vmem>>, vector<1x1024x1xi32>
    %swap3A_761 = vector.shape_cast %swap3A_760 : vector<1x1024x1xi32> to vector<1024x1xi32>
    %swap3A_762 = vector.shape_cast %select_n3A_756 : vector<1024x1xi32> to vector<1x1024x1xi32>
    tpu.vector_store %arg6[%swap3A_757, %swap3A_758, %swap3A_759], %swap3A_762 {strides = array<i32>} : memref<1x1024x16xi32, #tpu.memory_space<vmem>>, vector<1x1024x1xi32>,
    %not3A_763 = arith.constant dense<-1> : vector<1024x1xi32>
    %not3A_764 = arith.xori %and3A_736, %not3A_763 : vector<1024x1xi32>
    %and3A_765 = vector.broadcast %not3A_764 : vector<1024x1xi32> to vector<1024x128xi32>
    %and3A_766 = arith.andi %select_n3A_715, %and3A_765 : vector<1024x128xi32>
    %select_n3A_767 = arith.select %eq3A_726, %and3A_766, %select_n3A_715 : vector<1024x128xi1>, vector<1024x128xi32>
    %ne3A_768 = arith.constant 0 : i32
    %ne3A_769 = vector.broadcast %ne3A_768 : i32 to vector<1024x128xi32>
    %ne3A_770 = arith.cmpi ne, %select_n3A_767, %ne3A_769 : vector<1024x128xi32>
    %jit3A_771 = arith.constant 128 : i32
    %broadcast_in_dim3A_772 = vector.broadcast %jit3A_771 : i32 to vector<1024x128xi32>
    %select_n3A_773 = arith.select %ne3A_770, %iota3A, %broadcast_in_dim3A_772 : vector<1024x128xi1>, vector<1024x128xi32>
    %reduce_min3A_774 = arith.constant dense<2147483647> : vector<1024xi32>
    %reduce_min3A_775 = vector.multi_reduction <minsi>, %select_n3A_773, %reduce_min3A_774 [1] : vector<1024x128xi32> to vector<1024xi32>
    %broadcast_in_dim3A_776 = vector.shape_cast %reduce_min3A_775 : vector<1024xi32> to vector<1024x1xi32>
    %eq3A_777 = vector.broadcast %broadcast_in_dim3A_776 : vector<1024x1xi32> to vector<1024x128xi32>
    %eq3A_778 = arith.cmpi eq, %iota3A, %eq3A_777 : vector<1024x128xi32>
    %jit3A_779 = arith.constant 0 : i32
    %broadcast_in_dim3A_780 = vector.broadcast %jit3A_779 : i32 to vector<1024x128xi32>
    %select_n3A_781 = arith.select %eq3A_778, %select_n3A_767, %broadcast_in_dim3A_780 : vector<1024x128xi1>, vector<1024x128xi32>
    %reduce_sum3A_782 = arith.constant dense<0> : vector<1024xi32>
    %reduce_sum3A_783 = vector.multi_reduction <add>, %select_n3A_781, %reduce_sum3A_782 [1] : vector<1024x128xi32> to vector<1024xi32>
    %broadcast_in_dim3A_784 = vector.shape_cast %reduce_sum3A_783 : vector<1024xi32> to vector<1024x1xi32>
    %neg3A_785 = arith.constant 0 : i32
    %neg3A_786 = vector.broadcast %neg3A_785 : i32 to vector<1024x1xi32>
    %neg3A_787 = arith.subi %neg3A_786, %broadcast_in_dim3A_784 : vector<1024x1xi32>
    %and3A_788 = arith.andi %broadcast_in_dim3A_784, %neg3A_787 : vector<1024x1xi32>
    %convert_element_type3A_789 = arith.sitofp %and3A_788 : vector<1024x1xi32> to vector<1024x1xf32>
    %abs3A_790 = math.absf %convert_element_type3A_789 : vector<1024x1xf32>
    %bitcast_convert_type3A_791 = tpu.bitcast %abs3A_790 : vector<1024x1xf32> -> vector<1024x1xi32>
    %shift_right_arithmetic3A_792 = arith.constant 23 : i32
    %shift_right_arithmetic3A_793 = vector.broadcast %shift_right_arithmetic3A_792 : i32 to vector<1024x1xi32>
    %shift_right_arithmetic3A_794 = arith.shrsi %bitcast_convert_type3A_791, %shift_right_arithmetic3A_793 : vector<1024x1xi32>
    %sub3A_795 = arith.constant 127 : i32
    %sub3A_796 = vector.broadcast %sub3A_795 : i32 to vector<1024x1xi32>
    %sub3A_797 = arith.subi %shift_right_arithmetic3A_794, %sub3A_796 : vector<1024x1xi32>
    %mul3A_798 = arith.constant 32 : i32
    %mul3A_799 = vector.broadcast %mul3A_798 : i32 to vector<1024x1xi32>
    %mul3A_800 = arith.muli %broadcast_in_dim3A_776, %mul3A_799 : vector<1024x1xi32>
    %add3A_801 = arith.addi %mul3A_800, %sub3A_797 : vector<1024x1xi32>
    %lt3A_802 = arith.constant 128 : i32
    %lt3A_803 = vector.broadcast %lt3A_802 : i32 to vector<1024x1xi32>
    %lt3A_804 = arith.cmpi slt, %broadcast_in_dim3A_776, %lt3A_803 : vector<1024x1xi32>
    %add3A_805 = arith.constant 0 : i32
    %add3A_806 = vector.broadcast %add3A_805 : i32 to vector<1024x1xi32>
    %add3A_807 = arith.addi %add3A_801, %add3A_806 : vector<1024x1xi32>
    %select_n3A_808 = arith.select %lt3A_804, %add3A_807, %add3A_82 : vector<1024x1xi1>, vector<1024x1xi32>
    %swap3A_809 = arith.constant 0 : index
    %swap3A_810 = arith.constant 0 : index
    %swap3A_811 = arith.constant 14 : index
    %swap3A_812 = vector.load %arg6[%swap3A_809, %swap3A_810, %swap3A_811] : memref<1x1024x16xi32, #tpu.memory_space<vmem>>, vector<1x1024x1xi32>
    %swap3A_813 = vector.shape_cast %swap3A_812 : vector<1x1024x1xi32> to vector<1024x1xi32>
    %swap3A_814 = vector.shape_cast %select_n3A_808 : vector<1024x1xi32> to vector<1x1024x1xi32>
    tpu.vector_store %arg6[%swap3A_809, %swap3A_810, %swap3A_811], %swap3A_814 {strides = array<i32>} : memref<1x1024x16xi32, #tpu.memory_space<vmem>>, vector<1x1024x1xi32>,
    %not3A_815 = arith.constant dense<-1> : vector<1024x1xi32>
    %not3A_816 = arith.xori %and3A_788, %not3A_815 : vector<1024x1xi32>
    %and3A_817 = vector.broadcast %not3A_816 : vector<1024x1xi32> to vector<1024x128xi32>
    %and3A_818 = arith.andi %select_n3A_767, %and3A_817 : vector<1024x128xi32>
    %select_n3A_819 = arith.select %eq3A_778, %and3A_818, %select_n3A_767 : vector<1024x128xi1>, vector<1024x128xi32>
    %ne3A_820 = arith.constant 0 : i32
    %ne3A_821 = vector.broadcast %ne3A_820 : i32 to vector<1024x128xi32>
    %ne3A_822 = arith.cmpi ne, %select_n3A_819, %ne3A_821 : vector<1024x128xi32>
    %jit3A_823 = arith.constant 128 : i32
    %broadcast_in_dim3A_824 = vector.broadcast %jit3A_823 : i32 to vector<1024x128xi32>
    %select_n3A_825 = arith.select %ne3A_822, %iota3A, %broadcast_in_dim3A_824 : vector<1024x128xi1>, vector<1024x128xi32>
    %reduce_min3A_826 = arith.constant dense<2147483647> : vector<1024xi32>
    %reduce_min3A_827 = vector.multi_reduction <minsi>, %select_n3A_825, %reduce_min3A_826 [1] : vector<1024x128xi32> to vector<1024xi32>
    %broadcast_in_dim3A_828 = vector.shape_cast %reduce_min3A_827 : vector<1024xi32> to vector<1024x1xi32>
    %eq3A_829 = vector.broadcast %broadcast_in_dim3A_828 : vector<1024x1xi32> to vector<1024x128xi32>
    %eq3A_830 = arith.cmpi eq, %iota3A, %eq3A_829 : vector<1024x128xi32>
    %jit3A_831 = arith.constant 0 : i32
    %broadcast_in_dim3A_832 = vector.broadcast %jit3A_831 : i32 to vector<1024x128xi32>
    %select_n3A_833 = arith.select %eq3A_830, %select_n3A_819, %broadcast_in_dim3A_832 : vector<1024x128xi1>, vector<1024x128xi32>
    %reduce_sum3A_834 = arith.constant dense<0> : vector<1024xi32>
    %reduce_sum3A_835 = vector.multi_reduction <add>, %select_n3A_833, %reduce_sum3A_834 [1] : vector<1024x128xi32> to vector<1024xi32>
    %broadcast_in_dim3A_836 = vector.shape_cast %reduce_sum3A_835 : vector<1024xi32> to vector<1024x1xi32>
    %neg3A_837 = arith.constant 0 : i32
    %neg3A_838 = vector.broadcast %neg3A_837 : i32 to vector<1024x1xi32>
    %neg3A_839 = arith.subi %neg3A_838, %broadcast_in_dim3A_836 : vector<1024x1xi32>
    %and3A_840 = arith.andi %broadcast_in_dim3A_836, %neg3A_839 : vector<1024x1xi32>
    %convert_element_type3A_841 = arith.sitofp %and3A_840 : vector<1024x1xi32> to vector<1024x1xf32>
    %abs3A_842 = math.absf %convert_element_type3A_841 : vector<1024x1xf32>
    %bitcast_convert_type3A_843 = tpu.bitcast %abs3A_842 : vector<1024x1xf32> -> vector<1024x1xi32>
    %shift_right_arithmetic3A_844 = arith.constant 23 : i32
    %shift_right_arithmetic3A_845 = vector.broadcast %shift_right_arithmetic3A_844 : i32 to vector<1024x1xi32>
    %shift_right_arithmetic3A_846 = arith.shrsi %bitcast_convert_type3A_843, %shift_right_arithmetic3A_845 : vector<1024x1xi32>
    %sub3A_847 = arith.constant 127 : i32
    %sub3A_848 = vector.broadcast %sub3A_847 : i32 to vector<1024x1xi32>
    %sub3A_849 = arith.subi %shift_right_arithmetic3A_846, %sub3A_848 : vector<1024x1xi32>
    %mul3A_850 = arith.constant 32 : i32
    %mul3A_851 = vector.broadcast %mul3A_850 : i32 to vector<1024x1xi32>
    %mul3A_852 = arith.muli %broadcast_in_dim3A_828, %mul3A_851 : vector<1024x1xi32>
    %add3A_853 = arith.addi %mul3A_852, %sub3A_849 : vector<1024x1xi32>
    %lt3A_854 = arith.constant 128 : i32
    %lt3A_855 = vector.broadcast %lt3A_854 : i32 to vector<1024x1xi32>
    %lt3A_856 = arith.cmpi slt, %broadcast_in_dim3A_828, %lt3A_855 : vector<1024x1xi32>
    %add3A_857 = arith.constant 0 : i32
    %add3A_858 = vector.broadcast %add3A_857 : i32 to vector<1024x1xi32>
    %add3A_859 = arith.addi %add3A_853, %add3A_858 : vector<1024x1xi32>
    %select_n3A_860 = arith.select %lt3A_856, %add3A_859, %add3A_82 : vector<1024x1xi1>, vector<1024x1xi32>
    %swap3A_861 = arith.constant 0 : index
    %swap3A_862 = arith.constant 0 : index
    %swap3A_863 = arith.constant 15 : index
    %swap3A_864 = vector.load %arg6[%swap3A_861, %swap3A_862, %swap3A_863] : memref<1x1024x16xi32, #tpu.memory_space<vmem>>, vector<1x1024x1xi32>
    %swap3A_865 = vector.shape_cast %swap3A_864 : vector<1x1024x1xi32> to vector<1024x1xi32>
    %swap3A_866 = vector.shape_cast %select_n3A_860 : vector<1024x1xi32> to vector<1x1024x1xi32>
    tpu.vector_store %arg6[%swap3A_861, %swap3A_862, %swap3A_863], %swap3A_866 {strides = array<i32>} : memref<1x1024x16xi32, #tpu.memory_space<vmem>>, vector<1x1024x1xi32>,
    return
  }
  func.func @transform_0(%arg0: i32, %arg1: i32) -> (i32, i32, i32) {
    %c0_i32 = arith.constant 0 : i32
    %c0_i32_0 = arith.constant 0 : i32
    return %arg0, %arg1, %c0_i32 : i32, i32, i32
  }
  func.func @transform_1(%arg0: i32, %arg1: i32) -> (i32, i32, i32) {
    %c0_i32 = arith.constant 0 : i32
    %c0_i32_0 = arith.constant 0 : i32
    %c0_i32_1 = arith.constant 0 : i32
    return %arg0, %c0_i32, %c0_i32_0 : i32, i32, i32
  }
  func.func @transform_2(%arg0: i32, %arg1: i32) -> (i32, i32) {
    %c0_i32 = arith.constant 0 : i32
    %c0_i32_0 = arith.constant 0 : i32
    %c0_i32_1 = arith.constant 0 : i32
    return %c0_i32, %c0_i32_0 : i32, i32
  }
  func.func @transform_3(%arg0: i32, %arg1: i32) -> (i32, i32) {
    %c0_i32 = arith.constant 0 : i32
    %c0_i32_0 = arith.constant 0 : i32
    %c0_i32_1 = arith.constant 0 : i32
    return %c0_i32, %c0_i32_0 : i32, i32
  }
  func.func @transform_4(%arg0: i32, %arg1: i32) -> (i32, i32, i32) {
    %c0_i32 = arith.constant 0 : i32
    %c0_i32_0 = arith.constant 0 : i32
    return %arg0, %arg1, %c0_i32 : i32, i32, i32
  }
}

module attributes {stable_mosaic.version = 14 : i64} {
  func.func @_prep_body(%arg0: i32, %arg1: memref<1024x64xf32, #tpu.memory_space<vmem>>, %arg2: memref<1024x3xf32, #tpu.memory_space<vmem>>, %arg3: memref<1024x64xf32, #tpu.memory_space<vmem>>, %arg4: memref<1024x3xf32, #tpu.memory_space<vmem>>, %arg5: memref<131x64xf32, #tpu.memory_space<vmem>>, %arg6: memref<1024x128xf32, #tpu.memory_space<vmem>>, %arg7: memref<1024x64xf32, #tpu.memory_space<vmem>>) attributes {dimension_semantics = [#tpu.dimension_semantics<arbitrary>], iteration_bounds = array<i64: 8>, scalar_prefetch = 0 : i64, scratch_operands = 0 : i64, tpu.core_type = #tpu.core_type<tc>, window_params = [{transform_indices = @transform_0, window_bounds = array<i64: 1024, 64>}, {transform_indices = @transform_1, window_bounds = array<i64: 1024, 3>}, {transform_indices = @transform_2, window_bounds = array<i64: 1024, 64>}, {transform_indices = @transform_3, window_bounds = array<i64: 1024, 3>}, {pipeline_mode = #tpu.pipeline_mode<synchronous>, transform_indices = @transform_4, window_bounds = array<i64: 131, 64>}, {transform_indices = @transform_5, window_bounds = array<i64: 1024, 128>}, {transform_indices = @transform_6, window_bounds = array<i64: 1024, 64>}]} {
    %get3A = arith.constant 64 : index
    %get3A_0 = arith.constant 0 : index
    %get3A_1 = vector.load %arg5[%get3A, %get3A_0] : memref<131x64xf32, #tpu.memory_space<vmem>>, vector<64x64xf32>
    %get3A_2 = arith.constant 0 : index
    %get3A_3 = arith.constant 0 : index
    %get3A_4 = vector.load %arg1[%get3A_2, %get3A_3] : memref<1024x64xf32, #tpu.memory_space<vmem>>, vector<1024x64xf32>
    %dot_general3A = arith.constant dense<0.000000e+00> : vector<1024x64xf32>
    %dot_general3A_5 = tpu.matmul %get3A_4, %get3A_1, %dot_general3A {dimension_numbers = #tpu.dot_dimension_numbers<[1], [0], [0], [1], [0, 0, 1, 1], [], []>, precision = #tpu.contract_precision<fp32>, transpose_lhs_hint = false} : vector<1024x64xf32>, vector<64x64xf32>, vector<1024x64xf32> -> vector<1024x64xf32>
    %get3A_6 = arith.constant 0 : index
    %get3A_7 = arith.constant 0 : index
    %get3A_8 = vector.load %arg3[%get3A_6, %get3A_7] : memref<1024x64xf32, #tpu.memory_space<vmem>>, vector<1024x64xf32>
    %get3A_9 = arith.constant 0 : index
    %get3A_10 = arith.constant 0 : index
    %get3A_11 = vector.load %arg5[%get3A_9, %get3A_10] : memref<131x64xf32, #tpu.memory_space<vmem>>, vector<64x64xf32>
    %dot_general3A_12 = arith.constant dense<0.000000e+00> : vector<1024x64xf32>
    %dot_general3A_13 = tpu.matmul %get3A_8, %get3A_11, %dot_general3A_12 {dimension_numbers = #tpu.dot_dimension_numbers<[1], [0], [0], [1], [0, 0, 1, 1], [], []>, precision = #tpu.contract_precision<fp32>, transpose_lhs_hint = false} : vector<1024x64xf32>, vector<64x64xf32>, vector<1024x64xf32> -> vector<1024x64xf32>
    %get3A_14 = arith.constant 128 : index
    %get3A_15 = arith.constant 0 : index
    %get3A_16 = vector.load %arg5[%get3A_14, %get3A_15] : memref<131x64xf32, #tpu.memory_space<vmem>>, vector<1x64xf32>
    %get3A_17 = arith.constant 0 : index
    %get3A_18 = arith.constant 0 : index
    %get3A_19 = vector.load %arg2[%get3A_17, %get3A_18] : memref<1024x3xf32, #tpu.memory_space<vmem>>, vector<1024x1xf32>
    %mul3A = vector.broadcast %get3A_19 : vector<1024x1xf32> to vector<1024x64xf32>
    %mul3A_20 = vector.broadcast %get3A_16 : vector<1x64xf32> to vector<1024x64xf32>
    %mul3A_21 = arith.mulf %mul3A, %mul3A_20 : vector<1024x64xf32>
    %add3A = arith.addf %dot_general3A_5, %mul3A_21 : vector<1024x64xf32>
    %get3A_22 = arith.constant 0 : index
    %get3A_23 = arith.constant 0 : index
    %get3A_24 = vector.load %arg4[%get3A_22, %get3A_23] : memref<1024x3xf32, #tpu.memory_space<vmem>>, vector<1024x1xf32>
    %mul3A_25 = vector.broadcast %get3A_24 : vector<1024x1xf32> to vector<1024x64xf32>
    %mul3A_26 = vector.broadcast %get3A_16 : vector<1x64xf32> to vector<1024x64xf32>
    %mul3A_27 = arith.mulf %mul3A_25, %mul3A_26 : vector<1024x64xf32>
    %sub3A = arith.subf %dot_general3A_13, %mul3A_27 : vector<1024x64xf32>
    %get3A_28 = arith.constant 129 : index
    %get3A_29 = arith.constant 0 : index
    %get3A_30 = vector.load %arg5[%get3A_28, %get3A_29] : memref<131x64xf32, #tpu.memory_space<vmem>>, vector<1x64xf32>
    %get3A_31 = arith.constant 0 : index
    %get3A_32 = arith.constant 1 : index
    %get3A_33 = vector.load %arg2[%get3A_31, %get3A_32] : memref<1024x3xf32, #tpu.memory_space<vmem>>, vector<1024x1xf32>
    %mul3A_34 = vector.broadcast %get3A_33 : vector<1024x1xf32> to vector<1024x64xf32>
    %mul3A_35 = vector.broadcast %get3A_30 : vector<1x64xf32> to vector<1024x64xf32>
    %mul3A_36 = arith.mulf %mul3A_34, %mul3A_35 : vector<1024x64xf32>
    %add3A_37 = arith.addf %add3A, %mul3A_36 : vector<1024x64xf32>
    %get3A_38 = arith.constant 0 : index
    %get3A_39 = arith.constant 1 : index
    %get3A_40 = vector.load %arg4[%get3A_38, %get3A_39] : memref<1024x3xf32, #tpu.memory_space<vmem>>, vector<1024x1xf32>
    %mul3A_41 = vector.broadcast %get3A_40 : vector<1024x1xf32> to vector<1024x64xf32>
    %mul3A_42 = vector.broadcast %get3A_30 : vector<1x64xf32> to vector<1024x64xf32>
    %mul3A_43 = arith.mulf %mul3A_41, %mul3A_42 : vector<1024x64xf32>
    %sub3A_44 = arith.subf %sub3A, %mul3A_43 : vector<1024x64xf32>
    %get3A_45 = arith.constant 130 : index
    %get3A_46 = arith.constant 0 : index
    %get3A_47 = vector.load %arg5[%get3A_45, %get3A_46] : memref<131x64xf32, #tpu.memory_space<vmem>>, vector<1x64xf32>
    %get3A_48 = arith.constant 0 : index
    %get3A_49 = arith.constant 2 : index
    %get3A_50 = vector.load %arg2[%get3A_48, %get3A_49] : memref<1024x3xf32, #tpu.memory_space<vmem>>, vector<1024x1xf32>
    %mul3A_51 = vector.broadcast %get3A_50 : vector<1024x1xf32> to vector<1024x64xf32>
    %mul3A_52 = vector.broadcast %get3A_47 : vector<1x64xf32> to vector<1024x64xf32>
    %mul3A_53 = arith.mulf %mul3A_51, %mul3A_52 : vector<1024x64xf32>
    %add3A_54 = arith.addf %add3A_37, %mul3A_53 : vector<1024x64xf32>
    %get3A_55 = arith.constant 0 : index
    %get3A_56 = arith.constant 2 : index
    %get3A_57 = vector.load %arg4[%get3A_55, %get3A_56] : memref<1024x3xf32, #tpu.memory_space<vmem>>, vector<1024x1xf32>
    %mul3A_58 = vector.broadcast %get3A_57 : vector<1024x1xf32> to vector<1024x64xf32>
    %mul3A_59 = vector.broadcast %get3A_47 : vector<1x64xf32> to vector<1024x64xf32>
    %mul3A_60 = arith.mulf %mul3A_58, %mul3A_59 : vector<1024x64xf32>
    %sub3A_61 = arith.subf %sub3A_44, %mul3A_60 : vector<1024x64xf32>
    %swap3A = arith.constant 0 : index
    %swap3A_62 = arith.constant 0 : index
    %swap3A_63 = vector.load %arg6[%swap3A, %swap3A_62] : memref<1024x128xf32, #tpu.memory_space<vmem>>, vector<1024x64xf32>
    tpu.vector_store %arg6[%swap3A, %swap3A_62], %add3A_54 {strides = array<i32>} : memref<1024x128xf32, #tpu.memory_space<vmem>>, vector<1024x64xf32>,
    %broadcast_in_dim3A = arith.constant 0.000000e+00 : f32
    %broadcast_in_dim3A_64 = vector.broadcast %broadcast_in_dim3A : f32 to vector<1024x64xf32>
    %swap3A_65 = arith.constant 0 : index
    %swap3A_66 = arith.constant 64 : index
    %swap3A_67 = vector.load %arg6[%swap3A_65, %swap3A_66] : memref<1024x128xf32, #tpu.memory_space<vmem>>, vector<1024x64xf32>
    tpu.vector_store %arg6[%swap3A_65, %swap3A_66], %broadcast_in_dim3A_64 {strides = array<i32>} : memref<1024x128xf32, #tpu.memory_space<vmem>>, vector<1024x64xf32>,
    %swap3A_68 = arith.constant 0 : index
    %swap3A_69 = arith.constant 0 : index
    %swap3A_70 = vector.load %arg7[%swap3A_68, %swap3A_69] : memref<1024x64xf32, #tpu.memory_space<vmem>>, vector<1024x64xf32>
    tpu.vector_store %arg7[%swap3A_68, %swap3A_69], %sub3A_61 {strides = array<i32>} : memref<1024x64xf32, #tpu.memory_space<vmem>>, vector<1024x64xf32>,
    return
  }
  func.func @transform_0(%arg0: i32) -> (i32, i32) {
    %c0_i32 = arith.constant 0 : i32
    %c0_i32_0 = arith.constant 0 : i32
    return %arg0, %c0_i32 : i32, i32
  }
  func.func @transform_1(%arg0: i32) -> (i32, i32) {
    %c0_i32 = arith.constant 0 : i32
    %c0_i32_0 = arith.constant 0 : i32
    return %arg0, %c0_i32 : i32, i32
  }
  func.func @transform_2(%arg0: i32) -> (i32, i32) {
    %c0_i32 = arith.constant 0 : i32
    %c0_i32_0 = arith.constant 0 : i32
    return %arg0, %c0_i32 : i32, i32
  }
  func.func @transform_3(%arg0: i32) -> (i32, i32) {
    %c0_i32 = arith.constant 0 : i32
    %c0_i32_0 = arith.constant 0 : i32
    return %arg0, %c0_i32 : i32, i32
  }
  func.func @transform_4(%arg0: i32) -> (i32, i32) {
    %c0_i32 = arith.constant 0 : i32
    %c0_i32_0 = arith.constant 0 : i32
    %c0_i32_1 = arith.constant 0 : i32
    return %c0_i32, %c0_i32_0 : i32, i32
  }
  func.func @transform_5(%arg0: i32) -> (i32, i32) {
    %c0_i32 = arith.constant 0 : i32
    %c0_i32_0 = arith.constant 0 : i32
    return %arg0, %c0_i32 : i32, i32
  }
  func.func @transform_6(%arg0: i32) -> (i32, i32) {
    %c0_i32 = arith.constant 0 : i32
    %c0_i32_0 = arith.constant 0 : i32
    return %arg0, %c0_i32 : i32, i32
  }
}

module attributes {stable_mosaic.version = 14 : i64} {
  func.func @_ballq_body(%arg0: i32, %arg1: i32, %arg2: memref<1x1024x3xf32, #tpu.memory_space<vmem>>, %arg3: memref<1x3x4096xf32, #tpu.memory_space<vmem>>, %arg4: memref<4096x128xbf16, #tpu.memory_space<vmem>>, %arg5: memref<4096x128xbf16, #tpu.memory_space<vmem>>, %arg6: memref<1x1024x16xi32, #tpu.memory_space<vmem>>) attributes {dimension_semantics = [#tpu.dimension_semantics<arbitrary>, #tpu.dimension_semantics<arbitrary>], iteration_bounds = array<i64: 1, 4>, scalar_prefetch = 0 : i64, scratch_operands = 0 : i64, tpu.core_type = #tpu.core_type<tc>, window_params = [{transform_indices = @transform_0, window_bounds = array<i64: 1, 1024, 3>}, {transform_indices = @transform_1, window_bounds = array<i64: 1, 3, 4096>}, {pipeline_mode = #tpu.pipeline_mode<synchronous>, transform_indices = @transform_2, window_bounds = array<i64: 4096, 128>}, {pipeline_mode = #tpu.pipeline_mode<synchronous>, transform_indices = @transform_3, window_bounds = array<i64: 4096, 128>}, {transform_indices = @transform_4, window_bounds = array<i64: 1, 1024, 16>}]} {
    %get3A = arith.constant 0 : index
    %get3A_0 = arith.constant 0 : index
    %get3A_1 = arith.constant 0 : index
    %get3A_2 = vector.load %arg2[%get3A, %get3A_0, %get3A_1] : memref<1x1024x3xf32, #tpu.memory_space<vmem>>, vector<1x1024x3xf32>
    %get3A_3 = vector.shape_cast %get3A_2 : vector<1x1024x3xf32> to vector<1024x3xf32>
    %slice3A = vector.extract_strided_slice %get3A_3 {offsets = [0, 0], sizes = [1024, 1], strides = [1, 1]} : vector<1024x3xf32> to vector<1024x1xf32>
    %get3A_4 = arith.constant 0 : index
    %get3A_5 = arith.constant 0 : index
    %get3A_6 = arith.constant 0 : index
    %get3A_7 = vector.load %arg3[%get3A_4, %get3A_5, %get3A_6] : memref<1x3x4096xf32, #tpu.memory_space<vmem>>, vector<1x1x4096xf32>
    %get3A_8 = vector.shape_cast %get3A_7 : vector<1x1x4096xf32> to vector<1x4096xf32>
    %sub3A = vector.broadcast %slice3A : vector<1024x1xf32> to vector<1024x4096xf32>
    %sub3A_9 = vector.broadcast %get3A_8 : vector<1x4096xf32> to vector<1024x4096xf32>
    %sub3A_10 = arith.subf %sub3A, %sub3A_9 : vector<1024x4096xf32>
    %mul3A = arith.mulf %sub3A_10, %sub3A_10 : vector<1024x4096xf32>
    %slice3A_11 = vector.extract_strided_slice %get3A_3 {offsets = [0, 1], sizes = [1024, 1], strides = [1, 1]} : vector<1024x3xf32> to vector<1024x1xf32>
    %get3A_12 = arith.constant 0 : index
    %get3A_13 = arith.constant 1 : index
    %get3A_14 = arith.constant 0 : index
    %get3A_15 = vector.load %arg3[%get3A_12, %get3A_13, %get3A_14] : memref<1x3x4096xf32, #tpu.memory_space<vmem>>, vector<1x1x4096xf32>
    %get3A_16 = vector.shape_cast %get3A_15 : vector<1x1x4096xf32> to vector<1x4096xf32>
    %sub3A_17 = vector.broadcast %slice3A_11 : vector<1024x1xf32> to vector<1024x4096xf32>
    %sub3A_18 = vector.broadcast %get3A_16 : vector<1x4096xf32> to vector<1024x4096xf32>
    %sub3A_19 = arith.subf %sub3A_17, %sub3A_18 : vector<1024x4096xf32>
    %mul3A_20 = arith.mulf %sub3A_19, %sub3A_19 : vector<1024x4096xf32>
    %add3A = arith.addf %mul3A, %mul3A_20 : vector<1024x4096xf32>
    %slice3A_21 = vector.extract_strided_slice %get3A_3 {offsets = [0, 2], sizes = [1024, 1], strides = [1, 1]} : vector<1024x3xf32> to vector<1024x1xf32>
    %get3A_22 = arith.constant 0 : index
    %get3A_23 = arith.constant 2 : index
    %get3A_24 = arith.constant 0 : index
    %get3A_25 = vector.load %arg3[%get3A_22, %get3A_23, %get3A_24] : memref<1x3x4096xf32, #tpu.memory_space<vmem>>, vector<1x1x4096xf32>
    %get3A_26 = vector.shape_cast %get3A_25 : vector<1x1x4096xf32> to vector<1x4096xf32>
    %sub3A_27 = vector.broadcast %slice3A_21 : vector<1024x1xf32> to vector<1024x4096xf32>
    %sub3A_28 = vector.broadcast %get3A_26 : vector<1x4096xf32> to vector<1024x4096xf32>
    %sub3A_29 = arith.subf %sub3A_27, %sub3A_28 : vector<1024x4096xf32>
    %mul3A_30 = arith.mulf %sub3A_29, %sub3A_29 : vector<1024x4096xf32>
    %add3A_31 = arith.addf %add3A, %mul3A_30 : vector<1024x4096xf32>
    %lt3A = arith.constant 0.00999999977 : f32
    %lt3A_32 = vector.broadcast %lt3A : f32 to vector<1024x4096xf32>
    %lt3A_33 = arith.cmpf olt, %add3A_31, %lt3A_32 : vector<1024x4096xf32>
    %jit3A = arith.constant 1.000000e+00 : f32
    %jit3A_34 = arith.constant 0.000000e+00 : f32
    %broadcast_in_dim3A = vector.broadcast %jit3A : f32 to vector<1024x4096xf32>
    %broadcast_in_dim3A_35 = vector.broadcast %jit3A_34 : f32 to vector<1024x4096xf32>
    %select_n3A = arith.select %lt3A_33, %broadcast_in_dim3A, %broadcast_in_dim3A_35 : vector<1024x4096xi1>, vector<1024x4096xf32>
    %convert_element_type3A = arith.truncf %select_n3A : vector<1024x4096xf32> to vector<1024x4096xbf16>
    %get3A_36 = arith.constant 0 : index
    %get3A_37 = arith.constant 0 : index
    %get3A_38 = vector.load %arg4[%get3A_36, %get3A_37] : memref<4096x128xbf16, #tpu.memory_space<vmem>>, vector<4096x128xbf16>
    %dot_general3A = arith.constant dense<0.000000e+00> : vector<1024x128xf32>
    %dot_general3A_39 = tpu.matmul %convert_element_type3A, %get3A_38, %dot_general3A {dimension_numbers = #tpu.dot_dimension_numbers<[1], [0], [0], [1], [0, 0, 1, 1], [], []>, transpose_lhs_hint = false} : vector<1024x4096xbf16>, vector<4096x128xbf16>, vector<1024x128xf32> -> vector<1024x128xf32>
    %get3A_40 = arith.constant 0 : index
    %get3A_41 = arith.constant 0 : index
    %get3A_42 = vector.load %arg5[%get3A_40, %get3A_41] : memref<4096x128xbf16, #tpu.memory_space<vmem>>, vector<4096x128xbf16>
    %dot_general3A_43 = arith.constant dense<0.000000e+00> : vector<1024x128xf32>
    %dot_general3A_44 = tpu.matmul %convert_element_type3A, %get3A_42, %dot_general3A_43 {dimension_numbers = #tpu.dot_dimension_numbers<[1], [0], [0], [1], [0, 0, 1, 1], [], []>, transpose_lhs_hint = false} : vector<1024x4096xbf16>, vector<4096x128xbf16>, vector<1024x128xf32> -> vector<1024x128xf32>
    %convert_element_type3A_45 = arith.fptosi %dot_general3A_39 : vector<1024x128xf32> to vector<1024x128xi32>
    %convert_element_type3A_46 = arith.fptosi %dot_general3A_44 : vector<1024x128xf32> to vector<1024x128xi32>
    %shift_left3A = arith.constant 16 : i32
    %shift_left3A_47 = vector.broadcast %shift_left3A : i32 to vector<1024x128xi32>
    %shift_left3A_48 = arith.shli %convert_element_type3A_46, %shift_left3A_47 : vector<1024x128xi32>
    %or3A = arith.ori %convert_element_type3A_45, %shift_left3A_48 : vector<1024x128xi32>
    %iota3A = tpu.iota {dimensions = array<i32: 1>} : vector<1024x128xi32>
    %ne3A = arith.constant 0 : i32
    %ne3A_49 = vector.broadcast %ne3A : i32 to vector<1024x128xi32>
    %ne3A_50 = arith.cmpi ne, %or3A, %ne3A_49 : vector<1024x128xi32>
    %jit3A_51 = arith.constant 128 : i32
    %broadcast_in_dim3A_52 = vector.broadcast %jit3A_51 : i32 to vector<1024x128xi32>
    %select_n3A_53 = arith.select %ne3A_50, %iota3A, %broadcast_in_dim3A_52 : vector<1024x128xi1>, vector<1024x128xi32>
    %reduce_min3A = arith.constant dense<2147483647> : vector<1024xi32>
    %reduce_min3A_54 = vector.multi_reduction <minsi>, %select_n3A_53, %reduce_min3A [1] : vector<1024x128xi32> to vector<1024xi32>
    %broadcast_in_dim3A_55 = vector.shape_cast %reduce_min3A_54 : vector<1024xi32> to vector<1024x1xi32>
    %eq3A = vector.broadcast %broadcast_in_dim3A_55 : vector<1024x1xi32> to vector<1024x128xi32>
    %eq3A_56 = arith.cmpi eq, %iota3A, %eq3A : vector<1024x128xi32>
    %jit3A_57 = arith.constant 0 : i32
    %broadcast_in_dim3A_58 = vector.broadcast %jit3A_57 : i32 to vector<1024x128xi32>
    %select_n3A_59 = arith.select %eq3A_56, %or3A, %broadcast_in_dim3A_58 : vector<1024x128xi1>, vector<1024x128xi32>
    %reduce_sum3A = arith.constant dense<0> : vector<1024xi32>
    %reduce_sum3A_60 = vector.multi_reduction <add>, %select_n3A_59, %reduce_sum3A [1] : vector<1024x128xi32> to vector<1024xi32>
    %broadcast_in_dim3A_61 = vector.shape_cast %reduce_sum3A_60 : vector<1024xi32> to vector<1024x1xi32>
    %neg3A = arith.constant 0 : i32
    %neg3A_62 = vector.broadcast %neg3A : i32 to vector<1024x1xi32>
    %neg3A_63 = arith.subi %neg3A_62, %broadcast_in_dim3A_61 : vector<1024x1xi32>
    %and3A = arith.andi %broadcast_in_dim3A_61, %neg3A_63 : vector<1024x1xi32>
    %convert_element_type3A_64 = arith.sitofp %and3A : vector<1024x1xi32> to vector<1024x1xf32>
    %abs3A = math.absf %convert_element_type3A_64 : vector<1024x1xf32>
    %bitcast_convert_type3A = tpu.bitcast %abs3A : vector<1024x1xf32> -> vector<1024x1xi32>
    %shift_right_arithmetic3A = arith.constant 23 : i32
    %shift_right_arithmetic3A_65 = vector.broadcast %shift_right_arithmetic3A : i32 to vector<1024x1xi32>
    %shift_right_arithmetic3A_66 = arith.shrsi %bitcast_convert_type3A, %shift_right_arithmetic3A_65 : vector<1024x1xi32>
    %sub3A_67 = arith.constant 127 : i32
    %sub3A_68 = vector.broadcast %sub3A_67 : i32 to vector<1024x1xi32>
    %sub3A_69 = arith.subi %shift_right_arithmetic3A_66, %sub3A_68 : vector<1024x1xi32>
    %mul3A_70 = arith.constant 32 : i32
    %mul3A_71 = vector.broadcast %mul3A_70 : i32 to vector<1024x1xi32>
    %mul3A_72 = arith.muli %broadcast_in_dim3A_55, %mul3A_71 : vector<1024x1xi32>
    %add3A_73 = arith.addi %mul3A_72, %sub3A_69 : vector<1024x1xi32>
    %lt3A_74 = arith.constant 128 : i32
    %lt3A_75 = vector.broadcast %lt3A_74 : i32 to vector<1024x1xi32>
    %lt3A_76 = arith.cmpi slt, %broadcast_in_dim3A_55, %lt3A_75 : vector<1024x1xi32>
    %jit3A_77 = arith.constant 0 : i32
    %broadcast_in_dim3A_78 = vector.broadcast %jit3A_77 : i32 to vector<1024x1xi32>
    %select_n3A_79 = arith.select %lt3A_76, %add3A_73, %broadcast_in_dim3A_78 : vector<1024x1xi1>, vector<1024x1xi32>
    %add3A_80 = arith.constant 4096 : i32
    %add3A_81 = vector.broadcast %add3A_80 : i32 to vector<1024x1xi32>
    %add3A_82 = arith.addi %select_n3A_79, %add3A_81 : vector<1024x1xi32>
    %swap3A = arith.constant 0 : index
    %swap3A_83 = arith.constant 0 : index
    %swap3A_84 = arith.constant 0 : index
    %swap3A_85 = vector.load %arg6[%swap3A, %swap3A_83, %swap3A_84] : memref<1x1024x16xi32, #tpu.memory_space<vmem>>, vector<1x1024x1xi32>
    %swap3A_86 = vector.shape_cast %swap3A_85 : vector<1x1024x1xi32> to vector<1024x1xi32>
    %swap3A_87 = vector.shape_cast %add3A_82 : vector<1024x1xi32> to vector<1x1024x1xi32>
    tpu.vector_store %arg6[%swap3A, %swap3A_83, %swap3A_84], %swap3A_87 {strides = array<i32>} : memref<1x1024x16xi32, #tpu.memory_space<vmem>>, vector<1x1024x1xi32>,
    %not3A = arith.constant dense<-1> : vector<1024x1xi32>
    %not3A_88 = arith.xori %and3A, %not3A : vector<1024x1xi32>
    %and3A_89 = vector.broadcast %not3A_88 : vector<1024x1xi32> to vector<1024x128xi32>
    %and3A_90 = arith.andi %or3A, %and3A_89 : vector<1024x128xi32>
    %select_n3A_91 = arith.select %eq3A_56, %and3A_90, %or3A : vector<1024x128xi1>, vector<1024x128xi32>
    %ne3A_92 = arith.constant 0 : i32
    %ne3A_93 = vector.broadcast %ne3A_92 : i32 to vector<1024x128xi32>
    %ne3A_94 = arith.cmpi ne, %select_n3A_91, %ne3A_93 : vector<1024x128xi32>
    %jit3A_95 = arith.constant 128 : i32
    %broadcast_in_dim3A_96 = vector.broadcast %jit3A_95 : i32 to vector<1024x128xi32>
    %select_n3A_97 = arith.select %ne3A_94, %iota3A, %broadcast_in_dim3A_96 : vector<1024x128xi1>, vector<1024x128xi32>
    %reduce_min3A_98 = arith.constant dense<2147483647> : vector<1024xi32>
    %reduce_min3A_99 = vector.multi_reduction <minsi>, %select_n3A_97, %reduce_min3A_98 [1] : vector<1024x128xi32> to vector<1024xi32>
    %broadcast_in_dim3A_100 = vector.shape_cast %reduce_min3A_99 : vector<1024xi32> to vector<1024x1xi32>
    %eq3A_101 = vector.broadcast %broadcast_in_dim3A_100 : vector<1024x1xi32> to vector<1024x128xi32>
    %eq3A_102 = arith.cmpi eq, %iota3A, %eq3A_101 : vector<1024x128xi32>
    %jit3A_103 = arith.constant 0 : i32
    %broadcast_in_dim3A_104 = vector.broadcast %jit3A_103 : i32 to vector<1024x128xi32>
    %select_n3A_105 = arith.select %eq3A_102, %select_n3A_91, %broadcast_in_dim3A_104 : vector<1024x128xi1>, vector<1024x128xi32>
    %reduce_sum3A_106 = arith.constant dense<0> : vector<1024xi32>
    %reduce_sum3A_107 = vector.multi_reduction <add>, %select_n3A_105, %reduce_sum3A_106 [1] : vector<1024x128xi32> to vector<1024xi32>
    %broadcast_in_dim3A_108 = vector.shape_cast %reduce_sum3A_107 : vector<1024xi32> to vector<1024x1xi32>
    %neg3A_109 = arith.constant 0 : i32
    %neg3A_110 = vector.broadcast %neg3A_109 : i32 to vector<1024x1xi32>
    %neg3A_111 = arith.subi %neg3A_110, %broadcast_in_dim3A_108 : vector<1024x1xi32>
    %and3A_112 = arith.andi %broadcast_in_dim3A_108, %neg3A_111 : vector<1024x1xi32>
    %convert_element_type3A_113 = arith.sitofp %and3A_112 : vector<1024x1xi32> to vector<1024x1xf32>
    %abs3A_114 = math.absf %convert_element_type3A_113 : vector<1024x1xf32>
    %bitcast_convert_type3A_115 = tpu.bitcast %abs3A_114 : vector<1024x1xf32> -> vector<1024x1xi32>
    %shift_right_arithmetic3A_116 = arith.constant 23 : i32
    %shift_right_arithmetic3A_117 = vector.broadcast %shift_right_arithmetic3A_116 : i32 to vector<1024x1xi32>
    %shift_right_arithmetic3A_118 = arith.shrsi %bitcast_convert_type3A_115, %shift_right_arithmetic3A_117 : vector<1024x1xi32>
    %sub3A_119 = arith.constant 127 : i32
    %sub3A_120 = vector.broadcast %sub3A_119 : i32 to vector<1024x1xi32>
    %sub3A_121 = arith.subi %shift_right_arithmetic3A_118, %sub3A_120 : vector<1024x1xi32>
    %mul3A_122 = arith.constant 32 : i32
    %mul3A_123 = vector.broadcast %mul3A_122 : i32 to vector<1024x1xi32>
    %mul3A_124 = arith.muli %broadcast_in_dim3A_100, %mul3A_123 : vector<1024x1xi32>
    %add3A_125 = arith.addi %mul3A_124, %sub3A_121 : vector<1024x1xi32>
    %lt3A_126 = arith.constant 128 : i32
    %lt3A_127 = vector.broadcast %lt3A_126 : i32 to vector<1024x1xi32>
    %lt3A_128 = arith.cmpi slt, %broadcast_in_dim3A_100, %lt3A_127 : vector<1024x1xi32>
    %add3A_129 = arith.constant 4096 : i32
    %add3A_130 = vector.broadcast %add3A_129 : i32 to vector<1024x1xi32>
    %add3A_131 = arith.addi %add3A_125, %add3A_130 : vector<1024x1xi32>
    %select_n3A_132 = arith.select %lt3A_128, %add3A_131, %add3A_82 : vector<1024x1xi1>, vector<1024x1xi32>
    %swap3A_133 = arith.constant 0 : index
    %swap3A_134 = arith.constant 0 : index
    %swap3A_135 = arith.constant 1 : index
    %swap3A_136 = vector.load %arg6[%swap3A_133, %swap3A_134, %swap3A_135] : memref<1x1024x16xi32, #tpu.memory_space<vmem>>, vector<1x1024x1xi32>
    %swap3A_137 = vector.shape_cast %swap3A_136 : vector<1x1024x1xi32> to vector<1024x1xi32>
    %swap3A_138 = vector.shape_cast %select_n3A_132 : vector<1024x1xi32> to vector<1x1024x1xi32>
    tpu.vector_store %arg6[%swap3A_133, %swap3A_134, %swap3A_135], %swap3A_138 {strides = array<i32>} : memref<1x1024x16xi32, #tpu.memory_space<vmem>>, vector<1x1024x1xi32>,
    %not3A_139 = arith.constant dense<-1> : vector<1024x1xi32>
    %not3A_140 = arith.xori %and3A_112, %not3A_139 : vector<1024x1xi32>
    %and3A_141 = vector.broadcast %not3A_140 : vector<1024x1xi32> to vector<1024x128xi32>
    %and3A_142 = arith.andi %select_n3A_91, %and3A_141 : vector<1024x128xi32>
    %select_n3A_143 = arith.select %eq3A_102, %and3A_142, %select_n3A_91 : vector<1024x128xi1>, vector<1024x128xi32>
    %ne3A_144 = arith.constant 0 : i32
    %ne3A_145 = vector.broadcast %ne3A_144 : i32 to vector<1024x128xi32>
    %ne3A_146 = arith.cmpi ne, %select_n3A_143, %ne3A_145 : vector<1024x128xi32>
    %jit3A_147 = arith.constant 128 : i32
    %broadcast_in_dim3A_148 = vector.broadcast %jit3A_147 : i32 to vector<1024x128xi32>
    %select_n3A_149 = arith.select %ne3A_146, %iota3A, %broadcast_in_dim3A_148 : vector<1024x128xi1>, vector<1024x128xi32>
    %reduce_min3A_150 = arith.constant dense<2147483647> : vector<1024xi32>
    %reduce_min3A_151 = vector.multi_reduction <minsi>, %select_n3A_149, %reduce_min3A_150 [1] : vector<1024x128xi32> to vector<1024xi32>
    %broadcast_in_dim3A_152 = vector.shape_cast %reduce_min3A_151 : vector<1024xi32> to vector<1024x1xi32>
    %eq3A_153 = vector.broadcast %broadcast_in_dim3A_152 : vector<1024x1xi32> to vector<1024x128xi32>
    %eq3A_154 = arith.cmpi eq, %iota3A, %eq3A_153 : vector<1024x128xi32>
    %jit3A_155 = arith.constant 0 : i32
    %broadcast_in_dim3A_156 = vector.broadcast %jit3A_155 : i32 to vector<1024x128xi32>
    %select_n3A_157 = arith.select %eq3A_154, %select_n3A_143, %broadcast_in_dim3A_156 : vector<1024x128xi1>, vector<1024x128xi32>
    %reduce_sum3A_158 = arith.constant dense<0> : vector<1024xi32>
    %reduce_sum3A_159 = vector.multi_reduction <add>, %select_n3A_157, %reduce_sum3A_158 [1] : vector<1024x128xi32> to vector<1024xi32>
    %broadcast_in_dim3A_160 = vector.shape_cast %reduce_sum3A_159 : vector<1024xi32> to vector<1024x1xi32>
    %neg3A_161 = arith.constant 0 : i32
    %neg3A_162 = vector.broadcast %neg3A_161 : i32 to vector<1024x1xi32>
    %neg3A_163 = arith.subi %neg3A_162, %broadcast_in_dim3A_160 : vector<1024x1xi32>
    %and3A_164 = arith.andi %broadcast_in_dim3A_160, %neg3A_163 : vector<1024x1xi32>
    %convert_element_type3A_165 = arith.sitofp %and3A_164 : vector<1024x1xi32> to vector<1024x1xf32>
    %abs3A_166 = math.absf %convert_element_type3A_165 : vector<1024x1xf32>
    %bitcast_convert_type3A_167 = tpu.bitcast %abs3A_166 : vector<1024x1xf32> -> vector<1024x1xi32>
    %shift_right_arithmetic3A_168 = arith.constant 23 : i32
    %shift_right_arithmetic3A_169 = vector.broadcast %shift_right_arithmetic3A_168 : i32 to vector<1024x1xi32>
    %shift_right_arithmetic3A_170 = arith.shrsi %bitcast_convert_type3A_167, %shift_right_arithmetic3A_169 : vector<1024x1xi32>
    %sub3A_171 = arith.constant 127 : i32
    %sub3A_172 = vector.broadcast %sub3A_171 : i32 to vector<1024x1xi32>
    %sub3A_173 = arith.subi %shift_right_arithmetic3A_170, %sub3A_172 : vector<1024x1xi32>
    %mul3A_174 = arith.constant 32 : i32
    %mul3A_175 = vector.broadcast %mul3A_174 : i32 to vector<1024x1xi32>
    %mul3A_176 = arith.muli %broadcast_in_dim3A_152, %mul3A_175 : vector<1024x1xi32>
    %add3A_177 = arith.addi %mul3A_176, %sub3A_173 : vector<1024x1xi32>
    %lt3A_178 = arith.constant 128 : i32
    %lt3A_179 = vector.broadcast %lt3A_178 : i32 to vector<1024x1xi32>
    %lt3A_180 = arith.cmpi slt, %broadcast_in_dim3A_152, %lt3A_179 : vector<1024x1xi32>
    %add3A_181 = arith.constant 4096 : i32
    %add3A_182 = vector.broadcast %add3A_181 : i32 to vector<1024x1xi32>
    %add3A_183 = arith.addi %add3A_177, %add3A_182 : vector<1024x1xi32>
    %select_n3A_184 = arith.select %lt3A_180, %add3A_183, %add3A_82 : vector<1024x1xi1>, vector<1024x1xi32>
    %swap3A_185 = arith.constant 0 : index
    %swap3A_186 = arith.constant 0 : index
    %swap3A_187 = arith.constant 2 : index
    %swap3A_188 = vector.load %arg6[%swap3A_185, %swap3A_186, %swap3A_187] : memref<1x1024x16xi32, #tpu.memory_space<vmem>>, vector<1x1024x1xi32>
    %swap3A_189 = vector.shape_cast %swap3A_188 : vector<1x1024x1xi32> to vector<1024x1xi32>
    %swap3A_190 = vector.shape_cast %select_n3A_184 : vector<1024x1xi32> to vector<1x1024x1xi32>
    tpu.vector_store %arg6[%swap3A_185, %swap3A_186, %swap3A_187], %swap3A_190 {strides = array<i32>} : memref<1x1024x16xi32, #tpu.memory_space<vmem>>, vector<1x1024x1xi32>,
    %not3A_191 = arith.constant dense<-1> : vector<1024x1xi32>
    %not3A_192 = arith.xori %and3A_164, %not3A_191 : vector<1024x1xi32>
    %and3A_193 = vector.broadcast %not3A_192 : vector<1024x1xi32> to vector<1024x128xi32>
    %and3A_194 = arith.andi %select_n3A_143, %and3A_193 : vector<1024x128xi32>
    %select_n3A_195 = arith.select %eq3A_154, %and3A_194, %select_n3A_143 : vector<1024x128xi1>, vector<1024x128xi32>
    %ne3A_196 = arith.constant 0 : i32
    %ne3A_197 = vector.broadcast %ne3A_196 : i32 to vector<1024x128xi32>
    %ne3A_198 = arith.cmpi ne, %select_n3A_195, %ne3A_197 : vector<1024x128xi32>
    %jit3A_199 = arith.constant 128 : i32
    %broadcast_in_dim3A_200 = vector.broadcast %jit3A_199 : i32 to vector<1024x128xi32>
    %select_n3A_201 = arith.select %ne3A_198, %iota3A, %broadcast_in_dim3A_200 : vector<1024x128xi1>, vector<1024x128xi32>
    %reduce_min3A_202 = arith.constant dense<2147483647> : vector<1024xi32>
    %reduce_min3A_203 = vector.multi_reduction <minsi>, %select_n3A_201, %reduce_min3A_202 [1] : vector<1024x128xi32> to vector<1024xi32>
    %broadcast_in_dim3A_204 = vector.shape_cast %reduce_min3A_203 : vector<1024xi32> to vector<1024x1xi32>
    %eq3A_205 = vector.broadcast %broadcast_in_dim3A_204 : vector<1024x1xi32> to vector<1024x128xi32>
    %eq3A_206 = arith.cmpi eq, %iota3A, %eq3A_205 : vector<1024x128xi32>
    %jit3A_207 = arith.constant 0 : i32
    %broadcast_in_dim3A_208 = vector.broadcast %jit3A_207 : i32 to vector<1024x128xi32>
    %select_n3A_209 = arith.select %eq3A_206, %select_n3A_195, %broadcast_in_dim3A_208 : vector<1024x128xi1>, vector<1024x128xi32>
    %reduce_sum3A_210 = arith.constant dense<0> : vector<1024xi32>
    %reduce_sum3A_211 = vector.multi_reduction <add>, %select_n3A_209, %reduce_sum3A_210 [1] : vector<1024x128xi32> to vector<1024xi32>
    %broadcast_in_dim3A_212 = vector.shape_cast %reduce_sum3A_211 : vector<1024xi32> to vector<1024x1xi32>
    %neg3A_213 = arith.constant 0 : i32
    %neg3A_214 = vector.broadcast %neg3A_213 : i32 to vector<1024x1xi32>
    %neg3A_215 = arith.subi %neg3A_214, %broadcast_in_dim3A_212 : vector<1024x1xi32>
    %and3A_216 = arith.andi %broadcast_in_dim3A_212, %neg3A_215 : vector<1024x1xi32>
    %convert_element_type3A_217 = arith.sitofp %and3A_216 : vector<1024x1xi32> to vector<1024x1xf32>
    %abs3A_218 = math.absf %convert_element_type3A_217 : vector<1024x1xf32>
    %bitcast_convert_type3A_219 = tpu.bitcast %abs3A_218 : vector<1024x1xf32> -> vector<1024x1xi32>
    %shift_right_arithmetic3A_220 = arith.constant 23 : i32
    %shift_right_arithmetic3A_221 = vector.broadcast %shift_right_arithmetic3A_220 : i32 to vector<1024x1xi32>
    %shift_right_arithmetic3A_222 = arith.shrsi %bitcast_convert_type3A_219, %shift_right_arithmetic3A_221 : vector<1024x1xi32>
    %sub3A_223 = arith.constant 127 : i32
    %sub3A_224 = vector.broadcast %sub3A_223 : i32 to vector<1024x1xi32>
    %sub3A_225 = arith.subi %shift_right_arithmetic3A_222, %sub3A_224 : vector<1024x1xi32>
    %mul3A_226 = arith.constant 32 : i32
    %mul3A_227 = vector.broadcast %mul3A_226 : i32 to vector<1024x1xi32>
    %mul3A_228 = arith.muli %broadcast_in_dim3A_204, %mul3A_227 : vector<1024x1xi32>
    %add3A_229 = arith.addi %mul3A_228, %sub3A_225 : vector<1024x1xi32>
    %lt3A_230 = arith.constant 128 : i32
    %lt3A_231 = vector.broadcast %lt3A_230 : i32 to vector<1024x1xi32>
    %lt3A_232 = arith.cmpi slt, %broadcast_in_dim3A_204, %lt3A_231 : vector<1024x1xi32>
    %add3A_233 = arith.constant 4096 : i32
    %add3A_234 = vector.broadcast %add3A_233 : i32 to vector<1024x1xi32>
    %add3A_235 = arith.addi %add3A_229, %add3A_234 : vector<1024x1xi32>
    %select_n3A_236 = arith.select %lt3A_232, %add3A_235, %add3A_82 : vector<1024x1xi1>, vector<1024x1xi32>
    %swap3A_237 = arith.constant 0 : index
    %swap3A_238 = arith.constant 0 : index
    %swap3A_239 = arith.constant 3 : index
    %swap3A_240 = vector.load %arg6[%swap3A_237, %swap3A_238, %swap3A_239] : memref<1x1024x16xi32, #tpu.memory_space<vmem>>, vector<1x1024x1xi32>
    %swap3A_241 = vector.shape_cast %swap3A_240 : vector<1x1024x1xi32> to vector<1024x1xi32>
    %swap3A_242 = vector.shape_cast %select_n3A_236 : vector<1024x1xi32> to vector<1x1024x1xi32>
    tpu.vector_store %arg6[%swap3A_237, %swap3A_238, %swap3A_239], %swap3A_242 {strides = array<i32>} : memref<1x1024x16xi32, #tpu.memory_space<vmem>>, vector<1x1024x1xi32>,
    %not3A_243 = arith.constant dense<-1> : vector<1024x1xi32>
    %not3A_244 = arith.xori %and3A_216, %not3A_243 : vector<1024x1xi32>
    %and3A_245 = vector.broadcast %not3A_244 : vector<1024x1xi32> to vector<1024x128xi32>
    %and3A_246 = arith.andi %select_n3A_195, %and3A_245 : vector<1024x128xi32>
    %select_n3A_247 = arith.select %eq3A_206, %and3A_246, %select_n3A_195 : vector<1024x128xi1>, vector<1024x128xi32>
    %ne3A_248 = arith.constant 0 : i32
    %ne3A_249 = vector.broadcast %ne3A_248 : i32 to vector<1024x128xi32>
    %ne3A_250 = arith.cmpi ne, %select_n3A_247, %ne3A_249 : vector<1024x128xi32>
    %jit3A_251 = arith.constant 128 : i32
    %broadcast_in_dim3A_252 = vector.broadcast %jit3A_251 : i32 to vector<1024x128xi32>
    %select_n3A_253 = arith.select %ne3A_250, %iota3A, %broadcast_in_dim3A_252 : vector<1024x128xi1>, vector<1024x128xi32>
    %reduce_min3A_254 = arith.constant dense<2147483647> : vector<1024xi32>
    %reduce_min3A_255 = vector.multi_reduction <minsi>, %select_n3A_253, %reduce_min3A_254 [1] : vector<1024x128xi32> to vector<1024xi32>
    %broadcast_in_dim3A_256 = vector.shape_cast %reduce_min3A_255 : vector<1024xi32> to vector<1024x1xi32>
    %eq3A_257 = vector.broadcast %broadcast_in_dim3A_256 : vector<1024x1xi32> to vector<1024x128xi32>
    %eq3A_258 = arith.cmpi eq, %iota3A, %eq3A_257 : vector<1024x128xi32>
    %jit3A_259 = arith.constant 0 : i32
    %broadcast_in_dim3A_260 = vector.broadcast %jit3A_259 : i32 to vector<1024x128xi32>
    %select_n3A_261 = arith.select %eq3A_258, %select_n3A_247, %broadcast_in_dim3A_260 : vector<1024x128xi1>, vector<1024x128xi32>
    %reduce_sum3A_262 = arith.constant dense<0> : vector<1024xi32>
    %reduce_sum3A_263 = vector.multi_reduction <add>, %select_n3A_261, %reduce_sum3A_262 [1] : vector<1024x128xi32> to vector<1024xi32>
    %broadcast_in_dim3A_264 = vector.shape_cast %reduce_sum3A_263 : vector<1024xi32> to vector<1024x1xi32>
    %neg3A_265 = arith.constant 0 : i32
    %neg3A_266 = vector.broadcast %neg3A_265 : i32 to vector<1024x1xi32>
    %neg3A_267 = arith.subi %neg3A_266, %broadcast_in_dim3A_264 : vector<1024x1xi32>
    %and3A_268 = arith.andi %broadcast_in_dim3A_264, %neg3A_267 : vector<1024x1xi32>
    %convert_element_type3A_269 = arith.sitofp %and3A_268 : vector<1024x1xi32> to vector<1024x1xf32>
    %abs3A_270 = math.absf %convert_element_type3A_269 : vector<1024x1xf32>
    %bitcast_convert_type3A_271 = tpu.bitcast %abs3A_270 : vector<1024x1xf32> -> vector<1024x1xi32>
    %shift_right_arithmetic3A_272 = arith.constant 23 : i32
    %shift_right_arithmetic3A_273 = vector.broadcast %shift_right_arithmetic3A_272 : i32 to vector<1024x1xi32>
    %shift_right_arithmetic3A_274 = arith.shrsi %bitcast_convert_type3A_271, %shift_right_arithmetic3A_273 : vector<1024x1xi32>
    %sub3A_275 = arith.constant 127 : i32
    %sub3A_276 = vector.broadcast %sub3A_275 : i32 to vector<1024x1xi32>
    %sub3A_277 = arith.subi %shift_right_arithmetic3A_274, %sub3A_276 : vector<1024x1xi32>
    %mul3A_278 = arith.constant 32 : i32
    %mul3A_279 = vector.broadcast %mul3A_278 : i32 to vector<1024x1xi32>
    %mul3A_280 = arith.muli %broadcast_in_dim3A_256, %mul3A_279 : vector<1024x1xi32>
    %add3A_281 = arith.addi %mul3A_280, %sub3A_277 : vector<1024x1xi32>
    %lt3A_282 = arith.constant 128 : i32
    %lt3A_283 = vector.broadcast %lt3A_282 : i32 to vector<1024x1xi32>
    %lt3A_284 = arith.cmpi slt, %broadcast_in_dim3A_256, %lt3A_283 : vector<1024x1xi32>
    %add3A_285 = arith.constant 4096 : i32
    %add3A_286 = vector.broadcast %add3A_285 : i32 to vector<1024x1xi32>
    %add3A_287 = arith.addi %add3A_281, %add3A_286 : vector<1024x1xi32>
    %select_n3A_288 = arith.select %lt3A_284, %add3A_287, %add3A_82 : vector<1024x1xi1>, vector<1024x1xi32>
    %swap3A_289 = arith.constant 0 : index
    %swap3A_290 = arith.constant 0 : index
    %swap3A_291 = arith.constant 4 : index
    %swap3A_292 = vector.load %arg6[%swap3A_289, %swap3A_290, %swap3A_291] : memref<1x1024x16xi32, #tpu.memory_space<vmem>>, vector<1x1024x1xi32>
    %swap3A_293 = vector.shape_cast %swap3A_292 : vector<1x1024x1xi32> to vector<1024x1xi32>
    %swap3A_294 = vector.shape_cast %select_n3A_288 : vector<1024x1xi32> to vector<1x1024x1xi32>
    tpu.vector_store %arg6[%swap3A_289, %swap3A_290, %swap3A_291], %swap3A_294 {strides = array<i32>} : memref<1x1024x16xi32, #tpu.memory_space<vmem>>, vector<1x1024x1xi32>,
    %not3A_295 = arith.constant dense<-1> : vector<1024x1xi32>
    %not3A_296 = arith.xori %and3A_268, %not3A_295 : vector<1024x1xi32>
    %and3A_297 = vector.broadcast %not3A_296 : vector<1024x1xi32> to vector<1024x128xi32>
    %and3A_298 = arith.andi %select_n3A_247, %and3A_297 : vector<1024x128xi32>
    %select_n3A_299 = arith.select %eq3A_258, %and3A_298, %select_n3A_247 : vector<1024x128xi1>, vector<1024x128xi32>
    %ne3A_300 = arith.constant 0 : i32
    %ne3A_301 = vector.broadcast %ne3A_300 : i32 to vector<1024x128xi32>
    %ne3A_302 = arith.cmpi ne, %select_n3A_299, %ne3A_301 : vector<1024x128xi32>
    %jit3A_303 = arith.constant 128 : i32
    %broadcast_in_dim3A_304 = vector.broadcast %jit3A_303 : i32 to vector<1024x128xi32>
    %select_n3A_305 = arith.select %ne3A_302, %iota3A, %broadcast_in_dim3A_304 : vector<1024x128xi1>, vector<1024x128xi32>
    %reduce_min3A_306 = arith.constant dense<2147483647> : vector<1024xi32>
    %reduce_min3A_307 = vector.multi_reduction <minsi>, %select_n3A_305, %reduce_min3A_306 [1] : vector<1024x128xi32> to vector<1024xi32>
    %broadcast_in_dim3A_308 = vector.shape_cast %reduce_min3A_307 : vector<1024xi32> to vector<1024x1xi32>
    %eq3A_309 = vector.broadcast %broadcast_in_dim3A_308 : vector<1024x1xi32> to vector<1024x128xi32>
    %eq3A_310 = arith.cmpi eq, %iota3A, %eq3A_309 : vector<1024x128xi32>
    %jit3A_311 = arith.constant 0 : i32
    %broadcast_in_dim3A_312 = vector.broadcast %jit3A_311 : i32 to vector<1024x128xi32>
    %select_n3A_313 = arith.select %eq3A_310, %select_n3A_299, %broadcast_in_dim3A_312 : vector<1024x128xi1>, vector<1024x128xi32>
    %reduce_sum3A_314 = arith.constant dense<0> : vector<1024xi32>
    %reduce_sum3A_315 = vector.multi_reduction <add>, %select_n3A_313, %reduce_sum3A_314 [1] : vector<1024x128xi32> to vector<1024xi32>
    %broadcast_in_dim3A_316 = vector.shape_cast %reduce_sum3A_315 : vector<1024xi32> to vector<1024x1xi32>
    %neg3A_317 = arith.constant 0 : i32
    %neg3A_318 = vector.broadcast %neg3A_317 : i32 to vector<1024x1xi32>
    %neg3A_319 = arith.subi %neg3A_318, %broadcast_in_dim3A_316 : vector<1024x1xi32>
    %and3A_320 = arith.andi %broadcast_in_dim3A_316, %neg3A_319 : vector<1024x1xi32>
    %convert_element_type3A_321 = arith.sitofp %and3A_320 : vector<1024x1xi32> to vector<1024x1xf32>
    %abs3A_322 = math.absf %convert_element_type3A_321 : vector<1024x1xf32>
    %bitcast_convert_type3A_323 = tpu.bitcast %abs3A_322 : vector<1024x1xf32> -> vector<1024x1xi32>
    %shift_right_arithmetic3A_324 = arith.constant 23 : i32
    %shift_right_arithmetic3A_325 = vector.broadcast %shift_right_arithmetic3A_324 : i32 to vector<1024x1xi32>
    %shift_right_arithmetic3A_326 = arith.shrsi %bitcast_convert_type3A_323, %shift_right_arithmetic3A_325 : vector<1024x1xi32>
    %sub3A_327 = arith.constant 127 : i32
    %sub3A_328 = vector.broadcast %sub3A_327 : i32 to vector<1024x1xi32>
    %sub3A_329 = arith.subi %shift_right_arithmetic3A_326, %sub3A_328 : vector<1024x1xi32>
    %mul3A_330 = arith.constant 32 : i32
    %mul3A_331 = vector.broadcast %mul3A_330 : i32 to vector<1024x1xi32>
    %mul3A_332 = arith.muli %broadcast_in_dim3A_308, %mul3A_331 : vector<1024x1xi32>
    %add3A_333 = arith.addi %mul3A_332, %sub3A_329 : vector<1024x1xi32>
    %lt3A_334 = arith.constant 128 : i32
    %lt3A_335 = vector.broadcast %lt3A_334 : i32 to vector<1024x1xi32>
    %lt3A_336 = arith.cmpi slt, %broadcast_in_dim3A_308, %lt3A_335 : vector<1024x1xi32>
    %add3A_337 = arith.constant 4096 : i32
    %add3A_338 = vector.broadcast %add3A_337 : i32 to vector<1024x1xi32>
    %add3A_339 = arith.addi %add3A_333, %add3A_338 : vector<1024x1xi32>
    %select_n3A_340 = arith.select %lt3A_336, %add3A_339, %add3A_82 : vector<1024x1xi1>, vector<1024x1xi32>
    %swap3A_341 = arith.constant 0 : index
    %swap3A_342 = arith.constant 0 : index
    %swap3A_343 = arith.constant 5 : index
    %swap3A_344 = vector.load %arg6[%swap3A_341, %swap3A_342, %swap3A_343] : memref<1x1024x16xi32, #tpu.memory_space<vmem>>, vector<1x1024x1xi32>
    %swap3A_345 = vector.shape_cast %swap3A_344 : vector<1x1024x1xi32> to vector<1024x1xi32>
    %swap3A_346 = vector.shape_cast %select_n3A_340 : vector<1024x1xi32> to vector<1x1024x1xi32>
    tpu.vector_store %arg6[%swap3A_341, %swap3A_342, %swap3A_343], %swap3A_346 {strides = array<i32>} : memref<1x1024x16xi32, #tpu.memory_space<vmem>>, vector<1x1024x1xi32>,
    %not3A_347 = arith.constant dense<-1> : vector<1024x1xi32>
    %not3A_348 = arith.xori %and3A_320, %not3A_347 : vector<1024x1xi32>
    %and3A_349 = vector.broadcast %not3A_348 : vector<1024x1xi32> to vector<1024x128xi32>
    %and3A_350 = arith.andi %select_n3A_299, %and3A_349 : vector<1024x128xi32>
    %select_n3A_351 = arith.select %eq3A_310, %and3A_350, %select_n3A_299 : vector<1024x128xi1>, vector<1024x128xi32>
    %ne3A_352 = arith.constant 0 : i32
    %ne3A_353 = vector.broadcast %ne3A_352 : i32 to vector<1024x128xi32>
    %ne3A_354 = arith.cmpi ne, %select_n3A_351, %ne3A_353 : vector<1024x128xi32>
    %jit3A_355 = arith.constant 128 : i32
    %broadcast_in_dim3A_356 = vector.broadcast %jit3A_355 : i32 to vector<1024x128xi32>
    %select_n3A_357 = arith.select %ne3A_354, %iota3A, %broadcast_in_dim3A_356 : vector<1024x128xi1>, vector<1024x128xi32>
    %reduce_min3A_358 = arith.constant dense<2147483647> : vector<1024xi32>
    %reduce_min3A_359 = vector.multi_reduction <minsi>, %select_n3A_357, %reduce_min3A_358 [1] : vector<1024x128xi32> to vector<1024xi32>
    %broadcast_in_dim3A_360 = vector.shape_cast %reduce_min3A_359 : vector<1024xi32> to vector<1024x1xi32>
    %eq3A_361 = vector.broadcast %broadcast_in_dim3A_360 : vector<1024x1xi32> to vector<1024x128xi32>
    %eq3A_362 = arith.cmpi eq, %iota3A, %eq3A_361 : vector<1024x128xi32>
    %jit3A_363 = arith.constant 0 : i32
    %broadcast_in_dim3A_364 = vector.broadcast %jit3A_363 : i32 to vector<1024x128xi32>
    %select_n3A_365 = arith.select %eq3A_362, %select_n3A_351, %broadcast_in_dim3A_364 : vector<1024x128xi1>, vector<1024x128xi32>
    %reduce_sum3A_366 = arith.constant dense<0> : vector<1024xi32>
    %reduce_sum3A_367 = vector.multi_reduction <add>, %select_n3A_365, %reduce_sum3A_366 [1] : vector<1024x128xi32> to vector<1024xi32>
    %broadcast_in_dim3A_368 = vector.shape_cast %reduce_sum3A_367 : vector<1024xi32> to vector<1024x1xi32>
    %neg3A_369 = arith.constant 0 : i32
    %neg3A_370 = vector.broadcast %neg3A_369 : i32 to vector<1024x1xi32>
    %neg3A_371 = arith.subi %neg3A_370, %broadcast_in_dim3A_368 : vector<1024x1xi32>
    %and3A_372 = arith.andi %broadcast_in_dim3A_368, %neg3A_371 : vector<1024x1xi32>
    %convert_element_type3A_373 = arith.sitofp %and3A_372 : vector<1024x1xi32> to vector<1024x1xf32>
    %abs3A_374 = math.absf %convert_element_type3A_373 : vector<1024x1xf32>
    %bitcast_convert_type3A_375 = tpu.bitcast %abs3A_374 : vector<1024x1xf32> -> vector<1024x1xi32>
    %shift_right_arithmetic3A_376 = arith.constant 23 : i32
    %shift_right_arithmetic3A_377 = vector.broadcast %shift_right_arithmetic3A_376 : i32 to vector<1024x1xi32>
    %shift_right_arithmetic3A_378 = arith.shrsi %bitcast_convert_type3A_375, %shift_right_arithmetic3A_377 : vector<1024x1xi32>
    %sub3A_379 = arith.constant 127 : i32
    %sub3A_380 = vector.broadcast %sub3A_379 : i32 to vector<1024x1xi32>
    %sub3A_381 = arith.subi %shift_right_arithmetic3A_378, %sub3A_380 : vector<1024x1xi32>
    %mul3A_382 = arith.constant 32 : i32
    %mul3A_383 = vector.broadcast %mul3A_382 : i32 to vector<1024x1xi32>
    %mul3A_384 = arith.muli %broadcast_in_dim3A_360, %mul3A_383 : vector<1024x1xi32>
    %add3A_385 = arith.addi %mul3A_384, %sub3A_381 : vector<1024x1xi32>
    %lt3A_386 = arith.constant 128 : i32
    %lt3A_387 = vector.broadcast %lt3A_386 : i32 to vector<1024x1xi32>
    %lt3A_388 = arith.cmpi slt, %broadcast_in_dim3A_360, %lt3A_387 : vector<1024x1xi32>
    %add3A_389 = arith.constant 4096 : i32
    %add3A_390 = vector.broadcast %add3A_389 : i32 to vector<1024x1xi32>
    %add3A_391 = arith.addi %add3A_385, %add3A_390 : vector<1024x1xi32>
    %select_n3A_392 = arith.select %lt3A_388, %add3A_391, %add3A_82 : vector<1024x1xi1>, vector<1024x1xi32>
    %swap3A_393 = arith.constant 0 : index
    %swap3A_394 = arith.constant 0 : index
    %swap3A_395 = arith.constant 6 : index
    %swap3A_396 = vector.load %arg6[%swap3A_393, %swap3A_394, %swap3A_395] : memref<1x1024x16xi32, #tpu.memory_space<vmem>>, vector<1x1024x1xi32>
    %swap3A_397 = vector.shape_cast %swap3A_396 : vector<1x1024x1xi32> to vector<1024x1xi32>
    %swap3A_398 = vector.shape_cast %select_n3A_392 : vector<1024x1xi32> to vector<1x1024x1xi32>
    tpu.vector_store %arg6[%swap3A_393, %swap3A_394, %swap3A_395], %swap3A_398 {strides = array<i32>} : memref<1x1024x16xi32, #tpu.memory_space<vmem>>, vector<1x1024x1xi32>,
    %not3A_399 = arith.constant dense<-1> : vector<1024x1xi32>
    %not3A_400 = arith.xori %and3A_372, %not3A_399 : vector<1024x1xi32>
    %and3A_401 = vector.broadcast %not3A_400 : vector<1024x1xi32> to vector<1024x128xi32>
    %and3A_402 = arith.andi %select_n3A_351, %and3A_401 : vector<1024x128xi32>
    %select_n3A_403 = arith.select %eq3A_362, %and3A_402, %select_n3A_351 : vector<1024x128xi1>, vector<1024x128xi32>
    %ne3A_404 = arith.constant 0 : i32
    %ne3A_405 = vector.broadcast %ne3A_404 : i32 to vector<1024x128xi32>
    %ne3A_406 = arith.cmpi ne, %select_n3A_403, %ne3A_405 : vector<1024x128xi32>
    %jit3A_407 = arith.constant 128 : i32
    %broadcast_in_dim3A_408 = vector.broadcast %jit3A_407 : i32 to vector<1024x128xi32>
    %select_n3A_409 = arith.select %ne3A_406, %iota3A, %broadcast_in_dim3A_408 : vector<1024x128xi1>, vector<1024x128xi32>
    %reduce_min3A_410 = arith.constant dense<2147483647> : vector<1024xi32>
    %reduce_min3A_411 = vector.multi_reduction <minsi>, %select_n3A_409, %reduce_min3A_410 [1] : vector<1024x128xi32> to vector<1024xi32>
    %broadcast_in_dim3A_412 = vector.shape_cast %reduce_min3A_411 : vector<1024xi32> to vector<1024x1xi32>
    %eq3A_413 = vector.broadcast %broadcast_in_dim3A_412 : vector<1024x1xi32> to vector<1024x128xi32>
    %eq3A_414 = arith.cmpi eq, %iota3A, %eq3A_413 : vector<1024x128xi32>
    %jit3A_415 = arith.constant 0 : i32
    %broadcast_in_dim3A_416 = vector.broadcast %jit3A_415 : i32 to vector<1024x128xi32>
    %select_n3A_417 = arith.select %eq3A_414, %select_n3A_403, %broadcast_in_dim3A_416 : vector<1024x128xi1>, vector<1024x128xi32>
    %reduce_sum3A_418 = arith.constant dense<0> : vector<1024xi32>
    %reduce_sum3A_419 = vector.multi_reduction <add>, %select_n3A_417, %reduce_sum3A_418 [1] : vector<1024x128xi32> to vector<1024xi32>
    %broadcast_in_dim3A_420 = vector.shape_cast %reduce_sum3A_419 : vector<1024xi32> to vector<1024x1xi32>
    %neg3A_421 = arith.constant 0 : i32
    %neg3A_422 = vector.broadcast %neg3A_421 : i32 to vector<1024x1xi32>
    %neg3A_423 = arith.subi %neg3A_422, %broadcast_in_dim3A_420 : vector<1024x1xi32>
    %and3A_424 = arith.andi %broadcast_in_dim3A_420, %neg3A_423 : vector<1024x1xi32>
    %convert_element_type3A_425 = arith.sitofp %and3A_424 : vector<1024x1xi32> to vector<1024x1xf32>
    %abs3A_426 = math.absf %convert_element_type3A_425 : vector<1024x1xf32>
    %bitcast_convert_type3A_427 = tpu.bitcast %abs3A_426 : vector<1024x1xf32> -> vector<1024x1xi32>
    %shift_right_arithmetic3A_428 = arith.constant 23 : i32
    %shift_right_arithmetic3A_429 = vector.broadcast %shift_right_arithmetic3A_428 : i32 to vector<1024x1xi32>
    %shift_right_arithmetic3A_430 = arith.shrsi %bitcast_convert_type3A_427, %shift_right_arithmetic3A_429 : vector<1024x1xi32>
    %sub3A_431 = arith.constant 127 : i32
    %sub3A_432 = vector.broadcast %sub3A_431 : i32 to vector<1024x1xi32>
    %sub3A_433 = arith.subi %shift_right_arithmetic3A_430, %sub3A_432 : vector<1024x1xi32>
    %mul3A_434 = arith.constant 32 : i32
    %mul3A_435 = vector.broadcast %mul3A_434 : i32 to vector<1024x1xi32>
    %mul3A_436 = arith.muli %broadcast_in_dim3A_412, %mul3A_435 : vector<1024x1xi32>
    %add3A_437 = arith.addi %mul3A_436, %sub3A_433 : vector<1024x1xi32>
    %lt3A_438 = arith.constant 128 : i32
    %lt3A_439 = vector.broadcast %lt3A_438 : i32 to vector<1024x1xi32>
    %lt3A_440 = arith.cmpi slt, %broadcast_in_dim3A_412, %lt3A_439 : vector<1024x1xi32>
    %add3A_441 = arith.constant 4096 : i32
    %add3A_442 = vector.broadcast %add3A_441 : i32 to vector<1024x1xi32>
    %add3A_443 = arith.addi %add3A_437, %add3A_442 : vector<1024x1xi32>
    %select_n3A_444 = arith.select %lt3A_440, %add3A_443, %add3A_82 : vector<1024x1xi1>, vector<1024x1xi32>
    %swap3A_445 = arith.constant 0 : index
    %swap3A_446 = arith.constant 0 : index
    %swap3A_447 = arith.constant 7 : index
    %swap3A_448 = vector.load %arg6[%swap3A_445, %swap3A_446, %swap3A_447] : memref<1x1024x16xi32, #tpu.memory_space<vmem>>, vector<1x1024x1xi32>
    %swap3A_449 = vector.shape_cast %swap3A_448 : vector<1x1024x1xi32> to vector<1024x1xi32>
    %swap3A_450 = vector.shape_cast %select_n3A_444 : vector<1024x1xi32> to vector<1x1024x1xi32>
    tpu.vector_store %arg6[%swap3A_445, %swap3A_446, %swap3A_447], %swap3A_450 {strides = array<i32>} : memref<1x1024x16xi32, #tpu.memory_space<vmem>>, vector<1x1024x1xi32>,
    %not3A_451 = arith.constant dense<-1> : vector<1024x1xi32>
    %not3A_452 = arith.xori %and3A_424, %not3A_451 : vector<1024x1xi32>
    %and3A_453 = vector.broadcast %not3A_452 : vector<1024x1xi32> to vector<1024x128xi32>
    %and3A_454 = arith.andi %select_n3A_403, %and3A_453 : vector<1024x128xi32>
    %select_n3A_455 = arith.select %eq3A_414, %and3A_454, %select_n3A_403 : vector<1024x128xi1>, vector<1024x128xi32>
    %ne3A_456 = arith.constant 0 : i32
    %ne3A_457 = vector.broadcast %ne3A_456 : i32 to vector<1024x128xi32>
    %ne3A_458 = arith.cmpi ne, %select_n3A_455, %ne3A_457 : vector<1024x128xi32>
    %jit3A_459 = arith.constant 128 : i32
    %broadcast_in_dim3A_460 = vector.broadcast %jit3A_459 : i32 to vector<1024x128xi32>
    %select_n3A_461 = arith.select %ne3A_458, %iota3A, %broadcast_in_dim3A_460 : vector<1024x128xi1>, vector<1024x128xi32>
    %reduce_min3A_462 = arith.constant dense<2147483647> : vector<1024xi32>
    %reduce_min3A_463 = vector.multi_reduction <minsi>, %select_n3A_461, %reduce_min3A_462 [1] : vector<1024x128xi32> to vector<1024xi32>
    %broadcast_in_dim3A_464 = vector.shape_cast %reduce_min3A_463 : vector<1024xi32> to vector<1024x1xi32>
    %eq3A_465 = vector.broadcast %broadcast_in_dim3A_464 : vector<1024x1xi32> to vector<1024x128xi32>
    %eq3A_466 = arith.cmpi eq, %iota3A, %eq3A_465 : vector<1024x128xi32>
    %jit3A_467 = arith.constant 0 : i32
    %broadcast_in_dim3A_468 = vector.broadcast %jit3A_467 : i32 to vector<1024x128xi32>
    %select_n3A_469 = arith.select %eq3A_466, %select_n3A_455, %broadcast_in_dim3A_468 : vector<1024x128xi1>, vector<1024x128xi32>
    %reduce_sum3A_470 = arith.constant dense<0> : vector<1024xi32>
    %reduce_sum3A_471 = vector.multi_reduction <add>, %select_n3A_469, %reduce_sum3A_470 [1] : vector<1024x128xi32> to vector<1024xi32>
    %broadcast_in_dim3A_472 = vector.shape_cast %reduce_sum3A_471 : vector<1024xi32> to vector<1024x1xi32>
    %neg3A_473 = arith.constant 0 : i32
    %neg3A_474 = vector.broadcast %neg3A_473 : i32 to vector<1024x1xi32>
    %neg3A_475 = arith.subi %neg3A_474, %broadcast_in_dim3A_472 : vector<1024x1xi32>
    %and3A_476 = arith.andi %broadcast_in_dim3A_472, %neg3A_475 : vector<1024x1xi32>
    %convert_element_type3A_477 = arith.sitofp %and3A_476 : vector<1024x1xi32> to vector<1024x1xf32>
    %abs3A_478 = math.absf %convert_element_type3A_477 : vector<1024x1xf32>
    %bitcast_convert_type3A_479 = tpu.bitcast %abs3A_478 : vector<1024x1xf32> -> vector<1024x1xi32>
    %shift_right_arithmetic3A_480 = arith.constant 23 : i32
    %shift_right_arithmetic3A_481 = vector.broadcast %shift_right_arithmetic3A_480 : i32 to vector<1024x1xi32>
    %shift_right_arithmetic3A_482 = arith.shrsi %bitcast_convert_type3A_479, %shift_right_arithmetic3A_481 : vector<1024x1xi32>
    %sub3A_483 = arith.constant 127 : i32
    %sub3A_484 = vector.broadcast %sub3A_483 : i32 to vector<1024x1xi32>
    %sub3A_485 = arith.subi %shift_right_arithmetic3A_482, %sub3A_484 : vector<1024x1xi32>
    %mul3A_486 = arith.constant 32 : i32
    %mul3A_487 = vector.broadcast %mul3A_486 : i32 to vector<1024x1xi32>
    %mul3A_488 = arith.muli %broadcast_in_dim3A_464, %mul3A_487 : vector<1024x1xi32>
    %add3A_489 = arith.addi %mul3A_488, %sub3A_485 : vector<1024x1xi32>
    %lt3A_490 = arith.constant 128 : i32
    %lt3A_491 = vector.broadcast %lt3A_490 : i32 to vector<1024x1xi32>
    %lt3A_492 = arith.cmpi slt, %broadcast_in_dim3A_464, %lt3A_491 : vector<1024x1xi32>
    %add3A_493 = arith.constant 4096 : i32
    %add3A_494 = vector.broadcast %add3A_493 : i32 to vector<1024x1xi32>
    %add3A_495 = arith.addi %add3A_489, %add3A_494 : vector<1024x1xi32>
    %select_n3A_496 = arith.select %lt3A_492, %add3A_495, %add3A_82 : vector<1024x1xi1>, vector<1024x1xi32>
    %swap3A_497 = arith.constant 0 : index
    %swap3A_498 = arith.constant 0 : index
    %swap3A_499 = arith.constant 8 : index
    %swap3A_500 = vector.load %arg6[%swap3A_497, %swap3A_498, %swap3A_499] : memref<1x1024x16xi32, #tpu.memory_space<vmem>>, vector<1x1024x1xi32>
    %swap3A_501 = vector.shape_cast %swap3A_500 : vector<1x1024x1xi32> to vector<1024x1xi32>
    %swap3A_502 = vector.shape_cast %select_n3A_496 : vector<1024x1xi32> to vector<1x1024x1xi32>
    tpu.vector_store %arg6[%swap3A_497, %swap3A_498, %swap3A_499], %swap3A_502 {strides = array<i32>} : memref<1x1024x16xi32, #tpu.memory_space<vmem>>, vector<1x1024x1xi32>,
    %not3A_503 = arith.constant dense<-1> : vector<1024x1xi32>
    %not3A_504 = arith.xori %and3A_476, %not3A_503 : vector<1024x1xi32>
    %and3A_505 = vector.broadcast %not3A_504 : vector<1024x1xi32> to vector<1024x128xi32>
    %and3A_506 = arith.andi %select_n3A_455, %and3A_505 : vector<1024x128xi32>
    %select_n3A_507 = arith.select %eq3A_466, %and3A_506, %select_n3A_455 : vector<1024x128xi1>, vector<1024x128xi32>
    %ne3A_508 = arith.constant 0 : i32
    %ne3A_509 = vector.broadcast %ne3A_508 : i32 to vector<1024x128xi32>
    %ne3A_510 = arith.cmpi ne, %select_n3A_507, %ne3A_509 : vector<1024x128xi32>
    %jit3A_511 = arith.constant 128 : i32
    %broadcast_in_dim3A_512 = vector.broadcast %jit3A_511 : i32 to vector<1024x128xi32>
    %select_n3A_513 = arith.select %ne3A_510, %iota3A, %broadcast_in_dim3A_512 : vector<1024x128xi1>, vector<1024x128xi32>
    %reduce_min3A_514 = arith.constant dense<2147483647> : vector<1024xi32>
    %reduce_min3A_515 = vector.multi_reduction <minsi>, %select_n3A_513, %reduce_min3A_514 [1] : vector<1024x128xi32> to vector<1024xi32>
    %broadcast_in_dim3A_516 = vector.shape_cast %reduce_min3A_515 : vector<1024xi32> to vector<1024x1xi32>
    %eq3A_517 = vector.broadcast %broadcast_in_dim3A_516 : vector<1024x1xi32> to vector<1024x128xi32>
    %eq3A_518 = arith.cmpi eq, %iota3A, %eq3A_517 : vector<1024x128xi32>
    %jit3A_519 = arith.constant 0 : i32
    %broadcast_in_dim3A_520 = vector.broadcast %jit3A_519 : i32 to vector<1024x128xi32>
    %select_n3A_521 = arith.select %eq3A_518, %select_n3A_507, %broadcast_in_dim3A_520 : vector<1024x128xi1>, vector<1024x128xi32>
    %reduce_sum3A_522 = arith.constant dense<0> : vector<1024xi32>
    %reduce_sum3A_523 = vector.multi_reduction <add>, %select_n3A_521, %reduce_sum3A_522 [1] : vector<1024x128xi32> to vector<1024xi32>
    %broadcast_in_dim3A_524 = vector.shape_cast %reduce_sum3A_523 : vector<1024xi32> to vector<1024x1xi32>
    %neg3A_525 = arith.constant 0 : i32
    %neg3A_526 = vector.broadcast %neg3A_525 : i32 to vector<1024x1xi32>
    %neg3A_527 = arith.subi %neg3A_526, %broadcast_in_dim3A_524 : vector<1024x1xi32>
    %and3A_528 = arith.andi %broadcast_in_dim3A_524, %neg3A_527 : vector<1024x1xi32>
    %convert_element_type3A_529 = arith.sitofp %and3A_528 : vector<1024x1xi32> to vector<1024x1xf32>
    %abs3A_530 = math.absf %convert_element_type3A_529 : vector<1024x1xf32>
    %bitcast_convert_type3A_531 = tpu.bitcast %abs3A_530 : vector<1024x1xf32> -> vector<1024x1xi32>
    %shift_right_arithmetic3A_532 = arith.constant 23 : i32
    %shift_right_arithmetic3A_533 = vector.broadcast %shift_right_arithmetic3A_532 : i32 to vector<1024x1xi32>
    %shift_right_arithmetic3A_534 = arith.shrsi %bitcast_convert_type3A_531, %shift_right_arithmetic3A_533 : vector<1024x1xi32>
    %sub3A_535 = arith.constant 127 : i32
    %sub3A_536 = vector.broadcast %sub3A_535 : i32 to vector<1024x1xi32>
    %sub3A_537 = arith.subi %shift_right_arithmetic3A_534, %sub3A_536 : vector<1024x1xi32>
    %mul3A_538 = arith.constant 32 : i32
    %mul3A_539 = vector.broadcast %mul3A_538 : i32 to vector<1024x1xi32>
    %mul3A_540 = arith.muli %broadcast_in_dim3A_516, %mul3A_539 : vector<1024x1xi32>
    %add3A_541 = arith.addi %mul3A_540, %sub3A_537 : vector<1024x1xi32>
    %lt3A_542 = arith.constant 128 : i32
    %lt3A_543 = vector.broadcast %lt3A_542 : i32 to vector<1024x1xi32>
    %lt3A_544 = arith.cmpi slt, %broadcast_in_dim3A_516, %lt3A_543 : vector<1024x1xi32>
    %add3A_545 = arith.constant 4096 : i32
    %add3A_546 = vector.broadcast %add3A_545 : i32 to vector<1024x1xi32>
    %add3A_547 = arith.addi %add3A_541, %add3A_546 : vector<1024x1xi32>
    %select_n3A_548 = arith.select %lt3A_544, %add3A_547, %add3A_82 : vector<1024x1xi1>, vector<1024x1xi32>
    %swap3A_549 = arith.constant 0 : index
    %swap3A_550 = arith.constant 0 : index
    %swap3A_551 = arith.constant 9 : index
    %swap3A_552 = vector.load %arg6[%swap3A_549, %swap3A_550, %swap3A_551] : memref<1x1024x16xi32, #tpu.memory_space<vmem>>, vector<1x1024x1xi32>
    %swap3A_553 = vector.shape_cast %swap3A_552 : vector<1x1024x1xi32> to vector<1024x1xi32>
    %swap3A_554 = vector.shape_cast %select_n3A_548 : vector<1024x1xi32> to vector<1x1024x1xi32>
    tpu.vector_store %arg6[%swap3A_549, %swap3A_550, %swap3A_551], %swap3A_554 {strides = array<i32>} : memref<1x1024x16xi32, #tpu.memory_space<vmem>>, vector<1x1024x1xi32>,
    %not3A_555 = arith.constant dense<-1> : vector<1024x1xi32>
    %not3A_556 = arith.xori %and3A_528, %not3A_555 : vector<1024x1xi32>
    %and3A_557 = vector.broadcast %not3A_556 : vector<1024x1xi32> to vector<1024x128xi32>
    %and3A_558 = arith.andi %select_n3A_507, %and3A_557 : vector<1024x128xi32>
    %select_n3A_559 = arith.select %eq3A_518, %and3A_558, %select_n3A_507 : vector<1024x128xi1>, vector<1024x128xi32>
    %ne3A_560 = arith.constant 0 : i32
    %ne3A_561 = vector.broadcast %ne3A_560 : i32 to vector<1024x128xi32>
    %ne3A_562 = arith.cmpi ne, %select_n3A_559, %ne3A_561 : vector<1024x128xi32>
    %jit3A_563 = arith.constant 128 : i32
    %broadcast_in_dim3A_564 = vector.broadcast %jit3A_563 : i32 to vector<1024x128xi32>
    %select_n3A_565 = arith.select %ne3A_562, %iota3A, %broadcast_in_dim3A_564 : vector<1024x128xi1>, vector<1024x128xi32>
    %reduce_min3A_566 = arith.constant dense<2147483647> : vector<1024xi32>
    %reduce_min3A_567 = vector.multi_reduction <minsi>, %select_n3A_565, %reduce_min3A_566 [1] : vector<1024x128xi32> to vector<1024xi32>
    %broadcast_in_dim3A_568 = vector.shape_cast %reduce_min3A_567 : vector<1024xi32> to vector<1024x1xi32>
    %eq3A_569 = vector.broadcast %broadcast_in_dim3A_568 : vector<1024x1xi32> to vector<1024x128xi32>
    %eq3A_570 = arith.cmpi eq, %iota3A, %eq3A_569 : vector<1024x128xi32>
    %jit3A_571 = arith.constant 0 : i32
    %broadcast_in_dim3A_572 = vector.broadcast %jit3A_571 : i32 to vector<1024x128xi32>
    %select_n3A_573 = arith.select %eq3A_570, %select_n3A_559, %broadcast_in_dim3A_572 : vector<1024x128xi1>, vector<1024x128xi32>
    %reduce_sum3A_574 = arith.constant dense<0> : vector<1024xi32>
    %reduce_sum3A_575 = vector.multi_reduction <add>, %select_n3A_573, %reduce_sum3A_574 [1] : vector<1024x128xi32> to vector<1024xi32>
    %broadcast_in_dim3A_576 = vector.shape_cast %reduce_sum3A_575 : vector<1024xi32> to vector<1024x1xi32>
    %neg3A_577 = arith.constant 0 : i32
    %neg3A_578 = vector.broadcast %neg3A_577 : i32 to vector<1024x1xi32>
    %neg3A_579 = arith.subi %neg3A_578, %broadcast_in_dim3A_576 : vector<1024x1xi32>
    %and3A_580 = arith.andi %broadcast_in_dim3A_576, %neg3A_579 : vector<1024x1xi32>
    %convert_element_type3A_581 = arith.sitofp %and3A_580 : vector<1024x1xi32> to vector<1024x1xf32>
    %abs3A_582 = math.absf %convert_element_type3A_581 : vector<1024x1xf32>
    %bitcast_convert_type3A_583 = tpu.bitcast %abs3A_582 : vector<1024x1xf32> -> vector<1024x1xi32>
    %shift_right_arithmetic3A_584 = arith.constant 23 : i32
    %shift_right_arithmetic3A_585 = vector.broadcast %shift_right_arithmetic3A_584 : i32 to vector<1024x1xi32>
    %shift_right_arithmetic3A_586 = arith.shrsi %bitcast_convert_type3A_583, %shift_right_arithmetic3A_585 : vector<1024x1xi32>
    %sub3A_587 = arith.constant 127 : i32
    %sub3A_588 = vector.broadcast %sub3A_587 : i32 to vector<1024x1xi32>
    %sub3A_589 = arith.subi %shift_right_arithmetic3A_586, %sub3A_588 : vector<1024x1xi32>
    %mul3A_590 = arith.constant 32 : i32
    %mul3A_591 = vector.broadcast %mul3A_590 : i32 to vector<1024x1xi32>
    %mul3A_592 = arith.muli %broadcast_in_dim3A_568, %mul3A_591 : vector<1024x1xi32>
    %add3A_593 = arith.addi %mul3A_592, %sub3A_589 : vector<1024x1xi32>
    %lt3A_594 = arith.constant 128 : i32
    %lt3A_595 = vector.broadcast %lt3A_594 : i32 to vector<1024x1xi32>
    %lt3A_596 = arith.cmpi slt, %broadcast_in_dim3A_568, %lt3A_595 : vector<1024x1xi32>
    %add3A_597 = arith.constant 4096 : i32
    %add3A_598 = vector.broadcast %add3A_597 : i32 to vector<1024x1xi32>
    %add3A_599 = arith.addi %add3A_593, %add3A_598 : vector<1024x1xi32>
    %select_n3A_600 = arith.select %lt3A_596, %add3A_599, %add3A_82 : vector<1024x1xi1>, vector<1024x1xi32>
    %swap3A_601 = arith.constant 0 : index
    %swap3A_602 = arith.constant 0 : index
    %swap3A_603 = arith.constant 10 : index
    %swap3A_604 = vector.load %arg6[%swap3A_601, %swap3A_602, %swap3A_603] : memref<1x1024x16xi32, #tpu.memory_space<vmem>>, vector<1x1024x1xi32>
    %swap3A_605 = vector.shape_cast %swap3A_604 : vector<1x1024x1xi32> to vector<1024x1xi32>
    %swap3A_606 = vector.shape_cast %select_n3A_600 : vector<1024x1xi32> to vector<1x1024x1xi32>
    tpu.vector_store %arg6[%swap3A_601, %swap3A_602, %swap3A_603], %swap3A_606 {strides = array<i32>} : memref<1x1024x16xi32, #tpu.memory_space<vmem>>, vector<1x1024x1xi32>,
    %not3A_607 = arith.constant dense<-1> : vector<1024x1xi32>
    %not3A_608 = arith.xori %and3A_580, %not3A_607 : vector<1024x1xi32>
    %and3A_609 = vector.broadcast %not3A_608 : vector<1024x1xi32> to vector<1024x128xi32>
    %and3A_610 = arith.andi %select_n3A_559, %and3A_609 : vector<1024x128xi32>
    %select_n3A_611 = arith.select %eq3A_570, %and3A_610, %select_n3A_559 : vector<1024x128xi1>, vector<1024x128xi32>
    %ne3A_612 = arith.constant 0 : i32
    %ne3A_613 = vector.broadcast %ne3A_612 : i32 to vector<1024x128xi32>
    %ne3A_614 = arith.cmpi ne, %select_n3A_611, %ne3A_613 : vector<1024x128xi32>
    %jit3A_615 = arith.constant 128 : i32
    %broadcast_in_dim3A_616 = vector.broadcast %jit3A_615 : i32 to vector<1024x128xi32>
    %select_n3A_617 = arith.select %ne3A_614, %iota3A, %broadcast_in_dim3A_616 : vector<1024x128xi1>, vector<1024x128xi32>
    %reduce_min3A_618 = arith.constant dense<2147483647> : vector<1024xi32>
    %reduce_min3A_619 = vector.multi_reduction <minsi>, %select_n3A_617, %reduce_min3A_618 [1] : vector<1024x128xi32> to vector<1024xi32>
    %broadcast_in_dim3A_620 = vector.shape_cast %reduce_min3A_619 : vector<1024xi32> to vector<1024x1xi32>
    %eq3A_621 = vector.broadcast %broadcast_in_dim3A_620 : vector<1024x1xi32> to vector<1024x128xi32>
    %eq3A_622 = arith.cmpi eq, %iota3A, %eq3A_621 : vector<1024x128xi32>
    %jit3A_623 = arith.constant 0 : i32
    %broadcast_in_dim3A_624 = vector.broadcast %jit3A_623 : i32 to vector<1024x128xi32>
    %select_n3A_625 = arith.select %eq3A_622, %select_n3A_611, %broadcast_in_dim3A_624 : vector<1024x128xi1>, vector<1024x128xi32>
    %reduce_sum3A_626 = arith.constant dense<0> : vector<1024xi32>
    %reduce_sum3A_627 = vector.multi_reduction <add>, %select_n3A_625, %reduce_sum3A_626 [1] : vector<1024x128xi32> to vector<1024xi32>
    %broadcast_in_dim3A_628 = vector.shape_cast %reduce_sum3A_627 : vector<1024xi32> to vector<1024x1xi32>
    %neg3A_629 = arith.constant 0 : i32
    %neg3A_630 = vector.broadcast %neg3A_629 : i32 to vector<1024x1xi32>
    %neg3A_631 = arith.subi %neg3A_630, %broadcast_in_dim3A_628 : vector<1024x1xi32>
    %and3A_632 = arith.andi %broadcast_in_dim3A_628, %neg3A_631 : vector<1024x1xi32>
    %convert_element_type3A_633 = arith.sitofp %and3A_632 : vector<1024x1xi32> to vector<1024x1xf32>
    %abs3A_634 = math.absf %convert_element_type3A_633 : vector<1024x1xf32>
    %bitcast_convert_type3A_635 = tpu.bitcast %abs3A_634 : vector<1024x1xf32> -> vector<1024x1xi32>
    %shift_right_arithmetic3A_636 = arith.constant 23 : i32
    %shift_right_arithmetic3A_637 = vector.broadcast %shift_right_arithmetic3A_636 : i32 to vector<1024x1xi32>
    %shift_right_arithmetic3A_638 = arith.shrsi %bitcast_convert_type3A_635, %shift_right_arithmetic3A_637 : vector<1024x1xi32>
    %sub3A_639 = arith.constant 127 : i32
    %sub3A_640 = vector.broadcast %sub3A_639 : i32 to vector<1024x1xi32>
    %sub3A_641 = arith.subi %shift_right_arithmetic3A_638, %sub3A_640 : vector<1024x1xi32>
    %mul3A_642 = arith.constant 32 : i32
    %mul3A_643 = vector.broadcast %mul3A_642 : i32 to vector<1024x1xi32>
    %mul3A_644 = arith.muli %broadcast_in_dim3A_620, %mul3A_643 : vector<1024x1xi32>
    %add3A_645 = arith.addi %mul3A_644, %sub3A_641 : vector<1024x1xi32>
    %lt3A_646 = arith.constant 128 : i32
    %lt3A_647 = vector.broadcast %lt3A_646 : i32 to vector<1024x1xi32>
    %lt3A_648 = arith.cmpi slt, %broadcast_in_dim3A_620, %lt3A_647 : vector<1024x1xi32>
    %add3A_649 = arith.constant 4096 : i32
    %add3A_650 = vector.broadcast %add3A_649 : i32 to vector<1024x1xi32>
    %add3A_651 = arith.addi %add3A_645, %add3A_650 : vector<1024x1xi32>
    %select_n3A_652 = arith.select %lt3A_648, %add3A_651, %add3A_82 : vector<1024x1xi1>, vector<1024x1xi32>
    %swap3A_653 = arith.constant 0 : index
    %swap3A_654 = arith.constant 0 : index
    %swap3A_655 = arith.constant 11 : index
    %swap3A_656 = vector.load %arg6[%swap3A_653, %swap3A_654, %swap3A_655] : memref<1x1024x16xi32, #tpu.memory_space<vmem>>, vector<1x1024x1xi32>
    %swap3A_657 = vector.shape_cast %swap3A_656 : vector<1x1024x1xi32> to vector<1024x1xi32>
    %swap3A_658 = vector.shape_cast %select_n3A_652 : vector<1024x1xi32> to vector<1x1024x1xi32>
    tpu.vector_store %arg6[%swap3A_653, %swap3A_654, %swap3A_655], %swap3A_658 {strides = array<i32>} : memref<1x1024x16xi32, #tpu.memory_space<vmem>>, vector<1x1024x1xi32>,
    %not3A_659 = arith.constant dense<-1> : vector<1024x1xi32>
    %not3A_660 = arith.xori %and3A_632, %not3A_659 : vector<1024x1xi32>
    %and3A_661 = vector.broadcast %not3A_660 : vector<1024x1xi32> to vector<1024x128xi32>
    %and3A_662 = arith.andi %select_n3A_611, %and3A_661 : vector<1024x128xi32>
    %select_n3A_663 = arith.select %eq3A_622, %and3A_662, %select_n3A_611 : vector<1024x128xi1>, vector<1024x128xi32>
    %ne3A_664 = arith.constant 0 : i32
    %ne3A_665 = vector.broadcast %ne3A_664 : i32 to vector<1024x128xi32>
    %ne3A_666 = arith.cmpi ne, %select_n3A_663, %ne3A_665 : vector<1024x128xi32>
    %jit3A_667 = arith.constant 128 : i32
    %broadcast_in_dim3A_668 = vector.broadcast %jit3A_667 : i32 to vector<1024x128xi32>
    %select_n3A_669 = arith.select %ne3A_666, %iota3A, %broadcast_in_dim3A_668 : vector<1024x128xi1>, vector<1024x128xi32>
    %reduce_min3A_670 = arith.constant dense<2147483647> : vector<1024xi32>
    %reduce_min3A_671 = vector.multi_reduction <minsi>, %select_n3A_669, %reduce_min3A_670 [1] : vector<1024x128xi32> to vector<1024xi32>
    %broadcast_in_dim3A_672 = vector.shape_cast %reduce_min3A_671 : vector<1024xi32> to vector<1024x1xi32>
    %eq3A_673 = vector.broadcast %broadcast_in_dim3A_672 : vector<1024x1xi32> to vector<1024x128xi32>
    %eq3A_674 = arith.cmpi eq, %iota3A, %eq3A_673 : vector<1024x128xi32>
    %jit3A_675 = arith.constant 0 : i32
    %broadcast_in_dim3A_676 = vector.broadcast %jit3A_675 : i32 to vector<1024x128xi32>
    %select_n3A_677 = arith.select %eq3A_674, %select_n3A_663, %broadcast_in_dim3A_676 : vector<1024x128xi1>, vector<1024x128xi32>
    %reduce_sum3A_678 = arith.constant dense<0> : vector<1024xi32>
    %reduce_sum3A_679 = vector.multi_reduction <add>, %select_n3A_677, %reduce_sum3A_678 [1] : vector<1024x128xi32> to vector<1024xi32>
    %broadcast_in_dim3A_680 = vector.shape_cast %reduce_sum3A_679 : vector<1024xi32> to vector<1024x1xi32>
    %neg3A_681 = arith.constant 0 : i32
    %neg3A_682 = vector.broadcast %neg3A_681 : i32 to vector<1024x1xi32>
    %neg3A_683 = arith.subi %neg3A_682, %broadcast_in_dim3A_680 : vector<1024x1xi32>
    %and3A_684 = arith.andi %broadcast_in_dim3A_680, %neg3A_683 : vector<1024x1xi32>
    %convert_element_type3A_685 = arith.sitofp %and3A_684 : vector<1024x1xi32> to vector<1024x1xf32>
    %abs3A_686 = math.absf %convert_element_type3A_685 : vector<1024x1xf32>
    %bitcast_convert_type3A_687 = tpu.bitcast %abs3A_686 : vector<1024x1xf32> -> vector<1024x1xi32>
    %shift_right_arithmetic3A_688 = arith.constant 23 : i32
    %shift_right_arithmetic3A_689 = vector.broadcast %shift_right_arithmetic3A_688 : i32 to vector<1024x1xi32>
    %shift_right_arithmetic3A_690 = arith.shrsi %bitcast_convert_type3A_687, %shift_right_arithmetic3A_689 : vector<1024x1xi32>
    %sub3A_691 = arith.constant 127 : i32
    %sub3A_692 = vector.broadcast %sub3A_691 : i32 to vector<1024x1xi32>
    %sub3A_693 = arith.subi %shift_right_arithmetic3A_690, %sub3A_692 : vector<1024x1xi32>
    %mul3A_694 = arith.constant 32 : i32
    %mul3A_695 = vector.broadcast %mul3A_694 : i32 to vector<1024x1xi32>
    %mul3A_696 = arith.muli %broadcast_in_dim3A_672, %mul3A_695 : vector<1024x1xi32>
    %add3A_697 = arith.addi %mul3A_696, %sub3A_693 : vector<1024x1xi32>
    %lt3A_698 = arith.constant 128 : i32
    %lt3A_699 = vector.broadcast %lt3A_698 : i32 to vector<1024x1xi32>
    %lt3A_700 = arith.cmpi slt, %broadcast_in_dim3A_672, %lt3A_699 : vector<1024x1xi32>
    %add3A_701 = arith.constant 4096 : i32
    %add3A_702 = vector.broadcast %add3A_701 : i32 to vector<1024x1xi32>
    %add3A_703 = arith.addi %add3A_697, %add3A_702 : vector<1024x1xi32>
    %select_n3A_704 = arith.select %lt3A_700, %add3A_703, %add3A_82 : vector<1024x1xi1>, vector<1024x1xi32>
    %swap3A_705 = arith.constant 0 : index
    %swap3A_706 = arith.constant 0 : index
    %swap3A_707 = arith.constant 12 : index
    %swap3A_708 = vector.load %arg6[%swap3A_705, %swap3A_706, %swap3A_707] : memref<1x1024x16xi32, #tpu.memory_space<vmem>>, vector<1x1024x1xi32>
    %swap3A_709 = vector.shape_cast %swap3A_708 : vector<1x1024x1xi32> to vector<1024x1xi32>
    %swap3A_710 = vector.shape_cast %select_n3A_704 : vector<1024x1xi32> to vector<1x1024x1xi32>
    tpu.vector_store %arg6[%swap3A_705, %swap3A_706, %swap3A_707], %swap3A_710 {strides = array<i32>} : memref<1x1024x16xi32, #tpu.memory_space<vmem>>, vector<1x1024x1xi32>,
    %not3A_711 = arith.constant dense<-1> : vector<1024x1xi32>
    %not3A_712 = arith.xori %and3A_684, %not3A_711 : vector<1024x1xi32>
    %and3A_713 = vector.broadcast %not3A_712 : vector<1024x1xi32> to vector<1024x128xi32>
    %and3A_714 = arith.andi %select_n3A_663, %and3A_713 : vector<1024x128xi32>
    %select_n3A_715 = arith.select %eq3A_674, %and3A_714, %select_n3A_663 : vector<1024x128xi1>, vector<1024x128xi32>
    %ne3A_716 = arith.constant 0 : i32
    %ne3A_717 = vector.broadcast %ne3A_716 : i32 to vector<1024x128xi32>
    %ne3A_718 = arith.cmpi ne, %select_n3A_715, %ne3A_717 : vector<1024x128xi32>
    %jit3A_719 = arith.constant 128 : i32
    %broadcast_in_dim3A_720 = vector.broadcast %jit3A_719 : i32 to vector<1024x128xi32>
    %select_n3A_721 = arith.select %ne3A_718, %iota3A, %broadcast_in_dim3A_720 : vector<1024x128xi1>, vector<1024x128xi32>
    %reduce_min3A_722 = arith.constant dense<2147483647> : vector<1024xi32>
    %reduce_min3A_723 = vector.multi_reduction <minsi>, %select_n3A_721, %reduce_min3A_722 [1] : vector<1024x128xi32> to vector<1024xi32>
    %broadcast_in_dim3A_724 = vector.shape_cast %reduce_min3A_723 : vector<1024xi32> to vector<1024x1xi32>
    %eq3A_725 = vector.broadcast %broadcast_in_dim3A_724 : vector<1024x1xi32> to vector<1024x128xi32>
    %eq3A_726 = arith.cmpi eq, %iota3A, %eq3A_725 : vector<1024x128xi32>
    %jit3A_727 = arith.constant 0 : i32
    %broadcast_in_dim3A_728 = vector.broadcast %jit3A_727 : i32 to vector<1024x128xi32>
    %select_n3A_729 = arith.select %eq3A_726, %select_n3A_715, %broadcast_in_dim3A_728 : vector<1024x128xi1>, vector<1024x128xi32>
    %reduce_sum3A_730 = arith.constant dense<0> : vector<1024xi32>
    %reduce_sum3A_731 = vector.multi_reduction <add>, %select_n3A_729, %reduce_sum3A_730 [1] : vector<1024x128xi32> to vector<1024xi32>
    %broadcast_in_dim3A_732 = vector.shape_cast %reduce_sum3A_731 : vector<1024xi32> to vector<1024x1xi32>
    %neg3A_733 = arith.constant 0 : i32
    %neg3A_734 = vector.broadcast %neg3A_733 : i32 to vector<1024x1xi32>
    %neg3A_735 = arith.subi %neg3A_734, %broadcast_in_dim3A_732 : vector<1024x1xi32>
    %and3A_736 = arith.andi %broadcast_in_dim3A_732, %neg3A_735 : vector<1024x1xi32>
    %convert_element_type3A_737 = arith.sitofp %and3A_736 : vector<1024x1xi32> to vector<1024x1xf32>
    %abs3A_738 = math.absf %convert_element_type3A_737 : vector<1024x1xf32>
    %bitcast_convert_type3A_739 = tpu.bitcast %abs3A_738 : vector<1024x1xf32> -> vector<1024x1xi32>
    %shift_right_arithmetic3A_740 = arith.constant 23 : i32
    %shift_right_arithmetic3A_741 = vector.broadcast %shift_right_arithmetic3A_740 : i32 to vector<1024x1xi32>
    %shift_right_arithmetic3A_742 = arith.shrsi %bitcast_convert_type3A_739, %shift_right_arithmetic3A_741 : vector<1024x1xi32>
    %sub3A_743 = arith.constant 127 : i32
    %sub3A_744 = vector.broadcast %sub3A_743 : i32 to vector<1024x1xi32>
    %sub3A_745 = arith.subi %shift_right_arithmetic3A_742, %sub3A_744 : vector<1024x1xi32>
    %mul3A_746 = arith.constant 32 : i32
    %mul3A_747 = vector.broadcast %mul3A_746 : i32 to vector<1024x1xi32>
    %mul3A_748 = arith.muli %broadcast_in_dim3A_724, %mul3A_747 : vector<1024x1xi32>
    %add3A_749 = arith.addi %mul3A_748, %sub3A_745 : vector<1024x1xi32>
    %lt3A_750 = arith.constant 128 : i32
    %lt3A_751 = vector.broadcast %lt3A_750 : i32 to vector<1024x1xi32>
    %lt3A_752 = arith.cmpi slt, %broadcast_in_dim3A_724, %lt3A_751 : vector<1024x1xi32>
    %add3A_753 = arith.constant 4096 : i32
    %add3A_754 = vector.broadcast %add3A_753 : i32 to vector<1024x1xi32>
    %add3A_755 = arith.addi %add3A_749, %add3A_754 : vector<1024x1xi32>
    %select_n3A_756 = arith.select %lt3A_752, %add3A_755, %add3A_82 : vector<1024x1xi1>, vector<1024x1xi32>
    %swap3A_757 = arith.constant 0 : index
    %swap3A_758 = arith.constant 0 : index
    %swap3A_759 = arith.constant 13 : index
    %swap3A_760 = vector.load %arg6[%swap3A_757, %swap3A_758, %swap3A_759] : memref<1x1024x16xi32, #tpu.memory_space<vmem>>, vector<1x1024x1xi32>
    %swap3A_761 = vector.shape_cast %swap3A_760 : vector<1x1024x1xi32> to vector<1024x1xi32>
    %swap3A_762 = vector.shape_cast %select_n3A_756 : vector<1024x1xi32> to vector<1x1024x1xi32>
    tpu.vector_store %arg6[%swap3A_757, %swap3A_758, %swap3A_759], %swap3A_762 {strides = array<i32>} : memref<1x1024x16xi32, #tpu.memory_space<vmem>>, vector<1x1024x1xi32>,
    %not3A_763 = arith.constant dense<-1> : vector<1024x1xi32>
    %not3A_764 = arith.xori %and3A_736, %not3A_763 : vector<1024x1xi32>
    %and3A_765 = vector.broadcast %not3A_764 : vector<1024x1xi32> to vector<1024x128xi32>
    %and3A_766 = arith.andi %select_n3A_715, %and3A_765 : vector<1024x128xi32>
    %select_n3A_767 = arith.select %eq3A_726, %and3A_766, %select_n3A_715 : vector<1024x128xi1>, vector<1024x128xi32>
    %ne3A_768 = arith.constant 0 : i32
    %ne3A_769 = vector.broadcast %ne3A_768 : i32 to vector<1024x128xi32>
    %ne3A_770 = arith.cmpi ne, %select_n3A_767, %ne3A_769 : vector<1024x128xi32>
    %jit3A_771 = arith.constant 128 : i32
    %broadcast_in_dim3A_772 = vector.broadcast %jit3A_771 : i32 to vector<1024x128xi32>
    %select_n3A_773 = arith.select %ne3A_770, %iota3A, %broadcast_in_dim3A_772 : vector<1024x128xi1>, vector<1024x128xi32>
    %reduce_min3A_774 = arith.constant dense<2147483647> : vector<1024xi32>
    %reduce_min3A_775 = vector.multi_reduction <minsi>, %select_n3A_773, %reduce_min3A_774 [1] : vector<1024x128xi32> to vector<1024xi32>
    %broadcast_in_dim3A_776 = vector.shape_cast %reduce_min3A_775 : vector<1024xi32> to vector<1024x1xi32>
    %eq3A_777 = vector.broadcast %broadcast_in_dim3A_776 : vector<1024x1xi32> to vector<1024x128xi32>
    %eq3A_778 = arith.cmpi eq, %iota3A, %eq3A_777 : vector<1024x128xi32>
    %jit3A_779 = arith.constant 0 : i32
    %broadcast_in_dim3A_780 = vector.broadcast %jit3A_779 : i32 to vector<1024x128xi32>
    %select_n3A_781 = arith.select %eq3A_778, %select_n3A_767, %broadcast_in_dim3A_780 : vector<1024x128xi1>, vector<1024x128xi32>
    %reduce_sum3A_782 = arith.constant dense<0> : vector<1024xi32>
    %reduce_sum3A_783 = vector.multi_reduction <add>, %select_n3A_781, %reduce_sum3A_782 [1] : vector<1024x128xi32> to vector<1024xi32>
    %broadcast_in_dim3A_784 = vector.shape_cast %reduce_sum3A_783 : vector<1024xi32> to vector<1024x1xi32>
    %neg3A_785 = arith.constant 0 : i32
    %neg3A_786 = vector.broadcast %neg3A_785 : i32 to vector<1024x1xi32>
    %neg3A_787 = arith.subi %neg3A_786, %broadcast_in_dim3A_784 : vector<1024x1xi32>
    %and3A_788 = arith.andi %broadcast_in_dim3A_784, %neg3A_787 : vector<1024x1xi32>
    %convert_element_type3A_789 = arith.sitofp %and3A_788 : vector<1024x1xi32> to vector<1024x1xf32>
    %abs3A_790 = math.absf %convert_element_type3A_789 : vector<1024x1xf32>
    %bitcast_convert_type3A_791 = tpu.bitcast %abs3A_790 : vector<1024x1xf32> -> vector<1024x1xi32>
    %shift_right_arithmetic3A_792 = arith.constant 23 : i32
    %shift_right_arithmetic3A_793 = vector.broadcast %shift_right_arithmetic3A_792 : i32 to vector<1024x1xi32>
    %shift_right_arithmetic3A_794 = arith.shrsi %bitcast_convert_type3A_791, %shift_right_arithmetic3A_793 : vector<1024x1xi32>
    %sub3A_795 = arith.constant 127 : i32
    %sub3A_796 = vector.broadcast %sub3A_795 : i32 to vector<1024x1xi32>
    %sub3A_797 = arith.subi %shift_right_arithmetic3A_794, %sub3A_796 : vector<1024x1xi32>
    %mul3A_798 = arith.constant 32 : i32
    %mul3A_799 = vector.broadcast %mul3A_798 : i32 to vector<1024x1xi32>
    %mul3A_800 = arith.muli %broadcast_in_dim3A_776, %mul3A_799 : vector<1024x1xi32>
    %add3A_801 = arith.addi %mul3A_800, %sub3A_797 : vector<1024x1xi32>
    %lt3A_802 = arith.constant 128 : i32
    %lt3A_803 = vector.broadcast %lt3A_802 : i32 to vector<1024x1xi32>
    %lt3A_804 = arith.cmpi slt, %broadcast_in_dim3A_776, %lt3A_803 : vector<1024x1xi32>
    %add3A_805 = arith.constant 4096 : i32
    %add3A_806 = vector.broadcast %add3A_805 : i32 to vector<1024x1xi32>
    %add3A_807 = arith.addi %add3A_801, %add3A_806 : vector<1024x1xi32>
    %select_n3A_808 = arith.select %lt3A_804, %add3A_807, %add3A_82 : vector<1024x1xi1>, vector<1024x1xi32>
    %swap3A_809 = arith.constant 0 : index
    %swap3A_810 = arith.constant 0 : index
    %swap3A_811 = arith.constant 14 : index
    %swap3A_812 = vector.load %arg6[%swap3A_809, %swap3A_810, %swap3A_811] : memref<1x1024x16xi32, #tpu.memory_space<vmem>>, vector<1x1024x1xi32>
    %swap3A_813 = vector.shape_cast %swap3A_812 : vector<1x1024x1xi32> to vector<1024x1xi32>
    %swap3A_814 = vector.shape_cast %select_n3A_808 : vector<1024x1xi32> to vector<1x1024x1xi32>
    tpu.vector_store %arg6[%swap3A_809, %swap3A_810, %swap3A_811], %swap3A_814 {strides = array<i32>} : memref<1x1024x16xi32, #tpu.memory_space<vmem>>, vector<1x1024x1xi32>,
    %not3A_815 = arith.constant dense<-1> : vector<1024x1xi32>
    %not3A_816 = arith.xori %and3A_788, %not3A_815 : vector<1024x1xi32>
    %and3A_817 = vector.broadcast %not3A_816 : vector<1024x1xi32> to vector<1024x128xi32>
    %and3A_818 = arith.andi %select_n3A_767, %and3A_817 : vector<1024x128xi32>
    %select_n3A_819 = arith.select %eq3A_778, %and3A_818, %select_n3A_767 : vector<1024x128xi1>, vector<1024x128xi32>
    %ne3A_820 = arith.constant 0 : i32
    %ne3A_821 = vector.broadcast %ne3A_820 : i32 to vector<1024x128xi32>
    %ne3A_822 = arith.cmpi ne, %select_n3A_819, %ne3A_821 : vector<1024x128xi32>
    %jit3A_823 = arith.constant 128 : i32
    %broadcast_in_dim3A_824 = vector.broadcast %jit3A_823 : i32 to vector<1024x128xi32>
    %select_n3A_825 = arith.select %ne3A_822, %iota3A, %broadcast_in_dim3A_824 : vector<1024x128xi1>, vector<1024x128xi32>
    %reduce_min3A_826 = arith.constant dense<2147483647> : vector<1024xi32>
    %reduce_min3A_827 = vector.multi_reduction <minsi>, %select_n3A_825, %reduce_min3A_826 [1] : vector<1024x128xi32> to vector<1024xi32>
    %broadcast_in_dim3A_828 = vector.shape_cast %reduce_min3A_827 : vector<1024xi32> to vector<1024x1xi32>
    %eq3A_829 = vector.broadcast %broadcast_in_dim3A_828 : vector<1024x1xi32> to vector<1024x128xi32>
    %eq3A_830 = arith.cmpi eq, %iota3A, %eq3A_829 : vector<1024x128xi32>
    %jit3A_831 = arith.constant 0 : i32
    %broadcast_in_dim3A_832 = vector.broadcast %jit3A_831 : i32 to vector<1024x128xi32>
    %select_n3A_833 = arith.select %eq3A_830, %select_n3A_819, %broadcast_in_dim3A_832 : vector<1024x128xi1>, vector<1024x128xi32>
    %reduce_sum3A_834 = arith.constant dense<0> : vector<1024xi32>
    %reduce_sum3A_835 = vector.multi_reduction <add>, %select_n3A_833, %reduce_sum3A_834 [1] : vector<1024x128xi32> to vector<1024xi32>
    %broadcast_in_dim3A_836 = vector.shape_cast %reduce_sum3A_835 : vector<1024xi32> to vector<1024x1xi32>
    %neg3A_837 = arith.constant 0 : i32
    %neg3A_838 = vector.broadcast %neg3A_837 : i32 to vector<1024x1xi32>
    %neg3A_839 = arith.subi %neg3A_838, %broadcast_in_dim3A_836 : vector<1024x1xi32>
    %and3A_840 = arith.andi %broadcast_in_dim3A_836, %neg3A_839 : vector<1024x1xi32>
    %convert_element_type3A_841 = arith.sitofp %and3A_840 : vector<1024x1xi32> to vector<1024x1xf32>
    %abs3A_842 = math.absf %convert_element_type3A_841 : vector<1024x1xf32>
    %bitcast_convert_type3A_843 = tpu.bitcast %abs3A_842 : vector<1024x1xf32> -> vector<1024x1xi32>
    %shift_right_arithmetic3A_844 = arith.constant 23 : i32
    %shift_right_arithmetic3A_845 = vector.broadcast %shift_right_arithmetic3A_844 : i32 to vector<1024x1xi32>
    %shift_right_arithmetic3A_846 = arith.shrsi %bitcast_convert_type3A_843, %shift_right_arithmetic3A_845 : vector<1024x1xi32>
    %sub3A_847 = arith.constant 127 : i32
    %sub3A_848 = vector.broadcast %sub3A_847 : i32 to vector<1024x1xi32>
    %sub3A_849 = arith.subi %shift_right_arithmetic3A_846, %sub3A_848 : vector<1024x1xi32>
    %mul3A_850 = arith.constant 32 : i32
    %mul3A_851 = vector.broadcast %mul3A_850 : i32 to vector<1024x1xi32>
    %mul3A_852 = arith.muli %broadcast_in_dim3A_828, %mul3A_851 : vector<1024x1xi32>
    %add3A_853 = arith.addi %mul3A_852, %sub3A_849 : vector<1024x1xi32>
    %lt3A_854 = arith.constant 128 : i32
    %lt3A_855 = vector.broadcast %lt3A_854 : i32 to vector<1024x1xi32>
    %lt3A_856 = arith.cmpi slt, %broadcast_in_dim3A_828, %lt3A_855 : vector<1024x1xi32>
    %add3A_857 = arith.constant 4096 : i32
    %add3A_858 = vector.broadcast %add3A_857 : i32 to vector<1024x1xi32>
    %add3A_859 = arith.addi %add3A_853, %add3A_858 : vector<1024x1xi32>
    %select_n3A_860 = arith.select %lt3A_856, %add3A_859, %add3A_82 : vector<1024x1xi1>, vector<1024x1xi32>
    %swap3A_861 = arith.constant 0 : index
    %swap3A_862 = arith.constant 0 : index
    %swap3A_863 = arith.constant 15 : index
    %swap3A_864 = vector.load %arg6[%swap3A_861, %swap3A_862, %swap3A_863] : memref<1x1024x16xi32, #tpu.memory_space<vmem>>, vector<1x1024x1xi32>
    %swap3A_865 = vector.shape_cast %swap3A_864 : vector<1x1024x1xi32> to vector<1024x1xi32>
    %swap3A_866 = vector.shape_cast %select_n3A_860 : vector<1024x1xi32> to vector<1x1024x1xi32>
    tpu.vector_store %arg6[%swap3A_861, %swap3A_862, %swap3A_863], %swap3A_866 {strides = array<i32>} : memref<1x1024x16xi32, #tpu.memory_space<vmem>>, vector<1x1024x1xi32>,
    return
  }
  func.func @transform_0(%arg0: i32, %arg1: i32) -> (i32, i32, i32) {
    %c0_i32 = arith.constant 0 : i32
    %c0_i32_0 = arith.constant 0 : i32
    return %arg0, %arg1, %c0_i32 : i32, i32, i32
  }
  func.func @transform_1(%arg0: i32, %arg1: i32) -> (i32, i32, i32) {
    %c0_i32 = arith.constant 0 : i32
    %c0_i32_0 = arith.constant 0 : i32
    %c0_i32_1 = arith.constant 0 : i32
    return %arg0, %c0_i32, %c0_i32_0 : i32, i32, i32
  }
  func.func @transform_2(%arg0: i32, %arg1: i32) -> (i32, i32) {
    %c0_i32 = arith.constant 0 : i32
    %c0_i32_0 = arith.constant 0 : i32
    %c0_i32_1 = arith.constant 0 : i32
    return %c0_i32, %c0_i32_0 : i32, i32
  }
  func.func @transform_3(%arg0: i32, %arg1: i32) -> (i32, i32) {
    %c0_i32 = arith.constant 0 : i32
    %c0_i32_0 = arith.constant 0 : i32
    %c0_i32_1 = arith.constant 0 : i32
    return %c0_i32, %c0_i32_0 : i32, i32
  }
  func.func @transform_4(%arg0: i32, %arg1: i32) -> (i32, i32, i32) {
    %c0_i32 = arith.constant 0 : i32
    %c0_i32_0 = arith.constant 0 : i32
    return %arg0, %arg1, %c0_i32 : i32, i32, i32
  }
}

module attributes {stable_mosaic.version = 14 : i64} {
  func.func @_stats1_body(%arg0: i32, %arg1: memref<1x4096x128xf32, #tpu.memory_space<vmem>>, %arg2: memref<1x4096x64xf32, #tpu.memory_space<vmem>>, %arg3: memref<8x64xf32, #tpu.memory_space<vmem>>, %arg4: memref<8x64xf32, #tpu.memory_space<vmem>>) attributes {dimension_semantics = [#tpu.dimension_semantics<arbitrary>], iteration_bounds = array<i64: 16>, scalar_prefetch = 0 : i64, scratch_operands = 1 : i64, tpu.core_type = #tpu.core_type<tc>, window_params = [{transform_indices = @transform_0, window_bounds = array<i64: 1, 4096, 128>}, {pipeline_mode = #tpu.pipeline_mode<synchronous>, transform_indices = @transform_1, window_bounds = array<i64: 1, 4096, 64>}, {pipeline_mode = #tpu.pipeline_mode<synchronous>, transform_indices = @transform_2, window_bounds = array<i64: 8, 64>}]} {
    %get3A = arith.constant 0 : index
    %get3A_0 = arith.constant 0 : index
    %get3A_1 = arith.constant 0 : index
    %get3A_2 = vector.load %arg1[%get3A, %get3A_0, %get3A_1] : memref<1x4096x128xf32, #tpu.memory_space<vmem>>, vector<1x4096x128xf32>
    %get3A_3 = vector.shape_cast %get3A_2 : vector<1x4096x128xf32> to vector<4096x128xf32>
    %slice3A = vector.extract_strided_slice %get3A_3 {offsets = [0, 0], sizes = [4096, 64], strides = [1, 1]} : vector<4096x128xf32> to vector<4096x64xf32>
    %get3A_4 = arith.constant 0 : index
    %get3A_5 = arith.constant 0 : index
    %get3A_6 = arith.constant 0 : index
    %get3A_7 = vector.load %arg2[%get3A_4, %get3A_5, %get3A_6] : memref<1x4096x64xf32, #tpu.memory_space<vmem>>, vector<1x4096x64xf32>
    %get3A_8 = vector.shape_cast %get3A_7 : vector<1x4096x64xf32> to vector<4096x64xf32>
    %add3A = arith.addf %slice3A, %get3A_8 : vector<4096x64xf32>
    %eq3A = arith.constant 0 : i32
    %eq3A_9 = arith.cmpi eq, %arg0, %eq3A : i32
    %convert_element_type3A = arith.extui %eq3A_9 : i1 to i32
    %cond3A = arith.constant 0 : i32
    %cond3A_10 = arith.cmpi ne, %convert_element_type3A, %cond3A : i32
    scf.if %cond3A_10 {
      %broadcast_in_dim3A_33 = arith.constant 0.000000e+00 : f32
      %broadcast_in_dim3A_34 = vector.broadcast %broadcast_in_dim3A_33 : f32 to vector<8x64xf32>
      %swap3A_35 = arith.constant 0 : index
      %swap3A_36 = arith.constant 0 : index
      %swap3A_37 = vector.load %arg4[%swap3A_35, %swap3A_36] : memref<8x64xf32, #tpu.memory_space<vmem>>, vector<8x64xf32>
      tpu.vector_store %arg4[%swap3A_35, %swap3A_36], %broadcast_in_dim3A_34 {strides = array<i32>} : memref<8x64xf32, #tpu.memory_space<vmem>>, vector<8x64xf32>,
    } else {
    }
    %get3A_11 = arith.constant 0 : index
    %get3A_12 = arith.constant 0 : index
    %get3A_13 = vector.load %arg4[%get3A_11, %get3A_12] : memref<8x64xf32, #tpu.memory_space<vmem>>, vector<1x64xf32>
    %reduce_sum3A = arith.constant dense<0.000000e+00> : vector<64xf32>
    %reduce_sum3A_14 = vector.multi_reduction <add>, %add3A, %reduce_sum3A [0] : vector<4096x64xf32> to vector<64xf32>
    %broadcast_in_dim3A = vector.shape_cast %reduce_sum3A_14 : vector<64xf32> to vector<1x64xf32>
    %add3A_15 = arith.addf %get3A_13, %broadcast_in_dim3A : vector<1x64xf32>
    %swap3A = arith.constant 0 : index
    %swap3A_16 = arith.constant 0 : index
    %swap3A_17 = vector.load %arg4[%swap3A, %swap3A_16] : memref<8x64xf32, #tpu.memory_space<vmem>>, vector<1x64xf32>
    tpu.vector_store %arg4[%swap3A, %swap3A_16], %add3A_15 {strides = array<i32>} : memref<8x64xf32, #tpu.memory_space<vmem>>, vector<1x64xf32>,
    %get3A_18 = arith.constant 1 : index
    %get3A_19 = arith.constant 0 : index
    %get3A_20 = vector.load %arg4[%get3A_18, %get3A_19] : memref<8x64xf32, #tpu.memory_space<vmem>>, vector<1x64xf32>
    %mul3A = arith.mulf %add3A, %add3A : vector<4096x64xf32>
    %reduce_sum3A_21 = arith.constant dense<0.000000e+00> : vector<64xf32>
    %reduce_sum3A_22 = vector.multi_reduction <add>, %mul3A, %reduce_sum3A_21 [0] : vector<4096x64xf32> to vector<64xf32>
    %broadcast_in_dim3A_23 = vector.shape_cast %reduce_sum3A_22 : vector<64xf32> to vector<1x64xf32>
    %add3A_24 = arith.addf %get3A_20, %broadcast_in_dim3A_23 : vector<1x64xf32>
    %swap3A_25 = arith.constant 1 : index
    %swap3A_26 = arith.constant 0 : index
    %swap3A_27 = vector.load %arg4[%swap3A_25, %swap3A_26] : memref<8x64xf32, #tpu.memory_space<vmem>>, vector<1x64xf32>
    tpu.vector_store %arg4[%swap3A_25, %swap3A_26], %add3A_24 {strides = array<i32>} : memref<8x64xf32, #tpu.memory_space<vmem>>, vector<1x64xf32>,
    %eq3A_28 = arith.constant 15 : i32
    %eq3A_29 = arith.cmpi eq, %arg0, %eq3A_28 : i32
    %convert_element_type3A_30 = arith.extui %eq3A_29 : i1 to i32
    %cond3A_31 = arith.constant 0 : i32
    %cond3A_32 = arith.cmpi ne, %convert_element_type3A_30, %cond3A_31 : i32
    scf.if %cond3A_32 {
      %get3A_33 = arith.constant 0 : index
      %get3A_34 = arith.constant 0 : index
      %get3A_35 = vector.load %arg4[%get3A_33, %get3A_34] : memref<8x64xf32, #tpu.memory_space<vmem>>, vector<8x64xf32>
      %swap3A_36 = arith.constant 0 : index
      %swap3A_37 = arith.constant 0 : index
      %swap3A_38 = vector.load %arg3[%swap3A_36, %swap3A_37] : memref<8x64xf32, #tpu.memory_space<vmem>>, vector<8x64xf32>
      tpu.vector_store %arg3[%swap3A_36, %swap3A_37], %get3A_35 {strides = array<i32>} : memref<8x64xf32, #tpu.memory_space<vmem>>, vector<8x64xf32>,
    } else {
    }
    return
  }
  func.func @transform_0(%arg0: i32) -> (i32, i32, i32) {
    %c0_i32 = arith.constant 0 : i32
    %c0_i32_0 = arith.constant 0 : i32
    %c0_i32_1 = arith.constant 0 : i32
    return %arg0, %c0_i32, %c0_i32_0 : i32, i32, i32
  }
  func.func @transform_1(%arg0: i32) -> (i32, i32, i32) {
    %c0_i32 = arith.constant 0 : i32
    %c0_i32_0 = arith.constant 0 : i32
    %c0_i32_1 = arith.constant 0 : i32
    %c0_i32_2 = arith.constant 0 : i32
    return %c0_i32, %c0_i32_0, %c0_i32_1 : i32, i32, i32
  }
  func.func @transform_2(%arg0: i32) -> (i32, i32) {
    %c0_i32 = arith.constant 0 : i32
    %c0_i32_0 = arith.constant 0 : i32
    %c0_i32_1 = arith.constant 0 : i32
    return %c0_i32, %c0_i32_0 : i32, i32
  }
}

module attributes {stable_mosaic.version = 14 : i64} {
  func.func @_mlp_body(%arg0: i32, %arg1: memref<1x4096x128xf32, #tpu.memory_space<vmem>>, %arg2: memref<1x4096x64xf32, #tpu.memory_space<vmem>>, %arg3: memref<8x64xf32, #tpu.memory_space<vmem>>, %arg4: memref<8x64xf32, #tpu.memory_space<vmem>>, %arg5: memref<64x128xf32, #tpu.memory_space<vmem>>, %arg6: memref<1x4096x128xf32, #tpu.memory_space<vmem>>, %arg7: memref<8x128xf32, #tpu.memory_space<vmem>>, %arg8: memref<8x128xf32, #tpu.memory_space<vmem>>) attributes {dimension_semantics = [#tpu.dimension_semantics<arbitrary>], iteration_bounds = array<i64: 16>, scalar_prefetch = 0 : i64, scratch_operands = 1 : i64, tpu.core_type = #tpu.core_type<tc>, window_params = [{transform_indices = @transform_0, window_bounds = array<i64: 1, 4096, 128>}, {pipeline_mode = #tpu.pipeline_mode<synchronous>, transform_indices = @transform_1, window_bounds = array<i64: 1, 4096, 64>}, {pipeline_mode = #tpu.pipeline_mode<synchronous>, transform_indices = @transform_2, window_bounds = array<i64: 8, 64>}, {pipeline_mode = #tpu.pipeline_mode<synchronous>, transform_indices = @transform_3, window_bounds = array<i64: 8, 64>}, {pipeline_mode = #tpu.pipeline_mode<synchronous>, transform_indices = @transform_4, window_bounds = array<i64: 64, 128>}, {pipeline_mode = #tpu.pipeline_mode<synchronous>, transform_indices = @transform_5, window_bounds = array<i64: 1, 4096, 128>}, {pipeline_mode = #tpu.pipeline_mode<synchronous>, transform_indices = @transform_6, window_bounds = array<i64: 8, 128>}]} {
    %get3A = arith.constant 0 : index
    %get3A_0 = arith.constant 0 : index
    %get3A_1 = vector.load %arg3[%get3A, %get3A_0] : memref<8x64xf32, #tpu.memory_space<vmem>>, vector<8x64xf32>
    %get3A_2 = arith.constant 0 : index
    %get3A_3 = arith.constant 0 : index
    %get3A_4 = vector.load %arg4[%get3A_2, %get3A_3] : memref<8x64xf32, #tpu.memory_space<vmem>>, vector<8x64xf32>
    %add3A = arith.addf %get3A_1, %get3A_4 : vector<8x64xf32>
    %slice3A = vector.extract_strided_slice %add3A {offsets = [0, 0], sizes = [1, 64], strides = [1, 1]} : vector<8x64xf32> to vector<1x64xf32>
    %div3A = arith.constant 1.310720e+05 : f32
    %div3A_5 = vector.broadcast %div3A : f32 to vector<1x64xf32>
    %div3A_6 = arith.divf %slice3A, %div3A_5 : vector<1x64xf32>
    %slice3A_7 = vector.extract_strided_slice %add3A {offsets = [1, 0], sizes = [1, 64], strides = [1, 1]} : vector<8x64xf32> to vector<1x64xf32>
    %div3A_8 = arith.constant 1.310720e+05 : f32
    %div3A_9 = vector.broadcast %div3A_8 : f32 to vector<1x64xf32>
    %div3A_10 = arith.divf %slice3A_7, %div3A_9 : vector<1x64xf32>
    %mul3A = arith.mulf %div3A_6, %div3A_6 : vector<1x64xf32>
    %sub3A = arith.subf %div3A_10, %mul3A : vector<1x64xf32>
    %add3A_11 = arith.constant 9.99999974E-6 : f32
    %add3A_12 = vector.broadcast %add3A_11 : f32 to vector<1x64xf32>
    %add3A_13 = arith.addf %sub3A, %add3A_12 : vector<1x64xf32>
    %rsqrt3A = math.rsqrt %add3A_13 : vector<1x64xf32>
    %get3A_14 = arith.constant 0 : index
    %get3A_15 = arith.constant 0 : index
    %get3A_16 = arith.constant 0 : index
    %get3A_17 = vector.load %arg1[%get3A_14, %get3A_15, %get3A_16] : memref<1x4096x128xf32, #tpu.memory_space<vmem>>, vector<1x4096x128xf32>
    %get3A_18 = vector.shape_cast %get3A_17 : vector<1x4096x128xf32> to vector<4096x128xf32>
    %slice3A_19 = vector.extract_strided_slice %get3A_18 {offsets = [0, 0], sizes = [4096, 64], strides = [1, 1]} : vector<4096x128xf32> to vector<4096x64xf32>
    %get3A_20 = arith.constant 0 : index
    %get3A_21 = arith.constant 0 : index
    %get3A_22 = arith.constant 0 : index
    %get3A_23 = vector.load %arg2[%get3A_20, %get3A_21, %get3A_22] : memref<1x4096x64xf32, #tpu.memory_space<vmem>>, vector<1x4096x64xf32>
    %get3A_24 = vector.shape_cast %get3A_23 : vector<1x4096x64xf32> to vector<4096x64xf32>
    %add3A_25 = arith.addf %slice3A_19, %get3A_24 : vector<4096x64xf32>
    %sub3A_26 = vector.broadcast %div3A_6 : vector<1x64xf32> to vector<4096x64xf32>
    %sub3A_27 = arith.subf %add3A_25, %sub3A_26 : vector<4096x64xf32>
    %mul3A_28 = vector.broadcast %rsqrt3A : vector<1x64xf32> to vector<4096x64xf32>
    %mul3A_29 = arith.mulf %sub3A_27, %mul3A_28 : vector<4096x64xf32>
    %max3A = arith.constant 0.000000e+00 : f32
    %max3A_30 = vector.broadcast %max3A : f32 to vector<4096x64xf32>
    %max3A_31 = arith.maximumf %mul3A_29, %max3A_30 : vector<4096x64xf32>
    %get3A_32 = arith.constant 0 : index
    %get3A_33 = arith.constant 0 : index
    %get3A_34 = vector.load %arg5[%get3A_32, %get3A_33] : memref<64x128xf32, #tpu.memory_space<vmem>>, vector<64x128xf32>
    %dot_general3A = arith.constant dense<0.000000e+00> : vector<4096x128xf32>
    %dot_general3A_35 = tpu.matmul %max3A_31, %get3A_34, %dot_general3A {dimension_numbers = #tpu.dot_dimension_numbers<[1], [0], [0], [1], [0, 0, 1, 1], [], []>, transpose_lhs_hint = false} : vector<4096x64xf32>, vector<64x128xf32>, vector<4096x128xf32> -> vector<4096x128xf32>
    %eq3A = arith.constant 0 : i32
    %eq3A_36 = arith.cmpi eq, %arg0, %eq3A : i32
    %convert_element_type3A = arith.extui %eq3A_36 : i1 to i32
    %cond3A = arith.constant 0 : i32
    %cond3A_37 = arith.cmpi ne, %convert_element_type3A, %cond3A : i32
    scf.if %cond3A_37 {
      %broadcast_in_dim3A_70 = arith.constant 0.000000e+00 : f32
      %broadcast_in_dim3A_71 = vector.broadcast %broadcast_in_dim3A_70 : f32 to vector<8x128xf32>
      %swap3A_72 = arith.constant 0 : index
      %swap3A_73 = arith.constant 0 : index
      %swap3A_74 = vector.load %arg8[%swap3A_72, %swap3A_73] : memref<8x128xf32, #tpu.memory_space<vmem>>, vector<8x128xf32>
      tpu.vector_store %arg8[%swap3A_72, %swap3A_73], %broadcast_in_dim3A_71 {strides = array<i32>} : memref<8x128xf32, #tpu.memory_space<vmem>>, vector<8x128xf32>,
    } else {
    }
    %get3A_38 = arith.constant 0 : index
    %get3A_39 = arith.constant 0 : index
    %get3A_40 = vector.load %arg8[%get3A_38, %get3A_39] : memref<8x128xf32, #tpu.memory_space<vmem>>, vector<1x128xf32>
    %reduce_sum3A = arith.constant dense<0.000000e+00> : vector<128xf32>
    %reduce_sum3A_41 = vector.multi_reduction <add>, %dot_general3A_35, %reduce_sum3A [0] : vector<4096x128xf32> to vector<128xf32>
    %broadcast_in_dim3A = vector.shape_cast %reduce_sum3A_41 : vector<128xf32> to vector<1x128xf32>
    %add3A_42 = arith.addf %get3A_40, %broadcast_in_dim3A : vector<1x128xf32>
    %swap3A = arith.constant 0 : index
    %swap3A_43 = arith.constant 0 : index
    %swap3A_44 = vector.load %arg8[%swap3A, %swap3A_43] : memref<8x128xf32, #tpu.memory_space<vmem>>, vector<1x128xf32>
    tpu.vector_store %arg8[%swap3A, %swap3A_43], %add3A_42 {strides = array<i32>} : memref<8x128xf32, #tpu.memory_space<vmem>>, vector<1x128xf32>,
    %get3A_45 = arith.constant 1 : index
    %get3A_46 = arith.constant 0 : index
    %get3A_47 = vector.load %arg8[%get3A_45, %get3A_46] : memref<8x128xf32, #tpu.memory_space<vmem>>, vector<1x128xf32>
    %mul3A_48 = arith.mulf %dot_general3A_35, %dot_general3A_35 : vector<4096x128xf32>
    %reduce_sum3A_49 = arith.constant dense<0.000000e+00> : vector<128xf32>
    %reduce_sum3A_50 = vector.multi_reduction <add>, %mul3A_48, %reduce_sum3A_49 [0] : vector<4096x128xf32> to vector<128xf32>
    %broadcast_in_dim3A_51 = vector.shape_cast %reduce_sum3A_50 : vector<128xf32> to vector<1x128xf32>
    %add3A_52 = arith.addf %get3A_47, %broadcast_in_dim3A_51 : vector<1x128xf32>
    %swap3A_53 = arith.constant 1 : index
    %swap3A_54 = arith.constant 0 : index
    %swap3A_55 = vector.load %arg8[%swap3A_53, %swap3A_54] : memref<8x128xf32, #tpu.memory_space<vmem>>, vector<1x128xf32>
    tpu.vector_store %arg8[%swap3A_53, %swap3A_54], %add3A_52 {strides = array<i32>} : memref<8x128xf32, #tpu.memory_space<vmem>>, vector<1x128xf32>,
    %eq3A_56 = arith.constant 0 : i32
    %eq3A_57 = arith.cmpi eq, %arg0, %eq3A_56 : i32
    %convert_element_type3A_58 = arith.extui %eq3A_57 : i1 to i32
    %cond3A_59 = arith.constant 0 : i32
    %cond3A_60 = arith.cmpi ne, %convert_element_type3A_58, %cond3A_59 : i32
    scf.if %cond3A_60 {
      %swap3A_70 = arith.constant 0 : index
      %swap3A_71 = arith.constant 0 : index
      %swap3A_72 = arith.constant 0 : index
      %swap3A_73 = vector.load %arg6[%swap3A_70, %swap3A_71, %swap3A_72] : memref<1x4096x128xf32, #tpu.memory_space<vmem>>, vector<1x4096x128xf32>
      %swap3A_74 = vector.shape_cast %swap3A_73 : vector<1x4096x128xf32> to vector<4096x128xf32>
      %swap3A_75 = vector.shape_cast %dot_general3A_35 : vector<4096x128xf32> to vector<1x4096x128xf32>
      tpu.vector_store %arg6[%swap3A_70, %swap3A_71, %swap3A_72], %swap3A_75 {strides = array<i32>} : memref<1x4096x128xf32, #tpu.memory_space<vmem>>, vector<1x4096x128xf32>,
    } else {
    }
    %gt3A = arith.constant 0 : i32
    %gt3A_61 = arith.cmpi sgt, %arg0, %gt3A : i32
    %convert_element_type3A_62 = arith.extui %gt3A_61 : i1 to i32
    %cond3A_63 = arith.constant 0 : i32
    %cond3A_64 = arith.cmpi ne, %convert_element_type3A_62, %cond3A_63 : i32
    scf.if %cond3A_64 {
      %get3A_70 = arith.constant 0 : index
      %get3A_71 = arith.constant 0 : index
      %get3A_72 = arith.constant 0 : index
      %get3A_73 = vector.load %arg6[%get3A_70, %get3A_71, %get3A_72] : memref<1x4096x128xf32, #tpu.memory_space<vmem>>, vector<1x4096x128xf32>
      %get3A_74 = vector.shape_cast %get3A_73 : vector<1x4096x128xf32> to vector<4096x128xf32>
      %max3A_75 = arith.maximumf %get3A_74, %dot_general3A_35 : vector<4096x128xf32>
      %swap3A_76 = arith.constant 0 : index
      %swap3A_77 = arith.constant 0 : index
      %swap3A_78 = arith.constant 0 : index
      %swap3A_79 = vector.load %arg6[%swap3A_76, %swap3A_77, %swap3A_78] : memref<1x4096x128xf32, #tpu.memory_space<vmem>>, vector<1x4096x128xf32>
      %swap3A_80 = vector.shape_cast %swap3A_79 : vector<1x4096x128xf32> to vector<4096x128xf32>
      %swap3A_81 = vector.shape_cast %max3A_75 : vector<4096x128xf32> to vector<1x4096x128xf32>
      tpu.vector_store %arg6[%swap3A_76, %swap3A_77, %swap3A_78], %swap3A_81 {strides = array<i32>} : memref<1x4096x128xf32, #tpu.memory_space<vmem>>, vector<1x4096x128xf32>,
    } else {
    }
    %eq3A_65 = arith.constant 15 : i32
    %eq3A_66 = arith.cmpi eq, %arg0, %eq3A_65 : i32
    %convert_element_type3A_67 = arith.extui %eq3A_66 : i1 to i32
    %cond3A_68 = arith.constant 0 : i32
    %cond3A_69 = arith.cmpi ne, %convert_element_type3A_67, %cond3A_68 : i32
    scf.if %cond3A_69 {
      %get3A_70 = arith.constant 0 : index
      %get3A_71 = arith.constant 0 : index
      %get3A_72 = vector.load %arg8[%get3A_70, %get3A_71] : memref<8x128xf32, #tpu.memory_space<vmem>>, vector<8x128xf32>
      %swap3A_73 = arith.constant 0 : index
      %swap3A_74 = arith.constant 0 : index
      %swap3A_75 = vector.load %arg7[%swap3A_73, %swap3A_74] : memref<8x128xf32, #tpu.memory_space<vmem>>, vector<8x128xf32>
      tpu.vector_store %arg7[%swap3A_73, %swap3A_74], %get3A_72 {strides = array<i32>} : memref<8x128xf32, #tpu.memory_space<vmem>>, vector<8x128xf32>,
    } else {
    }
    return
  }
  func.func @transform_0(%arg0: i32) -> (i32, i32, i32) {
    %c0_i32 = arith.constant 0 : i32
    %c0_i32_0 = arith.constant 0 : i32
    %c0_i32_1 = arith.constant 0 : i32
    return %arg0, %c0_i32, %c0_i32_0 : i32, i32, i32
  }
  func.func @transform_1(%arg0: i32) -> (i32, i32, i32) {
    %c0_i32 = arith.constant 0 : i32
    %c0_i32_0 = arith.constant 0 : i32
    %c0_i32_1 = arith.constant 0 : i32
    %c0_i32_2 = arith.constant 0 : i32
    return %c0_i32, %c0_i32_0, %c0_i32_1 : i32, i32, i32
  }
  func.func @transform_2(%arg0: i32) -> (i32, i32) {
    %c0_i32 = arith.constant 0 : i32
    %c0_i32_0 = arith.constant 0 : i32
    %c0_i32_1 = arith.constant 0 : i32
    return %c0_i32, %c0_i32_0 : i32, i32
  }
  func.func @transform_3(%arg0: i32) -> (i32, i32) {
    %c0_i32 = arith.constant 0 : i32
    %c0_i32_0 = arith.constant 0 : i32
    %c0_i32_1 = arith.constant 0 : i32
    return %c0_i32, %c0_i32_0 : i32, i32
  }
  func.func @transform_4(%arg0: i32) -> (i32, i32) {
    %c0_i32 = arith.constant 0 : i32
    %c0_i32_0 = arith.constant 0 : i32
    %c0_i32_1 = arith.constant 0 : i32
    return %c0_i32, %c0_i32_0 : i32, i32
  }
  func.func @transform_5(%arg0: i32) -> (i32, i32, i32) {
    %c0_i32 = arith.constant 0 : i32
    %c0_i32_0 = arith.constant 0 : i32
    %c0_i32_1 = arith.constant 0 : i32
    %c0_i32_2 = arith.constant 0 : i32
    return %c0_i32, %c0_i32_0, %c0_i32_1 : i32, i32, i32
  }
  func.func @transform_6(%arg0: i32) -> (i32, i32) {
    %c0_i32 = arith.constant 0 : i32
    %c0_i32_0 = arith.constant 0 : i32
    %c0_i32_1 = arith.constant 0 : i32
    return %c0_i32, %c0_i32_0 : i32, i32
  }
}

module attributes {stable_mosaic.version = 14 : i64} {
  func.func @_final_body(%arg0: i32, %arg1: memref<1x4096x128xf32, #tpu.memory_space<vmem>>, %arg2: memref<1x4096x128xf32, #tpu.memory_space<vmem>>, %arg3: memref<8x128xf32, #tpu.memory_space<vmem>>, %arg4: memref<8x128xf32, #tpu.memory_space<vmem>>, %arg5: memref<2x4096x128xf32, #tpu.memory_space<vmem>>) attributes {dimension_semantics = [#tpu.dimension_semantics<arbitrary>], iteration_bounds = array<i64: 1>, scalar_prefetch = 0 : i64, scratch_operands = 0 : i64, tpu.core_type = #tpu.core_type<tc>, window_params = [{pipeline_mode = #tpu.pipeline_mode<synchronous>, transform_indices = @transform_0, window_bounds = array<i64: 1, 4096, 128>}, {pipeline_mode = #tpu.pipeline_mode<synchronous>, transform_indices = @transform_1, window_bounds = array<i64: 1, 4096, 128>}, {pipeline_mode = #tpu.pipeline_mode<synchronous>, transform_indices = @transform_2, window_bounds = array<i64: 8, 128>}, {pipeline_mode = #tpu.pipeline_mode<synchronous>, transform_indices = @transform_3, window_bounds = array<i64: 8, 128>}, {pipeline_mode = #tpu.pipeline_mode<synchronous>, transform_indices = @transform_4, window_bounds = array<i64: 2, 4096, 128>}]} {
    %get3A = arith.constant 0 : index
    %get3A_0 = arith.constant 0 : index
    %get3A_1 = vector.load %arg3[%get3A, %get3A_0] : memref<8x128xf32, #tpu.memory_space<vmem>>, vector<8x128xf32>
    %get3A_2 = arith.constant 0 : index
    %get3A_3 = arith.constant 0 : index
    %get3A_4 = vector.load %arg4[%get3A_2, %get3A_3] : memref<8x128xf32, #tpu.memory_space<vmem>>, vector<8x128xf32>
    %add3A = arith.addf %get3A_1, %get3A_4 : vector<8x128xf32>
    %slice3A = vector.extract_strided_slice %add3A {offsets = [0, 0], sizes = [1, 128], strides = [1, 1]} : vector<8x128xf32> to vector<1x128xf32>
    %div3A = arith.constant 1.310720e+05 : f32
    %div3A_5 = vector.broadcast %div3A : f32 to vector<1x128xf32>
    %div3A_6 = arith.divf %slice3A, %div3A_5 : vector<1x128xf32>
    %slice3A_7 = vector.extract_strided_slice %add3A {offsets = [1, 0], sizes = [1, 128], strides = [1, 1]} : vector<8x128xf32> to vector<1x128xf32>
    %div3A_8 = arith.constant 1.310720e+05 : f32
    %div3A_9 = vector.broadcast %div3A_8 : f32 to vector<1x128xf32>
    %div3A_10 = arith.divf %slice3A_7, %div3A_9 : vector<1x128xf32>
    %mul3A = arith.mulf %div3A_6, %div3A_6 : vector<1x128xf32>
    %sub3A = arith.subf %div3A_10, %mul3A : vector<1x128xf32>
    %add3A_11 = arith.constant 9.99999974E-6 : f32
    %add3A_12 = vector.broadcast %add3A_11 : f32 to vector<1x128xf32>
    %add3A_13 = arith.addf %sub3A, %add3A_12 : vector<1x128xf32>
    %rsqrt3A = math.rsqrt %add3A_13 : vector<1x128xf32>
    %get3A_14 = arith.constant 0 : index
    %get3A_15 = arith.constant 0 : index
    %get3A_16 = arith.constant 0 : index
    %get3A_17 = vector.load %arg1[%get3A_14, %get3A_15, %get3A_16] : memref<1x4096x128xf32, #tpu.memory_space<vmem>>, vector<1x4096x128xf32>
    %get3A_18 = vector.shape_cast %get3A_17 : vector<1x4096x128xf32> to vector<4096x128xf32>
    %sub3A_19 = vector.broadcast %div3A_6 : vector<1x128xf32> to vector<4096x128xf32>
    %sub3A_20 = arith.subf %get3A_18, %sub3A_19 : vector<4096x128xf32>
    %mul3A_21 = vector.broadcast %rsqrt3A : vector<1x128xf32> to vector<4096x128xf32>
    %mul3A_22 = arith.mulf %sub3A_20, %mul3A_21 : vector<4096x128xf32>
    %max3A = arith.constant 0.000000e+00 : f32
    %max3A_23 = vector.broadcast %max3A : f32 to vector<4096x128xf32>
    %max3A_24 = arith.maximumf %mul3A_22, %max3A_23 : vector<4096x128xf32>
    %swap3A = arith.constant 0 : index
    %swap3A_25 = arith.constant 0 : index
    %swap3A_26 = arith.constant 0 : index
    %swap3A_27 = vector.load %arg5[%swap3A, %swap3A_25, %swap3A_26] : memref<2x4096x128xf32, #tpu.memory_space<vmem>>, vector<1x4096x128xf32>
    %swap3A_28 = vector.shape_cast %swap3A_27 : vector<1x4096x128xf32> to vector<4096x128xf32>
    %swap3A_29 = vector.shape_cast %max3A_24 : vector<4096x128xf32> to vector<1x4096x128xf32>
    tpu.vector_store %arg5[%swap3A, %swap3A_25, %swap3A_26], %swap3A_29 {strides = array<i32>} : memref<2x4096x128xf32, #tpu.memory_space<vmem>>, vector<1x4096x128xf32>,
    %get3A_30 = arith.constant 0 : index
    %get3A_31 = arith.constant 0 : index
    %get3A_32 = arith.constant 0 : index
    %get3A_33 = vector.load %arg2[%get3A_30, %get3A_31, %get3A_32] : memref<1x4096x128xf32, #tpu.memory_space<vmem>>, vector<1x4096x128xf32>
    %get3A_34 = vector.shape_cast %get3A_33 : vector<1x4096x128xf32> to vector<4096x128xf32>
    %sub3A_35 = vector.broadcast %div3A_6 : vector<1x128xf32> to vector<4096x128xf32>
    %sub3A_36 = arith.subf %get3A_34, %sub3A_35 : vector<4096x128xf32>
    %mul3A_37 = vector.broadcast %rsqrt3A : vector<1x128xf32> to vector<4096x128xf32>
    %mul3A_38 = arith.mulf %sub3A_36, %mul3A_37 : vector<4096x128xf32>
    %max3A_39 = arith.constant 0.000000e+00 : f32
    %max3A_40 = vector.broadcast %max3A_39 : f32 to vector<4096x128xf32>
    %max3A_41 = arith.maximumf %mul3A_38, %max3A_40 : vector<4096x128xf32>
    %swap3A_42 = arith.constant 1 : index
    %swap3A_43 = arith.constant 0 : index
    %swap3A_44 = arith.constant 0 : index
    %swap3A_45 = vector.load %arg5[%swap3A_42, %swap3A_43, %swap3A_44] : memref<2x4096x128xf32, #tpu.memory_space<vmem>>, vector<1x4096x128xf32>
    %swap3A_46 = vector.shape_cast %swap3A_45 : vector<1x4096x128xf32> to vector<4096x128xf32>
    %swap3A_47 = vector.shape_cast %max3A_41 : vector<4096x128xf32> to vector<1x4096x128xf32>
    tpu.vector_store %arg5[%swap3A_42, %swap3A_43, %swap3A_44], %swap3A_47 {strides = array<i32>} : memref<2x4096x128xf32, #tpu.memory_space<vmem>>, vector<1x4096x128xf32>,
    return
  }
  func.func @transform_0(%arg0: i32) -> (i32, i32, i32) {
    %c0_i32 = arith.constant 0 : i32
    %c0_i32_0 = arith.constant 0 : i32
    %c0_i32_1 = arith.constant 0 : i32
    %c0_i32_2 = arith.constant 0 : i32
    return %c0_i32, %c0_i32_0, %c0_i32_1 : i32, i32, i32
  }
  func.func @transform_1(%arg0: i32) -> (i32, i32, i32) {
    %c0_i32 = arith.constant 0 : i32
    %c0_i32_0 = arith.constant 0 : i32
    %c0_i32_1 = arith.constant 0 : i32
    %c0_i32_2 = arith.constant 0 : i32
    return %c0_i32, %c0_i32_0, %c0_i32_1 : i32, i32, i32
  }
  func.func @transform_2(%arg0: i32) -> (i32, i32) {
    %c0_i32 = arith.constant 0 : i32
    %c0_i32_0 = arith.constant 0 : i32
    %c0_i32_1 = arith.constant 0 : i32
    return %c0_i32, %c0_i32_0 : i32, i32
  }
  func.func @transform_3(%arg0: i32) -> (i32, i32) {
    %c0_i32 = arith.constant 0 : i32
    %c0_i32_0 = arith.constant 0 : i32
    %c0_i32_1 = arith.constant 0 : i32
    return %c0_i32, %c0_i32_0 : i32, i32
  }
  func.func @transform_4(%arg0: i32) -> (i32, i32, i32) {
    %c0_i32 = arith.constant 0 : i32
    %c0_i32_0 = arith.constant 0 : i32
    %c0_i32_1 = arith.constant 0 : i32
    %c0_i32_2 = arith.constant 0 : i32
    return %c0_i32, %c0_i32_0, %c0_i32_1 : i32, i32, i32
  }
}

</mosaic_0001>

<sc_bundles>
// kernel: kernel.12.cloned.1.call-start
scs
__scs_entry_jumppad:
0x0: {  	(pc) =	sbr.rel $0x88, $3  }
0x1: {  	(tag) =	ssettag $0x0;
	lr =	simm.s32 $0x1  }
0x2: {  	[smem:$0x3F9B] =	sst lr;
	_ =	strace $0xD0000000  }
0x3: {  	_ = 	snop  }
0x4: {  	_ = 	snop  }
0x5: {  	_ = 	snop  }
0x6: {  	_ = 	snop  }
0x7: {  	_ = 	snop  }
__scs_overlays_trampoline_lowered:
0x8: {  	[smem:$0x3FAA] =	sst s0  }
0x9: {  	[smem:$0x3FAB] =	sst s1  }
0xa: {  	[smem:$0x3FAC] =	sst s2  }
0xb: {  	[smem:$0x3FAD] =	sst s3  }
0xc: {  	[smem:$0x3FAE] =	sst s4  }
0xd: {  	[smem:$0x3FAF] =	sst s5  }
0xe: {  	[smem:$0x3FB0] =	sst s6  }
0xf: {  	[smem:$0x3FB1] =	sst s7  }
0x10: {  	[smem:$0x3FB2] =	sst s8  }
0x11: {  	[smem:$0x3FB3] =	sst s9;
	s0 =	simm.s32 @!p0 $0x0  }
0x12: {  	s1 =	sld [smem:$0x3F99];
	s0 =	simm.s32 @p0 $0x1  }
0x13: {  	[smem:$0x3FB4] =	sst s0;
	s0 =	simm.s32 @!p1 $0x0  }
0x14: {  	s2 =	sld [smem:$0x3F98];
	s0 =	simm.s32 @p1 $0x1  }
0x15: {  	[smem:$0x3FB5] =	sst s0;
	s0 =	simm.s32 @!p2 $0x0  }
0x16: {  	s3 =	sld [smem:$0x3FDB];
	s0 =	simm.s32 @p2 $0x1  }
0x17: {  	s4 =	simm.s32 $0x1BF5;
	[smem:$0x3FB7] =	sst s0  }
0x18: {  	s0 =	sld [smem:$0x3F9A];
	_ =	swait.ge [sflag:s4], $0x0  }
0x19: {  	s7 =	sld [smem:$0x3F9B]  }
0x1a: {  	s8 =	sadd.s32 $0xFFFFE003, lr  }
0x1b: {  	s9 =	sadd.s32 $0xFFFFFEF7, lr;
	s5 =	simm.s32 $0xFFFFFFFF;
	p2 =	slt.u32 s8, $0xFFFFF086  }
0x1c: {  	p1 =	slt.u32 s9, $0xF7A;
	s5 =	simm.s32 @!p2 $0x0  }
0x1d: {  	s5 =	simm.s32 @p1 $0x1;
	p0 =	seq.s32 s7, s2  }
0x1e: {  	s7 =	smul.u32 @!p0 $0xF7A, s2;
	p2 =	seq.s32 @!p0 s5, $0x0  }
0x1f: {  	s9 =	smul.u32 $0xF7A, s1;
	s8 =	simm.s32 @!p0 $0x1BF5;
	p2 =	por !p2, p0  }
0x20: {  	[sflag:s8] =	ssyncset.s32 @!p0 $0xFFFFF086;
	s6 =	sadd.s32 @!p0 s3, s7;
	s7 =	simm.s32 @!p0 $0x108  }
0x21: {  	s3 =	sadd.s32 s3, s9;
	s6 =	sadd.s32 @!p0 $0x88, s6;
	s7 =	simm.s32 @p2 $0x1082  }
0x22: {  	[simem:s7], [sflag:s8] =	dma.local @!p0 [hbm:s6], $0xF7A  }
0x23: {  	s9 =	sor.u32 $0xD0000000, s2;
	s6 =	simm.s32 $0x108;
	_ =	swait.ge @!p0 [sflag:s8], $0x0  }
0x24: {  	s3 =	sadd.s32 $0x88, s3;
	s6 =	simm.s32 @!p1 $0x1082;
	[sflag:s4] =	ssyncset.s32 $0xFFFFF086  }
0x25: {  	[simem:s6], [sflag:s4] =	dma.local [hbm:s3], $0xF7A  }
0x26: {  	[smem:$0x3F9B] =	sst s1;
	(tag) =	ssettag s2;
	_ =	strace s9  }
0x27: {  	s1 =	sld [smem:$0x3FAB]  }
0x28: {  	s2 =	sld [smem:$0x3FAC]  }
0x29: {  	s4 =	sld [smem:$0x3FAE]  }
0x2a: {  	p0 =	seq.s32 s5, $0x0;
	s5 =	sld [smem:$0x3FAF]  }
0x2b: {  	s6 =	sld [smem:$0x3FB0]  }
0x2c: {  	s7 =	sld [smem:$0x3FB1]  }
0x2d: {  	s3 =	simm.s32 $0x108;
	s8 =	sld [smem:$0x3FB2]  }
0x2e: {  	s3 =	simm.s32 @!p0 $0x1082;
	s9 =	sld [smem:$0x3FB3]  }
0x2f: {  	lr =	sadd.s32 s0, s3;
	s0 =	sld [smem:$0x3FAA]  }
0x30: {  	s3 =	sld [smem:$0x3FAD]  }
0x31: {  	[smem:$0x3FB6] =	sst s10  }
0x32: {  	s10 =	sld [smem:$0x3FB4];
	_ =	sdelay $0x3  }
0x33: {  	p0 =	seq.s32 s10, $0x1;
	s10 =	sld [smem:$0x3FB6];
	_ =	sdelay $0x3  }
0x34: {  	[smem:$0x3FB6] =	sst s10  }
0x35: {  	s10 =	sld [smem:$0x3FB5];
	_ =	sdelay $0x3  }
0x36: {  	p1 =	seq.s32 s10, $0x1;
	s10 =	sld [smem:$0x3FB6];
	_ =	sdelay $0x3  }
0x37: {  	[smem:$0x3FB6] =	sst s10  }
0x38: {  	s10 =	sld [smem:$0x3FB7]  }
0x39: {  	_ = 	snop;
	(pc) =	sbr.ind lr, $3  }
0x3a: {  	_ = 	snop  }
0x3b: {  	_ = 	snop  }
0x3c: {  	p2 =	seq.s32 s10, $0x1;
	s10 =	sld [smem:$0x3FB6]  }
0x3d: {  	_ =	shalt  }
0x3e: {  	_ =	shalt  }
0x3f: {  	_ =	shalt  }
0x40: {  	_ =	shalt  }
0x41: {  	_ =	shalt  }
0x42: {  	_ =	shalt  }
0x43: {  	_ =	shalt  }
0x44: {  	_ =	shalt  }
0x45: {  	_ =	shalt  }
0x46: {  	_ =	shalt  }
0x47: {  	_ =	shalt  }
0x48: {  	_ =	shalt  }
0x49: {  	_ =	shalt  }
0x4a: {  	_ =	shalt  }
0x4b: {  	_ =	shalt  }
0x4c: {  	_ =	shalt  }
0x4d: {  	_ =	shalt  }
0x4e: {  	_ =	shalt  }
0x4f: {  	_ =	shalt  }
0x50: {  	_ =	shalt  }
0x51: {  	_ =	shalt  }
0x52: {  	_ =	shalt  }
0x53: {  	_ =	shalt  }
0x54: {  	_ =	shalt  }
0x55: {  	_ =	shalt  }
0x56: {  	_ =	shalt  }
0x57: {  	_ =	shalt  }
0x58: {  	_ =	shalt  }
0x59: {  	_ =	shalt  }
0x5a: {  	_ =	shalt  }
0x5b: {  	_ =	shalt  }
0x5c: {  	_ =	shalt  }
0x5d: {  	_ =	shalt  }
0x5e: {  	_ =	shalt  }
0x5f: {  	_ =	shalt  }
0x60: {  	_ =	shalt  }
0x61: {  	_ =	shalt  }
0x62: {  	_ =	shalt  }
0x63: {  	_ =	shalt  }
0x64: {  	_ =	shalt  }
0x65: {  	_ =	shalt  }
0x66: {  	_ =	shalt  }
0x67: {  	_ =	shalt  }
0x68: {  	_ =	shalt  }
0x69: {  	_ =	shalt  }
0x6a: {  	_ =	shalt  }
0x6b: {  	_ =	shalt  }
0x6c: {  	_ =	shalt  }
0x6d: {  	_ =	shalt  }
0x6e: {  	_ =	shalt  }
0x6f: {  	_ =	shalt  }
0x70: {  	_ =	shalt  }
0x71: {  	_ =	shalt  }
0x72: {  	_ =	shalt  }
0x73: {  	_ =	shalt  }
0x74: {  	_ =	shalt  }
0x75: {  	_ =	shalt  }
0x76: {  	_ =	shalt  }
0x77: {  	_ =	shalt  }
0x78: {  	_ =	shalt  }
0x79: {  	_ =	shalt  }
0x7a: {  	_ =	shalt  }
0x7b: {  	_ =	shalt  }
0x7c: {  	_ =	shalt  }
0x7d: {  	_ =	shalt  }
0x7e: {  	_ =	shalt  }
0x7f: {  	_ =	shalt  }
0x80: {  	_ =	shalt  }
0x81: {  	_ =	shalt  }
0x82: {  	_ =	shalt  }
0x83: {  	_ =	shalt  }
0x84: {  	_ =	shalt  }
0x85: {  	_ =	shalt  }
0x86: {  	_ =	shalt  }
0x87: {  	_ =	shalt  }
.Lfunc_end0:
.L_simem_size_0:
called_computation_lowered:
.L_overlay_start_0:
0x88: {  	s2 =	sld [smem:$0x3FD9]  }
0x89: {  	s3 =	sld [smem:$0x3FFE];
	_ =	sdelay $0x1  }
0x8a: {  	s1 =	srdreg.scid  }
0x8b: {  	s0 =	sand.u32 $0x1, s1  }
0x8c: {  	s17 =	sshll.u32 s0, $0xA;
	s2 =	sadd.s32 s3, s2  }
0x8d: {  	s2 =	sadd.s32 s2, s17  }
0x8e: {  	[smem:$0x3FC2] =	sst s2  }
0x8f: {  	_ = 	snop  }
0x90: {  	s2 =	sld [smem:$0x3FD0];
	(tm) =	ssettm $0x1  }
0x91: {  	s18 =	sld [smem:$0x3FFB];
	_ =	sdelay $0x3  }
0x92: {  	_ =	strace s18  }
0x93: {  	s3 =	sld [smem:$0x3FFC];
	_ =	sdelay $0x3  }
0x94: {  	_ =	strace s3  }
0x95: {  	s3 =	sld [smem:$0x3FFD];
	_ =	sdelay $0x3  }
0x96: {  	_ =	strace s3  }
0x97: {  	_ =	strace $0x8FFFFFFF  }
0x98: {  	s19 =	sld [smem:$0x3FDB];
	_ =	sdelay $0x1  }
0x99: {  	s4 =	simm.s32 $_scs_section_size  }
0x9a: {  	s5 =	simm.s32 $_size__tile_overlayer_lowered;
	s6 =	simm.s32 $_tile_overlayer_lowered  }
0x9b: {  	s22 =	simm.s32 $0x1BFF;
	s21 =	sshll.u32 s6, $0x1;
	s3 =	sadd.s32 s4, s19  }
0x9c: {  	s7 =	simm.s32 $0x0;
	s20 =	sshll.u32 s5, $0x1;
	s5 =	sadd.s32 s21, s3  }
0x9d: {  	[timem:s7], [sflag:s22] =	dma.local [hbm:s5], s20  }
0x9e: {  	_ =	swait.ge [sflag:s22], s20  }
0x9f: {  	s4 =	ssub.s32 $0x0, s20;
	[sflag:s22] =	ssyncset.done $0x0  }
0xa0: {  	[sflag:s22] =	ssyncadd.s32 s4;
	_ =	sdelay $0x1  }
0xa1: {  	s23 =	simm.s32 $0x1B8B  }
0xa2: {  	_ =	swait.ge [sflag:s23], $0x1  }
0xa3: {  	[sflag:s23] =	ssyncset.done $0x0  }
0xa4: {  	s25 =	simm.s32 $0x1B8E;
	s24 =	sld [smem:$0x3FFE];
	[sflag:s23] =	ssyncadd.s32 $0xFFFFFFFF  }
0xa5: {  	s26 =	simm.s32 $execute0_lowered;
	[smem:$0x3FD2] =	sst s25  }
0xa6: {  	s5 =	sshll.u32 s26, $0x1;
	_ =	strace $0x80000046;
	[dreg:$0x1] =	wrdreg $0xFFFFFFFF  }
0xa7: {  	s28 =	simm.s32 $_size_execute0_lowered;
	s3 =	sadd.s32 s3, s5;
	[dreg:$0x0] =	wrdreg $0x0  }
0xa8: {  	s5 =	sshll.u32 s28, $0x1;
	[dreg:$0x2] =	wrdreg s3  }
0xa9: {  	[dreg:$0x3] =	wrdreg s5  }
0xaa: {  	[dreg:$0x4] =	wrdreg $0xC0  }
0xab: {  	_ =	task [dreg:s7], $0x5FFFF  }
0xac: {  	[dreg:$0x1] =	wrdreg $0xFFFFFFFF  }
0xad: {  	[dreg:$0x0] =	wrdreg $0x60  }
0xae: {  	[dreg:$0x2] =	wrdreg s24  }
0xaf: {  	[dreg:$0x3] =	wrdreg s2  }
0xb0: {  	[dreg:$0x4] =	wrdreg $0x9  }
0xb1: {  	_ =	task.clear_ibuf [dreg:s7], $0x5FFFF;
	_ =	strace $0x90000046  }
0xb2: {  	s29 =	simm.s32 $0x9;
	_ =	strace $0x80000048  }
0xb3: {  	_ =	swait.ge [sflag:s29], $0x1  }
0xb4: {  	[sflag:s29] =	ssyncadd.s32 $0xFFFFFFFF  }
0xb5: {  	_ =	strace $0x90000048  }
0xb6: {  	_ =	sfence  }
0xb7: {  	s30 =	sld [smem:$0x0];
	_ =	sdelay $0x2  }
0xb8: {  	s31 =	sshll.u32 s1, $0xD;
	s1 =	sshrl.u32 s1, $0x2  }
0xb9: {  	s3 =	sand.u32 $0x4000, s31;
	s1 =	sadd.s32 s1, s30  }
0xba: {  	s0 =	sor.u32 s3, s0;
	s1 =	sshll.u32 s1, $0x11  }
0xbb: {  	s0 =	sor.u32 s1, s0  }
0xbc: {  	s0 =	sadd.s32 $0x8F2B, s0  }
0xbd: {  	[sflag:s0] =	ssyncadd.remote.s32 $0x1  }
0xbe: {  	_ =	sfence.sel $0xFFFF  }
0xbf: {  	[dreg:$0x0] =	wrdreg $0xFFFFFFFF;
	(pc) =	sbr.abs _section_cstart, $3  }
0xc0: {  	[dreg:$0x1] =	wrdreg $0xFFFFFFFF  }
0xc1: {  	_ =	task.clear_ibuf [dreg:s7], $0x2FFFF;
	_ =	strace $0x9FFFFFFF  }
0xc2: {  	(tm) =	ssettm $0x7FFFFFFF  }
0xc3: {  	_ =	shalt  }
tec
execute0_lowered:
.L_overlay_start_1:
0x0: {  	(tag) =	ssettag $0x1  }
0x1: {  	s1 =	srdreg.scid;
	s0 =	stileid.u32  }
0x2: {  	s30 =	sand.u32 $0x1, s1;
	s26 =	sshll.u32 s0, $0x1  }
0x3: {  	s14 =	rddreg [dreg:$0x0];
	s15 =	sor.u32 s30, s26  }
0x4: {  	s2 =	rddreg [dreg:$0x1];
	s3 =	simm.s32 $0x0;
	s4 =	sshll.u32 s15, $0x8  }
0x5: {  	[smem:$0x7FF] =	sst s3;
	s4 =	sadd.s32 s4, s14  }
0x6: {  	_ =	strace $0x80000047;
	s5 =	sadd.s32 $0x2400, s4;
	s4 =	simm.s32 $0x2  }
0x7: {  	[tilespmem:s3], [sflag:$0x2] =	stream.linear.gather [hbm4b:s5+s3], $0x800, $0x38;
	[tilespmem:$0x10800] =	vst v63  }
0x8: {  	_ =	swait.ge [sflag:s4], $0x800  }
0x9: {  	[sflag:s4] =	ssyncset.done $0x0  }
0xa: {  	s6 =	simm.s32 $0x80;
	s7 =	simm.s32 $0x800;
	[sflag:s4] =	ssyncadd.s32 $0xFFFFF800  }
0xb: {  	[tilespmem:s7], [sflag:$0x1] =	stream.indirect.gather [hbm4b:s2+s6], $0x80, s3, s6, $0xb8;
	[tilespmem:$0x10800] =	vst v63  }
0xc: {  	s8 =	simm.s32 $0x4800  }
0xd: {  	[tilespmem:s8], [sflag:$0x1] =	stream.indirect.gather [hbm4b:s2+s6], $0x80, s6, s6, $0xb8;
	[tilespmem:$0x10800] =	vst v63  }
0xe: {  	s9 =	simm.s32 $0x100;
	s10 =	simm.s32 $0x8800  }
0xf: {  	[tilespmem:s10], [sflag:$0x1] =	stream.indirect.gather [hbm4b:s2+s6], $0x80, s9, s6, $0xb8;
	[tilespmem:$0x10800] =	vst v63  }
0x10: {  	s11 =	simm.s32 $0x180;
	s12 =	simm.s32 $0xC800;
	s13 =	simm.s32 $0x1  }
0x11: {  	[tilespmem:s12], [sflag:$0x1] =	stream.indirect.gather [hbm4b:s2+s6], $0x80, s11, s6, $0xb8;
	[tilespmem:$0x10800] =	vst v63  }
0x12: {  	_ =	swait.ge [sflag:s13], $0x4000  }
0x13: {  	[sflag:s13] =	ssyncset.done $0x0  }
0x14: {  	[sflag:s13] =	ssyncadd.s32 $0xFFFFC000  }
0x15: {  	_ =	swait.ge [sflag:s13], $0x4000  }
0x16: {  	[sflag:s13] =	ssyncset.done $0x0  }
0x17: {  	[sflag:s13] =	ssyncadd.s32 $0xFFFFC000  }
0x18: {  	_ =	swait.ge [sflag:s13], $0x4000  }
0x19: {  	[sflag:s13] =	ssyncset.done $0x0  }
0x1a: {  	[sflag:s13] =	ssyncadd.s32 $0xFFFFC000  }
0x1b: {  	s15 =	sshll.u32 s15, $0xF;
	_ =	swait.ge [sflag:s13], $0x4000  }
0x1c: {  	s31 =	sadd.s32 s15, s14;
	[sflag:s13] =	ssyncset.done $0x0  }
0x1d: {  	s14 =	sadd.s32 $0x4400, s31;
	[sflag:s13] =	ssyncadd.s32 $0xFFFFC000  }
0x1e: {  	[hbm4b:s14+s3] =	stream.linear.scatter [tilespmem:s7], [sflag:$0x2], $0x10000, $0x38;
	[tilespmem:$0x10800] =	vst v63  }
0x1f: {  	_ =	swait.ge [sflag:s4], $0x10000  }
0x20: {  	[sflag:s4] =	ssyncset.done $0x0  }
0x21: {  	s15 =	simm.s32 $0x200;
	[sflag:s4] =	ssyncadd.s32 $0xFFFF0000  }
0x22: {  	[tilespmem:s7], [sflag:$0x1] =	stream.indirect.gather [hbm4b:s2+s6], $0x80, s15, s6, $0xb8;
	[tilespmem:$0x10800] =	vst v63  }
0x23: {  	s16 =	simm.s32 $0x280  }
0x24: {  	[tilespmem:s8], [sflag:$0x1] =	stream.indirect.gather [hbm4b:s2+s6], $0x80, s16, s6, $0xb8;
	[tilespmem:$0x10800] =	vst v63  }
0x25: {  	s17 =	simm.s32 $0x300  }
0x26: {  	[tilespmem:s10], [sflag:$0x1] =	stream.indirect.gather [hbm4b:s2+s6], $0x80, s17, s6, $0xb8;
	[tilespmem:$0x10800] =	vst v63  }
0x27: {  	s18 =	simm.s32 $0x380  }
0x28: {  	[tilespmem:s12], [sflag:$0x1] =	stream.indirect.gather [hbm4b:s2+s6], $0x80, s18, s6, $0xb8;
	[tilespmem:$0x10800] =	vst v63  }
0x29: {  	_ =	swait.ge [sflag:s13], $0x4000  }
0x2a: {  	[sflag:s13] =	ssyncset.done $0x0  }
0x2b: {  	[sflag:s13] =	ssyncadd.s32 $0xFFFFC000  }
0x2c: {  	_ =	swait.ge [sflag:s13], $0x4000  }
0x2d: {  	[sflag:s13] =	ssyncset.done $0x0  }
0x2e: {  	[sflag:s13] =	ssyncadd.s32 $0xFFFFC000  }
0x2f: {  	_ =	swait.ge [sflag:s13], $0x4000  }
0x30: {  	[sflag:s13] =	ssyncset.done $0x0  }
0x31: {  	[sflag:s13] =	ssyncadd.s32 $0xFFFFC000  }
0x32: {  	_ =	swait.ge [sflag:s13], $0x4000  }
0x33: {  	[sflag:s13] =	ssyncset.done $0x0  }
0x34: {  	s19 =	sadd.s32 $0x6400, s31;
	[sflag:s13] =	ssyncadd.s32 $0xFFFFC000  }
0x35: {  	[hbm4b:s19+s3] =	stream.linear.scatter [tilespmem:s7], [sflag:$0x2], $0x10000, $0x38;
	[tilespmem:$0x10800] =	vst v63  }
0x36: {  	_ =	swait.ge [sflag:s4], $0x10000  }
0x37: {  	[sflag:s4] =	ssyncset.done $0x0  }
0x38: {  	s20 =	simm.s32 $0x400;
	[sflag:s4] =	ssyncadd.s32 $0xFFFF0000  }
0x39: {  	[tilespmem:s7], [sflag:$0x1] =	stream.indirect.gather [hbm4b:s2+s6], $0x80, s20, s6, $0xb8;
	[tilespmem:$0x10800] =	vst v63  }
0x3a: {  	s21 =	simm.s32 $0x480  }
0x3b: {  	[tilespmem:s8], [sflag:$0x1] =	stream.indirect.gather [hbm4b:s2+s6], $0x80, s21, s6, $0xb8;
	[tilespmem:$0x10800] =	vst v63  }
0x3c: {  	s22 =	simm.s32 $0x500  }
0x3d: {  	[tilespmem:s10], [sflag:$0x1] =	stream.indirect.gather [hbm4b:s2+s6], $0x80, s22, s6, $0xb8;
	[tilespmem:$0x10800] =	vst v63  }
0x3e: {  	s23 =	simm.s32 $0x580  }
0x3f: {  	[tilespmem:s12], [sflag:$0x1] =	stream.indirect.gather [hbm4b:s2+s6], $0x80, s23, s6, $0xb8;
	[tilespmem:$0x10800] =	vst v63  }
0x40: {  	_ =	swait.ge [sflag:s13], $0x4000  }
0x41: {  	[sflag:s13] =	ssyncset.done $0x0  }
0x42: {  	[sflag:s13] =	ssyncadd.s32 $0xFFFFC000  }
0x43: {  	_ =	swait.ge [sflag:s13], $0x4000  }
0x44: {  	[sflag:s13] =	ssyncset.done $0x0  }
0x45: {  	[sflag:s13] =	ssyncadd.s32 $0xFFFFC000  }
0x46: {  	_ =	swait.ge [sflag:s13], $0x4000  }
0x47: {  	[sflag:s13] =	ssyncset.done $0x0  }
0x48: {  	[sflag:s13] =	ssyncadd.s32 $0xFFFFC000  }
0x49: {  	_ =	swait.ge [sflag:s13], $0x4000  }
0x4a: {  	[sflag:s13] =	ssyncset.done $0x0  }
0x4b: {  	s24 =	sadd.s32 $0x8400, s31;
	[sflag:s13] =	ssyncadd.s32 $0xFFFFC000  }
0x4c: {  	[hbm4b:s24+s3] =	stream.linear.scatter [tilespmem:s7], [sflag:$0x2], $0x10000, $0x38;
	[tilespmem:$0x10800] =	vst v63  }
0x4d: {  	_ =	swait.ge [sflag:s4], $0x10000  }
0x4e: {  	[sflag:s4] =	ssyncset.done $0x0  }
0x4f: {  	s25 =	simm.s32 $0x600;
	[sflag:s4] =	ssyncadd.s32 $0xFFFF0000  }
0x50: {  	[tilespmem:s7], [sflag:$0x1] =	stream.indirect.gather [hbm4b:s2+s6], $0x80, s25, s6, $0xb8;
	[tilespmem:$0x10800] =	vst v63  }
0x51: {  	s26 =	simm.s32 $0x680  }
0x52: {  	[tilespmem:s8], [sflag:$0x1] =	stream.indirect.gather [hbm4b:s2+s6], $0x80, s26, s6, $0xb8;
	[tilespmem:$0x10800] =	vst v63  }
0x53: {  	s28 =	simm.s32 $0x700  }
0x54: {  	[tilespmem:s10], [sflag:$0x1] =	stream.indirect.gather [hbm4b:s2+s6], $0x80, s28, s6, $0xb8;
	[tilespmem:$0x10800] =	vst v63  }
0x55: {  	s29 =	simm.s32 $0x780  }
0x56: {  	[tilespmem:s12], [sflag:$0x1] =	stream.indirect.gather [hbm4b:s2+s6], $0x80, s29, s6, $0xb8;
	[tilespmem:$0x10800] =	vst v63  }
0x57: {  	_ =	swait.ge [sflag:s13], $0x4000  }
0x58: {  	[sflag:s13] =	ssyncset.done $0x0  }
0x59: {  	[sflag:s13] =	ssyncadd.s32 $0xFFFFC000  }
0x5a: {  	_ =	swait.ge [sflag:s13], $0x4000  }
0x5b: {  	[sflag:s13] =	ssyncset.done $0x0  }
0x5c: {  	s30 =	ssub.s32 $0x2, s30;
	[sflag:s13] =	ssyncadd.s32 $0xFFFFC000  }
0x5d: {  	s1 =	sshrl.u32 s30, $0x1;
	_ =	swait.ge [sflag:s13], $0x4000  }
0x5e: {  	s1 =	ssub.s32 s30, s1;
	[sflag:s13] =	ssyncset.done $0x0  }
0x5f: {  	s1 =	smax.u32 s1, $0x1;
	[sflag:s13] =	ssyncadd.s32 $0xFFFFC000  }
0x60: {  	p0 =	sne.s32 s1, $0x1;
	_ =	swait.ge [sflag:s13], $0x4000  }
.Ltmp0:
0x61: {  	[sflag:s13] =	ssyncset.done $0x0;
	(pc) =	sbr.rel @!p0 .LBB2_2-.Ltmp0, $4  }
0x62: {  	s30 =	sadd.s32 $0xA400, s31;
	[sflag:s13] =	ssyncadd.s32 $0xFFFFC000  }
0x63: {  	[hbm4b:s30+s3] =	stream.linear.scatter [tilespmem:s7], [sflag:$0x2], $0x10000, $0x38;
	[tilespmem:$0x10800] =	vst v63  }
0x64: {  	_ =	swait.ge [sflag:s4], $0x10000  }
0x65: {  	s31 =	sadd.s32 $0xFFFFFFFF, s1;
	[sflag:s4] =	ssyncset.done $0x0  }
.LBB2_1:
0x66: {  	p0 =	sne.s32 s31, $0x1;
	s31 =	sadd.s32 $0xFFFFFFFF, s31;
	[sflag:s4] =	ssyncadd.s32 $0xFFFF0000  }
0x67: {  	[tilespmem:s3], [sflag:$0x2] =	stream.linear.gather [hbm4b:s5+s3], $0x800, $0x38;
	[tilespmem:$0x10800] =	vst v63  }
0x68: {  	_ =	swait.ge [sflag:s4], $0x800  }
0x69: {  	[sflag:s4] =	ssyncset.done $0x0  }
0x6a: {  	[sflag:s4] =	ssyncadd.s32 $0xFFFFF800  }
0x6b: {  	[tilespmem:s7], [sflag:$0x1] =	stream.indirect.gather [hbm4b:s2+s6], $0x80, s3, s6, $0xb8;
	[tilespmem:$0x10800] =	vst v63  }
0x6c: {  	_ = 	snop  }
0x6d: {  	[tilespmem:s8], [sflag:$0x1] =	stream.indirect.gather [hbm4b:s2+s6], $0x80, s6, s6, $0xb8;
	[tilespmem:$0x10800] =	vst v63  }
0x6e: {  	_ = 	snop  }
0x6f: {  	[tilespmem:s10], [sflag:$0x1] =	stream.indirect.gather [hbm4b:s2+s6], $0x80, s9, s6, $0xb8;
	[tilespmem:$0x10800] =	vst v63  }
0x70: {  	_ = 	snop  }
0x71: {  	[tilespmem:s12], [sflag:$0x1] =	stream.indirect.gather [hbm4b:s2+s6], $0x80, s11, s6, $0xb8;
	[tilespmem:$0x10800] =	vst v63  }
0x72: {  	_ =	swait.ge [sflag:s13], $0x4000  }
0x73: {  	[sflag:s13] =	ssyncset.done $0x0  }
0x74: {  	[sflag:s13] =	ssyncadd.s32 $0xFFFFC000  }
0x75: {  	_ =	swait.ge [sflag:s13], $0x4000  }
0x76: {  	[sflag:s13] =	ssyncset.done $0x0  }
0x77: {  	[sflag:s13] =	ssyncadd.s32 $0xFFFFC000  }
0x78: {  	_ =	swait.ge [sflag:s13], $0x4000  }
0x79: {  	[sflag:s13] =	ssyncset.done $0x0  }
0x7a: {  	[sflag:s13] =	ssyncadd.s32 $0xFFFFC000  }
0x7b: {  	_ =	swait.ge [sflag:s13], $0x4000  }
0x7c: {  	[sflag:s13] =	ssyncset.done $0x0  }
0x7d: {  	[sflag:s13] =	ssyncadd.s32 $0xFFFFC000  }
0x7e: {  	[hbm4b:s14+s3] =	stream.linear.scatter [tilespmem:s7], [sflag:$0x2], $0x10000, $0x38;
	[tilespmem:$0x10800] =	vst v63  }
0x7f: {  	_ =	swait.ge [sflag:s4], $0x10000  }
0x80: {  	[sflag:s4] =	ssyncset.done $0x0  }
0x81: {  	[sflag:s4] =	ssyncadd.s32 $0xFFFF0000  }
0x82: {  	[tilespmem:s7], [sflag:$0x1] =	stream.indirect.gather [hbm4b:s2+s6], $0x80, s15, s6, $0xb8;
	[tilespmem:$0x10800] =	vst v63  }
0x83: {  	_ = 	snop  }
0x84: {  	[tilespmem:s8], [sflag:$0x1] =	stream.indirect.gather [hbm4b:s2+s6], $0x80, s16, s6, $0xb8;
	[tilespmem:$0x10800] =	vst v63  }
0x85: {  	_ = 	snop  }
0x86: {  	[tilespmem:s10], [sflag:$0x1] =	stream.indirect.gather [hbm4b:s2+s6], $0x80, s17, s6, $0xb8;
	[tilespmem:$0x10800] =	vst v63  }
0x87: {  	_ = 	snop  }
0x88: {  	[tilespmem:s12], [sflag:$0x1] =	stream.indirect.gather [hbm4b:s2+s6], $0x80, s18, s6, $0xb8;
	[tilespmem:$0x10800] =	vst v63  }
0x89: {  	_ =	swait.ge [sflag:s13], $0x4000  }
0x8a: {  	[sflag:s13] =	ssyncset.done $0x0  }
0x8b: {  	[sflag:s13] =	ssyncadd.s32 $0xFFFFC000  }
0x8c: {  	_ =	swait.ge [sflag:s13], $0x4000  }
0x8d: {  	[sflag:s13] =	ssyncset.done $0x0  }
0x8e: {  	[sflag:s13] =	ssyncadd.s32 $0xFFFFC000  }
0x8f: {  	_ =	swait.ge [sflag:s13], $0x4000  }
0x90: {  	[sflag:s13] =	ssyncset.done $0x0  }
0x91: {  	[sflag:s13] =	ssyncadd.s32 $0xFFFFC000  }
0x92: {  	_ =	swait.ge [sflag:s13], $0x4000  }
0x93: {  	[sflag:s13] =	ssyncset.done $0x0  }
0x94: {  	[sflag:s13] =	ssyncadd.s32 $0xFFFFC000  }
0x95: {  	[hbm4b:s19+s3] =	stream.linear.scatter [tilespmem:s7], [sflag:$0x2], $0x10000, $0x38;
	[tilespmem:$0x10800] =	vst v63  }
0x96: {  	_ =	swait.ge [sflag:s4], $0x10000  }
0x97: {  	[sflag:s4] =	ssyncset.done $0x0  }
0x98: {  	[sflag:s4] =	ssyncadd.s32 $0xFFFF0000  }
0x99: {  	[tilespmem:s7], [sflag:$0x1] =	stream.indirect.gather [hbm4b:s2+s6], $0x80, s20, s6, $0xb8;
	[tilespmem:$0x10800] =	vst v63  }
0x9a: {  	_ = 	snop  }
0x9b: {  	[tilespmem:s8], [sflag:$0x1] =	stream.indirect.gather [hbm4b:s2+s6], $0x80, s21, s6, $0xb8;
	[tilespmem:$0x10800] =	vst v63  }
0x9c: {  	_ = 	snop  }
0x9d: {  	[tilespmem:s10], [sflag:$0x1] =	stream.indirect.gather [hbm4b:s2+s6], $0x80, s22, s6, $0xb8;
	[tilespmem:$0x10800] =	vst v63  }
0x9e: {  	_ = 	snop  }
0x9f: {  	[tilespmem:s12], [sflag:$0x1] =	stream.indirect.gather [hbm4b:s2+s6], $0x80, s23, s6, $0xb8;
	[tilespmem:$0x10800] =	vst v63  }
0xa0: {  	_ =	swait.ge [sflag:s13], $0x4000  }
0xa1: {  	[sflag:s13] =	ssyncset.done $0x0  }
0xa2: {  	[sflag:s13] =	ssyncadd.s32 $0xFFFFC000  }
0xa3: {  	_ =	swait.ge [sflag:s13], $0x4000  }
0xa4: {  	[sflag:s13] =	ssyncset.done $0x0  }
0xa5: {  	[sflag:s13] =	ssyncadd.s32 $0xFFFFC000  }
0xa6: {  	_ =	swait.ge [sflag:s13], $0x4000  }
0xa7: {  	[sflag:s13] =	ssyncset.done $0x0  }
0xa8: {  	[sflag:s13] =	ssyncadd.s32 $0xFFFFC000  }
0xa9: {  	_ =	swait.ge [sflag:s13], $0x4000  }
0xaa: {  	[sflag:s13] =	ssyncset.done $0x0  }
0xab: {  	[sflag:s13] =	ssyncadd.s32 $0xFFFFC000  }
0xac: {  	[hbm4b:s24+s3] =	stream.linear.scatter [tilespmem:s7], [sflag:$0x2], $0x10000, $0x38;
	[tilespmem:$0x10800] =	vst v63  }
0xad: {  	_ =	swait.ge [sflag:s4], $0x10000  }
0xae: {  	[sflag:s4] =	ssyncset.done $0x0  }
0xaf: {  	[sflag:s4] =	ssyncadd.s32 $0xFFFF0000  }
0xb0: {  	[tilespmem:s7], [sflag:$0x1] =	stream.indirect.gather [hbm4b:s2+s6], $0x80, s25, s6, $0xb8;
	[tilespmem:$0x10800] =	vst v63  }
0xb1: {  	_ = 	snop  }
0xb2: {  	[tilespmem:s8], [sflag:$0x1] =	stream.indirect.gather [hbm4b:s2+s6], $0x80, s26, s6, $0xb8;
	[tilespmem:$0x10800] =	vst v63  }
0xb3: {  	_ = 	snop  }
0xb4: {  	[tilespmem:s10], [sflag:$0x1] =	stream.indirect.gather [hbm4b:s2+s6], $0x80, s28, s6, $0xb8;
	[tilespmem:$0x10800] =	vst v63  }
0xb5: {  	_ = 	snop  }
0xb6: {  	[tilespmem:s12], [sflag:$0x1] =	stream.indirect.gather [hbm4b:s2+s6], $0x80, s29, s6, $0xb8;
	[tilespmem:$0x10800] =	vst v63  }
0xb7: {  	_ =	swait.ge [sflag:s13], $0x4000  }
0xb8: {  	[sflag:s13] =	ssyncset.done $0x0  }
0xb9: {  	[sflag:s13] =	ssyncadd.s32 $0xFFFFC000  }
0xba: {  	_ =	swait.ge [sflag:s13], $0x4000  }
0xbb: {  	[sflag:s13] =	ssyncset.done $0x0  }
0xbc: {  	[sflag:s13] =	ssyncadd.s32 $0xFFFFC000  }
0xbd: {  	_ =	swait.ge [sflag:s13], $0x4000  }
0xbe: {  	[sflag:s13] =	ssyncset.done $0x0  }
0xbf: {  	[sflag:s13] =	ssyncadd.s32 $0xFFFFC000  }
0xc0: {  	_ =	swait.ge [sflag:s13], $0x4000  }
.Ltmp1:
0xc1: {  	[sflag:s13] =	ssyncset.done $0x0;
	(pc) =	sbr.rel @p0 .LBB2_1-.Ltmp1, $4  }
0xc2: {  	[sflag:s13] =	ssyncadd.s32 $0xFFFFC000  }
0xc3: {  	[hbm4b:s30+s3] =	stream.linear.scatter [tilespmem:s7], [sflag:$0x2], $0x10000, $0x38;
	[tilespmem:$0x10800] =	vst v63  }
0xc4: {  	_ =	swait.ge [sflag:s4], $0x10000  }
0xc5: {  	[sflag:s4] =	ssyncset.done $0x0  }
.LBB2_2:
0xc6: {  	[sflag:s4] =	ssyncadd.s32 $0xFFFF0000  }
0xc7: {  	_ =	sfence.sel $0x180000  }
0xc8: {  	[bflag:$0x0] =	sbarrier.arrive $0xFFFF  }
0xc9: {  	_ =	strace $0x90000047  }
0xca: {  	[bflag:$0x2] =	sbarrier.arrive $0xFFFF  }
0xcb: {  	p0 =	sne.s32 s0, $0x0;
	s0 =	rddreg [dreg:$0x2]  }
0xcc: {  	s0 =	sadd.s32 @!p0 $0x100000, s0  }
0xcd: {  	[sflag:s0] =	ssyncadd.tile.s32 @!p0 $0x1;
	_ =	shalt  }
.Lfunc_end2:
_tile_overlayer_lowered:
.L_overlay_start_2:
0xce: {  	(tag) =	ssettag $0x2  }
0xcf: {  	s0 =	rddreg [dreg:$0x0];
	s2 =	stileid.u32  }
0xd0: {  	s1 =	rddreg [dreg:$0x1];
	p0 =	sne.s32 s2, $0x0  }
0xd1: {  	s3 =	rddreg [dreg:$0x2];
	[bflag:$0x3] =	sbarrier.arrive $0xFFFF;
	s2 =	simm.s32 @!p0 $0x1C02  }
0xd2: {  	[timem:s3], [sflag:s2] =	dma.local @!p0 [hbm:s0], s1  }
0xd3: {  	s0 =	simm.s32 @!p0 $0x2  }
0xd4: {  	_ =	swait.ge @!p0 [sflag:s0], s1  }
0xd5: {  	s1 =	ssub.s32 @!p0 $0x0, s1;
	[sflag:s0] =	ssyncset.done @!p0 $0x0  }
0xd6: {  	[sflag:s0] =	ssyncadd.s32 @!p0 s1  }
0xd7: {  	[bflag:$0x3] =	sbarrier.arrive $0xFFFF  }
0xd8: {  	_ =	shalt  }

// kernel: kernel.15.cloned.1.call-start
scs
__scs_entry_jumppad:
0x0: {  	(pc) =	sbr.rel $0x88, $3  }
0x1: {  	(tag) =	ssettag $0x0;
	lr =	simm.s32 $0x1  }
0x2: {  	[smem:$0x3F9B] =	sst lr;
	_ =	strace $0xD0000000  }
0x3: {  	_ = 	snop  }
0x4: {  	_ = 	snop  }
0x5: {  	_ = 	snop  }
0x6: {  	_ = 	snop  }
0x7: {  	_ = 	snop  }
__scs_overlays_trampoline_lowered:
0x8: {  	[smem:$0x3FAA] =	sst s0  }
0x9: {  	[smem:$0x3FAB] =	sst s1  }
0xa: {  	[smem:$0x3FAC] =	sst s2  }
0xb: {  	[smem:$0x3FAD] =	sst s3  }
0xc: {  	[smem:$0x3FAE] =	sst s4  }
0xd: {  	[smem:$0x3FAF] =	sst s5  }
0xe: {  	[smem:$0x3FB0] =	sst s6  }
0xf: {  	[smem:$0x3FB1] =	sst s7  }
0x10: {  	[smem:$0x3FB2] =	sst s8  }
0x11: {  	[smem:$0x3FB3] =	sst s9;
	s0 =	simm.s32 @!p0 $0x0  }
0x12: {  	s1 =	sld [smem:$0x3F99];
	s0 =	simm.s32 @p0 $0x1  }
0x13: {  	[smem:$0x3FB4] =	sst s0;
	s0 =	simm.s32 @!p1 $0x0  }
0x14: {  	s2 =	sld [smem:$0x3F98];
	s0 =	simm.s32 @p1 $0x1  }
0x15: {  	[smem:$0x3FB5] =	sst s0;
	s0 =	simm.s32 @!p2 $0x0  }
0x16: {  	s3 =	sld [smem:$0x3FDB];
	s0 =	simm.s32 @p2 $0x1  }
0x17: {  	s4 =	simm.s32 $0x1BF5;
	[smem:$0x3FB7] =	sst s0  }
0x18: {  	s0 =	sld [smem:$0x3F9A];
	_ =	swait.ge [sflag:s4], $0x0  }
0x19: {  	s7 =	sld [smem:$0x3F9B]  }
0x1a: {  	s8 =	sadd.s32 $0xFFFFE003, lr  }
0x1b: {  	s9 =	sadd.s32 $0xFFFFFEF7, lr;
	s5 =	simm.s32 $0xFFFFFFFF;
	p2 =	slt.u32 s8, $0xFFFFF086  }
0x1c: {  	p1 =	slt.u32 s9, $0xF7A;
	s5 =	simm.s32 @!p2 $0x0  }
0x1d: {  	s5 =	simm.s32 @p1 $0x1;
	p0 =	seq.s32 s7, s2  }
0x1e: {  	s7 =	smul.u32 @!p0 $0xF7A, s2;
	p2 =	seq.s32 @!p0 s5, $0x0  }
0x1f: {  	s9 =	smul.u32 $0xF7A, s1;
	s8 =	simm.s32 @!p0 $0x1BF5;
	p2 =	por !p2, p0  }
0x20: {  	[sflag:s8] =	ssyncset.s32 @!p0 $0xFFFFF086;
	s6 =	sadd.s32 @!p0 s3, s7;
	s7 =	simm.s32 @!p0 $0x108  }
0x21: {  	s3 =	sadd.s32 s3, s9;
	s6 =	sadd.s32 @!p0 $0x88, s6;
	s7 =	simm.s32 @p2 $0x1082  }
0x22: {  	[simem:s7], [sflag:s8] =	dma.local @!p0 [hbm:s6], $0xF7A  }
0x23: {  	s9 =	sor.u32 $0xD0000000, s2;
	s6 =	simm.s32 $0x108;
	_ =	swait.ge @!p0 [sflag:s8], $0x0  }
0x24: {  	s3 =	sadd.s32 $0x88, s3;
	s6 =	simm.s32 @!p1 $0x1082;
	[sflag:s4] =	ssyncset.s32 $0xFFFFF086  }
0x25: {  	[simem:s6], [sflag:s4] =	dma.local [hbm:s3], $0xF7A  }
0x26: {  	[smem:$0x3F9B] =	sst s1;
	(tag) =	ssettag s2;
	_ =	strace s9  }
0x27: {  	s1 =	sld [smem:$0x3FAB]  }
0x28: {  	s2 =	sld [smem:$0x3FAC]  }
0x29: {  	s4 =	sld [smem:$0x3FAE]  }
0x2a: {  	p0 =	seq.s32 s5, $0x0;
	s5 =	sld [smem:$0x3FAF]  }
0x2b: {  	s6 =	sld [smem:$0x3FB0]  }
0x2c: {  	s7 =	sld [smem:$0x3FB1]  }
0x2d: {  	s3 =	simm.s32 $0x108;
	s8 =	sld [smem:$0x3FB2]  }
0x2e: {  	s3 =	simm.s32 @!p0 $0x1082;
	s9 =	sld [smem:$0x3FB3]  }
0x2f: {  	lr =	sadd.s32 s0, s3;
	s0 =	sld [smem:$0x3FAA]  }
0x30: {  	s3 =	sld [smem:$0x3FAD]  }
0x31: {  	[smem:$0x3FB6] =	sst s10  }
0x32: {  	s10 =	sld [smem:$0x3FB4];
	_ =	sdelay $0x3  }
0x33: {  	p0 =	seq.s32 s10, $0x1;
	s10 =	sld [smem:$0x3FB6];
	_ =	sdelay $0x3  }
0x34: {  	[smem:$0x3FB6] =	sst s10  }
0x35: {  	s10 =	sld [smem:$0x3FB5];
	_ =	sdelay $0x3  }
0x36: {  	p1 =	seq.s32 s10, $0x1;
	s10 =	sld [smem:$0x3FB6];
	_ =	sdelay $0x3  }
0x37: {  	[smem:$0x3FB6] =	sst s10  }
0x38: {  	s10 =	sld [smem:$0x3FB7]  }
0x39: {  	_ = 	snop;
	(pc) =	sbr.ind lr, $3  }
0x3a: {  	_ = 	snop  }
0x3b: {  	_ = 	snop  }
0x3c: {  	p2 =	seq.s32 s10, $0x1;
	s10 =	sld [smem:$0x3FB6]  }
0x3d: {  	_ =	shalt  }
0x3e: {  	_ =	shalt  }
0x3f: {  	_ =	shalt  }
0x40: {  	_ =	shalt  }
0x41: {  	_ =	shalt  }
0x42: {  	_ =	shalt  }
0x43: {  	_ =	shalt  }
0x44: {  	_ =	shalt  }
0x45: {  	_ =	shalt  }
0x46: {  	_ =	shalt  }
0x47: {  	_ =	shalt  }
0x48: {  	_ =	shalt  }
0x49: {  	_ =	shalt  }
0x4a: {  	_ =	shalt  }
0x4b: {  	_ =	shalt  }
0x4c: {  	_ =	shalt  }
0x4d: {  	_ =	shalt  }
0x4e: {  	_ =	shalt  }
0x4f: {  	_ =	shalt  }
0x50: {  	_ =	shalt  }
0x51: {  	_ =	shalt  }
0x52: {  	_ =	shalt  }
0x53: {  	_ =	shalt  }
0x54: {  	_ =	shalt  }
0x55: {  	_ =	shalt  }
0x56: {  	_ =	shalt  }
0x57: {  	_ =	shalt  }
0x58: {  	_ =	shalt  }
0x59: {  	_ =	shalt  }
0x5a: {  	_ =	shalt  }
0x5b: {  	_ =	shalt  }
0x5c: {  	_ =	shalt  }
0x5d: {  	_ =	shalt  }
0x5e: {  	_ =	shalt  }
0x5f: {  	_ =	shalt  }
0x60: {  	_ =	shalt  }
0x61: {  	_ =	shalt  }
0x62: {  	_ =	shalt  }
0x63: {  	_ =	shalt  }
0x64: {  	_ =	shalt  }
0x65: {  	_ =	shalt  }
0x66: {  	_ =	shalt  }
0x67: {  	_ =	shalt  }
0x68: {  	_ =	shalt  }
0x69: {  	_ =	shalt  }
0x6a: {  	_ =	shalt  }
0x6b: {  	_ =	shalt  }
0x6c: {  	_ =	shalt  }
0x6d: {  	_ =	shalt  }
0x6e: {  	_ =	shalt  }
0x6f: {  	_ =	shalt  }
0x70: {  	_ =	shalt  }
0x71: {  	_ =	shalt  }
0x72: {  	_ =	shalt  }
0x73: {  	_ =	shalt  }
0x74: {  	_ =	shalt  }
0x75: {  	_ =	shalt  }
0x76: {  	_ =	shalt  }
0x77: {  	_ =	shalt  }
0x78: {  	_ =	shalt  }
0x79: {  	_ =	shalt  }
0x7a: {  	_ =	shalt  }
0x7b: {  	_ =	shalt  }
0x7c: {  	_ =	shalt  }
0x7d: {  	_ =	shalt  }
0x7e: {  	_ =	shalt  }
0x7f: {  	_ =	shalt  }
0x80: {  	_ =	shalt  }
0x81: {  	_ =	shalt  }
0x82: {  	_ =	shalt  }
0x83: {  	_ =	shalt  }
0x84: {  	_ =	shalt  }
0x85: {  	_ =	shalt  }
0x86: {  	_ =	shalt  }
0x87: {  	_ =	shalt  }
.Lfunc_end0:
.L_simem_size_0:
called_computation.1_lowered:
.L_overlay_start_0:
0x88: {  	s2 =	sld [smem:$0x3FD9]  }
0x89: {  	s3 =	sld [smem:$0x3FFE];
	_ =	sdelay $0x1  }
0x8a: {  	s1 =	srdreg.scid  }
0x8b: {  	s0 =	sand.u32 $0x1, s1  }
0x8c: {  	s17 =	sshll.u32 s0, $0xA;
	s2 =	sadd.s32 s3, s2  }
0x8d: {  	s2 =	sadd.s32 s2, s17  }
0x8e: {  	[smem:$0x3FC2] =	sst s2  }
0x8f: {  	_ = 	snop  }
0x90: {  	s18 =	sld [smem:$0x3FD0];
	(tm) =	ssettm $0x1  }
0x91: {  	s19 =	sld [smem:$0x3FFB];
	_ =	sdelay $0x3  }
0x92: {  	_ =	strace s19  }
0x93: {  	s2 =	sld [smem:$0x3FFC];
	_ =	sdelay $0x3  }
0x94: {  	_ =	strace s2  }
0x95: {  	s2 =	sld [smem:$0x3FFD];
	_ =	sdelay $0x3  }
0x96: {  	_ =	strace s2  }
0x97: {  	_ =	strace $0x8FFFFFFF  }
0x98: {  	s20 =	sld [smem:$0x3FDB];
	_ =	sdelay $0x1  }
0x99: {  	s4 =	simm.s32 $_scs_section_size  }
0x9a: {  	s5 =	simm.s32 $_size__tile_overlayer_lowered;
	s6 =	simm.s32 $_tile_overlayer_lowered  }
0x9b: {  	s7 =	simm.s32 $0x1BFF;
	s21 =	sshll.u32 s6, $0x1;
	s4 =	sadd.s32 s4, s20  }
0x9c: {  	s22 =	simm.s32 $0x0;
	s5 =	sshll.u32 s5, $0x1;
	s6 =	sadd.s32 s21, s4  }
0x9d: {  	[timem:s22], [sflag:s7] =	dma.local [hbm:s6], s5  }
0x9e: {  	_ =	swait.ge [sflag:s7], s5  }
0x9f: {  	s5 =	ssub.s32 $0x0, s5;
	[sflag:s7] =	ssyncset.done $0x0  }
0xa0: {  	[sflag:s7] =	ssyncadd.s32 s5;
	_ =	sdelay $0x1  }
0xa1: {  	s23 =	simm.s32 $0x1B8B  }
0xa2: {  	_ =	swait.ge [sflag:s23], $0x1  }
0xa3: {  	[sflag:s23] =	ssyncset.done $0x0  }
0xa4: {  	[sflag:s23] =	ssyncadd.s32 $0xFFFFFFFF  }
0xa5: {  	s5 =	sld [smem:$0x0]  }
0xa6: {  	s6 =	sand.u32 $0xFFFFFFFE, s1  }
0xa7: {  	p0 =	sne.s32 s1, s6  }
0xa8: {  	s6 =	sshll.u32 @p0 s6, $0xE  }
0xa9: {  	s6 =	sadd.s32 @p0 $0x11B8D, s6;
	s7 =	sshll.u32 @p0 s5, $0x11  }
0xaa: {  	s6 =	sor.u32 @p0 s7, s6  }
0xab: {  	[sflag:s6] =	ssyncadd.remote.s32 @p0 $0x1;
	_ =	sdelay $0x1  }
0xac: {  	s6 =	simm.s32 @p0 $0x1B8D  }
0xad: {  	_ =	swait.eq @p0 [sflag:s6], $0x1  }
0xae: {  	[sflag:s6] =	ssyncadd.s32 @p0 $0xFFFFFFFF  }
0xaf: {  	s7 =	sshll.u32 @!p0 s1, $0xE  }
0xb0: {  	s7 =	sor.u32 @!p0 $0x4000, s7;
	s6 =	simm.s32 @!p0 $0x1B8D  }
0xb1: {  	s5 =	sshll.u32 @!p0 s5, $0x11;
	s7 =	sadd.s32 @!p0 $0x11B8D, s7;
	_ =	swait.eq @!p0 [sflag:s6], $0x1  }
0xb2: {  	s5 =	sor.u32 @!p0 s5, s7;
	[sflag:s6] =	ssyncadd.s32 @!p0 $0xFFFFFFFF  }
0xb3: {  	s25 =	simm.s32 $0x1B8E;
	s24 =	sld [smem:$0x3FFE];
	[sflag:s5] =	ssyncadd.remote.s32 @!p0 $0x1  }
0xb4: {  	s26 =	simm.s32 $execute0_lowered;
	[smem:$0x3FD2] =	sst s25  }
0xb5: {  	s6 =	sshll.u32 s26, $0x1;
	_ =	strace $0x80000049;
	[dreg:$0x1] =	wrdreg $0xFFFFFFFF  }
0xb6: {  	s28 =	simm.s32 $_size_execute0_lowered;
	s4 =	sadd.s32 s4, s6;
	[dreg:$0x0] =	wrdreg $0x0  }
0xb7: {  	s6 =	sshll.u32 s28, $0x1;
	[dreg:$0x2] =	wrdreg s4  }
0xb8: {  	[dreg:$0x3] =	wrdreg s6  }
0xb9: {  	[dreg:$0x4] =	wrdreg $0xC0  }
0xba: {  	_ =	task [dreg:s22], $0x5FFFF  }
0xbb: {  	[dreg:$0x1] =	wrdreg $0xFFFFFFFF  }
0xbc: {  	[dreg:$0x0] =	wrdreg $0x60  }
0xbd: {  	[dreg:$0x2] =	wrdreg s24  }
0xbe: {  	[dreg:$0x3] =	wrdreg s18  }
0xbf: {  	[dreg:$0x4] =	wrdreg $0xA  }
0xc0: {  	_ =	task.clear_ibuf [dreg:s22], $0x5FFFF;
	_ =	strace $0x90000049  }
0xc1: {  	s29 =	simm.s32 $0xA;
	_ =	strace $0x8000004B  }
0xc2: {  	_ =	swait.ge [sflag:s29], $0x1  }
0xc3: {  	[sflag:s29] =	ssyncadd.s32 $0xFFFFFFFF  }
0xc4: {  	_ =	strace $0x9000004B  }
0xc5: {  	_ =	sfence  }
0xc6: {  	s30 =	sld [smem:$0x0];
	_ =	sdelay $0x2  }
0xc7: {  	s31 =	sshll.u32 s1, $0xD;
	s1 =	sshrl.u32 s1, $0x2  }
0xc8: {  	s4 =	sand.u32 $0x4000, s31;
	s1 =	sadd.s32 s1, s30  }
0xc9: {  	s0 =	sor.u32 s4, s0;
	s1 =	sshll.u32 s1, $0x11  }
0xca: {  	s0 =	sor.u32 s1, s0  }
0xcb: {  	s0 =	sadd.s32 $0x8F2B, s0  }
0xcc: {  	[sflag:s0] =	ssyncadd.remote.s32 $0x1  }
0xcd: {  	_ =	sfence.sel $0xFFFF  }
0xce: {  	[dreg:$0x0] =	wrdreg $0xFFFFFFFF;
	(pc) =	sbr.abs _section_cstart, $3  }
0xcf: {  	[dreg:$0x1] =	wrdreg $0xFFFFFFFF  }
0xd0: {  	_ =	task.clear_ibuf [dreg:s22], $0x2FFFF;
	_ =	strace $0x9FFFFFFF  }
0xd1: {  	(tm) =	ssettm $0x7FFFFFFF  }
tec
execute0_lowered:
.L_overlay_start_1:
0x0: {  	(tag) =	ssettag $0x1  }
0x1: {  	s1 =	srdreg.scid;
	s0 =	stileid.u32  }
0x2: {  	s30 =	sand.u32 $0x1, s1;
	s26 =	sshll.u32 s0, $0x1  }
0x3: {  	s14 =	rddreg [dreg:$0x0];
	s15 =	sor.u32 s30, s26  }
0x4: {  	s2 =	rddreg [dreg:$0x1];
	s3 =	simm.s32 $0x0;
	s4 =	sshll.u32 s15, $0x8  }
0x5: {  	[smem:$0x7FF] =	sst s3;
	s4 =	sadd.s32 s4, s14  }
0x6: {  	_ =	strace $0x8000004A;
	s5 =	sadd.s32 $0x104400, s4;
	s4 =	simm.s32 $0x2  }
0x7: {  	[tilespmem:s3], [sflag:$0x2] =	stream.linear.gather [hbm4b:s5+s3], $0x800, $0x38;
	[tilespmem:$0x10800] =	vst v63  }
0x8: {  	_ =	swait.ge [sflag:s4], $0x800  }
0x9: {  	[sflag:s4] =	ssyncset.done $0x0  }
0xa: {  	s6 =	simm.s32 $0x80;
	s7 =	simm.s32 $0x800;
	[sflag:s4] =	ssyncadd.s32 $0xFFFFF800  }
0xb: {  	[tilespmem:s7], [sflag:$0x1] =	stream.indirect.gather [hbm4b:s2+s6], $0x80, s3, s6, $0xb8;
	[tilespmem:$0x10800] =	vst v63  }
0xc: {  	s8 =	simm.s32 $0x4800  }
0xd: {  	[tilespmem:s8], [sflag:$0x1] =	stream.indirect.gather [hbm4b:s2+s6], $0x80, s6, s6, $0xb8;
	[tilespmem:$0x10800] =	vst v63  }
0xe: {  	s9 =	simm.s32 $0x100;
	s10 =	simm.s32 $0x8800  }
0xf: {  	[tilespmem:s10], [sflag:$0x1] =	stream.indirect.gather [hbm4b:s2+s6], $0x80, s9, s6, $0xb8;
	[tilespmem:$0x10800] =	vst v63  }
0x10: {  	s11 =	simm.s32 $0x180;
	s12 =	simm.s32 $0xC800;
	s13 =	simm.s32 $0x1  }
0x11: {  	[tilespmem:s12], [sflag:$0x1] =	stream.indirect.gather [hbm4b:s2+s6], $0x80, s11, s6, $0xb8;
	[tilespmem:$0x10800] =	vst v63  }
0x12: {  	_ =	swait.ge [sflag:s13], $0x4000  }
0x13: {  	[sflag:s13] =	ssyncset.done $0x0  }
0x14: {  	[sflag:s13] =	ssyncadd.s32 $0xFFFFC000  }
0x15: {  	_ =	swait.ge [sflag:s13], $0x4000  }
0x16: {  	[sflag:s13] =	ssyncset.done $0x0  }
0x17: {  	[sflag:s13] =	ssyncadd.s32 $0xFFFFC000  }
0x18: {  	_ =	swait.ge [sflag:s13], $0x4000  }
0x19: {  	[sflag:s13] =	ssyncset.done $0x0  }
0x1a: {  	[sflag:s13] =	ssyncadd.s32 $0xFFFFC000  }
0x1b: {  	s15 =	sshll.u32 s15, $0xF;
	_ =	swait.ge [sflag:s13], $0x4000  }
0x1c: {  	s31 =	sadd.s32 s15, s14;
	[sflag:s13] =	ssyncset.done $0x0  }
0x1d: {  	s14 =	sadd.s32 $0x106400, s31;
	[sflag:s13] =	ssyncadd.s32 $0xFFFFC000  }
0x1e: {  	[hbm4b:s14+s3] =	stream.linear.scatter [tilespmem:s7], [sflag:$0x2], $0x10000, $0x38;
	[tilespmem:$0x10800] =	vst v63  }
0x1f: {  	_ =	swait.ge [sflag:s4], $0x10000  }
0x20: {  	[sflag:s4] =	ssyncset.done $0x0  }
0x21: {  	s15 =	simm.s32 $0x200;
	[sflag:s4] =	ssyncadd.s32 $0xFFFF0000  }
0x22: {  	[tilespmem:s7], [sflag:$0x1] =	stream.indirect.gather [hbm4b:s2+s6], $0x80, s15, s6, $0xb8;
	[tilespmem:$0x10800] =	vst v63  }
0x23: {  	s16 =	simm.s32 $0x280  }
0x24: {  	[tilespmem:s8], [sflag:$0x1] =	stream.indirect.gather [hbm4b:s2+s6], $0x80, s16, s6, $0xb8;
	[tilespmem:$0x10800] =	vst v63  }
0x25: {  	s17 =	simm.s32 $0x300  }
0x26: {  	[tilespmem:s10], [sflag:$0x1] =	stream.indirect.gather [hbm4b:s2+s6], $0x80, s17, s6, $0xb8;
	[tilespmem:$0x10800] =	vst v63  }
0x27: {  	s18 =	simm.s32 $0x380  }
0x28: {  	[tilespmem:s12], [sflag:$0x1] =	stream.indirect.gather [hbm4b:s2+s6], $0x80, s18, s6, $0xb8;
	[tilespmem:$0x10800] =	vst v63  }
0x29: {  	_ =	swait.ge [sflag:s13], $0x4000  }
0x2a: {  	[sflag:s13] =	ssyncset.done $0x0  }
0x2b: {  	[sflag:s13] =	ssyncadd.s32 $0xFFFFC000  }
0x2c: {  	_ =	swait.ge [sflag:s13], $0x4000  }
0x2d: {  	[sflag:s13] =	ssyncset.done $0x0  }
0x2e: {  	[sflag:s13] =	ssyncadd.s32 $0xFFFFC000  }
0x2f: {  	_ =	swait.ge [sflag:s13], $0x4000  }
0x30: {  	[sflag:s13] =	ssyncset.done $0x0  }
0x31: {  	[sflag:s13] =	ssyncadd.s32 $0xFFFFC000  }
0x32: {  	_ =	swait.ge [sflag:s13], $0x4000  }
0x33: {  	[sflag:s13] =	ssyncset.done $0x0  }
0x34: {  	s19 =	sadd.s32 $0x108400, s31;
	[sflag:s13] =	ssyncadd.s32 $0xFFFFC000  }
0x35: {  	[hbm4b:s19+s3] =	stream.linear.scatter [tilespmem:s7], [sflag:$0x2], $0x10000, $0x38;
	[tilespmem:$0x10800] =	vst v63  }
0x36: {  	_ =	swait.ge [sflag:s4], $0x10000  }
0x37: {  	[sflag:s4] =	ssyncset.done $0x0  }
0x38: {  	s20 =	simm.s32 $0x400;
	[sflag:s4] =	ssyncadd.s32 $0xFFFF0000  }
0x39: {  	[tilespmem:s7], [sflag:$0x1] =	stream.indirect.gather [hbm4b:s2+s6], $0x80, s20, s6, $0xb8;
	[tilespmem:$0x10800] =	vst v63  }
0x3a: {  	s21 =	simm.s32 $0x480  }
0x3b: {  	[tilespmem:s8], [sflag:$0x1] =	stream.indirect.gather [hbm4b:s2+s6], $0x80, s21, s6, $0xb8;
	[tilespmem:$0x10800] =	vst v63  }
0x3c: {  	s22 =	simm.s32 $0x500  }
0x3d: {  	[tilespmem:s10], [sflag:$0x1] =	stream.indirect.gather [hbm4b:s2+s6], $0x80, s22, s6, $0xb8;
	[tilespmem:$0x10800] =	vst v63  }
0x3e: {  	s23 =	simm.s32 $0x580  }
0x3f: {  	[tilespmem:s12], [sflag:$0x1] =	stream.indirect.gather [hbm4b:s2+s6], $0x80, s23, s6, $0xb8;
	[tilespmem:$0x10800] =	vst v63  }
0x40: {  	_ =	swait.ge [sflag:s13], $0x4000  }
0x41: {  	[sflag:s13] =	ssyncset.done $0x0  }
0x42: {  	[sflag:s13] =	ssyncadd.s32 $0xFFFFC000  }
0x43: {  	_ =	swait.ge [sflag:s13], $0x4000  }
0x44: {  	[sflag:s13] =	ssyncset.done $0x0  }
0x45: {  	[sflag:s13] =	ssyncadd.s32 $0xFFFFC000  }
0x46: {  	_ =	swait.ge [sflag:s13], $0x4000  }
0x47: {  	[sflag:s13] =	ssyncset.done $0x0  }
0x48: {  	[sflag:s13] =	ssyncadd.s32 $0xFFFFC000  }
0x49: {  	_ =	swait.ge [sflag:s13], $0x4000  }
0x4a: {  	[sflag:s13] =	ssyncset.done $0x0  }
0x4b: {  	s24 =	sadd.s32 $0x10A400, s31;
	[sflag:s13] =	ssyncadd.s32 $0xFFFFC000  }
0x4c: {  	[hbm4b:s24+s3] =	stream.linear.scatter [tilespmem:s7], [sflag:$0x2], $0x10000, $0x38;
	[tilespmem:$0x10800] =	vst v63  }
0x4d: {  	_ =	swait.ge [sflag:s4], $0x10000  }
0x4e: {  	[sflag:s4] =	ssyncset.done $0x0  }
0x4f: {  	s25 =	simm.s32 $0x600;
	[sflag:s4] =	ssyncadd.s32 $0xFFFF0000  }
0x50: {  	[tilespmem:s7], [sflag:$0x1] =	stream.indirect.gather [hbm4b:s2+s6], $0x80, s25, s6, $0xb8;
	[tilespmem:$0x10800] =	vst v63  }
0x51: {  	s26 =	simm.s32 $0x680  }
0x52: {  	[tilespmem:s8], [sflag:$0x1] =	stream.indirect.gather [hbm4b:s2+s6], $0x80, s26, s6, $0xb8;
	[tilespmem:$0x10800] =	vst v63  }
0x53: {  	s28 =	simm.s32 $0x700  }
0x54: {  	[tilespmem:s10], [sflag:$0x1] =	stream.indirect.gather [hbm4b:s2+s6], $0x80, s28, s6, $0xb8;
	[tilespmem:$0x10800] =	vst v63  }
0x55: {  	s29 =	simm.s32 $0x780  }
0x56: {  	[tilespmem:s12], [sflag:$0x1] =	stream.indirect.gather [hbm4b:s2+s6], $0x80, s29, s6, $0xb8;
	[tilespmem:$0x10800] =	vst v63  }
0x57: {  	_ =	swait.ge [sflag:s13], $0x4000  }
0x58: {  	[sflag:s13] =	ssyncset.done $0x0  }
0x59: {  	[sflag:s13] =	ssyncadd.s32 $0xFFFFC000  }
0x5a: {  	_ =	swait.ge [sflag:s13], $0x4000  }
0x5b: {  	[sflag:s13] =	ssyncset.done $0x0  }
0x5c: {  	s30 =	ssub.s32 $0x2, s30;
	[sflag:s13] =	ssyncadd.s32 $0xFFFFC000  }
0x5d: {  	s1 =	sshrl.u32 s30, $0x1;
	_ =	swait.ge [sflag:s13], $0x4000  }
0x5e: {  	s1 =	ssub.s32 s30, s1;
	[sflag:s13] =	ssyncset.done $0x0  }
0x5f: {  	s1 =	smax.u32 s1, $0x1;
	[sflag:s13] =	ssyncadd.s32 $0xFFFFC000  }
0x60: {  	p0 =	sne.s32 s1, $0x1;
	_ =	swait.ge [sflag:s13], $0x4000  }
.Ltmp0:
0x61: {  	[sflag:s13] =	ssyncset.done $0x0;
	(pc) =	sbr.rel @!p0 .LBB2_2-.Ltmp0, $4  }
0x62: {  	s30 =	sadd.s32 $0x10C400, s31;
	[sflag:s13] =	ssyncadd.s32 $0xFFFFC000  }
0x63: {  	[hbm4b:s30+s3] =	stream.linear.scatter [tilespmem:s7], [sflag:$0x2], $0x10000, $0x38;
	[tilespmem:$0x10800] =	vst v63  }
0x64: {  	_ =	swait.ge [sflag:s4], $0x10000  }
0x65: {  	s31 =	sadd.s32 $0xFFFFFFFF, s1;
	[sflag:s4] =	ssyncset.done $0x0  }
.LBB2_1:
0x66: {  	p0 =	sne.s32 s31, $0x1;
	s31 =	sadd.s32 $0xFFFFFFFF, s31;
	[sflag:s4] =	ssyncadd.s32 $0xFFFF0000  }
0x67: {  	[tilespmem:s3], [sflag:$0x2] =	stream.linear.gather [hbm4b:s5+s3], $0x800, $0x38;
	[tilespmem:$0x10800] =	vst v63  }
0x68: {  	_ =	swait.ge [sflag:s4], $0x800  }
0x69: {  	[sflag:s4] =	ssyncset.done $0x0  }
0x6a: {  	[sflag:s4] =	ssyncadd.s32 $0xFFFFF800  }
0x6b: {  	[tilespmem:s7], [sflag:$0x1] =	stream.indirect.gather [hbm4b:s2+s6], $0x80, s3, s6, $0xb8;
	[tilespmem:$0x10800] =	vst v63  }
0x6c: {  	_ = 	snop  }
0x6d: {  	[tilespmem:s8], [sflag:$0x1] =	stream.indirect.gather [hbm4b:s2+s6], $0x80, s6, s6, $0xb8;
	[tilespmem:$0x10800] =	vst v63  }
0x6e: {  	_ = 	snop  }
0x6f: {  	[tilespmem:s10], [sflag:$0x1] =	stream.indirect.gather [hbm4b:s2+s6], $0x80, s9, s6, $0xb8;
	[tilespmem:$0x10800] =	vst v63  }
0x70: {  	_ = 	snop  }
0x71: {  	[tilespmem:s12], [sflag:$0x1] =	stream.indirect.gather [hbm4b:s2+s6], $0x80, s11, s6, $0xb8;
	[tilespmem:$0x10800] =	vst v63  }
0x72: {  	_ =	swait.ge [sflag:s13], $0x4000  }
0x73: {  	[sflag:s13] =	ssyncset.done $0x0  }
0x74: {  	[sflag:s13] =	ssyncadd.s32 $0xFFFFC000  }
0x75: {  	_ =	swait.ge [sflag:s13], $0x4000  }
0x76: {  	[sflag:s13] =	ssyncset.done $0x0  }
0x77: {  	[sflag:s13] =	ssyncadd.s32 $0xFFFFC000  }
0x78: {  	_ =	swait.ge [sflag:s13], $0x4000  }
0x79: {  	[sflag:s13] =	ssyncset.done $0x0  }
0x7a: {  	[sflag:s13] =	ssyncadd.s32 $0xFFFFC000  }
0x7b: {  	_ =	swait.ge [sflag:s13], $0x4000  }
0x7c: {  	[sflag:s13] =	ssyncset.done $0x0  }
0x7d: {  	[sflag:s13] =	ssyncadd.s32 $0xFFFFC000  }
0x7e: {  	[hbm4b:s14+s3] =	stream.linear.scatter [tilespmem:s7], [sflag:$0x2], $0x10000, $0x38;
	[tilespmem:$0x10800] =	vst v63  }
0x7f: {  	_ =	swait.ge [sflag:s4], $0x10000  }
0x80: {  	[sflag:s4] =	ssyncset.done $0x0  }
0x81: {  	[sflag:s4] =	ssyncadd.s32 $0xFFFF0000  }
0x82: {  	[tilespmem:s7], [sflag:$0x1] =	stream.indirect.gather [hbm4b:s2+s6], $0x80, s15, s6, $0xb8;
	[tilespmem:$0x10800] =	vst v63  }
0x83: {  	_ = 	snop  }
0x84: {  	[tilespmem:s8], [sflag:$0x1] =	stream.indirect.gather [hbm4b:s2+s6], $0x80, s16, s6, $0xb8;
	[tilespmem:$0x10800] =	vst v63  }
0x85: {  	_ = 	snop  }
0x86: {  	[tilespmem:s10], [sflag:$0x1] =	stream.indirect.gather [hbm4b:s2+s6], $0x80, s17, s6, $0xb8;
	[tilespmem:$0x10800] =	vst v63  }
0x87: {  	_ = 	snop  }
0x88: {  	[tilespmem:s12], [sflag:$0x1] =	stream.indirect.gather [hbm4b:s2+s6], $0x80, s18, s6, $0xb8;
	[tilespmem:$0x10800] =	vst v63  }
0x89: {  	_ =	swait.ge [sflag:s13], $0x4000  }
0x8a: {  	[sflag:s13] =	ssyncset.done $0x0  }
0x8b: {  	[sflag:s13] =	ssyncadd.s32 $0xFFFFC000  }
0x8c: {  	_ =	swait.ge [sflag:s13], $0x4000  }
0x8d: {  	[sflag:s13] =	ssyncset.done $0x0  }
0x8e: {  	[sflag:s13] =	ssyncadd.s32 $0xFFFFC000  }
0x8f: {  	_ =	swait.ge [sflag:s13], $0x4000  }
0x90: {  	[sflag:s13] =	ssyncset.done $0x0  }
0x91: {  	[sflag:s13] =	ssyncadd.s32 $0xFFFFC000  }
0x92: {  	_ =	swait.ge [sflag:s13], $0x4000  }
0x93: {  	[sflag:s13] =	ssyncset.done $0x0  }
0x94: {  	[sflag:s13] =	ssyncadd.s32 $0xFFFFC000  }
0x95: {  	[hbm4b:s19+s3] =	stream.linear.scatter [tilespmem:s7], [sflag:$0x2], $0x10000, $0x38;
	[tilespmem:$0x10800] =	vst v63  }
0x96: {  	_ =	swait.ge [sflag:s4], $0x10000  }
0x97: {  	[sflag:s4] =	ssyncset.done $0x0  }
0x98: {  	[sflag:s4] =	ssyncadd.s32 $0xFFFF0000  }
0x99: {  	[tilespmem:s7], [sflag:$0x1] =	stream.indirect.gather [hbm4b:s2+s6], $0x80, s20, s6, $0xb8;
	[tilespmem:$0x10800] =	vst v63  }
0x9a: {  	_ = 	snop  }
0x9b: {  	[tilespmem:s8], [sflag:$0x1] =	stream.indirect.gather [hbm4b:s2+s6], $0x80, s21, s6, $0xb8;
	[tilespmem:$0x10800] =	vst v63  }
0x9c: {  	_ = 	snop  }
0x9d: {  	[tilespmem:s10], [sflag:$0x1] =	stream.indirect.gather [hbm4b:s2+s6], $0x80, s22, s6, $0xb8;
	[tilespmem:$0x10800] =	vst v63  }
0x9e: {  	_ = 	snop  }
0x9f: {  	[tilespmem:s12], [sflag:$0x1] =	stream.indirect.gather [hbm4b:s2+s6], $0x80, s23, s6, $0xb8;
	[tilespmem:$0x10800] =	vst v63  }
0xa0: {  	_ =	swait.ge [sflag:s13], $0x4000  }
0xa1: {  	[sflag:s13] =	ssyncset.done $0x0  }
0xa2: {  	[sflag:s13] =	ssyncadd.s32 $0xFFFFC000  }
0xa3: {  	_ =	swait.ge [sflag:s13], $0x4000  }
0xa4: {  	[sflag:s13] =	ssyncset.done $0x0  }
0xa5: {  	[sflag:s13] =	ssyncadd.s32 $0xFFFFC000  }
0xa6: {  	_ =	swait.ge [sflag:s13], $0x4000  }
0xa7: {  	[sflag:s13] =	ssyncset.done $0x0  }
0xa8: {  	[sflag:s13] =	ssyncadd.s32 $0xFFFFC000  }
0xa9: {  	_ =	swait.ge [sflag:s13], $0x4000  }
0xaa: {  	[sflag:s13] =	ssyncset.done $0x0  }
0xab: {  	[sflag:s13] =	ssyncadd.s32 $0xFFFFC000  }
0xac: {  	[hbm4b:s24+s3] =	stream.linear.scatter [tilespmem:s7], [sflag:$0x2], $0x10000, $0x38;
	[tilespmem:$0x10800] =	vst v63  }
0xad: {  	_ =	swait.ge [sflag:s4], $0x10000  }
0xae: {  	[sflag:s4] =	ssyncset.done $0x0  }
0xaf: {  	[sflag:s4] =	ssyncadd.s32 $0xFFFF0000  }
0xb0: {  	[tilespmem:s7], [sflag:$0x1] =	stream.indirect.gather [hbm4b:s2+s6], $0x80, s25, s6, $0xb8;
	[tilespmem:$0x10800] =	vst v63  }
0xb1: {  	_ = 	snop  }
0xb2: {  	[tilespmem:s8], [sflag:$0x1] =	stream.indirect.gather [hbm4b:s2+s6], $0x80, s26, s6, $0xb8;
	[tilespmem:$0x10800] =	vst v63  }
0xb3: {  	_ = 	snop  }
0xb4: {  	[tilespmem:s10], [sflag:$0x1] =	stream.indirect.gather [hbm4b:s2+s6], $0x80, s28, s6, $0xb8;
	[tilespmem:$0x10800] =	vst v63  }
0xb5: {  	_ = 	snop  }
0xb6: {  	[tilespmem:s12], [sflag:$0x1] =	stream.indirect.gather [hbm4b:s2+s6], $0x80, s29, s6, $0xb8;
	[tilespmem:$0x10800] =	vst v63  }
0xb7: {  	_ =	swait.ge [sflag:s13], $0x4000  }
0xb8: {  	[sflag:s13] =	ssyncset.done $0x0  }
0xb9: {  	[sflag:s13] =	ssyncadd.s32 $0xFFFFC000  }
0xba: {  	_ =	swait.ge [sflag:s13], $0x4000  }
0xbb: {  	[sflag:s13] =	ssyncset.done $0x0  }
0xbc: {  	[sflag:s13] =	ssyncadd.s32 $0xFFFFC000  }
0xbd: {  	_ =	swait.ge [sflag:s13], $0x4000  }
0xbe: {  	[sflag:s13] =	ssyncset.done $0x0  }
0xbf: {  	[sflag:s13] =	ssyncadd.s32 $0xFFFFC000  }
0xc0: {  	_ =	swait.ge [sflag:s13], $0x4000  }
.Ltmp1:
0xc1: {  	[sflag:s13] =	ssyncset.done $0x0;
	(pc) =	sbr.rel @p0 .LBB2_1-.Ltmp1, $4  }
0xc2: {  	[sflag:s13] =	ssyncadd.s32 $0xFFFFC000  }
0xc3: {  	[hbm4b:s30+s3] =	stream.linear.scatter [tilespmem:s7], [sflag:$0x2], $0x10000, $0x38;
	[tilespmem:$0x10800] =	vst v63  }
0xc4: {  	_ =	swait.ge [sflag:s4], $0x10000  }
0xc5: {  	[sflag:s4] =	ssyncset.done $0x0  }
.LBB2_2:
0xc6: {  	[sflag:s4] =	ssyncadd.s32 $0xFFFF0000  }
0xc7: {  	_ =	sfence.sel $0x180000  }
0xc8: {  	[bflag:$0x0] =	sbarrier.arrive $0xFFFF  }
0xc9: {  	_ =	strace $0x9000004A  }
0xca: {  	[bflag:$0x2] =	sbarrier.arrive $0xFFFF  }
0xcb: {  	p0 =	sne.s32 s0, $0x0;
	s0 =	rddreg [dreg:$0x2]  }
0xcc: {  	s0 =	sadd.s32 @!p0 $0x100000, s0  }
0xcd: {  	[sflag:s0] =	ssyncadd.tile.s32 @!p0 $0x1;
	_ =	shalt  }
.Lfunc_end2:
_tile_overlayer_lowered:
.L_overlay_start_2:
0xce: {  	(tag) =	ssettag $0x2  }
0xcf: {  	s0 =	rddreg [dreg:$0x0];
	s2 =	stileid.u32  }
0xd0: {  	s1 =	rddreg [dreg:$0x1];
	p0 =	sne.s32 s2, $0x0  }
0xd1: {  	s3 =	rddreg [dreg:$0x2];
	[bflag:$0x3] =	sbarrier.arrive $0xFFFF;
	s2 =	simm.s32 @!p0 $0x1C02  }
0xd2: {  	[timem:s3], [sflag:s2] =	dma.local @!p0 [hbm:s0], s1  }
0xd3: {  	s0 =	simm.s32 @!p0 $0x2  }
0xd4: {  	_ =	swait.ge @!p0 [sflag:s0], s1  }
0xd5: {  	s1 =	ssub.s32 @!p0 $0x0, s1;
	[sflag:s0] =	ssyncset.done @!p0 $0x0  }
0xd6: {  	[sflag:s0] =	ssyncadd.s32 @!p0 s1  }
0xd7: {  	[bflag:$0x3] =	sbarrier.arrive $0xFFFF  }
0xd8: {  	_ =	shalt  }

</sc_bundles>
